<compile_context>
chip_gen: v7x
topology: tpu7x:2x2x1
jax: 0.10.2.dev20260603
libtpu: 0.0.44.dev20260713+nightly
codegen_flags: <defaults>
</compile_context>

<pallas_src>
import functools

import jax
import jax.numpy as jnp
from jax import lax
from jax.experimental import pallas as pl
from jax.experimental.pallas import tpu as pltpu
from jax.experimental.pallas import tpu_sc as plsc

_NC = 2
_NS = 16
_NW = _NC * _NS
_CHUNK = 2048
_ROWS = _CHUNK // 128


def _mesh():
    return plsc.VectorSubcoreMesh(core_axis_name="c", subcore_axis_name="s",
                                  num_cores=_NC, num_subcores=_NS)


@functools.partial(jax.jit, static_argnames=("with_deg", "NP"))
def _edge_pass(table, ei, *, with_deg, NP):
    TN = table.shape[0]
    E = ei.shape[1]
    F, rem = divmod(E, _CHUNK)
    assert rem % 128 == 0, "edge count must be a multiple of 128"
    n_pipe = F // _NW
    n_left = F - n_pipe * _NW
    words = NP // _NS

    out_type = [jax.ShapeDtypeStruct((_NC, NP), jnp.float32)]
    if with_deg:
        out_type.append(jax.ShapeDtypeStruct((_NC, NP), jnp.float32))

    NS_, ND_ = 2, (3 if with_deg else 4)
    scratch = (
        [pltpu.VMEM((TN,), jnp.float32)]
        + [pltpu.VMEM((_CHUNK,), jnp.int32) for _ in range(NS_)]
        + [pltpu.VMEM((_CHUNK,), jnp.int32) for _ in range(ND_)]
        + [pltpu.VMEM((_CHUNK,), jnp.float32) for _ in range(ND_)]
        + [pltpu.VMEM((_CHUNK,), jnp.float32),
           pltpu.VMEM_SHARED((NP,), jnp.float32)]
        + ([pltpu.VMEM_SHARED((NP,), jnp.float32)] if with_deg else [])
        + [pltpu.SemaphoreType.DMA for _ in range(NS_ + 2 * ND_)]
    )

    def body(table_hbm, ei_hbm, *rest):
        rest = list(rest)
        out_s_hbm = rest.pop(0)
        out_d_hbm = rest.pop(0) if with_deg else None
        tbl = rest.pop(0)
        srcb = [rest.pop(0) for _ in range(NS_)]
        dstb = [rest.pop(0) for _ in range(ND_)]
        valb = [rest.pop(0) for _ in range(ND_)]
        util = rest.pop(0)
        acc_s = rest.pop(0)
        acc_d = rest.pop(0) if with_deg else None
        lsem = [rest.pop(0) for _ in range(NS_)]
        dsem = [rest.pop(0) for _ in range(ND_)]
        ssem = [rest.pop(0) for _ in range(ND_)]
        assert not rest

        cid = lax.axis_index("c")
        sid = lax.axis_index("s")
        dyn1 = jnp.minimum(cid, 0) + 1

        def fillz(i, _):
            util[pl.ds(i * 16, 16)] = jnp.zeros((16,), jnp.float32)
            return 0
        lax.fori_loop(0, _CHUNK // 16, fillz, 0)

        base = sid * words
        n_full_z, rem_z = divmod(words, _CHUNK)
        pro = [pltpu.async_copy(table_hbm, tbl, ssem[0])]
        for k in range(n_full_z):
            pro.append(pltpu.async_copy(
                util, acc_s.at[pl.ds(base + k * _CHUNK, _CHUNK)], ssem[1]))
            if with_deg:
                pro.append(pltpu.async_copy(
                    util, acc_d.at[pl.ds(base + k * _CHUNK, _CHUNK)],
                    ssem[1]))
        if rem_z:
            pro.append(pltpu.async_copy(
                util.at[pl.ds(0, rem_z)],
                acc_s.at[pl.ds(base + n_full_z * _CHUNK, rem_z)], ssem[1]))
            if with_deg:
                pro.append(pltpu.async_copy(
                    util.at[pl.ds(0, rem_z)],
                    acc_d.at[pl.ds(base + n_full_z * _CHUNK, rem_z)],
                    ssem[1]))
        for d in pro:
            d.wait()

        def fillo(i, _):
            util[pl.ds(i * 16, 16)] = jnp.full((16,), 1.0, jnp.float32)
            return 0
        lax.fori_loop(0, _CHUNK // 16, fillo, 0)
        plsc.subcore_barrier()

        w = cid * _NS + sid

        def gather_chunk(sv, vv, n_edges):
            def g(i, sv=sv, vv=vv):
                vv[pl.ds(i, 16)] = plsc.load_gather(tbl, [sv[pl.ds(i, 16)]])
            plsc.parallel_loop(0, n_edges, step=16, unroll=8)(g)

        def fire_scatters(vv, dv, sem, n_edges):
            idx = dv.at[pl.ds(0, n_edges)]
            cps = [pltpu.async_copy(
                vv.at[pl.ds(0, n_edges)], acc_s.at[idx], sem, add=True)]
            if with_deg:
                cps.append(pltpu.async_copy(
                    util.at[pl.ds(0, n_edges)], acc_d.at[idx],
                    sem, add=True))
            return cps

        load_descs = {}
        scat_descs = {}

        def start_loads(ci):
            chunk_id = w * n_pipe + ci
            s, b = ci % NS_, ci % ND_
            d1 = pltpu.async_copy(
                ei_hbm.at[0, pl.ds(chunk_id * _CHUNK, _CHUNK)], srcb[s],
                lsem[s])
            d2 = pltpu.async_copy(
                ei_hbm.at[dyn1, pl.ds(chunk_id * _CHUNK, _CHUNK)], dstb[b],
                dsem[b])
            load_descs[ci] = [d1, d2]

        start_loads(0)
        for ci in range(n_pipe):
            s, b = ci % NS_, ci % ND_
            for d in load_descs.pop(ci):
                d.wait()
            if ci + 1 < n_pipe:
                if ci - 2 >= 0:
                    for d in scat_descs.pop(ci - 2):
                        d.wait()
                start_loads(ci + 1)
            gather_chunk(srcb[s], valb[b], _CHUNK)
            scat_descs[ci] = fire_scatters(valb[b], dstb[b], ssem[b], _CHUNK)
        for ci in sorted(scat_descs):
            for d in scat_descs[ci]:
                d.wait()

        left_id = n_pipe * _NW + w

        def do_tail(n_edges):
            def tail():
                ebase = left_id * _CHUNK
                pltpu.sync_copy(ei_hbm.at[0, pl.ds(ebase, n_edges)],
                                srcb[0].at[pl.ds(0, n_edges)])
                pltpu.sync_copy(ei_hbm.at[dyn1, pl.ds(ebase, n_edges)],
                                dstb[0].at[pl.ds(0, n_edges)])
                gather_chunk(srcb[0], valb[0], n_edges)
                for d in fire_scatters(valb[0], dstb[0], ssem[0], n_edges):
                    d.wait()
            return tail

        if n_left:
            pl.when(left_id < F)(do_tail(_CHUNK))
        if rem:
            pl.when(left_id == F)(do_tail(rem))

        plsc.subcore_barrier()
        pltpu.sync_copy(acc_s.at[pl.ds(base, words)],
                        out_s_hbm.at[cid, pl.ds(base, words)])
        if with_deg:
            pltpu.sync_copy(acc_d.at[pl.ds(base, words)],
                            out_d_hbm.at[cid, pl.ds(base, words)])

    k = pl.kernel(body, out_type=out_type, mesh=_mesh(),
                  scratch_types=scratch,
                  compiler_params=pltpu.CompilerParams(
                      needs_layout_passes=False))
    return k(table, ei)


def _combine(S2, D2, Wl1, Wr1, b1, Wl2, Wr2, b2):
    NP = S2.shape[1]
    H2 = Wl2.shape[1]

    def body(s2, d2, wl1, wr1, b1r, wl2, wr2, b2r,
             mean1_o, gamma_o, dinv_o, u_o):
        s = s2[0, :] + s2[1, :]
        deg = d2[0, :] + d2[1, :]
        dm = jnp.maximum(deg, 1.0)
        mean1_o[:] = s / dm
        gamma_o[:] = deg / dm
        dinv_o[:] = 1.0 / dm
        u1 = jnp.dot(wl1[:], wl2[:])
        u24 = jnp.dot(wr1[:], wl2[:]) + jnp.dot(wl1[:], wr2[:])
        u3 = jnp.dot(b1r[:][None, :], wl2[:])
        u5 = jnp.dot(wr1[:], wr2[:])
        c0 = jnp.dot(b1r[:][None, :], wr2[:]) + b2r[:][None, :]
        z = jnp.zeros((3, H2), jnp.float32)
        u_o[:, :] = jnp.concatenate([u1, u24, u3, u5, c0, z], axis=0)

    return pl.pallas_call(
        body,
        out_shape=[
            jax.ShapeDtypeStruct((NP,), jnp.float32),
            jax.ShapeDtypeStruct((NP,), jnp.float32),
            jax.ShapeDtypeStruct((NP,), jnp.float32),
            jax.ShapeDtypeStruct((8, H2), jnp.float32),
        ],
    )(S2, D2, Wl1, Wr1, b1, Wl2, Wr2, b2)


@functools.partial(jax.jit, static_argnames=("kpad",))
def _pool(A0, A1, mean1, gamma, dinv, xv, cl, U, *, kpad):
    NP = mean1.shape[0]
    per = NP // _NW

    scratch = [
        pltpu.VMEM((per,), jnp.float32),
        pltpu.VMEM((per,), jnp.float32),
        pltpu.VMEM((per,), jnp.float32),
        pltpu.VMEM((per,), jnp.float32),
        pltpu.VMEM((per,), jnp.float32),
        pltpu.VMEM((per,), jnp.float32),
        pltpu.VMEM((per,), jnp.int32),
        pltpu.VMEM((8, 32), jnp.float32),
        pltpu.VMEM((kpad, 32), jnp.float32),
        pltpu.SemaphoreType.DMA,
    ]

    def body(a0_hbm, a1_hbm, m1_hbm, ga_hbm, di_hbm, x_hbm, cl_hbm, u_hbm,
             out_hbm, a0v, a1v, m1v, gav, div, xvv, clv, uv, pooled, sem):
        cid = lax.axis_index("c")
        sid = lax.axis_index("s")
        w = cid * _NS + sid
        base = w * per
        descs = [
            pltpu.async_copy(a0_hbm.at[pl.ds(base, per)], a0v, sem),
            pltpu.async_copy(a1_hbm.at[pl.ds(base, per)], a1v, sem),
            pltpu.async_copy(m1_hbm.at[pl.ds(base, per)], m1v, sem),
            pltpu.async_copy(ga_hbm.at[pl.ds(base, per)], gav, sem),
            pltpu.async_copy(di_hbm.at[pl.ds(base, per)], div, sem),
            pltpu.async_copy(x_hbm.at[pl.ds(base, per)], xvv, sem),
            pltpu.async_copy(cl_hbm.at[pl.ds(base, per)], clv, sem),
            pltpu.async_copy(u_hbm, uv, sem),
        ]

        ninf = jnp.full((16,), -jnp.inf, jnp.float32)

        def pinit(k, _):
            pooled[k, pl.ds(0, 16)] = ninf
            pooled[k, pl.ds(16, 16)] = ninf
            return 0
        lax.fori_loop(0, kpad, pinit, 0)
        for d in descs:
            d.wait()

        u1a = uv[0, pl.ds(0, 16)]
        u1b = uv[0, pl.ds(16, 16)]
        u24a = uv[1, pl.ds(0, 16)]
        u24b = uv[1, pl.ds(16, 16)]
        u3a = uv[2, pl.ds(0, 16)]
        u3b = uv[2, pl.ds(16, 16)]
        u5a = uv[3, pl.ds(0, 16)]
        u5b = uv[3, pl.ds(16, 16)]

        def nb(i, carry):
            cprev, m0, m1 = carry
            b16 = i * 16
            alv = ((a0v[pl.ds(b16, 16)] + a1v[pl.ds(b16, 16)])
                   * div[pl.ds(b16, 16)])
            bev = m1v[pl.ds(b16, 16)]
            gav16 = gav[pl.ds(b16, 16)]
            xxv = xvv[pl.ds(b16, 16)]
            clv16 = clv[pl.ds(b16, 16)]
            for j in range(16):
                al = alv[j]
                be = bev[j]
                ga = gav16[j]
                xx = xxv[j]
                c = clv16[j]
                h0 = (al * u1a + be * u24a) + (ga * u3a + xx * u5a)
                h1 = (al * u1b + be * u24b) + (ga * u3b + xx * u5b)
                flush = c != cprev

                def do_flush(cp=cprev, a=m0, b=m1):
                    pooled[cp, pl.ds(0, 16)] = a
                    pooled[cp, pl.ds(16, 16)] = b
                    return ninf, ninf

                def no_flush(a=m0, b=m1):
                    return a, b
                m0, m1 = lax.cond(flush, do_flush, no_flush)
                m0 = jnp.maximum(m0, h0)
                m1 = jnp.maximum(m1, h1)
                cprev = c
            return cprev, m0, m1
        cprev, m0, m1 = lax.fori_loop(
            0, per // 16, nb,
            (jnp.int32(kpad - 1), ninf, ninf))
        pooled[cprev, pl.ds(0, 16)] = m0
        pooled[cprev, pl.ds(16, 16)] = m1

        pltpu.sync_copy(pooled, out_hbm.at[w])

    k = pl.kernel(
        body,
        out_type=jax.ShapeDtypeStruct((_NW, kpad, 32), jnp.float32),
        mesh=_mesh(),
        scratch_types=scratch,
        compiler_params=pltpu.CompilerParams(needs_layout_passes=False),
    )
    return k(A0, A1, mean1, gamma, dinv, xv, cl, U)


def _head(p32, nclusters, We3, be, Wp1, bp1, Wp2, bp2, U):

    def body(p, we3, ber, wp1, bp1r, wp2, bp2r, u, out):
        pm = jnp.max(p[...], axis=0)
        pm = pm[:nclusters, :]
        pm = jnp.where(jnp.isfinite(pm), pm + u[4, :][None, :], 0.0)
        t = pm[:, :, None] * we3[...]
        emb = jnp.sum(jnp.sum(t, axis=0), axis=0, keepdims=True)
        emb = jnp.maximum(emb + ber[:][None, :], 0.0)
        p1 = jnp.maximum(jnp.dot(emb, wp1[...]) + bp1r[:][None, :], 0.0)
        out[:, :] = jax.nn.sigmoid(jnp.dot(p1, wp2[...]) + bp2r[:][None, :])

    return pl.pallas_call(
        body,
        out_shape=jax.ShapeDtypeStruct((1, 1), jnp.float32),
    )(p32, We3, be, Wp1, bp1, Wp2, bp2, U)


def kernel(x, edge_index, clusters, Wl1, Wr1, b1, Wl2, Wr2, b2,
           We, be, Wp1, bp1, Wp2, bp2):
    N = x.shape[0]
    H2 = Wl2.shape[1]
    K = We.shape[0] // H2
    R = We.shape[1]

    NP = ((N + 2047) // 2048) * 2048
    kpad = ((K + 1 + 15) // 16) * 16

    xv = x[:, 0]
    xp = jnp.concatenate([xv, jnp.zeros((NP - N,), jnp.float32)])
    clp = jnp.concatenate(
        [clusters, jnp.full((NP - N,), K, jnp.int32)])

    S2, D2 = _edge_pass(xv, edge_index, with_deg=True, NP=NP)
    mean1, gamma, dinv, U = _combine(S2, D2, Wl1, Wr1, b1, Wl2, Wr2, b2)
    (A2,) = _edge_pass(mean1, edge_index, with_deg=False, NP=NP)
    p32 = _pool(A2[0], A2[1], mean1, gamma, dinv, xp, clp, U, kpad=kpad)
    We3 = We.reshape(K, H2, R)
    return _head(p32, K, We3, be, Wp1, bp1, Wp2, bp2, U)

# --- scband reference (transcript-rebuilt; emitter-appended) ---
"""Pipeline reference for scband-gnn-20177756356929 (READ-ONLY COPY).

The authoritative reference and input builder live on the scoring server;
editing this copy changes nothing except your own understanding.
"""

import jax, jax.numpy as jnp
import numpy as np

N = 100000
E = 1600000
N_CLUSTERS = 200
H1 = 32
H2 = 32
REPR = 128
OUT = 1


def setup_inputs(seed: int = 0) -> dict:
    key = jax.random.key(seed)
    ks = jax.random.split(key, 16)
    inp = {}
    inp["x"] = jax.random.normal(ks[0], (N, 1), dtype=jnp.float32)
    inp["edge_index"] = jax.random.randint(ks[1], (2, E), 0, N, dtype=jnp.int32)
    inp["clusters"] = jnp.sort(jax.random.randint(ks[2], (N,), 0, N_CLUSTERS, dtype=jnp.int32))
    # SAGEConv layer 1: 1 -> 32 (lin_l on aggregated neighbors, lin_r on root)
    inp["Wl1"] = jax.random.normal(ks[3], (1, H1), dtype=jnp.float32) * 0.1
    inp["Wr1"] = jax.random.normal(ks[4], (1, H1), dtype=jnp.float32) * 0.1
    inp["b1"] = jnp.zeros((H1,), dtype=jnp.float32)
    # SAGEConv layer 2: 32 -> 32
    inp["Wl2"] = jax.random.normal(ks[5], (H1, H2), dtype=jnp.float32) * 0.1
    inp["Wr2"] = jax.random.normal(ks[6], (H1, H2), dtype=jnp.float32) * 0.1
    inp["b2"] = jnp.zeros((H2,), dtype=jnp.float32)
    # lin_emb: n_clusters * hidden[-1] -> repr_dim
    inp["We"] = jax.random.normal(ks[7], (N_CLUSTERS * H2, REPR), dtype=jnp.float32) * 0.01
    inp["be"] = jnp.zeros((REPR,), dtype=jnp.float32)
    # lin_pred1: repr_dim -> 16
    inp["Wp1"] = jax.random.normal(ks[8], (REPR, 16), dtype=jnp.float32) * 0.1
    inp["bp1"] = jnp.zeros((16,), dtype=jnp.float32)
    # lin_pred2: 16 -> out_dim
    inp["Wp2"] = jax.random.normal(ks[9], (16, OUT), dtype=jnp.float32) * 0.1
    inp["bp2"] = jnp.zeros((OUT,), dtype=jnp.float32)
    return inp


def _sage_conv(x, src, dst, Wl, Wr, b):
    # PyG SAGEConv with aggr='mean': out = lin_l(mean_neighbors) + lin_r(x)
    msg = x[src]
    agg = jax.ops.segment_sum(msg, dst, num_segments=N)
    deg = jax.ops.segment_sum(jnp.ones((msg.shape[0], 1), x.dtype), dst, num_segments=N)
    mean = agg / jnp.maximum(deg, 1.0)
    return mean @ Wl + x @ Wr + b


def reference(x, edge_index, clusters, Wl1, Wr1, b1, Wl2, Wr2, b2, We, be, Wp1, bp1, Wp2, bp2):
    src = edge_index[0]
    dst = edge_index[1]
    h = _sage_conv(x, src, dst, Wl1, Wr1, b1)
    h = _sage_conv(h, src, dst, Wl2, Wr2, b2)
    # max_pool_x over cluster assignment (batch_size=1)
    pooled = jax.ops.segment_max(h, clusters, num_segments=N_CLUSTERS)
    pooled = jnp.where(jnp.isfinite(pooled), pooled, 0.0)
    flat = pooled.reshape(1, -1)
    emb = jax.nn.relu(flat @ We + be)
    p = jax.nn.relu(emb @ Wp1 + bp1)
    out = jax.nn.sigmoid(p @ Wp2 + bp2)
    return out

if __name__ == "__main__":
    import jax
    _d = setup_inputs()
    print(jax.jit(kernel)(*tuple(_d.values())))

</pallas_src>

<mosaic_0001>
#map = affine_map<(d0, d1) -> (0)>
#map1 = affine_map<(d0, d1) -> (0, 0)>
module attributes {stable_mosaic.version = 14 : i64} {
  func.func @body(%arg0: i32, %arg1: i32, %arg2: memref<100000xf32, #tpu.memory_space<hbm>>, %arg3: memref<2x1600000xi32, #tpu.memory_space<hbm>>, %arg4: memref<2x100352xf32, #tpu.memory_space<hbm>>, %arg5: memref<2x100352xf32, #tpu.memory_space<hbm>>, %arg6: memref<100000xf32, #tpu.memory_space<vmem>>, %arg7: memref<2048xi32, #tpu.memory_space<vmem>>, %arg8: memref<2048xi32, #tpu.memory_space<vmem>>, %arg9: memref<2048xi32, #tpu.memory_space<vmem>>, %arg10: memref<2048xi32, #tpu.memory_space<vmem>>, %arg11: memref<2048xi32, #tpu.memory_space<vmem>>, %arg12: memref<2048xf32, #tpu.memory_space<vmem>>, %arg13: memref<2048xf32, #tpu.memory_space<vmem>>, %arg14: memref<2048xf32, #tpu.memory_space<vmem>>, %arg15: memref<2048xf32, #tpu.memory_space<vmem>>, %arg16: memref<100352xf32, #tpu.memory_space<vmem_shared>>, %arg17: memref<100352xf32, #tpu.memory_space<vmem_shared>>, %arg18: memref<!tpu.dma_semaphore, #tpu.memory_space<semaphore_mem>>, %arg19: memref<!tpu.dma_semaphore, #tpu.memory_space<semaphore_mem>>, %arg20: memref<!tpu.dma_semaphore, #tpu.memory_space<semaphore_mem>>, %arg21: memref<!tpu.dma_semaphore, #tpu.memory_space<semaphore_mem>>, %arg22: memref<!tpu.dma_semaphore, #tpu.memory_space<semaphore_mem>>, %arg23: memref<!tpu.dma_semaphore, #tpu.memory_space<semaphore_mem>>, %arg24: memref<!tpu.dma_semaphore, #tpu.memory_space<semaphore_mem>>, %arg25: memref<!tpu.dma_semaphore, #tpu.memory_space<semaphore_mem>>) attributes {dimension_semantics = [#tpu.dimension_semantics<core_parallel>, #tpu.dimension_semantics<subcore_parallel>], iteration_bounds = array<i64: 2, 16>, scalar_prefetch = 0 : i64, scratch_operands = 20 : i64, tpu.core_type = #tpu.core_type<sc_vector_subcore>, window_params = [{transform_indices = #map}, {transform_indices = #map1}, {transform_indices = #map1}, {transform_indices = #map1}]} {
    %min3A = arith.constant 0 : i32
    %min3A_0 = arith.minsi %arg0, %min3A : i32
    %add3A = arith.constant 1 : i32
    %add3A_1 = arith.addi %min3A_0, %add3A : i32
    %scan3A = arith.constant 0 : i32
    %scan3A_2 = arith.constant 0 : i32
    %scan3A_3 = arith.constant 128 : i32
    %scan3A_4 = arith.addi %scan3A_2, %scan3A_3 : i32
    %scan3A_5 = arith.constant 1 : i32
    %scan3A_6 = scf.for %scan3A_1361 = %scan3A_2 to %scan3A_4 step %scan3A_5 iter_args(%scan3A_1362 = %scan3A) -> (i32)  : i32 {
      %broadcast_in_dim3A = arith.constant 0.000000e+00 : f32
      %broadcast_in_dim3A_1363 = vector.broadcast %broadcast_in_dim3A : f32 to vector<16xf32>
      %mul3A_1364 = arith.constant 16 : i32
      %mul3A_1365 = arith.muli %scan3A_1361, %mul3A_1364 : i32
      %swap3A = arith.index_cast %mul3A_1365 : i32 to index
      %swap3A_1366 = tpu.vector_load %arg15[%swap3A] {strides = array<i32>} : memref<2048xf32, #tpu.memory_space<vmem>>, vector<16xf32>,
      tpu.vector_store %arg15[%swap3A], %broadcast_in_dim3A_1363 {strides = array<i32>} : memref<2048xf32, #tpu.memory_space<vmem>>, vector<16xf32>,
      %scan3A_1367 = arith.constant 0 : i32
      scf.yield %scan3A_1367 : i32
    }
    %scan3A_7 = arith.constant 128 : i32
    %mul3A = arith.constant 6272 : i32
    %mul3A_8 = arith.muli %arg1, %mul3A : i32
    tpu.enqueue_dma source(%arg2 : memref<100000xf32, #tpu.memory_space<hbm>>) target(%arg6 : memref<100000xf32, #tpu.memory_space<vmem>>) target_semaphore(%arg23 : memref<!tpu.dma_semaphore, #tpu.memory_space<semaphore_mem>>)
    %add3A_9 = arith.constant 0 : i32
    %add3A_10 = arith.addi %mul3A_8, %add3A_9 : i32
    %dma_start3A = tpu.memref_slice %arg16[%add3A_10] : memref<100352xf32, #tpu.memory_space<vmem_shared>> -> memref<2048xf32, #tpu.memory_space<vmem_shared>>
    %dma_start3A_11 = tpu.memref_slice %arg16[%add3A_10] : memref<100352xf32, #tpu.memory_space<vmem_shared>> -> memref<2048xf32, #tpu.memory_space<vmem_shared>>
    tpu.enqueue_dma source(%arg15 : memref<2048xf32, #tpu.memory_space<vmem>>) target(%dma_start3A_11 : memref<2048xf32, #tpu.memory_space<vmem_shared>>) target_semaphore(%arg24 : memref<!tpu.dma_semaphore, #tpu.memory_space<semaphore_mem>>)
    %add3A_12 = arith.constant 0 : i32
    %add3A_13 = arith.addi %mul3A_8, %add3A_12 : i32
    %dma_start3A_14 = tpu.memref_slice %arg17[%add3A_13] : memref<100352xf32, #tpu.memory_space<vmem_shared>> -> memref<2048xf32, #tpu.memory_space<vmem_shared>>
    %dma_start3A_15 = tpu.memref_slice %arg17[%add3A_13] : memref<100352xf32, #tpu.memory_space<vmem_shared>> -> memref<2048xf32, #tpu.memory_space<vmem_shared>>
    tpu.enqueue_dma source(%arg15 : memref<2048xf32, #tpu.memory_space<vmem>>) target(%dma_start3A_15 : memref<2048xf32, #tpu.memory_space<vmem_shared>>) target_semaphore(%arg24 : memref<!tpu.dma_semaphore, #tpu.memory_space<semaphore_mem>>)
    %add3A_16 = arith.constant 2048 : i32
    %add3A_17 = arith.addi %mul3A_8, %add3A_16 : i32
    %dma_start3A_18 = tpu.memref_slice %arg16[%add3A_17] : memref<100352xf32, #tpu.memory_space<vmem_shared>> -> memref<2048xf32, #tpu.memory_space<vmem_shared>>
    %dma_start3A_19 = tpu.memref_slice %arg16[%add3A_17] : memref<100352xf32, #tpu.memory_space<vmem_shared>> -> memref<2048xf32, #tpu.memory_space<vmem_shared>>
    tpu.enqueue_dma source(%arg15 : memref<2048xf32, #tpu.memory_space<vmem>>) target(%dma_start3A_19 : memref<2048xf32, #tpu.memory_space<vmem_shared>>) target_semaphore(%arg24 : memref<!tpu.dma_semaphore, #tpu.memory_space<semaphore_mem>>)
    %add3A_20 = arith.constant 2048 : i32
    %add3A_21 = arith.addi %mul3A_8, %add3A_20 : i32
    %dma_start3A_22 = tpu.memref_slice %arg17[%add3A_21] : memref<100352xf32, #tpu.memory_space<vmem_shared>> -> memref<2048xf32, #tpu.memory_space<vmem_shared>>
    %dma_start3A_23 = tpu.memref_slice %arg17[%add3A_21] : memref<100352xf32, #tpu.memory_space<vmem_shared>> -> memref<2048xf32, #tpu.memory_space<vmem_shared>>
    tpu.enqueue_dma source(%arg15 : memref<2048xf32, #tpu.memory_space<vmem>>) target(%dma_start3A_23 : memref<2048xf32, #tpu.memory_space<vmem_shared>>) target_semaphore(%arg24 : memref<!tpu.dma_semaphore, #tpu.memory_space<semaphore_mem>>)
    %add3A_24 = arith.constant 4096 : i32
    %add3A_25 = arith.addi %mul3A_8, %add3A_24 : i32
    %dma_start3A_26 = tpu.memref_slice %arg16[%add3A_25] : memref<100352xf32, #tpu.memory_space<vmem_shared>> -> memref<2048xf32, #tpu.memory_space<vmem_shared>>
    %dma_start3A_27 = tpu.memref_slice %arg16[%add3A_25] : memref<100352xf32, #tpu.memory_space<vmem_shared>> -> memref<2048xf32, #tpu.memory_space<vmem_shared>>
    tpu.enqueue_dma source(%arg15 : memref<2048xf32, #tpu.memory_space<vmem>>) target(%dma_start3A_27 : memref<2048xf32, #tpu.memory_space<vmem_shared>>) target_semaphore(%arg24 : memref<!tpu.dma_semaphore, #tpu.memory_space<semaphore_mem>>)
    %add3A_28 = arith.constant 4096 : i32
    %add3A_29 = arith.addi %mul3A_8, %add3A_28 : i32
    %dma_start3A_30 = tpu.memref_slice %arg17[%add3A_29] : memref<100352xf32, #tpu.memory_space<vmem_shared>> -> memref<2048xf32, #tpu.memory_space<vmem_shared>>
    %dma_start3A_31 = tpu.memref_slice %arg17[%add3A_29] : memref<100352xf32, #tpu.memory_space<vmem_shared>> -> memref<2048xf32, #tpu.memory_space<vmem_shared>>
    tpu.enqueue_dma source(%arg15 : memref<2048xf32, #tpu.memory_space<vmem>>) target(%dma_start3A_31 : memref<2048xf32, #tpu.memory_space<vmem_shared>>) target_semaphore(%arg24 : memref<!tpu.dma_semaphore, #tpu.memory_space<semaphore_mem>>)
    %add3A_32 = arith.constant 6144 : i32
    %add3A_33 = arith.addi %mul3A_8, %add3A_32 : i32
    %dma_start3A_34 = arith.constant 0 : i32
    %dma_start3A_35 = tpu.memref_slice %arg15[%dma_start3A_34] : memref<2048xf32, #tpu.memory_space<vmem>> -> memref<128xf32, #tpu.memory_space<vmem>>
    %dma_start3A_36 = tpu.memref_slice %arg16[%add3A_33] : memref<100352xf32, #tpu.memory_space<vmem_shared>> -> memref<128xf32, #tpu.memory_space<vmem_shared>>
    %dma_start3A_37 = tpu.memref_slice %arg16[%add3A_33] : memref<100352xf32, #tpu.memory_space<vmem_shared>> -> memref<128xf32, #tpu.memory_space<vmem_shared>>
    %dma_start3A_38 = arith.constant 0 : i32
    %dma_start3A_39 = tpu.memref_slice %arg15[%dma_start3A_38] : memref<2048xf32, #tpu.memory_space<vmem>> -> memref<128xf32, #tpu.memory_space<vmem>>
    tpu.enqueue_dma source(%dma_start3A_39 : memref<128xf32, #tpu.memory_space<vmem>>) target(%dma_start3A_37 : memref<128xf32, #tpu.memory_space<vmem_shared>>) target_semaphore(%arg24 : memref<!tpu.dma_semaphore, #tpu.memory_space<semaphore_mem>>)
    %add3A_40 = arith.constant 6144 : i32
    %add3A_41 = arith.addi %mul3A_8, %add3A_40 : i32
    %dma_start3A_42 = arith.constant 0 : i32
    %dma_start3A_43 = tpu.memref_slice %arg15[%dma_start3A_42] : memref<2048xf32, #tpu.memory_space<vmem>> -> memref<128xf32, #tpu.memory_space<vmem>>
    %dma_start3A_44 = tpu.memref_slice %arg17[%add3A_41] : memref<100352xf32, #tpu.memory_space<vmem_shared>> -> memref<128xf32, #tpu.memory_space<vmem_shared>>
    %dma_start3A_45 = tpu.memref_slice %arg17[%add3A_41] : memref<100352xf32, #tpu.memory_space<vmem_shared>> -> memref<128xf32, #tpu.memory_space<vmem_shared>>
    %dma_start3A_46 = arith.constant 0 : i32
    %dma_start3A_47 = tpu.memref_slice %arg15[%dma_start3A_46] : memref<2048xf32, #tpu.memory_space<vmem>> -> memref<128xf32, #tpu.memory_space<vmem>>
    tpu.enqueue_dma source(%dma_start3A_47 : memref<128xf32, #tpu.memory_space<vmem>>) target(%dma_start3A_45 : memref<128xf32, #tpu.memory_space<vmem_shared>>) target_semaphore(%arg24 : memref<!tpu.dma_semaphore, #tpu.memory_space<semaphore_mem>>)
    tpu.wait_dma2 semaphore(%arg23 : memref<!tpu.dma_semaphore, #tpu.memory_space<semaphore_mem>>) src(%arg2 : memref<100000xf32, #tpu.memory_space<hbm>>) dst(%arg6 : memref<100000xf32, #tpu.memory_space<vmem>>)
    %dma_wait3A = tpu.memref_slice %arg16[%add3A_10] : memref<100352xf32, #tpu.memory_space<vmem_shared>> -> memref<2048xf32, #tpu.memory_space<vmem_shared>>
    %dma_wait3A_48 = tpu.memref_slice %arg16[%add3A_10] : memref<100352xf32, #tpu.memory_space<vmem_shared>> -> memref<2048xf32, #tpu.memory_space<vmem_shared>>
    tpu.wait_dma2 semaphore(%arg24 : memref<!tpu.dma_semaphore, #tpu.memory_space<semaphore_mem>>) src(%arg15 : memref<2048xf32, #tpu.memory_space<vmem>>) dst(%dma_wait3A_48 : memref<2048xf32, #tpu.memory_space<vmem_shared>>)
    %dma_wait3A_49 = tpu.memref_slice %arg17[%add3A_13] : memref<100352xf32, #tpu.memory_space<vmem_shared>> -> memref<2048xf32, #tpu.memory_space<vmem_shared>>
    %dma_wait3A_50 = tpu.memref_slice %arg17[%add3A_13] : memref<100352xf32, #tpu.memory_space<vmem_shared>> -> memref<2048xf32, #tpu.memory_space<vmem_shared>>
    tpu.wait_dma2 semaphore(%arg24 : memref<!tpu.dma_semaphore, #tpu.memory_space<semaphore_mem>>) src(%arg15 : memref<2048xf32, #tpu.memory_space<vmem>>) dst(%dma_wait3A_50 : memref<2048xf32, #tpu.memory_space<vmem_shared>>)
    %dma_wait3A_51 = tpu.memref_slice %arg16[%add3A_17] : memref<100352xf32, #tpu.memory_space<vmem_shared>> -> memref<2048xf32, #tpu.memory_space<vmem_shared>>
    %dma_wait3A_52 = tpu.memref_slice %arg16[%add3A_17] : memref<100352xf32, #tpu.memory_space<vmem_shared>> -> memref<2048xf32, #tpu.memory_space<vmem_shared>>
    tpu.wait_dma2 semaphore(%arg24 : memref<!tpu.dma_semaphore, #tpu.memory_space<semaphore_mem>>) src(%arg15 : memref<2048xf32, #tpu.memory_space<vmem>>) dst(%dma_wait3A_52 : memref<2048xf32, #tpu.memory_space<vmem_shared>>)
    %dma_wait3A_53 = tpu.memref_slice %arg17[%add3A_21] : memref<100352xf32, #tpu.memory_space<vmem_shared>> -> memref<2048xf32, #tpu.memory_space<vmem_shared>>
    %dma_wait3A_54 = tpu.memref_slice %arg17[%add3A_21] : memref<100352xf32, #tpu.memory_space<vmem_shared>> -> memref<2048xf32, #tpu.memory_space<vmem_shared>>
    tpu.wait_dma2 semaphore(%arg24 : memref<!tpu.dma_semaphore, #tpu.memory_space<semaphore_mem>>) src(%arg15 : memref<2048xf32, #tpu.memory_space<vmem>>) dst(%dma_wait3A_54 : memref<2048xf32, #tpu.memory_space<vmem_shared>>)
    %dma_wait3A_55 = tpu.memref_slice %arg16[%add3A_25] : memref<100352xf32, #tpu.memory_space<vmem_shared>> -> memref<2048xf32, #tpu.memory_space<vmem_shared>>
    %dma_wait3A_56 = tpu.memref_slice %arg16[%add3A_25] : memref<100352xf32, #tpu.memory_space<vmem_shared>> -> memref<2048xf32, #tpu.memory_space<vmem_shared>>
    tpu.wait_dma2 semaphore(%arg24 : memref<!tpu.dma_semaphore, #tpu.memory_space<semaphore_mem>>) src(%arg15 : memref<2048xf32, #tpu.memory_space<vmem>>) dst(%dma_wait3A_56 : memref<2048xf32, #tpu.memory_space<vmem_shared>>)
    %dma_wait3A_57 = tpu.memref_slice %arg17[%add3A_29] : memref<100352xf32, #tpu.memory_space<vmem_shared>> -> memref<2048xf32, #tpu.memory_space<vmem_shared>>
    %dma_wait3A_58 = tpu.memref_slice %arg17[%add3A_29] : memref<100352xf32, #tpu.memory_space<vmem_shared>> -> memref<2048xf32, #tpu.memory_space<vmem_shared>>
    tpu.wait_dma2 semaphore(%arg24 : memref<!tpu.dma_semaphore, #tpu.memory_space<semaphore_mem>>) src(%arg15 : memref<2048xf32, #tpu.memory_space<vmem>>) dst(%dma_wait3A_58 : memref<2048xf32, #tpu.memory_space<vmem_shared>>)
    %dma_wait3A_59 = arith.constant 0 : i32
    %dma_wait3A_60 = tpu.memref_slice %arg15[%dma_wait3A_59] : memref<2048xf32, #tpu.memory_space<vmem>> -> memref<128xf32, #tpu.memory_space<vmem>>
    %dma_wait3A_61 = tpu.memref_slice %arg16[%add3A_33] : memref<100352xf32, #tpu.memory_space<vmem_shared>> -> memref<128xf32, #tpu.memory_space<vmem_shared>>
    %dma_wait3A_62 = tpu.memref_slice %arg16[%add3A_33] : memref<100352xf32, #tpu.memory_space<vmem_shared>> -> memref<128xf32, #tpu.memory_space<vmem_shared>>
    %dma_wait3A_63 = arith.constant 0 : i32
    %dma_wait3A_64 = tpu.memref_slice %arg15[%dma_wait3A_63] : memref<2048xf32, #tpu.memory_space<vmem>> -> memref<128xf32, #tpu.memory_space<vmem>>
    tpu.wait_dma2 semaphore(%arg24 : memref<!tpu.dma_semaphore, #tpu.memory_space<semaphore_mem>>) src(%dma_wait3A_64 : memref<128xf32, #tpu.memory_space<vmem>>) dst(%dma_wait3A_62 : memref<128xf32, #tpu.memory_space<vmem_shared>>)
    %dma_wait3A_65 = arith.constant 0 : i32
    %dma_wait3A_66 = tpu.memref_slice %arg15[%dma_wait3A_65] : memref<2048xf32, #tpu.memory_space<vmem>> -> memref<128xf32, #tpu.memory_space<vmem>>
    %dma_wait3A_67 = tpu.memref_slice %arg17[%add3A_41] : memref<100352xf32, #tpu.memory_space<vmem_shared>> -> memref<128xf32, #tpu.memory_space<vmem_shared>>
    %dma_wait3A_68 = tpu.memref_slice %arg17[%add3A_41] : memref<100352xf32, #tpu.memory_space<vmem_shared>> -> memref<128xf32, #tpu.memory_space<vmem_shared>>
    %dma_wait3A_69 = arith.constant 0 : i32
    %dma_wait3A_70 = tpu.memref_slice %arg15[%dma_wait3A_69] : memref<2048xf32, #tpu.memory_space<vmem>> -> memref<128xf32, #tpu.memory_space<vmem>>
    tpu.wait_dma2 semaphore(%arg24 : memref<!tpu.dma_semaphore, #tpu.memory_space<semaphore_mem>>) src(%dma_wait3A_70 : memref<128xf32, #tpu.memory_space<vmem>>) dst(%dma_wait3A_68 : memref<128xf32, #tpu.memory_space<vmem_shared>>)
    %scan3A_71 = arith.constant 0 : i32
    %scan3A_72 = arith.constant 0 : i32
    %scan3A_73 = arith.constant 128 : i32
    %scan3A_74 = arith.addi %scan3A_72, %scan3A_73 : i32
    %scan3A_75 = arith.constant 1 : i32
    %scan3A_76 = scf.for %scan3A_1361 = %scan3A_72 to %scan3A_74 step %scan3A_75 iter_args(%scan3A_1362 = %scan3A_71) -> (i32)  : i32 {
      %broadcast_in_dim3A = arith.constant 1.000000e+00 : f32
      %broadcast_in_dim3A_1363 = vector.broadcast %broadcast_in_dim3A : f32 to vector<16xf32>
      %mul3A_1364 = arith.constant 16 : i32
      %mul3A_1365 = arith.muli %scan3A_1361, %mul3A_1364 : i32
      %swap3A = arith.index_cast %mul3A_1365 : i32 to index
      %swap3A_1366 = tpu.vector_load %arg15[%swap3A] {strides = array<i32>} : memref<2048xf32, #tpu.memory_space<vmem>>, vector<16xf32>,
      tpu.vector_store %arg15[%swap3A], %broadcast_in_dim3A_1363 {strides = array<i32>} : memref<2048xf32, #tpu.memory_space<vmem>>, vector<16xf32>,
      %scan3A_1367 = arith.constant 0 : i32
      scf.yield %scan3A_1367 : i32
    }
    %scan3A_77 = arith.constant 128 : i32
    %barrier3A = arith.constant 0 : index
    tpu.barrier barrier_id(%barrier3A)
    %mul3A_78 = arith.constant 16 : i32
    %mul3A_79 = arith.muli %arg0, %mul3A_78 : i32
    %add3A_80 = arith.addi %mul3A_79, %arg1 : i32
    %mul3A_81 = arith.constant 24 : i32
    %mul3A_82 = arith.muli %add3A_80, %mul3A_81 : i32
    %add3A_83 = arith.constant 0 : i32
    %add3A_84 = arith.addi %mul3A_82, %add3A_83 : i32
    %mul3A_85 = arith.constant 2048 : i32
    %mul3A_86 = arith.muli %add3A_84, %mul3A_85 : i32
    %dma_start3A_87 = arith.constant 0 : i32
    %dma_start3A_88 = tpu.memref_slice %arg3[%dma_start3A_87, %mul3A_86] : memref<2x1600000xi32, #tpu.memory_space<hbm>> -> memref<1x2048xi32, #tpu.memory_space<hbm>>
    %dma_start3A_89 = tpu.memref_squeeze %dma_start3A_88 : memref<1x2048xi32, #tpu.memory_space<hbm>> -> memref<2048xi32, #tpu.memory_space<hbm>>
    %dma_start3A_90 = tpu.memref_slice %arg3[%dma_start3A_87, %mul3A_86] : memref<2x1600000xi32, #tpu.memory_space<hbm>> -> memref<1x2048xi32, #tpu.memory_space<hbm>>
    %dma_start3A_91 = tpu.memref_squeeze %dma_start3A_90 : memref<1x2048xi32, #tpu.memory_space<hbm>> -> memref<2048xi32, #tpu.memory_space<hbm>>
    tpu.enqueue_dma source(%dma_start3A_91 : memref<2048xi32, #tpu.memory_space<hbm>>) target(%arg7 : memref<2048xi32, #tpu.memory_space<vmem>>) target_semaphore(%arg18 : memref<!tpu.dma_semaphore, #tpu.memory_space<semaphore_mem>>)
    %mul3A_92 = arith.constant 2048 : i32
    %mul3A_93 = arith.muli %add3A_84, %mul3A_92 : i32
    %dma_start3A_94 = tpu.memref_slice %arg3[%add3A_1, %mul3A_93] : memref<2x1600000xi32, #tpu.memory_space<hbm>> -> memref<1x2048xi32, #tpu.memory_space<hbm>>
    %dma_start3A_95 = tpu.memref_squeeze %dma_start3A_94 : memref<1x2048xi32, #tpu.memory_space<hbm>> -> memref<2048xi32, #tpu.memory_space<hbm>>
    %dma_start3A_96 = tpu.memref_slice %arg3[%add3A_1, %mul3A_93] : memref<2x1600000xi32, #tpu.memory_space<hbm>> -> memref<1x2048xi32, #tpu.memory_space<hbm>>
    %dma_start3A_97 = tpu.memref_squeeze %dma_start3A_96 : memref<1x2048xi32, #tpu.memory_space<hbm>> -> memref<2048xi32, #tpu.memory_space<hbm>>
    tpu.enqueue_dma source(%dma_start3A_97 : memref<2048xi32, #tpu.memory_space<hbm>>) target(%arg9 : memref<2048xi32, #tpu.memory_space<vmem>>) target_semaphore(%arg20 : memref<!tpu.dma_semaphore, #tpu.memory_space<semaphore_mem>>)
    %dma_wait3A_98 = arith.constant 0 : i32
    %dma_wait3A_99 = tpu.memref_slice %arg3[%dma_wait3A_98, %mul3A_86] : memref<2x1600000xi32, #tpu.memory_space<hbm>> -> memref<1x2048xi32, #tpu.memory_space<hbm>>
    %dma_wait3A_100 = tpu.memref_squeeze %dma_wait3A_99 : memref<1x2048xi32, #tpu.memory_space<hbm>> -> memref<2048xi32, #tpu.memory_space<hbm>>
    %dma_wait3A_101 = tpu.memref_slice %arg3[%dma_wait3A_98, %mul3A_86] : memref<2x1600000xi32, #tpu.memory_space<hbm>> -> memref<1x2048xi32, #tpu.memory_space<hbm>>
    %dma_wait3A_102 = tpu.memref_squeeze %dma_wait3A_101 : memref<1x2048xi32, #tpu.memory_space<hbm>> -> memref<2048xi32, #tpu.memory_space<hbm>>
    tpu.wait_dma2 semaphore(%arg18 : memref<!tpu.dma_semaphore, #tpu.memory_space<semaphore_mem>>) src(%dma_wait3A_102 : memref<2048xi32, #tpu.memory_space<hbm>>) dst(%arg7 : memref<2048xi32, #tpu.memory_space<vmem>>)
    %dma_wait3A_103 = tpu.memref_slice %arg3[%add3A_1, %mul3A_93] : memref<2x1600000xi32, #tpu.memory_space<hbm>> -> memref<1x2048xi32, #tpu.memory_space<hbm>>
    %dma_wait3A_104 = tpu.memref_squeeze %dma_wait3A_103 : memref<1x2048xi32, #tpu.memory_space<hbm>> -> memref<2048xi32, #tpu.memory_space<hbm>>
    %dma_wait3A_105 = tpu.memref_slice %arg3[%add3A_1, %mul3A_93] : memref<2x1600000xi32, #tpu.memory_space<hbm>> -> memref<1x2048xi32, #tpu.memory_space<hbm>>
    %dma_wait3A_106 = tpu.memref_squeeze %dma_wait3A_105 : memref<1x2048xi32, #tpu.memory_space<hbm>> -> memref<2048xi32, #tpu.memory_space<hbm>>
    tpu.wait_dma2 semaphore(%arg20 : memref<!tpu.dma_semaphore, #tpu.memory_space<semaphore_mem>>) src(%dma_wait3A_106 : memref<2048xi32, #tpu.memory_space<hbm>>) dst(%arg9 : memref<2048xi32, #tpu.memory_space<vmem>>)
    %mul3A_107 = arith.constant 24 : i32
    %mul3A_108 = arith.muli %add3A_80, %mul3A_107 : i32
    %add3A_109 = arith.constant 1 : i32
    %add3A_110 = arith.addi %mul3A_108, %add3A_109 : i32
    %mul3A_111 = arith.constant 2048 : i32
    %mul3A_112 = arith.muli %add3A_110, %mul3A_111 : i32
    %dma_start3A_113 = arith.constant 0 : i32
    %dma_start3A_114 = tpu.memref_slice %arg3[%dma_start3A_113, %mul3A_112] : memref<2x1600000xi32, #tpu.memory_space<hbm>> -> memref<1x2048xi32, #tpu.memory_space<hbm>>
    %dma_start3A_115 = tpu.memref_squeeze %dma_start3A_114 : memref<1x2048xi32, #tpu.memory_space<hbm>> -> memref<2048xi32, #tpu.memory_space<hbm>>
    %dma_start3A_116 = tpu.memref_slice %arg3[%dma_start3A_113, %mul3A_112] : memref<2x1600000xi32, #tpu.memory_space<hbm>> -> memref<1x2048xi32, #tpu.memory_space<hbm>>
    %dma_start3A_117 = tpu.memref_squeeze %dma_start3A_116 : memref<1x2048xi32, #tpu.memory_space<hbm>> -> memref<2048xi32, #tpu.memory_space<hbm>>
    tpu.enqueue_dma source(%dma_start3A_117 : memref<2048xi32, #tpu.memory_space<hbm>>) target(%arg8 : memref<2048xi32, #tpu.memory_space<vmem>>) target_semaphore(%arg19 : memref<!tpu.dma_semaphore, #tpu.memory_space<semaphore_mem>>)
    %mul3A_118 = arith.constant 2048 : i32
    %mul3A_119 = arith.muli %add3A_110, %mul3A_118 : i32
    %dma_start3A_120 = tpu.memref_slice %arg3[%add3A_1, %mul3A_119] : memref<2x1600000xi32, #tpu.memory_space<hbm>> -> memref<1x2048xi32, #tpu.memory_space<hbm>>
    %dma_start3A_121 = tpu.memref_squeeze %dma_start3A_120 : memref<1x2048xi32, #tpu.memory_space<hbm>> -> memref<2048xi32, #tpu.memory_space<hbm>>
    %dma_start3A_122 = tpu.memref_slice %arg3[%add3A_1, %mul3A_119] : memref<2x1600000xi32, #tpu.memory_space<hbm>> -> memref<1x2048xi32, #tpu.memory_space<hbm>>
    %dma_start3A_123 = tpu.memref_squeeze %dma_start3A_122 : memref<1x2048xi32, #tpu.memory_space<hbm>> -> memref<2048xi32, #tpu.memory_space<hbm>>
    tpu.enqueue_dma source(%dma_start3A_123 : memref<2048xi32, #tpu.memory_space<hbm>>) target(%arg10 : memref<2048xi32, #tpu.memory_space<vmem>>) target_semaphore(%arg21 : memref<!tpu.dma_semaphore, #tpu.memory_space<semaphore_mem>>)
    %parallel_loop3A = arith.constant 0 : i32
    %parallel_loop3A_124 = arith.constant 2048 : i32
    %parallel_loop3A_125 = arith.constant 16 : i32
    scf.for %parallel_loop3A_1361 = %parallel_loop3A to %parallel_loop3A_124 step %parallel_loop3A_125  : i32 {
      %parallel_loop3A_1362 = arith.index_cast %parallel_loop3A_1361 : i32 to index
      %parallel_loop3A_1363 = tpu.vector_load %arg7[%parallel_loop3A_1362] {strides = array<i32>} : memref<2048xi32, #tpu.memory_space<vmem>>, vector<16xi32>,
      %parallel_loop3A_1364 = tpu.vector_load_idx %arg6[%parallel_loop3A_1363] : memref<100000xf32, #tpu.memory_space<vmem>>[vector<16xi32>], vector<16xf32>,
      %parallel_loop3A_1365 = arith.index_cast %parallel_loop3A_1361 : i32 to index
      %parallel_loop3A_1366 = tpu.vector_load %arg12[%parallel_loop3A_1365] {strides = array<i32>} : memref<2048xf32, #tpu.memory_space<vmem>>, vector<16xf32>,
      tpu.vector_store %arg12[%parallel_loop3A_1365], %parallel_loop3A_1364 {strides = array<i32>} : memref<2048xf32, #tpu.memory_space<vmem>>, vector<16xf32>,
    } {sc.loop_unroll_factor = 8 : i64, sc.parallel_access}
    %dma_start3A_126 = arith.constant 0 : i32
    %dma_start3A_127 = tpu.memref_slice %arg12[%dma_start3A_126] : memref<2048xf32, #tpu.memory_space<vmem>> -> memref<2048xf32, #tpu.memory_space<vmem>>
    %dma_start3A_128 = arith.constant 0 : i32
    %dma_start3A_129 = tpu.memref_slice %arg9[%dma_start3A_128] : memref<2048xi32, #tpu.memory_space<vmem>> -> memref<2048xi32, #tpu.memory_space<vmem>>
    %dma_start3A_130 = arith.constant 0 : i32
    %dma_start3A_131 = tpu.memref_slice %arg16[%dma_start3A_130] : memref<100352xf32, #tpu.memory_space<vmem_shared>> -> memref<100352xf32, #tpu.memory_space<vmem_shared>>
    tpu.enqueue_indirect_dma source(%dma_start3A_127 : memref<2048xf32, #tpu.memory_space<vmem>>) target(%dma_start3A_131 : memref<100352xf32, #tpu.memory_space<vmem_shared>>) offsets(%dma_start3A_129 : memref<2048xi32, #tpu.memory_space<vmem>>) semaphore(%arg23 : memref<!tpu.dma_semaphore, #tpu.memory_space<semaphore_mem>>) {add = true}
    %dma_start3A_132 = arith.constant 0 : i32
    %dma_start3A_133 = tpu.memref_slice %arg15[%dma_start3A_132] : memref<2048xf32, #tpu.memory_space<vmem>> -> memref<2048xf32, #tpu.memory_space<vmem>>
    %dma_start3A_134 = arith.constant 0 : i32
    %dma_start3A_135 = tpu.memref_slice %arg9[%dma_start3A_134] : memref<2048xi32, #tpu.memory_space<vmem>> -> memref<2048xi32, #tpu.memory_space<vmem>>
    %dma_start3A_136 = arith.constant 0 : i32
    %dma_start3A_137 = tpu.memref_slice %arg17[%dma_start3A_136] : memref<100352xf32, #tpu.memory_space<vmem_shared>> -> memref<100352xf32, #tpu.memory_space<vmem_shared>>
    tpu.enqueue_indirect_dma source(%dma_start3A_133 : memref<2048xf32, #tpu.memory_space<vmem>>) target(%dma_start3A_137 : memref<100352xf32, #tpu.memory_space<vmem_shared>>) offsets(%dma_start3A_135 : memref<2048xi32, #tpu.memory_space<vmem>>) semaphore(%arg23 : memref<!tpu.dma_semaphore, #tpu.memory_space<semaphore_mem>>) {add = true}
    %dma_wait3A_138 = arith.constant 0 : i32
    %dma_wait3A_139 = tpu.memref_slice %arg3[%dma_wait3A_138, %mul3A_112] : memref<2x1600000xi32, #tpu.memory_space<hbm>> -> memref<1x2048xi32, #tpu.memory_space<hbm>>
    %dma_wait3A_140 = tpu.memref_squeeze %dma_wait3A_139 : memref<1x2048xi32, #tpu.memory_space<hbm>> -> memref<2048xi32, #tpu.memory_space<hbm>>
    %dma_wait3A_141 = tpu.memref_slice %arg3[%dma_wait3A_138, %mul3A_112] : memref<2x1600000xi32, #tpu.memory_space<hbm>> -> memref<1x2048xi32, #tpu.memory_space<hbm>>
    %dma_wait3A_142 = tpu.memref_squeeze %dma_wait3A_141 : memref<1x2048xi32, #tpu.memory_space<hbm>> -> memref<2048xi32, #tpu.memory_space<hbm>>
    tpu.wait_dma2 semaphore(%arg19 : memref<!tpu.dma_semaphore, #tpu.memory_space<semaphore_mem>>) src(%dma_wait3A_142 : memref<2048xi32, #tpu.memory_space<hbm>>) dst(%arg8 : memref<2048xi32, #tpu.memory_space<vmem>>)
    %dma_wait3A_143 = tpu.memref_slice %arg3[%add3A_1, %mul3A_119] : memref<2x1600000xi32, #tpu.memory_space<hbm>> -> memref<1x2048xi32, #tpu.memory_space<hbm>>
    %dma_wait3A_144 = tpu.memref_squeeze %dma_wait3A_143 : memref<1x2048xi32, #tpu.memory_space<hbm>> -> memref<2048xi32, #tpu.memory_space<hbm>>
    %dma_wait3A_145 = tpu.memref_slice %arg3[%add3A_1, %mul3A_119] : memref<2x1600000xi32, #tpu.memory_space<hbm>> -> memref<1x2048xi32, #tpu.memory_space<hbm>>
    %dma_wait3A_146 = tpu.memref_squeeze %dma_wait3A_145 : memref<1x2048xi32, #tpu.memory_space<hbm>> -> memref<2048xi32, #tpu.memory_space<hbm>>
    tpu.wait_dma2 semaphore(%arg21 : memref<!tpu.dma_semaphore, #tpu.memory_space<semaphore_mem>>) src(%dma_wait3A_146 : memref<2048xi32, #tpu.memory_space<hbm>>) dst(%arg10 : memref<2048xi32, #tpu.memory_space<vmem>>)
    %mul3A_147 = arith.constant 24 : i32
    %mul3A_148 = arith.muli %add3A_80, %mul3A_147 : i32
    %add3A_149 = arith.constant 2 : i32
    %add3A_150 = arith.addi %mul3A_148, %add3A_149 : i32
    %mul3A_151 = arith.constant 2048 : i32
    %mul3A_152 = arith.muli %add3A_150, %mul3A_151 : i32
    %dma_start3A_153 = arith.constant 0 : i32
    %dma_start3A_154 = tpu.memref_slice %arg3[%dma_start3A_153, %mul3A_152] : memref<2x1600000xi32, #tpu.memory_space<hbm>> -> memref<1x2048xi32, #tpu.memory_space<hbm>>
    %dma_start3A_155 = tpu.memref_squeeze %dma_start3A_154 : memref<1x2048xi32, #tpu.memory_space<hbm>> -> memref<2048xi32, #tpu.memory_space<hbm>>
    %dma_start3A_156 = tpu.memref_slice %arg3[%dma_start3A_153, %mul3A_152] : memref<2x1600000xi32, #tpu.memory_space<hbm>> -> memref<1x2048xi32, #tpu.memory_space<hbm>>
    %dma_start3A_157 = tpu.memref_squeeze %dma_start3A_156 : memref<1x2048xi32, #tpu.memory_space<hbm>> -> memref<2048xi32, #tpu.memory_space<hbm>>
    tpu.enqueue_dma source(%dma_start3A_157 : memref<2048xi32, #tpu.memory_space<hbm>>) target(%arg7 : memref<2048xi32, #tpu.memory_space<vmem>>) target_semaphore(%arg18 : memref<!tpu.dma_semaphore, #tpu.memory_space<semaphore_mem>>)
    %mul3A_158 = arith.constant 2048 : i32
    %mul3A_159 = arith.muli %add3A_150, %mul3A_158 : i32
    %dma_start3A_160 = tpu.memref_slice %arg3[%add3A_1, %mul3A_159] : memref<2x1600000xi32, #tpu.memory_space<hbm>> -> memref<1x2048xi32, #tpu.memory_space<hbm>>
    %dma_start3A_161 = tpu.memref_squeeze %dma_start3A_160 : memref<1x2048xi32, #tpu.memory_space<hbm>> -> memref<2048xi32, #tpu.memory_space<hbm>>
    %dma_start3A_162 = tpu.memref_slice %arg3[%add3A_1, %mul3A_159] : memref<2x1600000xi32, #tpu.memory_space<hbm>> -> memref<1x2048xi32, #tpu.memory_space<hbm>>
    %dma_start3A_163 = tpu.memref_squeeze %dma_start3A_162 : memref<1x2048xi32, #tpu.memory_space<hbm>> -> memref<2048xi32, #tpu.memory_space<hbm>>
    tpu.enqueue_dma source(%dma_start3A_163 : memref<2048xi32, #tpu.memory_space<hbm>>) target(%arg11 : memref<2048xi32, #tpu.memory_space<vmem>>) target_semaphore(%arg22 : memref<!tpu.dma_semaphore, #tpu.memory_space<semaphore_mem>>)
    %parallel_loop3A_164 = arith.constant 0 : i32
    %parallel_loop3A_165 = arith.constant 2048 : i32
    %parallel_loop3A_166 = arith.constant 16 : i32
    scf.for %parallel_loop3A_1361 = %parallel_loop3A_164 to %parallel_loop3A_165 step %parallel_loop3A_166  : i32 {
      %parallel_loop3A_1362 = arith.index_cast %parallel_loop3A_1361 : i32 to index
      %parallel_loop3A_1363 = tpu.vector_load %arg8[%parallel_loop3A_1362] {strides = array<i32>} : memref<2048xi32, #tpu.memory_space<vmem>>, vector<16xi32>,
      %parallel_loop3A_1364 = tpu.vector_load_idx %arg6[%parallel_loop3A_1363] : memref<100000xf32, #tpu.memory_space<vmem>>[vector<16xi32>], vector<16xf32>,
      %parallel_loop3A_1365 = arith.index_cast %parallel_loop3A_1361 : i32 to index
      %parallel_loop3A_1366 = tpu.vector_load %arg13[%parallel_loop3A_1365] {strides = array<i32>} : memref<2048xf32, #tpu.memory_space<vmem>>, vector<16xf32>,
      tpu.vector_store %arg13[%parallel_loop3A_1365], %parallel_loop3A_1364 {strides = array<i32>} : memref<2048xf32, #tpu.memory_space<vmem>>, vector<16xf32>,
    } {sc.loop_unroll_factor = 8 : i64, sc.parallel_access}
    %dma_start3A_167 = arith.constant 0 : i32
    %dma_start3A_168 = tpu.memref_slice %arg13[%dma_start3A_167] : memref<2048xf32, #tpu.memory_space<vmem>> -> memref<2048xf32, #tpu.memory_space<vmem>>
    %dma_start3A_169 = arith.constant 0 : i32
    %dma_start3A_170 = tpu.memref_slice %arg10[%dma_start3A_169] : memref<2048xi32, #tpu.memory_space<vmem>> -> memref<2048xi32, #tpu.memory_space<vmem>>
    %dma_start3A_171 = arith.constant 0 : i32
    %dma_start3A_172 = tpu.memref_slice %arg16[%dma_start3A_171] : memref<100352xf32, #tpu.memory_space<vmem_shared>> -> memref<100352xf32, #tpu.memory_space<vmem_shared>>
    tpu.enqueue_indirect_dma source(%dma_start3A_168 : memref<2048xf32, #tpu.memory_space<vmem>>) target(%dma_start3A_172 : memref<100352xf32, #tpu.memory_space<vmem_shared>>) offsets(%dma_start3A_170 : memref<2048xi32, #tpu.memory_space<vmem>>) semaphore(%arg24 : memref<!tpu.dma_semaphore, #tpu.memory_space<semaphore_mem>>) {add = true}
    %dma_start3A_173 = arith.constant 0 : i32
    %dma_start3A_174 = tpu.memref_slice %arg15[%dma_start3A_173] : memref<2048xf32, #tpu.memory_space<vmem>> -> memref<2048xf32, #tpu.memory_space<vmem>>
    %dma_start3A_175 = arith.constant 0 : i32
    %dma_start3A_176 = tpu.memref_slice %arg10[%dma_start3A_175] : memref<2048xi32, #tpu.memory_space<vmem>> -> memref<2048xi32, #tpu.memory_space<vmem>>
    %dma_start3A_177 = arith.constant 0 : i32
    %dma_start3A_178 = tpu.memref_slice %arg17[%dma_start3A_177] : memref<100352xf32, #tpu.memory_space<vmem_shared>> -> memref<100352xf32, #tpu.memory_space<vmem_shared>>
    tpu.enqueue_indirect_dma source(%dma_start3A_174 : memref<2048xf32, #tpu.memory_space<vmem>>) target(%dma_start3A_178 : memref<100352xf32, #tpu.memory_space<vmem_shared>>) offsets(%dma_start3A_176 : memref<2048xi32, #tpu.memory_space<vmem>>) semaphore(%arg24 : memref<!tpu.dma_semaphore, #tpu.memory_space<semaphore_mem>>) {add = true}
    %dma_wait3A_179 = arith.constant 0 : i32
    %dma_wait3A_180 = tpu.memref_slice %arg3[%dma_wait3A_179, %mul3A_152] : memref<2x1600000xi32, #tpu.memory_space<hbm>> -> memref<1x2048xi32, #tpu.memory_space<hbm>>
    %dma_wait3A_181 = tpu.memref_squeeze %dma_wait3A_180 : memref<1x2048xi32, #tpu.memory_space<hbm>> -> memref<2048xi32, #tpu.memory_space<hbm>>
    %dma_wait3A_182 = tpu.memref_slice %arg3[%dma_wait3A_179, %mul3A_152] : memref<2x1600000xi32, #tpu.memory_space<hbm>> -> memref<1x2048xi32, #tpu.memory_space<hbm>>
    %dma_wait3A_183 = tpu.memref_squeeze %dma_wait3A_182 : memref<1x2048xi32, #tpu.memory_space<hbm>> -> memref<2048xi32, #tpu.memory_space<hbm>>
    tpu.wait_dma2 semaphore(%arg18 : memref<!tpu.dma_semaphore, #tpu.memory_space<semaphore_mem>>) src(%dma_wait3A_183 : memref<2048xi32, #tpu.memory_space<hbm>>) dst(%arg7 : memref<2048xi32, #tpu.memory_space<vmem>>)
    %dma_wait3A_184 = tpu.memref_slice %arg3[%add3A_1, %mul3A_159] : memref<2x1600000xi32, #tpu.memory_space<hbm>> -> memref<1x2048xi32, #tpu.memory_space<hbm>>
    %dma_wait3A_185 = tpu.memref_squeeze %dma_wait3A_184 : memref<1x2048xi32, #tpu.memory_space<hbm>> -> memref<2048xi32, #tpu.memory_space<hbm>>
    %dma_wait3A_186 = tpu.memref_slice %arg3[%add3A_1, %mul3A_159] : memref<2x1600000xi32, #tpu.memory_space<hbm>> -> memref<1x2048xi32, #tpu.memory_space<hbm>>
    %dma_wait3A_187 = tpu.memref_squeeze %dma_wait3A_186 : memref<1x2048xi32, #tpu.memory_space<hbm>> -> memref<2048xi32, #tpu.memory_space<hbm>>
    tpu.wait_dma2 semaphore(%arg22 : memref<!tpu.dma_semaphore, #tpu.memory_space<semaphore_mem>>) src(%dma_wait3A_187 : memref<2048xi32, #tpu.memory_space<hbm>>) dst(%arg11 : memref<2048xi32, #tpu.memory_space<vmem>>)
    %dma_wait3A_188 = arith.constant 0 : i32
    %dma_wait3A_189 = tpu.memref_slice %arg12[%dma_wait3A_188] : memref<2048xf32, #tpu.memory_space<vmem>> -> memref<2048xf32, #tpu.memory_space<vmem>>
    %dma_wait3A_190 = arith.constant 0 : i32
    %dma_wait3A_191 = tpu.memref_slice %arg9[%dma_wait3A_190] : memref<2048xi32, #tpu.memory_space<vmem>> -> memref<2048xi32, #tpu.memory_space<vmem>>
    %dma_wait3A_192 = arith.constant 0 : i32
    %dma_wait3A_193 = tpu.memref_slice %arg16[%dma_wait3A_192] : memref<100352xf32, #tpu.memory_space<vmem_shared>> -> memref<100352xf32, #tpu.memory_space<vmem_shared>>
    tpu.wait_indirect_dma semaphore(%arg23 : memref<!tpu.dma_semaphore, #tpu.memory_space<semaphore_mem>>) src(%dma_wait3A_189 : memref<2048xf32, #tpu.memory_space<vmem>>) dst(%dma_wait3A_193 : memref<100352xf32, #tpu.memory_space<vmem_shared>>)
    %dma_wait3A_194 = arith.constant 0 : i32
    %dma_wait3A_195 = tpu.memref_slice %arg15[%dma_wait3A_194] : memref<2048xf32, #tpu.memory_space<vmem>> -> memref<2048xf32, #tpu.memory_space<vmem>>
    %dma_wait3A_196 = arith.constant 0 : i32
    %dma_wait3A_197 = tpu.memref_slice %arg9[%dma_wait3A_196] : memref<2048xi32, #tpu.memory_space<vmem>> -> memref<2048xi32, #tpu.memory_space<vmem>>
    %dma_wait3A_198 = arith.constant 0 : i32
    %dma_wait3A_199 = tpu.memref_slice %arg17[%dma_wait3A_198] : memref<100352xf32, #tpu.memory_space<vmem_shared>> -> memref<100352xf32, #tpu.memory_space<vmem_shared>>
    tpu.wait_indirect_dma semaphore(%arg23 : memref<!tpu.dma_semaphore, #tpu.memory_space<semaphore_mem>>) src(%dma_wait3A_195 : memref<2048xf32, #tpu.memory_space<vmem>>) dst(%dma_wait3A_199 : memref<100352xf32, #tpu.memory_space<vmem_shared>>)
    %mul3A_200 = arith.constant 24 : i32
    %mul3A_201 = arith.muli %add3A_80, %mul3A_200 : i32
    %add3A_202 = arith.constant 3 : i32
    %add3A_203 = arith.addi %mul3A_201, %add3A_202 : i32
    %mul3A_204 = arith.constant 2048 : i32
    %mul3A_205 = arith.muli %add3A_203, %mul3A_204 : i32
    %dma_start3A_206 = arith.constant 0 : i32
    %dma_start3A_207 = tpu.memref_slice %arg3[%dma_start3A_206, %mul3A_205] : memref<2x1600000xi32, #tpu.memory_space<hbm>> -> memref<1x2048xi32, #tpu.memory_space<hbm>>
    %dma_start3A_208 = tpu.memref_squeeze %dma_start3A_207 : memref<1x2048xi32, #tpu.memory_space<hbm>> -> memref<2048xi32, #tpu.memory_space<hbm>>
    %dma_start3A_209 = tpu.memref_slice %arg3[%dma_start3A_206, %mul3A_205] : memref<2x1600000xi32, #tpu.memory_space<hbm>> -> memref<1x2048xi32, #tpu.memory_space<hbm>>
    %dma_start3A_210 = tpu.memref_squeeze %dma_start3A_209 : memref<1x2048xi32, #tpu.memory_space<hbm>> -> memref<2048xi32, #tpu.memory_space<hbm>>
    tpu.enqueue_dma source(%dma_start3A_210 : memref<2048xi32, #tpu.memory_space<hbm>>) target(%arg8 : memref<2048xi32, #tpu.memory_space<vmem>>) target_semaphore(%arg19 : memref<!tpu.dma_semaphore, #tpu.memory_space<semaphore_mem>>)
    %mul3A_211 = arith.constant 2048 : i32
    %mul3A_212 = arith.muli %add3A_203, %mul3A_211 : i32
    %dma_start3A_213 = tpu.memref_slice %arg3[%add3A_1, %mul3A_212] : memref<2x1600000xi32, #tpu.memory_space<hbm>> -> memref<1x2048xi32, #tpu.memory_space<hbm>>
    %dma_start3A_214 = tpu.memref_squeeze %dma_start3A_213 : memref<1x2048xi32, #tpu.memory_space<hbm>> -> memref<2048xi32, #tpu.memory_space<hbm>>
    %dma_start3A_215 = tpu.memref_slice %arg3[%add3A_1, %mul3A_212] : memref<2x1600000xi32, #tpu.memory_space<hbm>> -> memref<1x2048xi32, #tpu.memory_space<hbm>>
    %dma_start3A_216 = tpu.memref_squeeze %dma_start3A_215 : memref<1x2048xi32, #tpu.memory_space<hbm>> -> memref<2048xi32, #tpu.memory_space<hbm>>
    tpu.enqueue_dma source(%dma_start3A_216 : memref<2048xi32, #tpu.memory_space<hbm>>) target(%arg9 : memref<2048xi32, #tpu.memory_space<vmem>>) target_semaphore(%arg20 : memref<!tpu.dma_semaphore, #tpu.memory_space<semaphore_mem>>)
    %parallel_loop3A_217 = arith.constant 0 : i32
    %parallel_loop3A_218 = arith.constant 2048 : i32
    %parallel_loop3A_219 = arith.constant 16 : i32
    scf.for %parallel_loop3A_1361 = %parallel_loop3A_217 to %parallel_loop3A_218 step %parallel_loop3A_219  : i32 {
      %parallel_loop3A_1362 = arith.index_cast %parallel_loop3A_1361 : i32 to index
      %parallel_loop3A_1363 = tpu.vector_load %arg7[%parallel_loop3A_1362] {strides = array<i32>} : memref<2048xi32, #tpu.memory_space<vmem>>, vector<16xi32>,
      %parallel_loop3A_1364 = tpu.vector_load_idx %arg6[%parallel_loop3A_1363] : memref<100000xf32, #tpu.memory_space<vmem>>[vector<16xi32>], vector<16xf32>,
      %parallel_loop3A_1365 = arith.index_cast %parallel_loop3A_1361 : i32 to index
      %parallel_loop3A_1366 = tpu.vector_load %arg14[%parallel_loop3A_1365] {strides = array<i32>} : memref<2048xf32, #tpu.memory_space<vmem>>, vector<16xf32>,
      tpu.vector_store %arg14[%parallel_loop3A_1365], %parallel_loop3A_1364 {strides = array<i32>} : memref<2048xf32, #tpu.memory_space<vmem>>, vector<16xf32>,
    } {sc.loop_unroll_factor = 8 : i64, sc.parallel_access}
    %dma_start3A_220 = arith.constant 0 : i32
    %dma_start3A_221 = tpu.memref_slice %arg14[%dma_start3A_220] : memref<2048xf32, #tpu.memory_space<vmem>> -> memref<2048xf32, #tpu.memory_space<vmem>>
    %dma_start3A_222 = arith.constant 0 : i32
    %dma_start3A_223 = tpu.memref_slice %arg11[%dma_start3A_222] : memref<2048xi32, #tpu.memory_space<vmem>> -> memref<2048xi32, #tpu.memory_space<vmem>>
    %dma_start3A_224 = arith.constant 0 : i32
    %dma_start3A_225 = tpu.memref_slice %arg16[%dma_start3A_224] : memref<100352xf32, #tpu.memory_space<vmem_shared>> -> memref<100352xf32, #tpu.memory_space<vmem_shared>>
    tpu.enqueue_indirect_dma source(%dma_start3A_221 : memref<2048xf32, #tpu.memory_space<vmem>>) target(%dma_start3A_225 : memref<100352xf32, #tpu.memory_space<vmem_shared>>) offsets(%dma_start3A_223 : memref<2048xi32, #tpu.memory_space<vmem>>) semaphore(%arg25 : memref<!tpu.dma_semaphore, #tpu.memory_space<semaphore_mem>>) {add = true}
    %dma_start3A_226 = arith.constant 0 : i32
    %dma_start3A_227 = tpu.memref_slice %arg15[%dma_start3A_226] : memref<2048xf32, #tpu.memory_space<vmem>> -> memref<2048xf32, #tpu.memory_space<vmem>>
    %dma_start3A_228 = arith.constant 0 : i32
    %dma_start3A_229 = tpu.memref_slice %arg11[%dma_start3A_228] : memref<2048xi32, #tpu.memory_space<vmem>> -> memref<2048xi32, #tpu.memory_space<vmem>>
    %dma_start3A_230 = arith.constant 0 : i32
    %dma_start3A_231 = tpu.memref_slice %arg17[%dma_start3A_230] : memref<100352xf32, #tpu.memory_space<vmem_shared>> -> memref<100352xf32, #tpu.memory_space<vmem_shared>>
    tpu.enqueue_indirect_dma source(%dma_start3A_227 : memref<2048xf32, #tpu.memory_space<vmem>>) target(%dma_start3A_231 : memref<100352xf32, #tpu.memory_space<vmem_shared>>) offsets(%dma_start3A_229 : memref<2048xi32, #tpu.memory_space<vmem>>) semaphore(%arg25 : memref<!tpu.dma_semaphore, #tpu.memory_space<semaphore_mem>>) {add = true}
    %dma_wait3A_232 = arith.constant 0 : i32
    %dma_wait3A_233 = tpu.memref_slice %arg3[%dma_wait3A_232, %mul3A_205] : memref<2x1600000xi32, #tpu.memory_space<hbm>> -> memref<1x2048xi32, #tpu.memory_space<hbm>>
    %dma_wait3A_234 = tpu.memref_squeeze %dma_wait3A_233 : memref<1x2048xi32, #tpu.memory_space<hbm>> -> memref<2048xi32, #tpu.memory_space<hbm>>
    %dma_wait3A_235 = tpu.memref_slice %arg3[%dma_wait3A_232, %mul3A_205] : memref<2x1600000xi32, #tpu.memory_space<hbm>> -> memref<1x2048xi32, #tpu.memory_space<hbm>>
    %dma_wait3A_236 = tpu.memref_squeeze %dma_wait3A_235 : memref<1x2048xi32, #tpu.memory_space<hbm>> -> memref<2048xi32, #tpu.memory_space<hbm>>
    tpu.wait_dma2 semaphore(%arg19 : memref<!tpu.dma_semaphore, #tpu.memory_space<semaphore_mem>>) src(%dma_wait3A_236 : memref<2048xi32, #tpu.memory_space<hbm>>) dst(%arg8 : memref<2048xi32, #tpu.memory_space<vmem>>)
    %dma_wait3A_237 = tpu.memref_slice %arg3[%add3A_1, %mul3A_212] : memref<2x1600000xi32, #tpu.memory_space<hbm>> -> memref<1x2048xi32, #tpu.memory_space<hbm>>
    %dma_wait3A_238 = tpu.memref_squeeze %dma_wait3A_237 : memref<1x2048xi32, #tpu.memory_space<hbm>> -> memref<2048xi32, #tpu.memory_space<hbm>>
    %dma_wait3A_239 = tpu.memref_slice %arg3[%add3A_1, %mul3A_212] : memref<2x1600000xi32, #tpu.memory_space<hbm>> -> memref<1x2048xi32, #tpu.memory_space<hbm>>
    %dma_wait3A_240 = tpu.memref_squeeze %dma_wait3A_239 : memref<1x2048xi32, #tpu.memory_space<hbm>> -> memref<2048xi32, #tpu.memory_space<hbm>>
    tpu.wait_dma2 semaphore(%arg20 : memref<!tpu.dma_semaphore, #tpu.memory_space<semaphore_mem>>) src(%dma_wait3A_240 : memref<2048xi32, #tpu.memory_space<hbm>>) dst(%arg9 : memref<2048xi32, #tpu.memory_space<vmem>>)
    %dma_wait3A_241 = arith.constant 0 : i32
    %dma_wait3A_242 = tpu.memref_slice %arg13[%dma_wait3A_241] : memref<2048xf32, #tpu.memory_space<vmem>> -> memref<2048xf32, #tpu.memory_space<vmem>>
    %dma_wait3A_243 = arith.constant 0 : i32
    %dma_wait3A_244 = tpu.memref_slice %arg10[%dma_wait3A_243] : memref<2048xi32, #tpu.memory_space<vmem>> -> memref<2048xi32, #tpu.memory_space<vmem>>
    %dma_wait3A_245 = arith.constant 0 : i32
    %dma_wait3A_246 = tpu.memref_slice %arg16[%dma_wait3A_245] : memref<100352xf32, #tpu.memory_space<vmem_shared>> -> memref<100352xf32, #tpu.memory_space<vmem_shared>>
    tpu.wait_indirect_dma semaphore(%arg24 : memref<!tpu.dma_semaphore, #tpu.memory_space<semaphore_mem>>) src(%dma_wait3A_242 : memref<2048xf32, #tpu.memory_space<vmem>>) dst(%dma_wait3A_246 : memref<100352xf32, #tpu.memory_space<vmem_shared>>)
    %dma_wait3A_247 = arith.constant 0 : i32
    %dma_wait3A_248 = tpu.memref_slice %arg15[%dma_wait3A_247] : memref<2048xf32, #tpu.memory_space<vmem>> -> memref<2048xf32, #tpu.memory_space<vmem>>
    %dma_wait3A_249 = arith.constant 0 : i32
    %dma_wait3A_250 = tpu.memref_slice %arg10[%dma_wait3A_249] : memref<2048xi32, #tpu.memory_space<vmem>> -> memref<2048xi32, #tpu.memory_space<vmem>>
    %dma_wait3A_251 = arith.constant 0 : i32
    %dma_wait3A_252 = tpu.memref_slice %arg17[%dma_wait3A_251] : memref<100352xf32, #tpu.memory_space<vmem_shared>> -> memref<100352xf32, #tpu.memory_space<vmem_shared>>
    tpu.wait_indirect_dma semaphore(%arg24 : memref<!tpu.dma_semaphore, #tpu.memory_space<semaphore_mem>>) src(%dma_wait3A_248 : memref<2048xf32, #tpu.memory_space<vmem>>) dst(%dma_wait3A_252 : memref<100352xf32, #tpu.memory_space<vmem_shared>>)
    %mul3A_253 = arith.constant 24 : i32
    %mul3A_254 = arith.muli %add3A_80, %mul3A_253 : i32
    %add3A_255 = arith.constant 4 : i32
    %add3A_256 = arith.addi %mul3A_254, %add3A_255 : i32
    %mul3A_257 = arith.constant 2048 : i32
    %mul3A_258 = arith.muli %add3A_256, %mul3A_257 : i32
    %dma_start3A_259 = arith.constant 0 : i32
    %dma_start3A_260 = tpu.memref_slice %arg3[%dma_start3A_259, %mul3A_258] : memref<2x1600000xi32, #tpu.memory_space<hbm>> -> memref<1x2048xi32, #tpu.memory_space<hbm>>
    %dma_start3A_261 = tpu.memref_squeeze %dma_start3A_260 : memref<1x2048xi32, #tpu.memory_space<hbm>> -> memref<2048xi32, #tpu.memory_space<hbm>>
    %dma_start3A_262 = tpu.memref_slice %arg3[%dma_start3A_259, %mul3A_258] : memref<2x1600000xi32, #tpu.memory_space<hbm>> -> memref<1x2048xi32, #tpu.memory_space<hbm>>
    %dma_start3A_263 = tpu.memref_squeeze %dma_start3A_262 : memref<1x2048xi32, #tpu.memory_space<hbm>> -> memref<2048xi32, #tpu.memory_space<hbm>>
    tpu.enqueue_dma source(%dma_start3A_263 : memref<2048xi32, #tpu.memory_space<hbm>>) target(%arg7 : memref<2048xi32, #tpu.memory_space<vmem>>) target_semaphore(%arg18 : memref<!tpu.dma_semaphore, #tpu.memory_space<semaphore_mem>>)
    %mul3A_264 = arith.constant 2048 : i32
    %mul3A_265 = arith.muli %add3A_256, %mul3A_264 : i32
    %dma_start3A_266 = tpu.memref_slice %arg3[%add3A_1, %mul3A_265] : memref<2x1600000xi32, #tpu.memory_space<hbm>> -> memref<1x2048xi32, #tpu.memory_space<hbm>>
    %dma_start3A_267 = tpu.memref_squeeze %dma_start3A_266 : memref<1x2048xi32, #tpu.memory_space<hbm>> -> memref<2048xi32, #tpu.memory_space<hbm>>
    %dma_start3A_268 = tpu.memref_slice %arg3[%add3A_1, %mul3A_265] : memref<2x1600000xi32, #tpu.memory_space<hbm>> -> memref<1x2048xi32, #tpu.memory_space<hbm>>
    %dma_start3A_269 = tpu.memref_squeeze %dma_start3A_268 : memref<1x2048xi32, #tpu.memory_space<hbm>> -> memref<2048xi32, #tpu.memory_space<hbm>>
    tpu.enqueue_dma source(%dma_start3A_269 : memref<2048xi32, #tpu.memory_space<hbm>>) target(%arg10 : memref<2048xi32, #tpu.memory_space<vmem>>) target_semaphore(%arg21 : memref<!tpu.dma_semaphore, #tpu.memory_space<semaphore_mem>>)
    %parallel_loop3A_270 = arith.constant 0 : i32
    %parallel_loop3A_271 = arith.constant 2048 : i32
    %parallel_loop3A_272 = arith.constant 16 : i32
    scf.for %parallel_loop3A_1361 = %parallel_loop3A_270 to %parallel_loop3A_271 step %parallel_loop3A_272  : i32 {
      %parallel_loop3A_1362 = arith.index_cast %parallel_loop3A_1361 : i32 to index
      %parallel_loop3A_1363 = tpu.vector_load %arg8[%parallel_loop3A_1362] {strides = array<i32>} : memref<2048xi32, #tpu.memory_space<vmem>>, vector<16xi32>,
      %parallel_loop3A_1364 = tpu.vector_load_idx %arg6[%parallel_loop3A_1363] : memref<100000xf32, #tpu.memory_space<vmem>>[vector<16xi32>], vector<16xf32>,
      %parallel_loop3A_1365 = arith.index_cast %parallel_loop3A_1361 : i32 to index
      %parallel_loop3A_1366 = tpu.vector_load %arg12[%parallel_loop3A_1365] {strides = array<i32>} : memref<2048xf32, #tpu.memory_space<vmem>>, vector<16xf32>,
      tpu.vector_store %arg12[%parallel_loop3A_1365], %parallel_loop3A_1364 {strides = array<i32>} : memref<2048xf32, #tpu.memory_space<vmem>>, vector<16xf32>,
    } {sc.loop_unroll_factor = 8 : i64, sc.parallel_access}
    %dma_start3A_273 = arith.constant 0 : i32
    %dma_start3A_274 = tpu.memref_slice %arg12[%dma_start3A_273] : memref<2048xf32, #tpu.memory_space<vmem>> -> memref<2048xf32, #tpu.memory_space<vmem>>
    %dma_start3A_275 = arith.constant 0 : i32
    %dma_start3A_276 = tpu.memref_slice %arg9[%dma_start3A_275] : memref<2048xi32, #tpu.memory_space<vmem>> -> memref<2048xi32, #tpu.memory_space<vmem>>
    %dma_start3A_277 = arith.constant 0 : i32
    %dma_start3A_278 = tpu.memref_slice %arg16[%dma_start3A_277] : memref<100352xf32, #tpu.memory_space<vmem_shared>> -> memref<100352xf32, #tpu.memory_space<vmem_shared>>
    tpu.enqueue_indirect_dma source(%dma_start3A_274 : memref<2048xf32, #tpu.memory_space<vmem>>) target(%dma_start3A_278 : memref<100352xf32, #tpu.memory_space<vmem_shared>>) offsets(%dma_start3A_276 : memref<2048xi32, #tpu.memory_space<vmem>>) semaphore(%arg23 : memref<!tpu.dma_semaphore, #tpu.memory_space<semaphore_mem>>) {add = true}
    %dma_start3A_279 = arith.constant 0 : i32
    %dma_start3A_280 = tpu.memref_slice %arg15[%dma_start3A_279] : memref<2048xf32, #tpu.memory_space<vmem>> -> memref<2048xf32, #tpu.memory_space<vmem>>
    %dma_start3A_281 = arith.constant 0 : i32
    %dma_start3A_282 = tpu.memref_slice %arg9[%dma_start3A_281] : memref<2048xi32, #tpu.memory_space<vmem>> -> memref<2048xi32, #tpu.memory_space<vmem>>
    %dma_start3A_283 = arith.constant 0 : i32
    %dma_start3A_284 = tpu.memref_slice %arg17[%dma_start3A_283] : memref<100352xf32, #tpu.memory_space<vmem_shared>> -> memref<100352xf32, #tpu.memory_space<vmem_shared>>
    tpu.enqueue_indirect_dma source(%dma_start3A_280 : memref<2048xf32, #tpu.memory_space<vmem>>) target(%dma_start3A_284 : memref<100352xf32, #tpu.memory_space<vmem_shared>>) offsets(%dma_start3A_282 : memref<2048xi32, #tpu.memory_space<vmem>>) semaphore(%arg23 : memref<!tpu.dma_semaphore, #tpu.memory_space<semaphore_mem>>) {add = true}
    %dma_wait3A_285 = arith.constant 0 : i32
    %dma_wait3A_286 = tpu.memref_slice %arg3[%dma_wait3A_285, %mul3A_258] : memref<2x1600000xi32, #tpu.memory_space<hbm>> -> memref<1x2048xi32, #tpu.memory_space<hbm>>
    %dma_wait3A_287 = tpu.memref_squeeze %dma_wait3A_286 : memref<1x2048xi32, #tpu.memory_space<hbm>> -> memref<2048xi32, #tpu.memory_space<hbm>>
    %dma_wait3A_288 = tpu.memref_slice %arg3[%dma_wait3A_285, %mul3A_258] : memref<2x1600000xi32, #tpu.memory_space<hbm>> -> memref<1x2048xi32, #tpu.memory_space<hbm>>
    %dma_wait3A_289 = tpu.memref_squeeze %dma_wait3A_288 : memref<1x2048xi32, #tpu.memory_space<hbm>> -> memref<2048xi32, #tpu.memory_space<hbm>>
    tpu.wait_dma2 semaphore(%arg18 : memref<!tpu.dma_semaphore, #tpu.memory_space<semaphore_mem>>) src(%dma_wait3A_289 : memref<2048xi32, #tpu.memory_space<hbm>>) dst(%arg7 : memref<2048xi32, #tpu.memory_space<vmem>>)
    %dma_wait3A_290 = tpu.memref_slice %arg3[%add3A_1, %mul3A_265] : memref<2x1600000xi32, #tpu.memory_space<hbm>> -> memref<1x2048xi32, #tpu.memory_space<hbm>>
    %dma_wait3A_291 = tpu.memref_squeeze %dma_wait3A_290 : memref<1x2048xi32, #tpu.memory_space<hbm>> -> memref<2048xi32, #tpu.memory_space<hbm>>
    %dma_wait3A_292 = tpu.memref_slice %arg3[%add3A_1, %mul3A_265] : memref<2x1600000xi32, #tpu.memory_space<hbm>> -> memref<1x2048xi32, #tpu.memory_space<hbm>>
    %dma_wait3A_293 = tpu.memref_squeeze %dma_wait3A_292 : memref<1x2048xi32, #tpu.memory_space<hbm>> -> memref<2048xi32, #tpu.memory_space<hbm>>
    tpu.wait_dma2 semaphore(%arg21 : memref<!tpu.dma_semaphore, #tpu.memory_space<semaphore_mem>>) src(%dma_wait3A_293 : memref<2048xi32, #tpu.memory_space<hbm>>) dst(%arg10 : memref<2048xi32, #tpu.memory_space<vmem>>)
    %dma_wait3A_294 = arith.constant 0 : i32
    %dma_wait3A_295 = tpu.memref_slice %arg14[%dma_wait3A_294] : memref<2048xf32, #tpu.memory_space<vmem>> -> memref<2048xf32, #tpu.memory_space<vmem>>
    %dma_wait3A_296 = arith.constant 0 : i32
    %dma_wait3A_297 = tpu.memref_slice %arg11[%dma_wait3A_296] : memref<2048xi32, #tpu.memory_space<vmem>> -> memref<2048xi32, #tpu.memory_space<vmem>>
    %dma_wait3A_298 = arith.constant 0 : i32
    %dma_wait3A_299 = tpu.memref_slice %arg16[%dma_wait3A_298] : memref<100352xf32, #tpu.memory_space<vmem_shared>> -> memref<100352xf32, #tpu.memory_space<vmem_shared>>
    tpu.wait_indirect_dma semaphore(%arg25 : memref<!tpu.dma_semaphore, #tpu.memory_space<semaphore_mem>>) src(%dma_wait3A_295 : memref<2048xf32, #tpu.memory_space<vmem>>) dst(%dma_wait3A_299 : memref<100352xf32, #tpu.memory_space<vmem_shared>>)
    %dma_wait3A_300 = arith.constant 0 : i32
    %dma_wait3A_301 = tpu.memref_slice %arg15[%dma_wait3A_300] : memref<2048xf32, #tpu.memory_space<vmem>> -> memref<2048xf32, #tpu.memory_space<vmem>>
    %dma_wait3A_302 = arith.constant 0 : i32
    %dma_wait3A_303 = tpu.memref_slice %arg11[%dma_wait3A_302] : memref<2048xi32, #tpu.memory_space<vmem>> -> memref<2048xi32, #tpu.memory_space<vmem>>
    %dma_wait3A_304 = arith.constant 0 : i32
    %dma_wait3A_305 = tpu.memref_slice %arg17[%dma_wait3A_304] : memref<100352xf32, #tpu.memory_space<vmem_shared>> -> memref<100352xf32, #tpu.memory_space<vmem_shared>>
    tpu.wait_indirect_dma semaphore(%arg25 : memref<!tpu.dma_semaphore, #tpu.memory_space<semaphore_mem>>) src(%dma_wait3A_301 : memref<2048xf32, #tpu.memory_space<vmem>>) dst(%dma_wait3A_305 : memref<100352xf32, #tpu.memory_space<vmem_shared>>)
    %mul3A_306 = arith.constant 24 : i32
    %mul3A_307 = arith.muli %add3A_80, %mul3A_306 : i32
    %add3A_308 = arith.constant 5 : i32
    %add3A_309 = arith.addi %mul3A_307, %add3A_308 : i32
    %mul3A_310 = arith.constant 2048 : i32
    %mul3A_311 = arith.muli %add3A_309, %mul3A_310 : i32
    %dma_start3A_312 = arith.constant 0 : i32
    %dma_start3A_313 = tpu.memref_slice %arg3[%dma_start3A_312, %mul3A_311] : memref<2x1600000xi32, #tpu.memory_space<hbm>> -> memref<1x2048xi32, #tpu.memory_space<hbm>>
    %dma_start3A_314 = tpu.memref_squeeze %dma_start3A_313 : memref<1x2048xi32, #tpu.memory_space<hbm>> -> memref<2048xi32, #tpu.memory_space<hbm>>
    %dma_start3A_315 = tpu.memref_slice %arg3[%dma_start3A_312, %mul3A_311] : memref<2x1600000xi32, #tpu.memory_space<hbm>> -> memref<1x2048xi32, #tpu.memory_space<hbm>>
    %dma_start3A_316 = tpu.memref_squeeze %dma_start3A_315 : memref<1x2048xi32, #tpu.memory_space<hbm>> -> memref<2048xi32, #tpu.memory_space<hbm>>
    tpu.enqueue_dma source(%dma_start3A_316 : memref<2048xi32, #tpu.memory_space<hbm>>) target(%arg8 : memref<2048xi32, #tpu.memory_space<vmem>>) target_semaphore(%arg19 : memref<!tpu.dma_semaphore, #tpu.memory_space<semaphore_mem>>)
    %mul3A_317 = arith.constant 2048 : i32
    %mul3A_318 = arith.muli %add3A_309, %mul3A_317 : i32
    %dma_start3A_319 = tpu.memref_slice %arg3[%add3A_1, %mul3A_318] : memref<2x1600000xi32, #tpu.memory_space<hbm>> -> memref<1x2048xi32, #tpu.memory_space<hbm>>
    %dma_start3A_320 = tpu.memref_squeeze %dma_start3A_319 : memref<1x2048xi32, #tpu.memory_space<hbm>> -> memref<2048xi32, #tpu.memory_space<hbm>>
    %dma_start3A_321 = tpu.memref_slice %arg3[%add3A_1, %mul3A_318] : memref<2x1600000xi32, #tpu.memory_space<hbm>> -> memref<1x2048xi32, #tpu.memory_space<hbm>>
    %dma_start3A_322 = tpu.memref_squeeze %dma_start3A_321 : memref<1x2048xi32, #tpu.memory_space<hbm>> -> memref<2048xi32, #tpu.memory_space<hbm>>
    tpu.enqueue_dma source(%dma_start3A_322 : memref<2048xi32, #tpu.memory_space<hbm>>) target(%arg11 : memref<2048xi32, #tpu.memory_space<vmem>>) target_semaphore(%arg22 : memref<!tpu.dma_semaphore, #tpu.memory_space<semaphore_mem>>)
    %parallel_loop3A_323 = arith.constant 0 : i32
    %parallel_loop3A_324 = arith.constant 2048 : i32
    %parallel_loop3A_325 = arith.constant 16 : i32
    scf.for %parallel_loop3A_1361 = %parallel_loop3A_323 to %parallel_loop3A_324 step %parallel_loop3A_325  : i32 {
      %parallel_loop3A_1362 = arith.index_cast %parallel_loop3A_1361 : i32 to index
      %parallel_loop3A_1363 = tpu.vector_load %arg7[%parallel_loop3A_1362] {strides = array<i32>} : memref<2048xi32, #tpu.memory_space<vmem>>, vector<16xi32>,
      %parallel_loop3A_1364 = tpu.vector_load_idx %arg6[%parallel_loop3A_1363] : memref<100000xf32, #tpu.memory_space<vmem>>[vector<16xi32>], vector<16xf32>,
      %parallel_loop3A_1365 = arith.index_cast %parallel_loop3A_1361 : i32 to index
      %parallel_loop3A_1366 = tpu.vector_load %arg13[%parallel_loop3A_1365] {strides = array<i32>} : memref<2048xf32, #tpu.memory_space<vmem>>, vector<16xf32>,
      tpu.vector_store %arg13[%parallel_loop3A_1365], %parallel_loop3A_1364 {strides = array<i32>} : memref<2048xf32, #tpu.memory_space<vmem>>, vector<16xf32>,
    } {sc.loop_unroll_factor = 8 : i64, sc.parallel_access}
    %dma_start3A_326 = arith.constant 0 : i32
    %dma_start3A_327 = tpu.memref_slice %arg13[%dma_start3A_326] : memref<2048xf32, #tpu.memory_space<vmem>> -> memref<2048xf32, #tpu.memory_space<vmem>>
    %dma_start3A_328 = arith.constant 0 : i32
    %dma_start3A_329 = tpu.memref_slice %arg10[%dma_start3A_328] : memref<2048xi32, #tpu.memory_space<vmem>> -> memref<2048xi32, #tpu.memory_space<vmem>>
    %dma_start3A_330 = arith.constant 0 : i32
    %dma_start3A_331 = tpu.memref_slice %arg16[%dma_start3A_330] : memref<100352xf32, #tpu.memory_space<vmem_shared>> -> memref<100352xf32, #tpu.memory_space<vmem_shared>>
    tpu.enqueue_indirect_dma source(%dma_start3A_327 : memref<2048xf32, #tpu.memory_space<vmem>>) target(%dma_start3A_331 : memref<100352xf32, #tpu.memory_space<vmem_shared>>) offsets(%dma_start3A_329 : memref<2048xi32, #tpu.memory_space<vmem>>) semaphore(%arg24 : memref<!tpu.dma_semaphore, #tpu.memory_space<semaphore_mem>>) {add = true}
    %dma_start3A_332 = arith.constant 0 : i32
    %dma_start3A_333 = tpu.memref_slice %arg15[%dma_start3A_332] : memref<2048xf32, #tpu.memory_space<vmem>> -> memref<2048xf32, #tpu.memory_space<vmem>>
    %dma_start3A_334 = arith.constant 0 : i32
    %dma_start3A_335 = tpu.memref_slice %arg10[%dma_start3A_334] : memref<2048xi32, #tpu.memory_space<vmem>> -> memref<2048xi32, #tpu.memory_space<vmem>>
    %dma_start3A_336 = arith.constant 0 : i32
    %dma_start3A_337 = tpu.memref_slice %arg17[%dma_start3A_336] : memref<100352xf32, #tpu.memory_space<vmem_shared>> -> memref<100352xf32, #tpu.memory_space<vmem_shared>>
    tpu.enqueue_indirect_dma source(%dma_start3A_333 : memref<2048xf32, #tpu.memory_space<vmem>>) target(%dma_start3A_337 : memref<100352xf32, #tpu.memory_space<vmem_shared>>) offsets(%dma_start3A_335 : memref<2048xi32, #tpu.memory_space<vmem>>) semaphore(%arg24 : memref<!tpu.dma_semaphore, #tpu.memory_space<semaphore_mem>>) {add = true}
    %dma_wait3A_338 = arith.constant 0 : i32
    %dma_wait3A_339 = tpu.memref_slice %arg3[%dma_wait3A_338, %mul3A_311] : memref<2x1600000xi32, #tpu.memory_space<hbm>> -> memref<1x2048xi32, #tpu.memory_space<hbm>>
    %dma_wait3A_340 = tpu.memref_squeeze %dma_wait3A_339 : memref<1x2048xi32, #tpu.memory_space<hbm>> -> memref<2048xi32, #tpu.memory_space<hbm>>
    %dma_wait3A_341 = tpu.memref_slice %arg3[%dma_wait3A_338, %mul3A_311] : memref<2x1600000xi32, #tpu.memory_space<hbm>> -> memref<1x2048xi32, #tpu.memory_space<hbm>>
    %dma_wait3A_342 = tpu.memref_squeeze %dma_wait3A_341 : memref<1x2048xi32, #tpu.memory_space<hbm>> -> memref<2048xi32, #tpu.memory_space<hbm>>
    tpu.wait_dma2 semaphore(%arg19 : memref<!tpu.dma_semaphore, #tpu.memory_space<semaphore_mem>>) src(%dma_wait3A_342 : memref<2048xi32, #tpu.memory_space<hbm>>) dst(%arg8 : memref<2048xi32, #tpu.memory_space<vmem>>)
    %dma_wait3A_343 = tpu.memref_slice %arg3[%add3A_1, %mul3A_318] : memref<2x1600000xi32, #tpu.memory_space<hbm>> -> memref<1x2048xi32, #tpu.memory_space<hbm>>
    %dma_wait3A_344 = tpu.memref_squeeze %dma_wait3A_343 : memref<1x2048xi32, #tpu.memory_space<hbm>> -> memref<2048xi32, #tpu.memory_space<hbm>>
    %dma_wait3A_345 = tpu.memref_slice %arg3[%add3A_1, %mul3A_318] : memref<2x1600000xi32, #tpu.memory_space<hbm>> -> memref<1x2048xi32, #tpu.memory_space<hbm>>
    %dma_wait3A_346 = tpu.memref_squeeze %dma_wait3A_345 : memref<1x2048xi32, #tpu.memory_space<hbm>> -> memref<2048xi32, #tpu.memory_space<hbm>>
    tpu.wait_dma2 semaphore(%arg22 : memref<!tpu.dma_semaphore, #tpu.memory_space<semaphore_mem>>) src(%dma_wait3A_346 : memref<2048xi32, #tpu.memory_space<hbm>>) dst(%arg11 : memref<2048xi32, #tpu.memory_space<vmem>>)
    %dma_wait3A_347 = arith.constant 0 : i32
    %dma_wait3A_348 = tpu.memref_slice %arg12[%dma_wait3A_347] : memref<2048xf32, #tpu.memory_space<vmem>> -> memref<2048xf32, #tpu.memory_space<vmem>>
    %dma_wait3A_349 = arith.constant 0 : i32
    %dma_wait3A_350 = tpu.memref_slice %arg9[%dma_wait3A_349] : memref<2048xi32, #tpu.memory_space<vmem>> -> memref<2048xi32, #tpu.memory_space<vmem>>
    %dma_wait3A_351 = arith.constant 0 : i32
    %dma_wait3A_352 = tpu.memref_slice %arg16[%dma_wait3A_351] : memref<100352xf32, #tpu.memory_space<vmem_shared>> -> memref<100352xf32, #tpu.memory_space<vmem_shared>>
    tpu.wait_indirect_dma semaphore(%arg23 : memref<!tpu.dma_semaphore, #tpu.memory_space<semaphore_mem>>) src(%dma_wait3A_348 : memref<2048xf32, #tpu.memory_space<vmem>>) dst(%dma_wait3A_352 : memref<100352xf32, #tpu.memory_space<vmem_shared>>)
    %dma_wait3A_353 = arith.constant 0 : i32
    %dma_wait3A_354 = tpu.memref_slice %arg15[%dma_wait3A_353] : memref<2048xf32, #tpu.memory_space<vmem>> -> memref<2048xf32, #tpu.memory_space<vmem>>
    %dma_wait3A_355 = arith.constant 0 : i32
    %dma_wait3A_356 = tpu.memref_slice %arg9[%dma_wait3A_355] : memref<2048xi32, #tpu.memory_space<vmem>> -> memref<2048xi32, #tpu.memory_space<vmem>>
    %dma_wait3A_357 = arith.constant 0 : i32
    %dma_wait3A_358 = tpu.memref_slice %arg17[%dma_wait3A_357] : memref<100352xf32, #tpu.memory_space<vmem_shared>> -> memref<100352xf32, #tpu.memory_space<vmem_shared>>
    tpu.wait_indirect_dma semaphore(%arg23 : memref<!tpu.dma_semaphore, #tpu.memory_space<semaphore_mem>>) src(%dma_wait3A_354 : memref<2048xf32, #tpu.memory_space<vmem>>) dst(%dma_wait3A_358 : memref<100352xf32, #tpu.memory_space<vmem_shared>>)
    %mul3A_359 = arith.constant 24 : i32
    %mul3A_360 = arith.muli %add3A_80, %mul3A_359 : i32
    %add3A_361 = arith.constant 6 : i32
    %add3A_362 = arith.addi %mul3A_360, %add3A_361 : i32
    %mul3A_363 = arith.constant 2048 : i32
    %mul3A_364 = arith.muli %add3A_362, %mul3A_363 : i32
    %dma_start3A_365 = arith.constant 0 : i32
    %dma_start3A_366 = tpu.memref_slice %arg3[%dma_start3A_365, %mul3A_364] : memref<2x1600000xi32, #tpu.memory_space<hbm>> -> memref<1x2048xi32, #tpu.memory_space<hbm>>
    %dma_start3A_367 = tpu.memref_squeeze %dma_start3A_366 : memref<1x2048xi32, #tpu.memory_space<hbm>> -> memref<2048xi32, #tpu.memory_space<hbm>>
    %dma_start3A_368 = tpu.memref_slice %arg3[%dma_start3A_365, %mul3A_364] : memref<2x1600000xi32, #tpu.memory_space<hbm>> -> memref<1x2048xi32, #tpu.memory_space<hbm>>
    %dma_start3A_369 = tpu.memref_squeeze %dma_start3A_368 : memref<1x2048xi32, #tpu.memory_space<hbm>> -> memref<2048xi32, #tpu.memory_space<hbm>>
    tpu.enqueue_dma source(%dma_start3A_369 : memref<2048xi32, #tpu.memory_space<hbm>>) target(%arg7 : memref<2048xi32, #tpu.memory_space<vmem>>) target_semaphore(%arg18 : memref<!tpu.dma_semaphore, #tpu.memory_space<semaphore_mem>>)
    %mul3A_370 = arith.constant 2048 : i32
    %mul3A_371 = arith.muli %add3A_362, %mul3A_370 : i32
    %dma_start3A_372 = tpu.memref_slice %arg3[%add3A_1, %mul3A_371] : memref<2x1600000xi32, #tpu.memory_space<hbm>> -> memref<1x2048xi32, #tpu.memory_space<hbm>>
    %dma_start3A_373 = tpu.memref_squeeze %dma_start3A_372 : memref<1x2048xi32, #tpu.memory_space<hbm>> -> memref<2048xi32, #tpu.memory_space<hbm>>
    %dma_start3A_374 = tpu.memref_slice %arg3[%add3A_1, %mul3A_371] : memref<2x1600000xi32, #tpu.memory_space<hbm>> -> memref<1x2048xi32, #tpu.memory_space<hbm>>
    %dma_start3A_375 = tpu.memref_squeeze %dma_start3A_374 : memref<1x2048xi32, #tpu.memory_space<hbm>> -> memref<2048xi32, #tpu.memory_space<hbm>>
    tpu.enqueue_dma source(%dma_start3A_375 : memref<2048xi32, #tpu.memory_space<hbm>>) target(%arg9 : memref<2048xi32, #tpu.memory_space<vmem>>) target_semaphore(%arg20 : memref<!tpu.dma_semaphore, #tpu.memory_space<semaphore_mem>>)
    %parallel_loop3A_376 = arith.constant 0 : i32
    %parallel_loop3A_377 = arith.constant 2048 : i32
    %parallel_loop3A_378 = arith.constant 16 : i32
    scf.for %parallel_loop3A_1361 = %parallel_loop3A_376 to %parallel_loop3A_377 step %parallel_loop3A_378  : i32 {
      %parallel_loop3A_1362 = arith.index_cast %parallel_loop3A_1361 : i32 to index
      %parallel_loop3A_1363 = tpu.vector_load %arg8[%parallel_loop3A_1362] {strides = array<i32>} : memref<2048xi32, #tpu.memory_space<vmem>>, vector<16xi32>,
      %parallel_loop3A_1364 = tpu.vector_load_idx %arg6[%parallel_loop3A_1363] : memref<100000xf32, #tpu.memory_space<vmem>>[vector<16xi32>], vector<16xf32>,
      %parallel_loop3A_1365 = arith.index_cast %parallel_loop3A_1361 : i32 to index
      %parallel_loop3A_1366 = tpu.vector_load %arg14[%parallel_loop3A_1365] {strides = array<i32>} : memref<2048xf32, #tpu.memory_space<vmem>>, vector<16xf32>,
      tpu.vector_store %arg14[%parallel_loop3A_1365], %parallel_loop3A_1364 {strides = array<i32>} : memref<2048xf32, #tpu.memory_space<vmem>>, vector<16xf32>,
    } {sc.loop_unroll_factor = 8 : i64, sc.parallel_access}
    %dma_start3A_379 = arith.constant 0 : i32
    %dma_start3A_380 = tpu.memref_slice %arg14[%dma_start3A_379] : memref<2048xf32, #tpu.memory_space<vmem>> -> memref<2048xf32, #tpu.memory_space<vmem>>
    %dma_start3A_381 = arith.constant 0 : i32
    %dma_start3A_382 = tpu.memref_slice %arg11[%dma_start3A_381] : memref<2048xi32, #tpu.memory_space<vmem>> -> memref<2048xi32, #tpu.memory_space<vmem>>
    %dma_start3A_383 = arith.constant 0 : i32
    %dma_start3A_384 = tpu.memref_slice %arg16[%dma_start3A_383] : memref<100352xf32, #tpu.memory_space<vmem_shared>> -> memref<100352xf32, #tpu.memory_space<vmem_shared>>
    tpu.enqueue_indirect_dma source(%dma_start3A_380 : memref<2048xf32, #tpu.memory_space<vmem>>) target(%dma_start3A_384 : memref<100352xf32, #tpu.memory_space<vmem_shared>>) offsets(%dma_start3A_382 : memref<2048xi32, #tpu.memory_space<vmem>>) semaphore(%arg25 : memref<!tpu.dma_semaphore, #tpu.memory_space<semaphore_mem>>) {add = true}
    %dma_start3A_385 = arith.constant 0 : i32
    %dma_start3A_386 = tpu.memref_slice %arg15[%dma_start3A_385] : memref<2048xf32, #tpu.memory_space<vmem>> -> memref<2048xf32, #tpu.memory_space<vmem>>
    %dma_start3A_387 = arith.constant 0 : i32
    %dma_start3A_388 = tpu.memref_slice %arg11[%dma_start3A_387] : memref<2048xi32, #tpu.memory_space<vmem>> -> memref<2048xi32, #tpu.memory_space<vmem>>
    %dma_start3A_389 = arith.constant 0 : i32
    %dma_start3A_390 = tpu.memref_slice %arg17[%dma_start3A_389] : memref<100352xf32, #tpu.memory_space<vmem_shared>> -> memref<100352xf32, #tpu.memory_space<vmem_shared>>
    tpu.enqueue_indirect_dma source(%dma_start3A_386 : memref<2048xf32, #tpu.memory_space<vmem>>) target(%dma_start3A_390 : memref<100352xf32, #tpu.memory_space<vmem_shared>>) offsets(%dma_start3A_388 : memref<2048xi32, #tpu.memory_space<vmem>>) semaphore(%arg25 : memref<!tpu.dma_semaphore, #tpu.memory_space<semaphore_mem>>) {add = true}
    %dma_wait3A_391 = arith.constant 0 : i32
    %dma_wait3A_392 = tpu.memref_slice %arg3[%dma_wait3A_391, %mul3A_364] : memref<2x1600000xi32, #tpu.memory_space<hbm>> -> memref<1x2048xi32, #tpu.memory_space<hbm>>
    %dma_wait3A_393 = tpu.memref_squeeze %dma_wait3A_392 : memref<1x2048xi32, #tpu.memory_space<hbm>> -> memref<2048xi32, #tpu.memory_space<hbm>>
    %dma_wait3A_394 = tpu.memref_slice %arg3[%dma_wait3A_391, %mul3A_364] : memref<2x1600000xi32, #tpu.memory_space<hbm>> -> memref<1x2048xi32, #tpu.memory_space<hbm>>
    %dma_wait3A_395 = tpu.memref_squeeze %dma_wait3A_394 : memref<1x2048xi32, #tpu.memory_space<hbm>> -> memref<2048xi32, #tpu.memory_space<hbm>>
    tpu.wait_dma2 semaphore(%arg18 : memref<!tpu.dma_semaphore, #tpu.memory_space<semaphore_mem>>) src(%dma_wait3A_395 : memref<2048xi32, #tpu.memory_space<hbm>>) dst(%arg7 : memref<2048xi32, #tpu.memory_space<vmem>>)
    %dma_wait3A_396 = tpu.memref_slice %arg3[%add3A_1, %mul3A_371] : memref<2x1600000xi32, #tpu.memory_space<hbm>> -> memref<1x2048xi32, #tpu.memory_space<hbm>>
    %dma_wait3A_397 = tpu.memref_squeeze %dma_wait3A_396 : memref<1x2048xi32, #tpu.memory_space<hbm>> -> memref<2048xi32, #tpu.memory_space<hbm>>
    %dma_wait3A_398 = tpu.memref_slice %arg3[%add3A_1, %mul3A_371] : memref<2x1600000xi32, #tpu.memory_space<hbm>> -> memref<1x2048xi32, #tpu.memory_space<hbm>>
    %dma_wait3A_399 = tpu.memref_squeeze %dma_wait3A_398 : memref<1x2048xi32, #tpu.memory_space<hbm>> -> memref<2048xi32, #tpu.memory_space<hbm>>
    tpu.wait_dma2 semaphore(%arg20 : memref<!tpu.dma_semaphore, #tpu.memory_space<semaphore_mem>>) src(%dma_wait3A_399 : memref<2048xi32, #tpu.memory_space<hbm>>) dst(%arg9 : memref<2048xi32, #tpu.memory_space<vmem>>)
    %dma_wait3A_400 = arith.constant 0 : i32
    %dma_wait3A_401 = tpu.memref_slice %arg13[%dma_wait3A_400] : memref<2048xf32, #tpu.memory_space<vmem>> -> memref<2048xf32, #tpu.memory_space<vmem>>
    %dma_wait3A_402 = arith.constant 0 : i32
    %dma_wait3A_403 = tpu.memref_slice %arg10[%dma_wait3A_402] : memref<2048xi32, #tpu.memory_space<vmem>> -> memref<2048xi32, #tpu.memory_space<vmem>>
    %dma_wait3A_404 = arith.constant 0 : i32
    %dma_wait3A_405 = tpu.memref_slice %arg16[%dma_wait3A_404] : memref<100352xf32, #tpu.memory_space<vmem_shared>> -> memref<100352xf32, #tpu.memory_space<vmem_shared>>
    tpu.wait_indirect_dma semaphore(%arg24 : memref<!tpu.dma_semaphore, #tpu.memory_space<semaphore_mem>>) src(%dma_wait3A_401 : memref<2048xf32, #tpu.memory_space<vmem>>) dst(%dma_wait3A_405 : memref<100352xf32, #tpu.memory_space<vmem_shared>>)
    %dma_wait3A_406 = arith.constant 0 : i32
    %dma_wait3A_407 = tpu.memref_slice %arg15[%dma_wait3A_406] : memref<2048xf32, #tpu.memory_space<vmem>> -> memref<2048xf32, #tpu.memory_space<vmem>>
    %dma_wait3A_408 = arith.constant 0 : i32
    %dma_wait3A_409 = tpu.memref_slice %arg10[%dma_wait3A_408] : memref<2048xi32, #tpu.memory_space<vmem>> -> memref<2048xi32, #tpu.memory_space<vmem>>
    %dma_wait3A_410 = arith.constant 0 : i32
    %dma_wait3A_411 = tpu.memref_slice %arg17[%dma_wait3A_410] : memref<100352xf32, #tpu.memory_space<vmem_shared>> -> memref<100352xf32, #tpu.memory_space<vmem_shared>>
    tpu.wait_indirect_dma semaphore(%arg24 : memref<!tpu.dma_semaphore, #tpu.memory_space<semaphore_mem>>) src(%dma_wait3A_407 : memref<2048xf32, #tpu.memory_space<vmem>>) dst(%dma_wait3A_411 : memref<100352xf32, #tpu.memory_space<vmem_shared>>)
    %mul3A_412 = arith.constant 24 : i32
    %mul3A_413 = arith.muli %add3A_80, %mul3A_412 : i32
    %add3A_414 = arith.constant 7 : i32
    %add3A_415 = arith.addi %mul3A_413, %add3A_414 : i32
    %mul3A_416 = arith.constant 2048 : i32
    %mul3A_417 = arith.muli %add3A_415, %mul3A_416 : i32
    %dma_start3A_418 = arith.constant 0 : i32
    %dma_start3A_419 = tpu.memref_slice %arg3[%dma_start3A_418, %mul3A_417] : memref<2x1600000xi32, #tpu.memory_space<hbm>> -> memref<1x2048xi32, #tpu.memory_space<hbm>>
    %dma_start3A_420 = tpu.memref_squeeze %dma_start3A_419 : memref<1x2048xi32, #tpu.memory_space<hbm>> -> memref<2048xi32, #tpu.memory_space<hbm>>
    %dma_start3A_421 = tpu.memref_slice %arg3[%dma_start3A_418, %mul3A_417] : memref<2x1600000xi32, #tpu.memory_space<hbm>> -> memref<1x2048xi32, #tpu.memory_space<hbm>>
    %dma_start3A_422 = tpu.memref_squeeze %dma_start3A_421 : memref<1x2048xi32, #tpu.memory_space<hbm>> -> memref<2048xi32, #tpu.memory_space<hbm>>
    tpu.enqueue_dma source(%dma_start3A_422 : memref<2048xi32, #tpu.memory_space<hbm>>) target(%arg8 : memref<2048xi32, #tpu.memory_space<vmem>>) target_semaphore(%arg19 : memref<!tpu.dma_semaphore, #tpu.memory_space<semaphore_mem>>)
    %mul3A_423 = arith.constant 2048 : i32
    %mul3A_424 = arith.muli %add3A_415, %mul3A_423 : i32
    %dma_start3A_425 = tpu.memref_slice %arg3[%add3A_1, %mul3A_424] : memref<2x1600000xi32, #tpu.memory_space<hbm>> -> memref<1x2048xi32, #tpu.memory_space<hbm>>
    %dma_start3A_426 = tpu.memref_squeeze %dma_start3A_425 : memref<1x2048xi32, #tpu.memory_space<hbm>> -> memref<2048xi32, #tpu.memory_space<hbm>>
    %dma_start3A_427 = tpu.memref_slice %arg3[%add3A_1, %mul3A_424] : memref<2x1600000xi32, #tpu.memory_space<hbm>> -> memref<1x2048xi32, #tpu.memory_space<hbm>>
    %dma_start3A_428 = tpu.memref_squeeze %dma_start3A_427 : memref<1x2048xi32, #tpu.memory_space<hbm>> -> memref<2048xi32, #tpu.memory_space<hbm>>
    tpu.enqueue_dma source(%dma_start3A_428 : memref<2048xi32, #tpu.memory_space<hbm>>) target(%arg10 : memref<2048xi32, #tpu.memory_space<vmem>>) target_semaphore(%arg21 : memref<!tpu.dma_semaphore, #tpu.memory_space<semaphore_mem>>)
    %parallel_loop3A_429 = arith.constant 0 : i32
    %parallel_loop3A_430 = arith.constant 2048 : i32
    %parallel_loop3A_431 = arith.constant 16 : i32
    scf.for %parallel_loop3A_1361 = %parallel_loop3A_429 to %parallel_loop3A_430 step %parallel_loop3A_431  : i32 {
      %parallel_loop3A_1362 = arith.index_cast %parallel_loop3A_1361 : i32 to index
      %parallel_loop3A_1363 = tpu.vector_load %arg7[%parallel_loop3A_1362] {strides = array<i32>} : memref<2048xi32, #tpu.memory_space<vmem>>, vector<16xi32>,
      %parallel_loop3A_1364 = tpu.vector_load_idx %arg6[%parallel_loop3A_1363] : memref<100000xf32, #tpu.memory_space<vmem>>[vector<16xi32>], vector<16xf32>,
      %parallel_loop3A_1365 = arith.index_cast %parallel_loop3A_1361 : i32 to index
      %parallel_loop3A_1366 = tpu.vector_load %arg12[%parallel_loop3A_1365] {strides = array<i32>} : memref<2048xf32, #tpu.memory_space<vmem>>, vector<16xf32>,
      tpu.vector_store %arg12[%parallel_loop3A_1365], %parallel_loop3A_1364 {strides = array<i32>} : memref<2048xf32, #tpu.memory_space<vmem>>, vector<16xf32>,
    } {sc.loop_unroll_factor = 8 : i64, sc.parallel_access}
    %dma_start3A_432 = arith.constant 0 : i32
    %dma_start3A_433 = tpu.memref_slice %arg12[%dma_start3A_432] : memref<2048xf32, #tpu.memory_space<vmem>> -> memref<2048xf32, #tpu.memory_space<vmem>>
    %dma_start3A_434 = arith.constant 0 : i32
    %dma_start3A_435 = tpu.memref_slice %arg9[%dma_start3A_434] : memref<2048xi32, #tpu.memory_space<vmem>> -> memref<2048xi32, #tpu.memory_space<vmem>>
    %dma_start3A_436 = arith.constant 0 : i32
    %dma_start3A_437 = tpu.memref_slice %arg16[%dma_start3A_436] : memref<100352xf32, #tpu.memory_space<vmem_shared>> -> memref<100352xf32, #tpu.memory_space<vmem_shared>>
    tpu.enqueue_indirect_dma source(%dma_start3A_433 : memref<2048xf32, #tpu.memory_space<vmem>>) target(%dma_start3A_437 : memref<100352xf32, #tpu.memory_space<vmem_shared>>) offsets(%dma_start3A_435 : memref<2048xi32, #tpu.memory_space<vmem>>) semaphore(%arg23 : memref<!tpu.dma_semaphore, #tpu.memory_space<semaphore_mem>>) {add = true}
    %dma_start3A_438 = arith.constant 0 : i32
    %dma_start3A_439 = tpu.memref_slice %arg15[%dma_start3A_438] : memref<2048xf32, #tpu.memory_space<vmem>> -> memref<2048xf32, #tpu.memory_space<vmem>>
    %dma_start3A_440 = arith.constant 0 : i32
    %dma_start3A_441 = tpu.memref_slice %arg9[%dma_start3A_440] : memref<2048xi32, #tpu.memory_space<vmem>> -> memref<2048xi32, #tpu.memory_space<vmem>>
    %dma_start3A_442 = arith.constant 0 : i32
    %dma_start3A_443 = tpu.memref_slice %arg17[%dma_start3A_442] : memref<100352xf32, #tpu.memory_space<vmem_shared>> -> memref<100352xf32, #tpu.memory_space<vmem_shared>>
    tpu.enqueue_indirect_dma source(%dma_start3A_439 : memref<2048xf32, #tpu.memory_space<vmem>>) target(%dma_start3A_443 : memref<100352xf32, #tpu.memory_space<vmem_shared>>) offsets(%dma_start3A_441 : memref<2048xi32, #tpu.memory_space<vmem>>) semaphore(%arg23 : memref<!tpu.dma_semaphore, #tpu.memory_space<semaphore_mem>>) {add = true}
    %dma_wait3A_444 = arith.constant 0 : i32
    %dma_wait3A_445 = tpu.memref_slice %arg3[%dma_wait3A_444, %mul3A_417] : memref<2x1600000xi32, #tpu.memory_space<hbm>> -> memref<1x2048xi32, #tpu.memory_space<hbm>>
    %dma_wait3A_446 = tpu.memref_squeeze %dma_wait3A_445 : memref<1x2048xi32, #tpu.memory_space<hbm>> -> memref<2048xi32, #tpu.memory_space<hbm>>
    %dma_wait3A_447 = tpu.memref_slice %arg3[%dma_wait3A_444, %mul3A_417] : memref<2x1600000xi32, #tpu.memory_space<hbm>> -> memref<1x2048xi32, #tpu.memory_space<hbm>>
    %dma_wait3A_448 = tpu.memref_squeeze %dma_wait3A_447 : memref<1x2048xi32, #tpu.memory_space<hbm>> -> memref<2048xi32, #tpu.memory_space<hbm>>
    tpu.wait_dma2 semaphore(%arg19 : memref<!tpu.dma_semaphore, #tpu.memory_space<semaphore_mem>>) src(%dma_wait3A_448 : memref<2048xi32, #tpu.memory_space<hbm>>) dst(%arg8 : memref<2048xi32, #tpu.memory_space<vmem>>)
    %dma_wait3A_449 = tpu.memref_slice %arg3[%add3A_1, %mul3A_424] : memref<2x1600000xi32, #tpu.memory_space<hbm>> -> memref<1x2048xi32, #tpu.memory_space<hbm>>
    %dma_wait3A_450 = tpu.memref_squeeze %dma_wait3A_449 : memref<1x2048xi32, #tpu.memory_space<hbm>> -> memref<2048xi32, #tpu.memory_space<hbm>>
    %dma_wait3A_451 = tpu.memref_slice %arg3[%add3A_1, %mul3A_424] : memref<2x1600000xi32, #tpu.memory_space<hbm>> -> memref<1x2048xi32, #tpu.memory_space<hbm>>
    %dma_wait3A_452 = tpu.memref_squeeze %dma_wait3A_451 : memref<1x2048xi32, #tpu.memory_space<hbm>> -> memref<2048xi32, #tpu.memory_space<hbm>>
    tpu.wait_dma2 semaphore(%arg21 : memref<!tpu.dma_semaphore, #tpu.memory_space<semaphore_mem>>) src(%dma_wait3A_452 : memref<2048xi32, #tpu.memory_space<hbm>>) dst(%arg10 : memref<2048xi32, #tpu.memory_space<vmem>>)
    %dma_wait3A_453 = arith.constant 0 : i32
    %dma_wait3A_454 = tpu.memref_slice %arg14[%dma_wait3A_453] : memref<2048xf32, #tpu.memory_space<vmem>> -> memref<2048xf32, #tpu.memory_space<vmem>>
    %dma_wait3A_455 = arith.constant 0 : i32
    %dma_wait3A_456 = tpu.memref_slice %arg11[%dma_wait3A_455] : memref<2048xi32, #tpu.memory_space<vmem>> -> memref<2048xi32, #tpu.memory_space<vmem>>
    %dma_wait3A_457 = arith.constant 0 : i32
    %dma_wait3A_458 = tpu.memref_slice %arg16[%dma_wait3A_457] : memref<100352xf32, #tpu.memory_space<vmem_shared>> -> memref<100352xf32, #tpu.memory_space<vmem_shared>>
    tpu.wait_indirect_dma semaphore(%arg25 : memref<!tpu.dma_semaphore, #tpu.memory_space<semaphore_mem>>) src(%dma_wait3A_454 : memref<2048xf32, #tpu.memory_space<vmem>>) dst(%dma_wait3A_458 : memref<100352xf32, #tpu.memory_space<vmem_shared>>)
    %dma_wait3A_459 = arith.constant 0 : i32
    %dma_wait3A_460 = tpu.memref_slice %arg15[%dma_wait3A_459] : memref<2048xf32, #tpu.memory_space<vmem>> -> memref<2048xf32, #tpu.memory_space<vmem>>
    %dma_wait3A_461 = arith.constant 0 : i32
    %dma_wait3A_462 = tpu.memref_slice %arg11[%dma_wait3A_461] : memref<2048xi32, #tpu.memory_space<vmem>> -> memref<2048xi32, #tpu.memory_space<vmem>>
    %dma_wait3A_463 = arith.constant 0 : i32
    %dma_wait3A_464 = tpu.memref_slice %arg17[%dma_wait3A_463] : memref<100352xf32, #tpu.memory_space<vmem_shared>> -> memref<100352xf32, #tpu.memory_space<vmem_shared>>
    tpu.wait_indirect_dma semaphore(%arg25 : memref<!tpu.dma_semaphore, #tpu.memory_space<semaphore_mem>>) src(%dma_wait3A_460 : memref<2048xf32, #tpu.memory_space<vmem>>) dst(%dma_wait3A_464 : memref<100352xf32, #tpu.memory_space<vmem_shared>>)
    %mul3A_465 = arith.constant 24 : i32
    %mul3A_466 = arith.muli %add3A_80, %mul3A_465 : i32
    %add3A_467 = arith.constant 8 : i32
    %add3A_468 = arith.addi %mul3A_466, %add3A_467 : i32
    %mul3A_469 = arith.constant 2048 : i32
    %mul3A_470 = arith.muli %add3A_468, %mul3A_469 : i32
    %dma_start3A_471 = arith.constant 0 : i32
    %dma_start3A_472 = tpu.memref_slice %arg3[%dma_start3A_471, %mul3A_470] : memref<2x1600000xi32, #tpu.memory_space<hbm>> -> memref<1x2048xi32, #tpu.memory_space<hbm>>
    %dma_start3A_473 = tpu.memref_squeeze %dma_start3A_472 : memref<1x2048xi32, #tpu.memory_space<hbm>> -> memref<2048xi32, #tpu.memory_space<hbm>>
    %dma_start3A_474 = tpu.memref_slice %arg3[%dma_start3A_471, %mul3A_470] : memref<2x1600000xi32, #tpu.memory_space<hbm>> -> memref<1x2048xi32, #tpu.memory_space<hbm>>
    %dma_start3A_475 = tpu.memref_squeeze %dma_start3A_474 : memref<1x2048xi32, #tpu.memory_space<hbm>> -> memref<2048xi32, #tpu.memory_space<hbm>>
    tpu.enqueue_dma source(%dma_start3A_475 : memref<2048xi32, #tpu.memory_space<hbm>>) target(%arg7 : memref<2048xi32, #tpu.memory_space<vmem>>) target_semaphore(%arg18 : memref<!tpu.dma_semaphore, #tpu.memory_space<semaphore_mem>>)
    %mul3A_476 = arith.constant 2048 : i32
    %mul3A_477 = arith.muli %add3A_468, %mul3A_476 : i32
    %dma_start3A_478 = tpu.memref_slice %arg3[%add3A_1, %mul3A_477] : memref<2x1600000xi32, #tpu.memory_space<hbm>> -> memref<1x2048xi32, #tpu.memory_space<hbm>>
    %dma_start3A_479 = tpu.memref_squeeze %dma_start3A_478 : memref<1x2048xi32, #tpu.memory_space<hbm>> -> memref<2048xi32, #tpu.memory_space<hbm>>
    %dma_start3A_480 = tpu.memref_slice %arg3[%add3A_1, %mul3A_477] : memref<2x1600000xi32, #tpu.memory_space<hbm>> -> memref<1x2048xi32, #tpu.memory_space<hbm>>
    %dma_start3A_481 = tpu.memref_squeeze %dma_start3A_480 : memref<1x2048xi32, #tpu.memory_space<hbm>> -> memref<2048xi32, #tpu.memory_space<hbm>>
    tpu.enqueue_dma source(%dma_start3A_481 : memref<2048xi32, #tpu.memory_space<hbm>>) target(%arg11 : memref<2048xi32, #tpu.memory_space<vmem>>) target_semaphore(%arg22 : memref<!tpu.dma_semaphore, #tpu.memory_space<semaphore_mem>>)
    %parallel_loop3A_482 = arith.constant 0 : i32
    %parallel_loop3A_483 = arith.constant 2048 : i32
    %parallel_loop3A_484 = arith.constant 16 : i32
    scf.for %parallel_loop3A_1361 = %parallel_loop3A_482 to %parallel_loop3A_483 step %parallel_loop3A_484  : i32 {
      %parallel_loop3A_1362 = arith.index_cast %parallel_loop3A_1361 : i32 to index
      %parallel_loop3A_1363 = tpu.vector_load %arg8[%parallel_loop3A_1362] {strides = array<i32>} : memref<2048xi32, #tpu.memory_space<vmem>>, vector<16xi32>,
      %parallel_loop3A_1364 = tpu.vector_load_idx %arg6[%parallel_loop3A_1363] : memref<100000xf32, #tpu.memory_space<vmem>>[vector<16xi32>], vector<16xf32>,
      %parallel_loop3A_1365 = arith.index_cast %parallel_loop3A_1361 : i32 to index
      %parallel_loop3A_1366 = tpu.vector_load %arg13[%parallel_loop3A_1365] {strides = array<i32>} : memref<2048xf32, #tpu.memory_space<vmem>>, vector<16xf32>,
      tpu.vector_store %arg13[%parallel_loop3A_1365], %parallel_loop3A_1364 {strides = array<i32>} : memref<2048xf32, #tpu.memory_space<vmem>>, vector<16xf32>,
    } {sc.loop_unroll_factor = 8 : i64, sc.parallel_access}
    %dma_start3A_485 = arith.constant 0 : i32
    %dma_start3A_486 = tpu.memref_slice %arg13[%dma_start3A_485] : memref<2048xf32, #tpu.memory_space<vmem>> -> memref<2048xf32, #tpu.memory_space<vmem>>
    %dma_start3A_487 = arith.constant 0 : i32
    %dma_start3A_488 = tpu.memref_slice %arg10[%dma_start3A_487] : memref<2048xi32, #tpu.memory_space<vmem>> -> memref<2048xi32, #tpu.memory_space<vmem>>
    %dma_start3A_489 = arith.constant 0 : i32
    %dma_start3A_490 = tpu.memref_slice %arg16[%dma_start3A_489] : memref<100352xf32, #tpu.memory_space<vmem_shared>> -> memref<100352xf32, #tpu.memory_space<vmem_shared>>
    tpu.enqueue_indirect_dma source(%dma_start3A_486 : memref<2048xf32, #tpu.memory_space<vmem>>) target(%dma_start3A_490 : memref<100352xf32, #tpu.memory_space<vmem_shared>>) offsets(%dma_start3A_488 : memref<2048xi32, #tpu.memory_space<vmem>>) semaphore(%arg24 : memref<!tpu.dma_semaphore, #tpu.memory_space<semaphore_mem>>) {add = true}
    %dma_start3A_491 = arith.constant 0 : i32
    %dma_start3A_492 = tpu.memref_slice %arg15[%dma_start3A_491] : memref<2048xf32, #tpu.memory_space<vmem>> -> memref<2048xf32, #tpu.memory_space<vmem>>
    %dma_start3A_493 = arith.constant 0 : i32
    %dma_start3A_494 = tpu.memref_slice %arg10[%dma_start3A_493] : memref<2048xi32, #tpu.memory_space<vmem>> -> memref<2048xi32, #tpu.memory_space<vmem>>
    %dma_start3A_495 = arith.constant 0 : i32
    %dma_start3A_496 = tpu.memref_slice %arg17[%dma_start3A_495] : memref<100352xf32, #tpu.memory_space<vmem_shared>> -> memref<100352xf32, #tpu.memory_space<vmem_shared>>
    tpu.enqueue_indirect_dma source(%dma_start3A_492 : memref<2048xf32, #tpu.memory_space<vmem>>) target(%dma_start3A_496 : memref<100352xf32, #tpu.memory_space<vmem_shared>>) offsets(%dma_start3A_494 : memref<2048xi32, #tpu.memory_space<vmem>>) semaphore(%arg24 : memref<!tpu.dma_semaphore, #tpu.memory_space<semaphore_mem>>) {add = true}
    %dma_wait3A_497 = arith.constant 0 : i32
    %dma_wait3A_498 = tpu.memref_slice %arg3[%dma_wait3A_497, %mul3A_470] : memref<2x1600000xi32, #tpu.memory_space<hbm>> -> memref<1x2048xi32, #tpu.memory_space<hbm>>
    %dma_wait3A_499 = tpu.memref_squeeze %dma_wait3A_498 : memref<1x2048xi32, #tpu.memory_space<hbm>> -> memref<2048xi32, #tpu.memory_space<hbm>>
    %dma_wait3A_500 = tpu.memref_slice %arg3[%dma_wait3A_497, %mul3A_470] : memref<2x1600000xi32, #tpu.memory_space<hbm>> -> memref<1x2048xi32, #tpu.memory_space<hbm>>
    %dma_wait3A_501 = tpu.memref_squeeze %dma_wait3A_500 : memref<1x2048xi32, #tpu.memory_space<hbm>> -> memref<2048xi32, #tpu.memory_space<hbm>>
    tpu.wait_dma2 semaphore(%arg18 : memref<!tpu.dma_semaphore, #tpu.memory_space<semaphore_mem>>) src(%dma_wait3A_501 : memref<2048xi32, #tpu.memory_space<hbm>>) dst(%arg7 : memref<2048xi32, #tpu.memory_space<vmem>>)
    %dma_wait3A_502 = tpu.memref_slice %arg3[%add3A_1, %mul3A_477] : memref<2x1600000xi32, #tpu.memory_space<hbm>> -> memref<1x2048xi32, #tpu.memory_space<hbm>>
    %dma_wait3A_503 = tpu.memref_squeeze %dma_wait3A_502 : memref<1x2048xi32, #tpu.memory_space<hbm>> -> memref<2048xi32, #tpu.memory_space<hbm>>
    %dma_wait3A_504 = tpu.memref_slice %arg3[%add3A_1, %mul3A_477] : memref<2x1600000xi32, #tpu.memory_space<hbm>> -> memref<1x2048xi32, #tpu.memory_space<hbm>>
    %dma_wait3A_505 = tpu.memref_squeeze %dma_wait3A_504 : memref<1x2048xi32, #tpu.memory_space<hbm>> -> memref<2048xi32, #tpu.memory_space<hbm>>
    tpu.wait_dma2 semaphore(%arg22 : memref<!tpu.dma_semaphore, #tpu.memory_space<semaphore_mem>>) src(%dma_wait3A_505 : memref<2048xi32, #tpu.memory_space<hbm>>) dst(%arg11 : memref<2048xi32, #tpu.memory_space<vmem>>)
    %dma_wait3A_506 = arith.constant 0 : i32
    %dma_wait3A_507 = tpu.memref_slice %arg12[%dma_wait3A_506] : memref<2048xf32, #tpu.memory_space<vmem>> -> memref<2048xf32, #tpu.memory_space<vmem>>
    %dma_wait3A_508 = arith.constant 0 : i32
    %dma_wait3A_509 = tpu.memref_slice %arg9[%dma_wait3A_508] : memref<2048xi32, #tpu.memory_space<vmem>> -> memref<2048xi32, #tpu.memory_space<vmem>>
    %dma_wait3A_510 = arith.constant 0 : i32
    %dma_wait3A_511 = tpu.memref_slice %arg16[%dma_wait3A_510] : memref<100352xf32, #tpu.memory_space<vmem_shared>> -> memref<100352xf32, #tpu.memory_space<vmem_shared>>
    tpu.wait_indirect_dma semaphore(%arg23 : memref<!tpu.dma_semaphore, #tpu.memory_space<semaphore_mem>>) src(%dma_wait3A_507 : memref<2048xf32, #tpu.memory_space<vmem>>) dst(%dma_wait3A_511 : memref<100352xf32, #tpu.memory_space<vmem_shared>>)
    %dma_wait3A_512 = arith.constant 0 : i32
    %dma_wait3A_513 = tpu.memref_slice %arg15[%dma_wait3A_512] : memref<2048xf32, #tpu.memory_space<vmem>> -> memref<2048xf32, #tpu.memory_space<vmem>>
    %dma_wait3A_514 = arith.constant 0 : i32
    %dma_wait3A_515 = tpu.memref_slice %arg9[%dma_wait3A_514] : memref<2048xi32, #tpu.memory_space<vmem>> -> memref<2048xi32, #tpu.memory_space<vmem>>
    %dma_wait3A_516 = arith.constant 0 : i32
    %dma_wait3A_517 = tpu.memref_slice %arg17[%dma_wait3A_516] : memref<100352xf32, #tpu.memory_space<vmem_shared>> -> memref<100352xf32, #tpu.memory_space<vmem_shared>>
    tpu.wait_indirect_dma semaphore(%arg23 : memref<!tpu.dma_semaphore, #tpu.memory_space<semaphore_mem>>) src(%dma_wait3A_513 : memref<2048xf32, #tpu.memory_space<vmem>>) dst(%dma_wait3A_517 : memref<100352xf32, #tpu.memory_space<vmem_shared>>)
    %mul3A_518 = arith.constant 24 : i32
    %mul3A_519 = arith.muli %add3A_80, %mul3A_518 : i32
    %add3A_520 = arith.constant 9 : i32
    %add3A_521 = arith.addi %mul3A_519, %add3A_520 : i32
    %mul3A_522 = arith.constant 2048 : i32
    %mul3A_523 = arith.muli %add3A_521, %mul3A_522 : i32
    %dma_start3A_524 = arith.constant 0 : i32
    %dma_start3A_525 = tpu.memref_slice %arg3[%dma_start3A_524, %mul3A_523] : memref<2x1600000xi32, #tpu.memory_space<hbm>> -> memref<1x2048xi32, #tpu.memory_space<hbm>>
    %dma_start3A_526 = tpu.memref_squeeze %dma_start3A_525 : memref<1x2048xi32, #tpu.memory_space<hbm>> -> memref<2048xi32, #tpu.memory_space<hbm>>
    %dma_start3A_527 = tpu.memref_slice %arg3[%dma_start3A_524, %mul3A_523] : memref<2x1600000xi32, #tpu.memory_space<hbm>> -> memref<1x2048xi32, #tpu.memory_space<hbm>>
    %dma_start3A_528 = tpu.memref_squeeze %dma_start3A_527 : memref<1x2048xi32, #tpu.memory_space<hbm>> -> memref<2048xi32, #tpu.memory_space<hbm>>
    tpu.enqueue_dma source(%dma_start3A_528 : memref<2048xi32, #tpu.memory_space<hbm>>) target(%arg8 : memref<2048xi32, #tpu.memory_space<vmem>>) target_semaphore(%arg19 : memref<!tpu.dma_semaphore, #tpu.memory_space<semaphore_mem>>)
    %mul3A_529 = arith.constant 2048 : i32
    %mul3A_530 = arith.muli %add3A_521, %mul3A_529 : i32
    %dma_start3A_531 = tpu.memref_slice %arg3[%add3A_1, %mul3A_530] : memref<2x1600000xi32, #tpu.memory_space<hbm>> -> memref<1x2048xi32, #tpu.memory_space<hbm>>
    %dma_start3A_532 = tpu.memref_squeeze %dma_start3A_531 : memref<1x2048xi32, #tpu.memory_space<hbm>> -> memref<2048xi32, #tpu.memory_space<hbm>>
    %dma_start3A_533 = tpu.memref_slice %arg3[%add3A_1, %mul3A_530] : memref<2x1600000xi32, #tpu.memory_space<hbm>> -> memref<1x2048xi32, #tpu.memory_space<hbm>>
    %dma_start3A_534 = tpu.memref_squeeze %dma_start3A_533 : memref<1x2048xi32, #tpu.memory_space<hbm>> -> memref<2048xi32, #tpu.memory_space<hbm>>
    tpu.enqueue_dma source(%dma_start3A_534 : memref<2048xi32, #tpu.memory_space<hbm>>) target(%arg9 : memref<2048xi32, #tpu.memory_space<vmem>>) target_semaphore(%arg20 : memref<!tpu.dma_semaphore, #tpu.memory_space<semaphore_mem>>)
    %parallel_loop3A_535 = arith.constant 0 : i32
    %parallel_loop3A_536 = arith.constant 2048 : i32
    %parallel_loop3A_537 = arith.constant 16 : i32
    scf.for %parallel_loop3A_1361 = %parallel_loop3A_535 to %parallel_loop3A_536 step %parallel_loop3A_537  : i32 {
      %parallel_loop3A_1362 = arith.index_cast %parallel_loop3A_1361 : i32 to index
      %parallel_loop3A_1363 = tpu.vector_load %arg7[%parallel_loop3A_1362] {strides = array<i32>} : memref<2048xi32, #tpu.memory_space<vmem>>, vector<16xi32>,
      %parallel_loop3A_1364 = tpu.vector_load_idx %arg6[%parallel_loop3A_1363] : memref<100000xf32, #tpu.memory_space<vmem>>[vector<16xi32>], vector<16xf32>,
      %parallel_loop3A_1365 = arith.index_cast %parallel_loop3A_1361 : i32 to index
      %parallel_loop3A_1366 = tpu.vector_load %arg14[%parallel_loop3A_1365] {strides = array<i32>} : memref<2048xf32, #tpu.memory_space<vmem>>, vector<16xf32>,
      tpu.vector_store %arg14[%parallel_loop3A_1365], %parallel_loop3A_1364 {strides = array<i32>} : memref<2048xf32, #tpu.memory_space<vmem>>, vector<16xf32>,
    } {sc.loop_unroll_factor = 8 : i64, sc.parallel_access}
    %dma_start3A_538 = arith.constant 0 : i32
    %dma_start3A_539 = tpu.memref_slice %arg14[%dma_start3A_538] : memref<2048xf32, #tpu.memory_space<vmem>> -> memref<2048xf32, #tpu.memory_space<vmem>>
    %dma_start3A_540 = arith.constant 0 : i32
    %dma_start3A_541 = tpu.memref_slice %arg11[%dma_start3A_540] : memref<2048xi32, #tpu.memory_space<vmem>> -> memref<2048xi32, #tpu.memory_space<vmem>>
    %dma_start3A_542 = arith.constant 0 : i32
    %dma_start3A_543 = tpu.memref_slice %arg16[%dma_start3A_542] : memref<100352xf32, #tpu.memory_space<vmem_shared>> -> memref<100352xf32, #tpu.memory_space<vmem_shared>>
    tpu.enqueue_indirect_dma source(%dma_start3A_539 : memref<2048xf32, #tpu.memory_space<vmem>>) target(%dma_start3A_543 : memref<100352xf32, #tpu.memory_space<vmem_shared>>) offsets(%dma_start3A_541 : memref<2048xi32, #tpu.memory_space<vmem>>) semaphore(%arg25 : memref<!tpu.dma_semaphore, #tpu.memory_space<semaphore_mem>>) {add = true}
    %dma_start3A_544 = arith.constant 0 : i32
    %dma_start3A_545 = tpu.memref_slice %arg15[%dma_start3A_544] : memref<2048xf32, #tpu.memory_space<vmem>> -> memref<2048xf32, #tpu.memory_space<vmem>>
    %dma_start3A_546 = arith.constant 0 : i32
    %dma_start3A_547 = tpu.memref_slice %arg11[%dma_start3A_546] : memref<2048xi32, #tpu.memory_space<vmem>> -> memref<2048xi32, #tpu.memory_space<vmem>>
    %dma_start3A_548 = arith.constant 0 : i32
    %dma_start3A_549 = tpu.memref_slice %arg17[%dma_start3A_548] : memref<100352xf32, #tpu.memory_space<vmem_shared>> -> memref<100352xf32, #tpu.memory_space<vmem_shared>>
    tpu.enqueue_indirect_dma source(%dma_start3A_545 : memref<2048xf32, #tpu.memory_space<vmem>>) target(%dma_start3A_549 : memref<100352xf32, #tpu.memory_space<vmem_shared>>) offsets(%dma_start3A_547 : memref<2048xi32, #tpu.memory_space<vmem>>) semaphore(%arg25 : memref<!tpu.dma_semaphore, #tpu.memory_space<semaphore_mem>>) {add = true}
    %dma_wait3A_550 = arith.constant 0 : i32
    %dma_wait3A_551 = tpu.memref_slice %arg3[%dma_wait3A_550, %mul3A_523] : memref<2x1600000xi32, #tpu.memory_space<hbm>> -> memref<1x2048xi32, #tpu.memory_space<hbm>>
    %dma_wait3A_552 = tpu.memref_squeeze %dma_wait3A_551 : memref<1x2048xi32, #tpu.memory_space<hbm>> -> memref<2048xi32, #tpu.memory_space<hbm>>
    %dma_wait3A_553 = tpu.memref_slice %arg3[%dma_wait3A_550, %mul3A_523] : memref<2x1600000xi32, #tpu.memory_space<hbm>> -> memref<1x2048xi32, #tpu.memory_space<hbm>>
    %dma_wait3A_554 = tpu.memref_squeeze %dma_wait3A_553 : memref<1x2048xi32, #tpu.memory_space<hbm>> -> memref<2048xi32, #tpu.memory_space<hbm>>
    tpu.wait_dma2 semaphore(%arg19 : memref<!tpu.dma_semaphore, #tpu.memory_space<semaphore_mem>>) src(%dma_wait3A_554 : memref<2048xi32, #tpu.memory_space<hbm>>) dst(%arg8 : memref<2048xi32, #tpu.memory_space<vmem>>)
    %dma_wait3A_555 = tpu.memref_slice %arg3[%add3A_1, %mul3A_530] : memref<2x1600000xi32, #tpu.memory_space<hbm>> -> memref<1x2048xi32, #tpu.memory_space<hbm>>
    %dma_wait3A_556 = tpu.memref_squeeze %dma_wait3A_555 : memref<1x2048xi32, #tpu.memory_space<hbm>> -> memref<2048xi32, #tpu.memory_space<hbm>>
    %dma_wait3A_557 = tpu.memref_slice %arg3[%add3A_1, %mul3A_530] : memref<2x1600000xi32, #tpu.memory_space<hbm>> -> memref<1x2048xi32, #tpu.memory_space<hbm>>
    %dma_wait3A_558 = tpu.memref_squeeze %dma_wait3A_557 : memref<1x2048xi32, #tpu.memory_space<hbm>> -> memref<2048xi32, #tpu.memory_space<hbm>>
    tpu.wait_dma2 semaphore(%arg20 : memref<!tpu.dma_semaphore, #tpu.memory_space<semaphore_mem>>) src(%dma_wait3A_558 : memref<2048xi32, #tpu.memory_space<hbm>>) dst(%arg9 : memref<2048xi32, #tpu.memory_space<vmem>>)
    %dma_wait3A_559 = arith.constant 0 : i32
    %dma_wait3A_560 = tpu.memref_slice %arg13[%dma_wait3A_559] : memref<2048xf32, #tpu.memory_space<vmem>> -> memref<2048xf32, #tpu.memory_space<vmem>>
    %dma_wait3A_561 = arith.constant 0 : i32
    %dma_wait3A_562 = tpu.memref_slice %arg10[%dma_wait3A_561] : memref<2048xi32, #tpu.memory_space<vmem>> -> memref<2048xi32, #tpu.memory_space<vmem>>
    %dma_wait3A_563 = arith.constant 0 : i32
    %dma_wait3A_564 = tpu.memref_slice %arg16[%dma_wait3A_563] : memref<100352xf32, #tpu.memory_space<vmem_shared>> -> memref<100352xf32, #tpu.memory_space<vmem_shared>>
    tpu.wait_indirect_dma semaphore(%arg24 : memref<!tpu.dma_semaphore, #tpu.memory_space<semaphore_mem>>) src(%dma_wait3A_560 : memref<2048xf32, #tpu.memory_space<vmem>>) dst(%dma_wait3A_564 : memref<100352xf32, #tpu.memory_space<vmem_shared>>)
    %dma_wait3A_565 = arith.constant 0 : i32
    %dma_wait3A_566 = tpu.memref_slice %arg15[%dma_wait3A_565] : memref<2048xf32, #tpu.memory_space<vmem>> -> memref<2048xf32, #tpu.memory_space<vmem>>
    %dma_wait3A_567 = arith.constant 0 : i32
    %dma_wait3A_568 = tpu.memref_slice %arg10[%dma_wait3A_567] : memref<2048xi32, #tpu.memory_space<vmem>> -> memref<2048xi32, #tpu.memory_space<vmem>>
    %dma_wait3A_569 = arith.constant 0 : i32
    %dma_wait3A_570 = tpu.memref_slice %arg17[%dma_wait3A_569] : memref<100352xf32, #tpu.memory_space<vmem_shared>> -> memref<100352xf32, #tpu.memory_space<vmem_shared>>
    tpu.wait_indirect_dma semaphore(%arg24 : memref<!tpu.dma_semaphore, #tpu.memory_space<semaphore_mem>>) src(%dma_wait3A_566 : memref<2048xf32, #tpu.memory_space<vmem>>) dst(%dma_wait3A_570 : memref<100352xf32, #tpu.memory_space<vmem_shared>>)
    %mul3A_571 = arith.constant 24 : i32
    %mul3A_572 = arith.muli %add3A_80, %mul3A_571 : i32
    %add3A_573 = arith.constant 10 : i32
    %add3A_574 = arith.addi %mul3A_572, %add3A_573 : i32
    %mul3A_575 = arith.constant 2048 : i32
    %mul3A_576 = arith.muli %add3A_574, %mul3A_575 : i32
    %dma_start3A_577 = arith.constant 0 : i32
    %dma_start3A_578 = tpu.memref_slice %arg3[%dma_start3A_577, %mul3A_576] : memref<2x1600000xi32, #tpu.memory_space<hbm>> -> memref<1x2048xi32, #tpu.memory_space<hbm>>
    %dma_start3A_579 = tpu.memref_squeeze %dma_start3A_578 : memref<1x2048xi32, #tpu.memory_space<hbm>> -> memref<2048xi32, #tpu.memory_space<hbm>>
    %dma_start3A_580 = tpu.memref_slice %arg3[%dma_start3A_577, %mul3A_576] : memref<2x1600000xi32, #tpu.memory_space<hbm>> -> memref<1x2048xi32, #tpu.memory_space<hbm>>
    %dma_start3A_581 = tpu.memref_squeeze %dma_start3A_580 : memref<1x2048xi32, #tpu.memory_space<hbm>> -> memref<2048xi32, #tpu.memory_space<hbm>>
    tpu.enqueue_dma source(%dma_start3A_581 : memref<2048xi32, #tpu.memory_space<hbm>>) target(%arg7 : memref<2048xi32, #tpu.memory_space<vmem>>) target_semaphore(%arg18 : memref<!tpu.dma_semaphore, #tpu.memory_space<semaphore_mem>>)
    %mul3A_582 = arith.constant 2048 : i32
    %mul3A_583 = arith.muli %add3A_574, %mul3A_582 : i32
    %dma_start3A_584 = tpu.memref_slice %arg3[%add3A_1, %mul3A_583] : memref<2x1600000xi32, #tpu.memory_space<hbm>> -> memref<1x2048xi32, #tpu.memory_space<hbm>>
    %dma_start3A_585 = tpu.memref_squeeze %dma_start3A_584 : memref<1x2048xi32, #tpu.memory_space<hbm>> -> memref<2048xi32, #tpu.memory_space<hbm>>
    %dma_start3A_586 = tpu.memref_slice %arg3[%add3A_1, %mul3A_583] : memref<2x1600000xi32, #tpu.memory_space<hbm>> -> memref<1x2048xi32, #tpu.memory_space<hbm>>
    %dma_start3A_587 = tpu.memref_squeeze %dma_start3A_586 : memref<1x2048xi32, #tpu.memory_space<hbm>> -> memref<2048xi32, #tpu.memory_space<hbm>>
    tpu.enqueue_dma source(%dma_start3A_587 : memref<2048xi32, #tpu.memory_space<hbm>>) target(%arg10 : memref<2048xi32, #tpu.memory_space<vmem>>) target_semaphore(%arg21 : memref<!tpu.dma_semaphore, #tpu.memory_space<semaphore_mem>>)
    %parallel_loop3A_588 = arith.constant 0 : i32
    %parallel_loop3A_589 = arith.constant 2048 : i32
    %parallel_loop3A_590 = arith.constant 16 : i32
    scf.for %parallel_loop3A_1361 = %parallel_loop3A_588 to %parallel_loop3A_589 step %parallel_loop3A_590  : i32 {
      %parallel_loop3A_1362 = arith.index_cast %parallel_loop3A_1361 : i32 to index
      %parallel_loop3A_1363 = tpu.vector_load %arg8[%parallel_loop3A_1362] {strides = array<i32>} : memref<2048xi32, #tpu.memory_space<vmem>>, vector<16xi32>,
      %parallel_loop3A_1364 = tpu.vector_load_idx %arg6[%parallel_loop3A_1363] : memref<100000xf32, #tpu.memory_space<vmem>>[vector<16xi32>], vector<16xf32>,
      %parallel_loop3A_1365 = arith.index_cast %parallel_loop3A_1361 : i32 to index
      %parallel_loop3A_1366 = tpu.vector_load %arg12[%parallel_loop3A_1365] {strides = array<i32>} : memref<2048xf32, #tpu.memory_space<vmem>>, vector<16xf32>,
      tpu.vector_store %arg12[%parallel_loop3A_1365], %parallel_loop3A_1364 {strides = array<i32>} : memref<2048xf32, #tpu.memory_space<vmem>>, vector<16xf32>,
    } {sc.loop_unroll_factor = 8 : i64, sc.parallel_access}
    %dma_start3A_591 = arith.constant 0 : i32
    %dma_start3A_592 = tpu.memref_slice %arg12[%dma_start3A_591] : memref<2048xf32, #tpu.memory_space<vmem>> -> memref<2048xf32, #tpu.memory_space<vmem>>
    %dma_start3A_593 = arith.constant 0 : i32
    %dma_start3A_594 = tpu.memref_slice %arg9[%dma_start3A_593] : memref<2048xi32, #tpu.memory_space<vmem>> -> memref<2048xi32, #tpu.memory_space<vmem>>
    %dma_start3A_595 = arith.constant 0 : i32
    %dma_start3A_596 = tpu.memref_slice %arg16[%dma_start3A_595] : memref<100352xf32, #tpu.memory_space<vmem_shared>> -> memref<100352xf32, #tpu.memory_space<vmem_shared>>
    tpu.enqueue_indirect_dma source(%dma_start3A_592 : memref<2048xf32, #tpu.memory_space<vmem>>) target(%dma_start3A_596 : memref<100352xf32, #tpu.memory_space<vmem_shared>>) offsets(%dma_start3A_594 : memref<2048xi32, #tpu.memory_space<vmem>>) semaphore(%arg23 : memref<!tpu.dma_semaphore, #tpu.memory_space<semaphore_mem>>) {add = true}
    %dma_start3A_597 = arith.constant 0 : i32
    %dma_start3A_598 = tpu.memref_slice %arg15[%dma_start3A_597] : memref<2048xf32, #tpu.memory_space<vmem>> -> memref<2048xf32, #tpu.memory_space<vmem>>
    %dma_start3A_599 = arith.constant 0 : i32
    %dma_start3A_600 = tpu.memref_slice %arg9[%dma_start3A_599] : memref<2048xi32, #tpu.memory_space<vmem>> -> memref<2048xi32, #tpu.memory_space<vmem>>
    %dma_start3A_601 = arith.constant 0 : i32
    %dma_start3A_602 = tpu.memref_slice %arg17[%dma_start3A_601] : memref<100352xf32, #tpu.memory_space<vmem_shared>> -> memref<100352xf32, #tpu.memory_space<vmem_shared>>
    tpu.enqueue_indirect_dma source(%dma_start3A_598 : memref<2048xf32, #tpu.memory_space<vmem>>) target(%dma_start3A_602 : memref<100352xf32, #tpu.memory_space<vmem_shared>>) offsets(%dma_start3A_600 : memref<2048xi32, #tpu.memory_space<vmem>>) semaphore(%arg23 : memref<!tpu.dma_semaphore, #tpu.memory_space<semaphore_mem>>) {add = true}
    %dma_wait3A_603 = arith.constant 0 : i32
    %dma_wait3A_604 = tpu.memref_slice %arg3[%dma_wait3A_603, %mul3A_576] : memref<2x1600000xi32, #tpu.memory_space<hbm>> -> memref<1x2048xi32, #tpu.memory_space<hbm>>
    %dma_wait3A_605 = tpu.memref_squeeze %dma_wait3A_604 : memref<1x2048xi32, #tpu.memory_space<hbm>> -> memref<2048xi32, #tpu.memory_space<hbm>>
    %dma_wait3A_606 = tpu.memref_slice %arg3[%dma_wait3A_603, %mul3A_576] : memref<2x1600000xi32, #tpu.memory_space<hbm>> -> memref<1x2048xi32, #tpu.memory_space<hbm>>
    %dma_wait3A_607 = tpu.memref_squeeze %dma_wait3A_606 : memref<1x2048xi32, #tpu.memory_space<hbm>> -> memref<2048xi32, #tpu.memory_space<hbm>>
    tpu.wait_dma2 semaphore(%arg18 : memref<!tpu.dma_semaphore, #tpu.memory_space<semaphore_mem>>) src(%dma_wait3A_607 : memref<2048xi32, #tpu.memory_space<hbm>>) dst(%arg7 : memref<2048xi32, #tpu.memory_space<vmem>>)
    %dma_wait3A_608 = tpu.memref_slice %arg3[%add3A_1, %mul3A_583] : memref<2x1600000xi32, #tpu.memory_space<hbm>> -> memref<1x2048xi32, #tpu.memory_space<hbm>>
    %dma_wait3A_609 = tpu.memref_squeeze %dma_wait3A_608 : memref<1x2048xi32, #tpu.memory_space<hbm>> -> memref<2048xi32, #tpu.memory_space<hbm>>
    %dma_wait3A_610 = tpu.memref_slice %arg3[%add3A_1, %mul3A_583] : memref<2x1600000xi32, #tpu.memory_space<hbm>> -> memref<1x2048xi32, #tpu.memory_space<hbm>>
    %dma_wait3A_611 = tpu.memref_squeeze %dma_wait3A_610 : memref<1x2048xi32, #tpu.memory_space<hbm>> -> memref<2048xi32, #tpu.memory_space<hbm>>
    tpu.wait_dma2 semaphore(%arg21 : memref<!tpu.dma_semaphore, #tpu.memory_space<semaphore_mem>>) src(%dma_wait3A_611 : memref<2048xi32, #tpu.memory_space<hbm>>) dst(%arg10 : memref<2048xi32, #tpu.memory_space<vmem>>)
    %dma_wait3A_612 = arith.constant 0 : i32
    %dma_wait3A_613 = tpu.memref_slice %arg14[%dma_wait3A_612] : memref<2048xf32, #tpu.memory_space<vmem>> -> memref<2048xf32, #tpu.memory_space<vmem>>
    %dma_wait3A_614 = arith.constant 0 : i32
    %dma_wait3A_615 = tpu.memref_slice %arg11[%dma_wait3A_614] : memref<2048xi32, #tpu.memory_space<vmem>> -> memref<2048xi32, #tpu.memory_space<vmem>>
    %dma_wait3A_616 = arith.constant 0 : i32
    %dma_wait3A_617 = tpu.memref_slice %arg16[%dma_wait3A_616] : memref<100352xf32, #tpu.memory_space<vmem_shared>> -> memref<100352xf32, #tpu.memory_space<vmem_shared>>
    tpu.wait_indirect_dma semaphore(%arg25 : memref<!tpu.dma_semaphore, #tpu.memory_space<semaphore_mem>>) src(%dma_wait3A_613 : memref<2048xf32, #tpu.memory_space<vmem>>) dst(%dma_wait3A_617 : memref<100352xf32, #tpu.memory_space<vmem_shared>>)
    %dma_wait3A_618 = arith.constant 0 : i32
    %dma_wait3A_619 = tpu.memref_slice %arg15[%dma_wait3A_618] : memref<2048xf32, #tpu.memory_space<vmem>> -> memref<2048xf32, #tpu.memory_space<vmem>>
    %dma_wait3A_620 = arith.constant 0 : i32
    %dma_wait3A_621 = tpu.memref_slice %arg11[%dma_wait3A_620] : memref<2048xi32, #tpu.memory_space<vmem>> -> memref<2048xi32, #tpu.memory_space<vmem>>
    %dma_wait3A_622 = arith.constant 0 : i32
    %dma_wait3A_623 = tpu.memref_slice %arg17[%dma_wait3A_622] : memref<100352xf32, #tpu.memory_space<vmem_shared>> -> memref<100352xf32, #tpu.memory_space<vmem_shared>>
    tpu.wait_indirect_dma semaphore(%arg25 : memref<!tpu.dma_semaphore, #tpu.memory_space<semaphore_mem>>) src(%dma_wait3A_619 : memref<2048xf32, #tpu.memory_space<vmem>>) dst(%dma_wait3A_623 : memref<100352xf32, #tpu.memory_space<vmem_shared>>)
    %mul3A_624 = arith.constant 24 : i32
    %mul3A_625 = arith.muli %add3A_80, %mul3A_624 : i32
    %add3A_626 = arith.constant 11 : i32
    %add3A_627 = arith.addi %mul3A_625, %add3A_626 : i32
    %mul3A_628 = arith.constant 2048 : i32
    %mul3A_629 = arith.muli %add3A_627, %mul3A_628 : i32
    %dma_start3A_630 = arith.constant 0 : i32
    %dma_start3A_631 = tpu.memref_slice %arg3[%dma_start3A_630, %mul3A_629] : memref<2x1600000xi32, #tpu.memory_space<hbm>> -> memref<1x2048xi32, #tpu.memory_space<hbm>>
    %dma_start3A_632 = tpu.memref_squeeze %dma_start3A_631 : memref<1x2048xi32, #tpu.memory_space<hbm>> -> memref<2048xi32, #tpu.memory_space<hbm>>
    %dma_start3A_633 = tpu.memref_slice %arg3[%dma_start3A_630, %mul3A_629] : memref<2x1600000xi32, #tpu.memory_space<hbm>> -> memref<1x2048xi32, #tpu.memory_space<hbm>>
    %dma_start3A_634 = tpu.memref_squeeze %dma_start3A_633 : memref<1x2048xi32, #tpu.memory_space<hbm>> -> memref<2048xi32, #tpu.memory_space<hbm>>
    tpu.enqueue_dma source(%dma_start3A_634 : memref<2048xi32, #tpu.memory_space<hbm>>) target(%arg8 : memref<2048xi32, #tpu.memory_space<vmem>>) target_semaphore(%arg19 : memref<!tpu.dma_semaphore, #tpu.memory_space<semaphore_mem>>)
    %mul3A_635 = arith.constant 2048 : i32
    %mul3A_636 = arith.muli %add3A_627, %mul3A_635 : i32
    %dma_start3A_637 = tpu.memref_slice %arg3[%add3A_1, %mul3A_636] : memref<2x1600000xi32, #tpu.memory_space<hbm>> -> memref<1x2048xi32, #tpu.memory_space<hbm>>
    %dma_start3A_638 = tpu.memref_squeeze %dma_start3A_637 : memref<1x2048xi32, #tpu.memory_space<hbm>> -> memref<2048xi32, #tpu.memory_space<hbm>>
    %dma_start3A_639 = tpu.memref_slice %arg3[%add3A_1, %mul3A_636] : memref<2x1600000xi32, #tpu.memory_space<hbm>> -> memref<1x2048xi32, #tpu.memory_space<hbm>>
    %dma_start3A_640 = tpu.memref_squeeze %dma_start3A_639 : memref<1x2048xi32, #tpu.memory_space<hbm>> -> memref<2048xi32, #tpu.memory_space<hbm>>
    tpu.enqueue_dma source(%dma_start3A_640 : memref<2048xi32, #tpu.memory_space<hbm>>) target(%arg11 : memref<2048xi32, #tpu.memory_space<vmem>>) target_semaphore(%arg22 : memref<!tpu.dma_semaphore, #tpu.memory_space<semaphore_mem>>)
    %parallel_loop3A_641 = arith.constant 0 : i32
    %parallel_loop3A_642 = arith.constant 2048 : i32
    %parallel_loop3A_643 = arith.constant 16 : i32
    scf.for %parallel_loop3A_1361 = %parallel_loop3A_641 to %parallel_loop3A_642 step %parallel_loop3A_643  : i32 {
      %parallel_loop3A_1362 = arith.index_cast %parallel_loop3A_1361 : i32 to index
      %parallel_loop3A_1363 = tpu.vector_load %arg7[%parallel_loop3A_1362] {strides = array<i32>} : memref<2048xi32, #tpu.memory_space<vmem>>, vector<16xi32>,
      %parallel_loop3A_1364 = tpu.vector_load_idx %arg6[%parallel_loop3A_1363] : memref<100000xf32, #tpu.memory_space<vmem>>[vector<16xi32>], vector<16xf32>,
      %parallel_loop3A_1365 = arith.index_cast %parallel_loop3A_1361 : i32 to index
      %parallel_loop3A_1366 = tpu.vector_load %arg13[%parallel_loop3A_1365] {strides = array<i32>} : memref<2048xf32, #tpu.memory_space<vmem>>, vector<16xf32>,
      tpu.vector_store %arg13[%parallel_loop3A_1365], %parallel_loop3A_1364 {strides = array<i32>} : memref<2048xf32, #tpu.memory_space<vmem>>, vector<16xf32>,
    } {sc.loop_unroll_factor = 8 : i64, sc.parallel_access}
    %dma_start3A_644 = arith.constant 0 : i32
    %dma_start3A_645 = tpu.memref_slice %arg13[%dma_start3A_644] : memref<2048xf32, #tpu.memory_space<vmem>> -> memref<2048xf32, #tpu.memory_space<vmem>>
    %dma_start3A_646 = arith.constant 0 : i32
    %dma_start3A_647 = tpu.memref_slice %arg10[%dma_start3A_646] : memref<2048xi32, #tpu.memory_space<vmem>> -> memref<2048xi32, #tpu.memory_space<vmem>>
    %dma_start3A_648 = arith.constant 0 : i32
    %dma_start3A_649 = tpu.memref_slice %arg16[%dma_start3A_648] : memref<100352xf32, #tpu.memory_space<vmem_shared>> -> memref<100352xf32, #tpu.memory_space<vmem_shared>>
    tpu.enqueue_indirect_dma source(%dma_start3A_645 : memref<2048xf32, #tpu.memory_space<vmem>>) target(%dma_start3A_649 : memref<100352xf32, #tpu.memory_space<vmem_shared>>) offsets(%dma_start3A_647 : memref<2048xi32, #tpu.memory_space<vmem>>) semaphore(%arg24 : memref<!tpu.dma_semaphore, #tpu.memory_space<semaphore_mem>>) {add = true}
    %dma_start3A_650 = arith.constant 0 : i32
    %dma_start3A_651 = tpu.memref_slice %arg15[%dma_start3A_650] : memref<2048xf32, #tpu.memory_space<vmem>> -> memref<2048xf32, #tpu.memory_space<vmem>>
    %dma_start3A_652 = arith.constant 0 : i32
    %dma_start3A_653 = tpu.memref_slice %arg10[%dma_start3A_652] : memref<2048xi32, #tpu.memory_space<vmem>> -> memref<2048xi32, #tpu.memory_space<vmem>>
    %dma_start3A_654 = arith.constant 0 : i32
    %dma_start3A_655 = tpu.memref_slice %arg17[%dma_start3A_654] : memref<100352xf32, #tpu.memory_space<vmem_shared>> -> memref<100352xf32, #tpu.memory_space<vmem_shared>>
    tpu.enqueue_indirect_dma source(%dma_start3A_651 : memref<2048xf32, #tpu.memory_space<vmem>>) target(%dma_start3A_655 : memref<100352xf32, #tpu.memory_space<vmem_shared>>) offsets(%dma_start3A_653 : memref<2048xi32, #tpu.memory_space<vmem>>) semaphore(%arg24 : memref<!tpu.dma_semaphore, #tpu.memory_space<semaphore_mem>>) {add = true}
    %dma_wait3A_656 = arith.constant 0 : i32
    %dma_wait3A_657 = tpu.memref_slice %arg3[%dma_wait3A_656, %mul3A_629] : memref<2x1600000xi32, #tpu.memory_space<hbm>> -> memref<1x2048xi32, #tpu.memory_space<hbm>>
    %dma_wait3A_658 = tpu.memref_squeeze %dma_wait3A_657 : memref<1x2048xi32, #tpu.memory_space<hbm>> -> memref<2048xi32, #tpu.memory_space<hbm>>
    %dma_wait3A_659 = tpu.memref_slice %arg3[%dma_wait3A_656, %mul3A_629] : memref<2x1600000xi32, #tpu.memory_space<hbm>> -> memref<1x2048xi32, #tpu.memory_space<hbm>>
    %dma_wait3A_660 = tpu.memref_squeeze %dma_wait3A_659 : memref<1x2048xi32, #tpu.memory_space<hbm>> -> memref<2048xi32, #tpu.memory_space<hbm>>
    tpu.wait_dma2 semaphore(%arg19 : memref<!tpu.dma_semaphore, #tpu.memory_space<semaphore_mem>>) src(%dma_wait3A_660 : memref<2048xi32, #tpu.memory_space<hbm>>) dst(%arg8 : memref<2048xi32, #tpu.memory_space<vmem>>)
    %dma_wait3A_661 = tpu.memref_slice %arg3[%add3A_1, %mul3A_636] : memref<2x1600000xi32, #tpu.memory_space<hbm>> -> memref<1x2048xi32, #tpu.memory_space<hbm>>
    %dma_wait3A_662 = tpu.memref_squeeze %dma_wait3A_661 : memref<1x2048xi32, #tpu.memory_space<hbm>> -> memref<2048xi32, #tpu.memory_space<hbm>>
    %dma_wait3A_663 = tpu.memref_slice %arg3[%add3A_1, %mul3A_636] : memref<2x1600000xi32, #tpu.memory_space<hbm>> -> memref<1x2048xi32, #tpu.memory_space<hbm>>
    %dma_wait3A_664 = tpu.memref_squeeze %dma_wait3A_663 : memref<1x2048xi32, #tpu.memory_space<hbm>> -> memref<2048xi32, #tpu.memory_space<hbm>>
    tpu.wait_dma2 semaphore(%arg22 : memref<!tpu.dma_semaphore, #tpu.memory_space<semaphore_mem>>) src(%dma_wait3A_664 : memref<2048xi32, #tpu.memory_space<hbm>>) dst(%arg11 : memref<2048xi32, #tpu.memory_space<vmem>>)
    %dma_wait3A_665 = arith.constant 0 : i32
    %dma_wait3A_666 = tpu.memref_slice %arg12[%dma_wait3A_665] : memref<2048xf32, #tpu.memory_space<vmem>> -> memref<2048xf32, #tpu.memory_space<vmem>>
    %dma_wait3A_667 = arith.constant 0 : i32
    %dma_wait3A_668 = tpu.memref_slice %arg9[%dma_wait3A_667] : memref<2048xi32, #tpu.memory_space<vmem>> -> memref<2048xi32, #tpu.memory_space<vmem>>
    %dma_wait3A_669 = arith.constant 0 : i32
    %dma_wait3A_670 = tpu.memref_slice %arg16[%dma_wait3A_669] : memref<100352xf32, #tpu.memory_space<vmem_shared>> -> memref<100352xf32, #tpu.memory_space<vmem_shared>>
    tpu.wait_indirect_dma semaphore(%arg23 : memref<!tpu.dma_semaphore, #tpu.memory_space<semaphore_mem>>) src(%dma_wait3A_666 : memref<2048xf32, #tpu.memory_space<vmem>>) dst(%dma_wait3A_670 : memref<100352xf32, #tpu.memory_space<vmem_shared>>)
    %dma_wait3A_671 = arith.constant 0 : i32
    %dma_wait3A_672 = tpu.memref_slice %arg15[%dma_wait3A_671] : memref<2048xf32, #tpu.memory_space<vmem>> -> memref<2048xf32, #tpu.memory_space<vmem>>
    %dma_wait3A_673 = arith.constant 0 : i32
    %dma_wait3A_674 = tpu.memref_slice %arg9[%dma_wait3A_673] : memref<2048xi32, #tpu.memory_space<vmem>> -> memref<2048xi32, #tpu.memory_space<vmem>>
    %dma_wait3A_675 = arith.constant 0 : i32
    %dma_wait3A_676 = tpu.memref_slice %arg17[%dma_wait3A_675] : memref<100352xf32, #tpu.memory_space<vmem_shared>> -> memref<100352xf32, #tpu.memory_space<vmem_shared>>
    tpu.wait_indirect_dma semaphore(%arg23 : memref<!tpu.dma_semaphore, #tpu.memory_space<semaphore_mem>>) src(%dma_wait3A_672 : memref<2048xf32, #tpu.memory_space<vmem>>) dst(%dma_wait3A_676 : memref<100352xf32, #tpu.memory_space<vmem_shared>>)
    %mul3A_677 = arith.constant 24 : i32
    %mul3A_678 = arith.muli %add3A_80, %mul3A_677 : i32
    %add3A_679 = arith.constant 12 : i32
    %add3A_680 = arith.addi %mul3A_678, %add3A_679 : i32
    %mul3A_681 = arith.constant 2048 : i32
    %mul3A_682 = arith.muli %add3A_680, %mul3A_681 : i32
    %dma_start3A_683 = arith.constant 0 : i32
    %dma_start3A_684 = tpu.memref_slice %arg3[%dma_start3A_683, %mul3A_682] : memref<2x1600000xi32, #tpu.memory_space<hbm>> -> memref<1x2048xi32, #tpu.memory_space<hbm>>
    %dma_start3A_685 = tpu.memref_squeeze %dma_start3A_684 : memref<1x2048xi32, #tpu.memory_space<hbm>> -> memref<2048xi32, #tpu.memory_space<hbm>>
    %dma_start3A_686 = tpu.memref_slice %arg3[%dma_start3A_683, %mul3A_682] : memref<2x1600000xi32, #tpu.memory_space<hbm>> -> memref<1x2048xi32, #tpu.memory_space<hbm>>
    %dma_start3A_687 = tpu.memref_squeeze %dma_start3A_686 : memref<1x2048xi32, #tpu.memory_space<hbm>> -> memref<2048xi32, #tpu.memory_space<hbm>>
    tpu.enqueue_dma source(%dma_start3A_687 : memref<2048xi32, #tpu.memory_space<hbm>>) target(%arg7 : memref<2048xi32, #tpu.memory_space<vmem>>) target_semaphore(%arg18 : memref<!tpu.dma_semaphore, #tpu.memory_space<semaphore_mem>>)
    %mul3A_688 = arith.constant 2048 : i32
    %mul3A_689 = arith.muli %add3A_680, %mul3A_688 : i32
    %dma_start3A_690 = tpu.memref_slice %arg3[%add3A_1, %mul3A_689] : memref<2x1600000xi32, #tpu.memory_space<hbm>> -> memref<1x2048xi32, #tpu.memory_space<hbm>>
    %dma_start3A_691 = tpu.memref_squeeze %dma_start3A_690 : memref<1x2048xi32, #tpu.memory_space<hbm>> -> memref<2048xi32, #tpu.memory_space<hbm>>
    %dma_start3A_692 = tpu.memref_slice %arg3[%add3A_1, %mul3A_689] : memref<2x1600000xi32, #tpu.memory_space<hbm>> -> memref<1x2048xi32, #tpu.memory_space<hbm>>
    %dma_start3A_693 = tpu.memref_squeeze %dma_start3A_692 : memref<1x2048xi32, #tpu.memory_space<hbm>> -> memref<2048xi32, #tpu.memory_space<hbm>>
    tpu.enqueue_dma source(%dma_start3A_693 : memref<2048xi32, #tpu.memory_space<hbm>>) target(%arg9 : memref<2048xi32, #tpu.memory_space<vmem>>) target_semaphore(%arg20 : memref<!tpu.dma_semaphore, #tpu.memory_space<semaphore_mem>>)
    %parallel_loop3A_694 = arith.constant 0 : i32
    %parallel_loop3A_695 = arith.constant 2048 : i32
    %parallel_loop3A_696 = arith.constant 16 : i32
    scf.for %parallel_loop3A_1361 = %parallel_loop3A_694 to %parallel_loop3A_695 step %parallel_loop3A_696  : i32 {
      %parallel_loop3A_1362 = arith.index_cast %parallel_loop3A_1361 : i32 to index
      %parallel_loop3A_1363 = tpu.vector_load %arg8[%parallel_loop3A_1362] {strides = array<i32>} : memref<2048xi32, #tpu.memory_space<vmem>>, vector<16xi32>,
      %parallel_loop3A_1364 = tpu.vector_load_idx %arg6[%parallel_loop3A_1363] : memref<100000xf32, #tpu.memory_space<vmem>>[vector<16xi32>], vector<16xf32>,
      %parallel_loop3A_1365 = arith.index_cast %parallel_loop3A_1361 : i32 to index
      %parallel_loop3A_1366 = tpu.vector_load %arg14[%parallel_loop3A_1365] {strides = array<i32>} : memref<2048xf32, #tpu.memory_space<vmem>>, vector<16xf32>,
      tpu.vector_store %arg14[%parallel_loop3A_1365], %parallel_loop3A_1364 {strides = array<i32>} : memref<2048xf32, #tpu.memory_space<vmem>>, vector<16xf32>,
    } {sc.loop_unroll_factor = 8 : i64, sc.parallel_access}
    %dma_start3A_697 = arith.constant 0 : i32
    %dma_start3A_698 = tpu.memref_slice %arg14[%dma_start3A_697] : memref<2048xf32, #tpu.memory_space<vmem>> -> memref<2048xf32, #tpu.memory_space<vmem>>
    %dma_start3A_699 = arith.constant 0 : i32
    %dma_start3A_700 = tpu.memref_slice %arg11[%dma_start3A_699] : memref<2048xi32, #tpu.memory_space<vmem>> -> memref<2048xi32, #tpu.memory_space<vmem>>
    %dma_start3A_701 = arith.constant 0 : i32
    %dma_start3A_702 = tpu.memref_slice %arg16[%dma_start3A_701] : memref<100352xf32, #tpu.memory_space<vmem_shared>> -> memref<100352xf32, #tpu.memory_space<vmem_shared>>
    tpu.enqueue_indirect_dma source(%dma_start3A_698 : memref<2048xf32, #tpu.memory_space<vmem>>) target(%dma_start3A_702 : memref<100352xf32, #tpu.memory_space<vmem_shared>>) offsets(%dma_start3A_700 : memref<2048xi32, #tpu.memory_space<vmem>>) semaphore(%arg25 : memref<!tpu.dma_semaphore, #tpu.memory_space<semaphore_mem>>) {add = true}
    %dma_start3A_703 = arith.constant 0 : i32
    %dma_start3A_704 = tpu.memref_slice %arg15[%dma_start3A_703] : memref<2048xf32, #tpu.memory_space<vmem>> -> memref<2048xf32, #tpu.memory_space<vmem>>
    %dma_start3A_705 = arith.constant 0 : i32
    %dma_start3A_706 = tpu.memref_slice %arg11[%dma_start3A_705] : memref<2048xi32, #tpu.memory_space<vmem>> -> memref<2048xi32, #tpu.memory_space<vmem>>
    %dma_start3A_707 = arith.constant 0 : i32
    %dma_start3A_708 = tpu.memref_slice %arg17[%dma_start3A_707] : memref<100352xf32, #tpu.memory_space<vmem_shared>> -> memref<100352xf32, #tpu.memory_space<vmem_shared>>
    tpu.enqueue_indirect_dma source(%dma_start3A_704 : memref<2048xf32, #tpu.memory_space<vmem>>) target(%dma_start3A_708 : memref<100352xf32, #tpu.memory_space<vmem_shared>>) offsets(%dma_start3A_706 : memref<2048xi32, #tpu.memory_space<vmem>>) semaphore(%arg25 : memref<!tpu.dma_semaphore, #tpu.memory_space<semaphore_mem>>) {add = true}
    %dma_wait3A_709 = arith.constant 0 : i32
    %dma_wait3A_710 = tpu.memref_slice %arg3[%dma_wait3A_709, %mul3A_682] : memref<2x1600000xi32, #tpu.memory_space<hbm>> -> memref<1x2048xi32, #tpu.memory_space<hbm>>
    %dma_wait3A_711 = tpu.memref_squeeze %dma_wait3A_710 : memref<1x2048xi32, #tpu.memory_space<hbm>> -> memref<2048xi32, #tpu.memory_space<hbm>>
    %dma_wait3A_712 = tpu.memref_slice %arg3[%dma_wait3A_709, %mul3A_682] : memref<2x1600000xi32, #tpu.memory_space<hbm>> -> memref<1x2048xi32, #tpu.memory_space<hbm>>
    %dma_wait3A_713 = tpu.memref_squeeze %dma_wait3A_712 : memref<1x2048xi32, #tpu.memory_space<hbm>> -> memref<2048xi32, #tpu.memory_space<hbm>>
    tpu.wait_dma2 semaphore(%arg18 : memref<!tpu.dma_semaphore, #tpu.memory_space<semaphore_mem>>) src(%dma_wait3A_713 : memref<2048xi32, #tpu.memory_space<hbm>>) dst(%arg7 : memref<2048xi32, #tpu.memory_space<vmem>>)
    %dma_wait3A_714 = tpu.memref_slice %arg3[%add3A_1, %mul3A_689] : memref<2x1600000xi32, #tpu.memory_space<hbm>> -> memref<1x2048xi32, #tpu.memory_space<hbm>>
    %dma_wait3A_715 = tpu.memref_squeeze %dma_wait3A_714 : memref<1x2048xi32, #tpu.memory_space<hbm>> -> memref<2048xi32, #tpu.memory_space<hbm>>
    %dma_wait3A_716 = tpu.memref_slice %arg3[%add3A_1, %mul3A_689] : memref<2x1600000xi32, #tpu.memory_space<hbm>> -> memref<1x2048xi32, #tpu.memory_space<hbm>>
    %dma_wait3A_717 = tpu.memref_squeeze %dma_wait3A_716 : memref<1x2048xi32, #tpu.memory_space<hbm>> -> memref<2048xi32, #tpu.memory_space<hbm>>
    tpu.wait_dma2 semaphore(%arg20 : memref<!tpu.dma_semaphore, #tpu.memory_space<semaphore_mem>>) src(%dma_wait3A_717 : memref<2048xi32, #tpu.memory_space<hbm>>) dst(%arg9 : memref<2048xi32, #tpu.memory_space<vmem>>)
    %dma_wait3A_718 = arith.constant 0 : i32
    %dma_wait3A_719 = tpu.memref_slice %arg13[%dma_wait3A_718] : memref<2048xf32, #tpu.memory_space<vmem>> -> memref<2048xf32, #tpu.memory_space<vmem>>
    %dma_wait3A_720 = arith.constant 0 : i32
    %dma_wait3A_721 = tpu.memref_slice %arg10[%dma_wait3A_720] : memref<2048xi32, #tpu.memory_space<vmem>> -> memref<2048xi32, #tpu.memory_space<vmem>>
    %dma_wait3A_722 = arith.constant 0 : i32
    %dma_wait3A_723 = tpu.memref_slice %arg16[%dma_wait3A_722] : memref<100352xf32, #tpu.memory_space<vmem_shared>> -> memref<100352xf32, #tpu.memory_space<vmem_shared>>
    tpu.wait_indirect_dma semaphore(%arg24 : memref<!tpu.dma_semaphore, #tpu.memory_space<semaphore_mem>>) src(%dma_wait3A_719 : memref<2048xf32, #tpu.memory_space<vmem>>) dst(%dma_wait3A_723 : memref<100352xf32, #tpu.memory_space<vmem_shared>>)
    %dma_wait3A_724 = arith.constant 0 : i32
    %dma_wait3A_725 = tpu.memref_slice %arg15[%dma_wait3A_724] : memref<2048xf32, #tpu.memory_space<vmem>> -> memref<2048xf32, #tpu.memory_space<vmem>>
    %dma_wait3A_726 = arith.constant 0 : i32
    %dma_wait3A_727 = tpu.memref_slice %arg10[%dma_wait3A_726] : memref<2048xi32, #tpu.memory_space<vmem>> -> memref<2048xi32, #tpu.memory_space<vmem>>
    %dma_wait3A_728 = arith.constant 0 : i32
    %dma_wait3A_729 = tpu.memref_slice %arg17[%dma_wait3A_728] : memref<100352xf32, #tpu.memory_space<vmem_shared>> -> memref<100352xf32, #tpu.memory_space<vmem_shared>>
    tpu.wait_indirect_dma semaphore(%arg24 : memref<!tpu.dma_semaphore, #tpu.memory_space<semaphore_mem>>) src(%dma_wait3A_725 : memref<2048xf32, #tpu.memory_space<vmem>>) dst(%dma_wait3A_729 : memref<100352xf32, #tpu.memory_space<vmem_shared>>)
    %mul3A_730 = arith.constant 24 : i32
    %mul3A_731 = arith.muli %add3A_80, %mul3A_730 : i32
    %add3A_732 = arith.constant 13 : i32
    %add3A_733 = arith.addi %mul3A_731, %add3A_732 : i32
    %mul3A_734 = arith.constant 2048 : i32
    %mul3A_735 = arith.muli %add3A_733, %mul3A_734 : i32
    %dma_start3A_736 = arith.constant 0 : i32
    %dma_start3A_737 = tpu.memref_slice %arg3[%dma_start3A_736, %mul3A_735] : memref<2x1600000xi32, #tpu.memory_space<hbm>> -> memref<1x2048xi32, #tpu.memory_space<hbm>>
    %dma_start3A_738 = tpu.memref_squeeze %dma_start3A_737 : memref<1x2048xi32, #tpu.memory_space<hbm>> -> memref<2048xi32, #tpu.memory_space<hbm>>
    %dma_start3A_739 = tpu.memref_slice %arg3[%dma_start3A_736, %mul3A_735] : memref<2x1600000xi32, #tpu.memory_space<hbm>> -> memref<1x2048xi32, #tpu.memory_space<hbm>>
    %dma_start3A_740 = tpu.memref_squeeze %dma_start3A_739 : memref<1x2048xi32, #tpu.memory_space<hbm>> -> memref<2048xi32, #tpu.memory_space<hbm>>
    tpu.enqueue_dma source(%dma_start3A_740 : memref<2048xi32, #tpu.memory_space<hbm>>) target(%arg8 : memref<2048xi32, #tpu.memory_space<vmem>>) target_semaphore(%arg19 : memref<!tpu.dma_semaphore, #tpu.memory_space<semaphore_mem>>)
    %mul3A_741 = arith.constant 2048 : i32
    %mul3A_742 = arith.muli %add3A_733, %mul3A_741 : i32
    %dma_start3A_743 = tpu.memref_slice %arg3[%add3A_1, %mul3A_742] : memref<2x1600000xi32, #tpu.memory_space<hbm>> -> memref<1x2048xi32, #tpu.memory_space<hbm>>
    %dma_start3A_744 = tpu.memref_squeeze %dma_start3A_743 : memref<1x2048xi32, #tpu.memory_space<hbm>> -> memref<2048xi32, #tpu.memory_space<hbm>>
    %dma_start3A_745 = tpu.memref_slice %arg3[%add3A_1, %mul3A_742] : memref<2x1600000xi32, #tpu.memory_space<hbm>> -> memref<1x2048xi32, #tpu.memory_space<hbm>>
    %dma_start3A_746 = tpu.memref_squeeze %dma_start3A_745 : memref<1x2048xi32, #tpu.memory_space<hbm>> -> memref<2048xi32, #tpu.memory_space<hbm>>
    tpu.enqueue_dma source(%dma_start3A_746 : memref<2048xi32, #tpu.memory_space<hbm>>) target(%arg10 : memref<2048xi32, #tpu.memory_space<vmem>>) target_semaphore(%arg21 : memref<!tpu.dma_semaphore, #tpu.memory_space<semaphore_mem>>)
    %parallel_loop3A_747 = arith.constant 0 : i32
    %parallel_loop3A_748 = arith.constant 2048 : i32
    %parallel_loop3A_749 = arith.constant 16 : i32
    scf.for %parallel_loop3A_1361 = %parallel_loop3A_747 to %parallel_loop3A_748 step %parallel_loop3A_749  : i32 {
      %parallel_loop3A_1362 = arith.index_cast %parallel_loop3A_1361 : i32 to index
      %parallel_loop3A_1363 = tpu.vector_load %arg7[%parallel_loop3A_1362] {strides = array<i32>} : memref<2048xi32, #tpu.memory_space<vmem>>, vector<16xi32>,
      %parallel_loop3A_1364 = tpu.vector_load_idx %arg6[%parallel_loop3A_1363] : memref<100000xf32, #tpu.memory_space<vmem>>[vector<16xi32>], vector<16xf32>,
      %parallel_loop3A_1365 = arith.index_cast %parallel_loop3A_1361 : i32 to index
      %parallel_loop3A_1366 = tpu.vector_load %arg12[%parallel_loop3A_1365] {strides = array<i32>} : memref<2048xf32, #tpu.memory_space<vmem>>, vector<16xf32>,
      tpu.vector_store %arg12[%parallel_loop3A_1365], %parallel_loop3A_1364 {strides = array<i32>} : memref<2048xf32, #tpu.memory_space<vmem>>, vector<16xf32>,
    } {sc.loop_unroll_factor = 8 : i64, sc.parallel_access}
    %dma_start3A_750 = arith.constant 0 : i32
    %dma_start3A_751 = tpu.memref_slice %arg12[%dma_start3A_750] : memref<2048xf32, #tpu.memory_space<vmem>> -> memref<2048xf32, #tpu.memory_space<vmem>>
    %dma_start3A_752 = arith.constant 0 : i32
    %dma_start3A_753 = tpu.memref_slice %arg9[%dma_start3A_752] : memref<2048xi32, #tpu.memory_space<vmem>> -> memref<2048xi32, #tpu.memory_space<vmem>>
    %dma_start3A_754 = arith.constant 0 : i32
    %dma_start3A_755 = tpu.memref_slice %arg16[%dma_start3A_754] : memref<100352xf32, #tpu.memory_space<vmem_shared>> -> memref<100352xf32, #tpu.memory_space<vmem_shared>>
    tpu.enqueue_indirect_dma source(%dma_start3A_751 : memref<2048xf32, #tpu.memory_space<vmem>>) target(%dma_start3A_755 : memref<100352xf32, #tpu.memory_space<vmem_shared>>) offsets(%dma_start3A_753 : memref<2048xi32, #tpu.memory_space<vmem>>) semaphore(%arg23 : memref<!tpu.dma_semaphore, #tpu.memory_space<semaphore_mem>>) {add = true}
    %dma_start3A_756 = arith.constant 0 : i32
    %dma_start3A_757 = tpu.memref_slice %arg15[%dma_start3A_756] : memref<2048xf32, #tpu.memory_space<vmem>> -> memref<2048xf32, #tpu.memory_space<vmem>>
    %dma_start3A_758 = arith.constant 0 : i32
    %dma_start3A_759 = tpu.memref_slice %arg9[%dma_start3A_758] : memref<2048xi32, #tpu.memory_space<vmem>> -> memref<2048xi32, #tpu.memory_space<vmem>>
    %dma_start3A_760 = arith.constant 0 : i32
    %dma_start3A_761 = tpu.memref_slice %arg17[%dma_start3A_760] : memref<100352xf32, #tpu.memory_space<vmem_shared>> -> memref<100352xf32, #tpu.memory_space<vmem_shared>>
    tpu.enqueue_indirect_dma source(%dma_start3A_757 : memref<2048xf32, #tpu.memory_space<vmem>>) target(%dma_start3A_761 : memref<100352xf32, #tpu.memory_space<vmem_shared>>) offsets(%dma_start3A_759 : memref<2048xi32, #tpu.memory_space<vmem>>) semaphore(%arg23 : memref<!tpu.dma_semaphore, #tpu.memory_space<semaphore_mem>>) {add = true}
    %dma_wait3A_762 = arith.constant 0 : i32
    %dma_wait3A_763 = tpu.memref_slice %arg3[%dma_wait3A_762, %mul3A_735] : memref<2x1600000xi32, #tpu.memory_space<hbm>> -> memref<1x2048xi32, #tpu.memory_space<hbm>>
    %dma_wait3A_764 = tpu.memref_squeeze %dma_wait3A_763 : memref<1x2048xi32, #tpu.memory_space<hbm>> -> memref<2048xi32, #tpu.memory_space<hbm>>
    %dma_wait3A_765 = tpu.memref_slice %arg3[%dma_wait3A_762, %mul3A_735] : memref<2x1600000xi32, #tpu.memory_space<hbm>> -> memref<1x2048xi32, #tpu.memory_space<hbm>>
    %dma_wait3A_766 = tpu.memref_squeeze %dma_wait3A_765 : memref<1x2048xi32, #tpu.memory_space<hbm>> -> memref<2048xi32, #tpu.memory_space<hbm>>
    tpu.wait_dma2 semaphore(%arg19 : memref<!tpu.dma_semaphore, #tpu.memory_space<semaphore_mem>>) src(%dma_wait3A_766 : memref<2048xi32, #tpu.memory_space<hbm>>) dst(%arg8 : memref<2048xi32, #tpu.memory_space<vmem>>)
    %dma_wait3A_767 = tpu.memref_slice %arg3[%add3A_1, %mul3A_742] : memref<2x1600000xi32, #tpu.memory_space<hbm>> -> memref<1x2048xi32, #tpu.memory_space<hbm>>
    %dma_wait3A_768 = tpu.memref_squeeze %dma_wait3A_767 : memref<1x2048xi32, #tpu.memory_space<hbm>> -> memref<2048xi32, #tpu.memory_space<hbm>>
    %dma_wait3A_769 = tpu.memref_slice %arg3[%add3A_1, %mul3A_742] : memref<2x1600000xi32, #tpu.memory_space<hbm>> -> memref<1x2048xi32, #tpu.memory_space<hbm>>
    %dma_wait3A_770 = tpu.memref_squeeze %dma_wait3A_769 : memref<1x2048xi32, #tpu.memory_space<hbm>> -> memref<2048xi32, #tpu.memory_space<hbm>>
    tpu.wait_dma2 semaphore(%arg21 : memref<!tpu.dma_semaphore, #tpu.memory_space<semaphore_mem>>) src(%dma_wait3A_770 : memref<2048xi32, #tpu.memory_space<hbm>>) dst(%arg10 : memref<2048xi32, #tpu.memory_space<vmem>>)
    %dma_wait3A_771 = arith.constant 0 : i32
    %dma_wait3A_772 = tpu.memref_slice %arg14[%dma_wait3A_771] : memref<2048xf32, #tpu.memory_space<vmem>> -> memref<2048xf32, #tpu.memory_space<vmem>>
    %dma_wait3A_773 = arith.constant 0 : i32
    %dma_wait3A_774 = tpu.memref_slice %arg11[%dma_wait3A_773] : memref<2048xi32, #tpu.memory_space<vmem>> -> memref<2048xi32, #tpu.memory_space<vmem>>
    %dma_wait3A_775 = arith.constant 0 : i32
    %dma_wait3A_776 = tpu.memref_slice %arg16[%dma_wait3A_775] : memref<100352xf32, #tpu.memory_space<vmem_shared>> -> memref<100352xf32, #tpu.memory_space<vmem_shared>>
    tpu.wait_indirect_dma semaphore(%arg25 : memref<!tpu.dma_semaphore, #tpu.memory_space<semaphore_mem>>) src(%dma_wait3A_772 : memref<2048xf32, #tpu.memory_space<vmem>>) dst(%dma_wait3A_776 : memref<100352xf32, #tpu.memory_space<vmem_shared>>)
    %dma_wait3A_777 = arith.constant 0 : i32
    %dma_wait3A_778 = tpu.memref_slice %arg15[%dma_wait3A_777] : memref<2048xf32, #tpu.memory_space<vmem>> -> memref<2048xf32, #tpu.memory_space<vmem>>
    %dma_wait3A_779 = arith.constant 0 : i32
    %dma_wait3A_780 = tpu.memref_slice %arg11[%dma_wait3A_779] : memref<2048xi32, #tpu.memory_space<vmem>> -> memref<2048xi32, #tpu.memory_space<vmem>>
    %dma_wait3A_781 = arith.constant 0 : i32
    %dma_wait3A_782 = tpu.memref_slice %arg17[%dma_wait3A_781] : memref<100352xf32, #tpu.memory_space<vmem_shared>> -> memref<100352xf32, #tpu.memory_space<vmem_shared>>
    tpu.wait_indirect_dma semaphore(%arg25 : memref<!tpu.dma_semaphore, #tpu.memory_space<semaphore_mem>>) src(%dma_wait3A_778 : memref<2048xf32, #tpu.memory_space<vmem>>) dst(%dma_wait3A_782 : memref<100352xf32, #tpu.memory_space<vmem_shared>>)
    %mul3A_783 = arith.constant 24 : i32
    %mul3A_784 = arith.muli %add3A_80, %mul3A_783 : i32
    %add3A_785 = arith.constant 14 : i32
    %add3A_786 = arith.addi %mul3A_784, %add3A_785 : i32
    %mul3A_787 = arith.constant 2048 : i32
    %mul3A_788 = arith.muli %add3A_786, %mul3A_787 : i32
    %dma_start3A_789 = arith.constant 0 : i32
    %dma_start3A_790 = tpu.memref_slice %arg3[%dma_start3A_789, %mul3A_788] : memref<2x1600000xi32, #tpu.memory_space<hbm>> -> memref<1x2048xi32, #tpu.memory_space<hbm>>
    %dma_start3A_791 = tpu.memref_squeeze %dma_start3A_790 : memref<1x2048xi32, #tpu.memory_space<hbm>> -> memref<2048xi32, #tpu.memory_space<hbm>>
    %dma_start3A_792 = tpu.memref_slice %arg3[%dma_start3A_789, %mul3A_788] : memref<2x1600000xi32, #tpu.memory_space<hbm>> -> memref<1x2048xi32, #tpu.memory_space<hbm>>
    %dma_start3A_793 = tpu.memref_squeeze %dma_start3A_792 : memref<1x2048xi32, #tpu.memory_space<hbm>> -> memref<2048xi32, #tpu.memory_space<hbm>>
    tpu.enqueue_dma source(%dma_start3A_793 : memref<2048xi32, #tpu.memory_space<hbm>>) target(%arg7 : memref<2048xi32, #tpu.memory_space<vmem>>) target_semaphore(%arg18 : memref<!tpu.dma_semaphore, #tpu.memory_space<semaphore_mem>>)
    %mul3A_794 = arith.constant 2048 : i32
    %mul3A_795 = arith.muli %add3A_786, %mul3A_794 : i32
    %dma_start3A_796 = tpu.memref_slice %arg3[%add3A_1, %mul3A_795] : memref<2x1600000xi32, #tpu.memory_space<hbm>> -> memref<1x2048xi32, #tpu.memory_space<hbm>>
    %dma_start3A_797 = tpu.memref_squeeze %dma_start3A_796 : memref<1x2048xi32, #tpu.memory_space<hbm>> -> memref<2048xi32, #tpu.memory_space<hbm>>
    %dma_start3A_798 = tpu.memref_slice %arg3[%add3A_1, %mul3A_795] : memref<2x1600000xi32, #tpu.memory_space<hbm>> -> memref<1x2048xi32, #tpu.memory_space<hbm>>
    %dma_start3A_799 = tpu.memref_squeeze %dma_start3A_798 : memref<1x2048xi32, #tpu.memory_space<hbm>> -> memref<2048xi32, #tpu.memory_space<hbm>>
    tpu.enqueue_dma source(%dma_start3A_799 : memref<2048xi32, #tpu.memory_space<hbm>>) target(%arg11 : memref<2048xi32, #tpu.memory_space<vmem>>) target_semaphore(%arg22 : memref<!tpu.dma_semaphore, #tpu.memory_space<semaphore_mem>>)
    %parallel_loop3A_800 = arith.constant 0 : i32
    %parallel_loop3A_801 = arith.constant 2048 : i32
    %parallel_loop3A_802 = arith.constant 16 : i32
    scf.for %parallel_loop3A_1361 = %parallel_loop3A_800 to %parallel_loop3A_801 step %parallel_loop3A_802  : i32 {
      %parallel_loop3A_1362 = arith.index_cast %parallel_loop3A_1361 : i32 to index
      %parallel_loop3A_1363 = tpu.vector_load %arg8[%parallel_loop3A_1362] {strides = array<i32>} : memref<2048xi32, #tpu.memory_space<vmem>>, vector<16xi32>,
      %parallel_loop3A_1364 = tpu.vector_load_idx %arg6[%parallel_loop3A_1363] : memref<100000xf32, #tpu.memory_space<vmem>>[vector<16xi32>], vector<16xf32>,
      %parallel_loop3A_1365 = arith.index_cast %parallel_loop3A_1361 : i32 to index
      %parallel_loop3A_1366 = tpu.vector_load %arg13[%parallel_loop3A_1365] {strides = array<i32>} : memref<2048xf32, #tpu.memory_space<vmem>>, vector<16xf32>,
      tpu.vector_store %arg13[%parallel_loop3A_1365], %parallel_loop3A_1364 {strides = array<i32>} : memref<2048xf32, #tpu.memory_space<vmem>>, vector<16xf32>,
    } {sc.loop_unroll_factor = 8 : i64, sc.parallel_access}
    %dma_start3A_803 = arith.constant 0 : i32
    %dma_start3A_804 = tpu.memref_slice %arg13[%dma_start3A_803] : memref<2048xf32, #tpu.memory_space<vmem>> -> memref<2048xf32, #tpu.memory_space<vmem>>
    %dma_start3A_805 = arith.constant 0 : i32
    %dma_start3A_806 = tpu.memref_slice %arg10[%dma_start3A_805] : memref<2048xi32, #tpu.memory_space<vmem>> -> memref<2048xi32, #tpu.memory_space<vmem>>
    %dma_start3A_807 = arith.constant 0 : i32
    %dma_start3A_808 = tpu.memref_slice %arg16[%dma_start3A_807] : memref<100352xf32, #tpu.memory_space<vmem_shared>> -> memref<100352xf32, #tpu.memory_space<vmem_shared>>
    tpu.enqueue_indirect_dma source(%dma_start3A_804 : memref<2048xf32, #tpu.memory_space<vmem>>) target(%dma_start3A_808 : memref<100352xf32, #tpu.memory_space<vmem_shared>>) offsets(%dma_start3A_806 : memref<2048xi32, #tpu.memory_space<vmem>>) semaphore(%arg24 : memref<!tpu.dma_semaphore, #tpu.memory_space<semaphore_mem>>) {add = true}
    %dma_start3A_809 = arith.constant 0 : i32
    %dma_start3A_810 = tpu.memref_slice %arg15[%dma_start3A_809] : memref<2048xf32, #tpu.memory_space<vmem>> -> memref<2048xf32, #tpu.memory_space<vmem>>
    %dma_start3A_811 = arith.constant 0 : i32
    %dma_start3A_812 = tpu.memref_slice %arg10[%dma_start3A_811] : memref<2048xi32, #tpu.memory_space<vmem>> -> memref<2048xi32, #tpu.memory_space<vmem>>
    %dma_start3A_813 = arith.constant 0 : i32
    %dma_start3A_814 = tpu.memref_slice %arg17[%dma_start3A_813] : memref<100352xf32, #tpu.memory_space<vmem_shared>> -> memref<100352xf32, #tpu.memory_space<vmem_shared>>
    tpu.enqueue_indirect_dma source(%dma_start3A_810 : memref<2048xf32, #tpu.memory_space<vmem>>) target(%dma_start3A_814 : memref<100352xf32, #tpu.memory_space<vmem_shared>>) offsets(%dma_start3A_812 : memref<2048xi32, #tpu.memory_space<vmem>>) semaphore(%arg24 : memref<!tpu.dma_semaphore, #tpu.memory_space<semaphore_mem>>) {add = true}
    %dma_wait3A_815 = arith.constant 0 : i32
    %dma_wait3A_816 = tpu.memref_slice %arg3[%dma_wait3A_815, %mul3A_788] : memref<2x1600000xi32, #tpu.memory_space<hbm>> -> memref<1x2048xi32, #tpu.memory_space<hbm>>
    %dma_wait3A_817 = tpu.memref_squeeze %dma_wait3A_816 : memref<1x2048xi32, #tpu.memory_space<hbm>> -> memref<2048xi32, #tpu.memory_space<hbm>>
    %dma_wait3A_818 = tpu.memref_slice %arg3[%dma_wait3A_815, %mul3A_788] : memref<2x1600000xi32, #tpu.memory_space<hbm>> -> memref<1x2048xi32, #tpu.memory_space<hbm>>
    %dma_wait3A_819 = tpu.memref_squeeze %dma_wait3A_818 : memref<1x2048xi32, #tpu.memory_space<hbm>> -> memref<2048xi32, #tpu.memory_space<hbm>>
    tpu.wait_dma2 semaphore(%arg18 : memref<!tpu.dma_semaphore, #tpu.memory_space<semaphore_mem>>) src(%dma_wait3A_819 : memref<2048xi32, #tpu.memory_space<hbm>>) dst(%arg7 : memref<2048xi32, #tpu.memory_space<vmem>>)
    %dma_wait3A_820 = tpu.memref_slice %arg3[%add3A_1, %mul3A_795] : memref<2x1600000xi32, #tpu.memory_space<hbm>> -> memref<1x2048xi32, #tpu.memory_space<hbm>>
    %dma_wait3A_821 = tpu.memref_squeeze %dma_wait3A_820 : memref<1x2048xi32, #tpu.memory_space<hbm>> -> memref<2048xi32, #tpu.memory_space<hbm>>
    %dma_wait3A_822 = tpu.memref_slice %arg3[%add3A_1, %mul3A_795] : memref<2x1600000xi32, #tpu.memory_space<hbm>> -> memref<1x2048xi32, #tpu.memory_space<hbm>>
    %dma_wait3A_823 = tpu.memref_squeeze %dma_wait3A_822 : memref<1x2048xi32, #tpu.memory_space<hbm>> -> memref<2048xi32, #tpu.memory_space<hbm>>
    tpu.wait_dma2 semaphore(%arg22 : memref<!tpu.dma_semaphore, #tpu.memory_space<semaphore_mem>>) src(%dma_wait3A_823 : memref<2048xi32, #tpu.memory_space<hbm>>) dst(%arg11 : memref<2048xi32, #tpu.memory_space<vmem>>)
    %dma_wait3A_824 = arith.constant 0 : i32
    %dma_wait3A_825 = tpu.memref_slice %arg12[%dma_wait3A_824] : memref<2048xf32, #tpu.memory_space<vmem>> -> memref<2048xf32, #tpu.memory_space<vmem>>
    %dma_wait3A_826 = arith.constant 0 : i32
    %dma_wait3A_827 = tpu.memref_slice %arg9[%dma_wait3A_826] : memref<2048xi32, #tpu.memory_space<vmem>> -> memref<2048xi32, #tpu.memory_space<vmem>>
    %dma_wait3A_828 = arith.constant 0 : i32
    %dma_wait3A_829 = tpu.memref_slice %arg16[%dma_wait3A_828] : memref<100352xf32, #tpu.memory_space<vmem_shared>> -> memref<100352xf32, #tpu.memory_space<vmem_shared>>
    tpu.wait_indirect_dma semaphore(%arg23 : memref<!tpu.dma_semaphore, #tpu.memory_space<semaphore_mem>>) src(%dma_wait3A_825 : memref<2048xf32, #tpu.memory_space<vmem>>) dst(%dma_wait3A_829 : memref<100352xf32, #tpu.memory_space<vmem_shared>>)
    %dma_wait3A_830 = arith.constant 0 : i32
    %dma_wait3A_831 = tpu.memref_slice %arg15[%dma_wait3A_830] : memref<2048xf32, #tpu.memory_space<vmem>> -> memref<2048xf32, #tpu.memory_space<vmem>>
    %dma_wait3A_832 = arith.constant 0 : i32
    %dma_wait3A_833 = tpu.memref_slice %arg9[%dma_wait3A_832] : memref<2048xi32, #tpu.memory_space<vmem>> -> memref<2048xi32, #tpu.memory_space<vmem>>
    %dma_wait3A_834 = arith.constant 0 : i32
    %dma_wait3A_835 = tpu.memref_slice %arg17[%dma_wait3A_834] : memref<100352xf32, #tpu.memory_space<vmem_shared>> -> memref<100352xf32, #tpu.memory_space<vmem_shared>>
    tpu.wait_indirect_dma semaphore(%arg23 : memref<!tpu.dma_semaphore, #tpu.memory_space<semaphore_mem>>) src(%dma_wait3A_831 : memref<2048xf32, #tpu.memory_space<vmem>>) dst(%dma_wait3A_835 : memref<100352xf32, #tpu.memory_space<vmem_shared>>)
    %mul3A_836 = arith.constant 24 : i32
    %mul3A_837 = arith.muli %add3A_80, %mul3A_836 : i32
    %add3A_838 = arith.constant 15 : i32
    %add3A_839 = arith.addi %mul3A_837, %add3A_838 : i32
    %mul3A_840 = arith.constant 2048 : i32
    %mul3A_841 = arith.muli %add3A_839, %mul3A_840 : i32
    %dma_start3A_842 = arith.constant 0 : i32
    %dma_start3A_843 = tpu.memref_slice %arg3[%dma_start3A_842, %mul3A_841] : memref<2x1600000xi32, #tpu.memory_space<hbm>> -> memref<1x2048xi32, #tpu.memory_space<hbm>>
    %dma_start3A_844 = tpu.memref_squeeze %dma_start3A_843 : memref<1x2048xi32, #tpu.memory_space<hbm>> -> memref<2048xi32, #tpu.memory_space<hbm>>
    %dma_start3A_845 = tpu.memref_slice %arg3[%dma_start3A_842, %mul3A_841] : memref<2x1600000xi32, #tpu.memory_space<hbm>> -> memref<1x2048xi32, #tpu.memory_space<hbm>>
    %dma_start3A_846 = tpu.memref_squeeze %dma_start3A_845 : memref<1x2048xi32, #tpu.memory_space<hbm>> -> memref<2048xi32, #tpu.memory_space<hbm>>
    tpu.enqueue_dma source(%dma_start3A_846 : memref<2048xi32, #tpu.memory_space<hbm>>) target(%arg8 : memref<2048xi32, #tpu.memory_space<vmem>>) target_semaphore(%arg19 : memref<!tpu.dma_semaphore, #tpu.memory_space<semaphore_mem>>)
    %mul3A_847 = arith.constant 2048 : i32
    %mul3A_848 = arith.muli %add3A_839, %mul3A_847 : i32
    %dma_start3A_849 = tpu.memref_slice %arg3[%add3A_1, %mul3A_848] : memref<2x1600000xi32, #tpu.memory_space<hbm>> -> memref<1x2048xi32, #tpu.memory_space<hbm>>
    %dma_start3A_850 = tpu.memref_squeeze %dma_start3A_849 : memref<1x2048xi32, #tpu.memory_space<hbm>> -> memref<2048xi32, #tpu.memory_space<hbm>>
    %dma_start3A_851 = tpu.memref_slice %arg3[%add3A_1, %mul3A_848] : memref<2x1600000xi32, #tpu.memory_space<hbm>> -> memref<1x2048xi32, #tpu.memory_space<hbm>>
    %dma_start3A_852 = tpu.memref_squeeze %dma_start3A_851 : memref<1x2048xi32, #tpu.memory_space<hbm>> -> memref<2048xi32, #tpu.memory_space<hbm>>
    tpu.enqueue_dma source(%dma_start3A_852 : memref<2048xi32, #tpu.memory_space<hbm>>) target(%arg9 : memref<2048xi32, #tpu.memory_space<vmem>>) target_semaphore(%arg20 : memref<!tpu.dma_semaphore, #tpu.memory_space<semaphore_mem>>)
    %parallel_loop3A_853 = arith.constant 0 : i32
    %parallel_loop3A_854 = arith.constant 2048 : i32
    %parallel_loop3A_855 = arith.constant 16 : i32
    scf.for %parallel_loop3A_1361 = %parallel_loop3A_853 to %parallel_loop3A_854 step %parallel_loop3A_855  : i32 {
      %parallel_loop3A_1362 = arith.index_cast %parallel_loop3A_1361 : i32 to index
      %parallel_loop3A_1363 = tpu.vector_load %arg7[%parallel_loop3A_1362] {strides = array<i32>} : memref<2048xi32, #tpu.memory_space<vmem>>, vector<16xi32>,
      %parallel_loop3A_1364 = tpu.vector_load_idx %arg6[%parallel_loop3A_1363] : memref<100000xf32, #tpu.memory_space<vmem>>[vector<16xi32>], vector<16xf32>,
      %parallel_loop3A_1365 = arith.index_cast %parallel_loop3A_1361 : i32 to index
      %parallel_loop3A_1366 = tpu.vector_load %arg14[%parallel_loop3A_1365] {strides = array<i32>} : memref<2048xf32, #tpu.memory_space<vmem>>, vector<16xf32>,
      tpu.vector_store %arg14[%parallel_loop3A_1365], %parallel_loop3A_1364 {strides = array<i32>} : memref<2048xf32, #tpu.memory_space<vmem>>, vector<16xf32>,
    } {sc.loop_unroll_factor = 8 : i64, sc.parallel_access}
    %dma_start3A_856 = arith.constant 0 : i32
    %dma_start3A_857 = tpu.memref_slice %arg14[%dma_start3A_856] : memref<2048xf32, #tpu.memory_space<vmem>> -> memref<2048xf32, #tpu.memory_space<vmem>>
    %dma_start3A_858 = arith.constant 0 : i32
    %dma_start3A_859 = tpu.memref_slice %arg11[%dma_start3A_858] : memref<2048xi32, #tpu.memory_space<vmem>> -> memref<2048xi32, #tpu.memory_space<vmem>>
    %dma_start3A_860 = arith.constant 0 : i32
    %dma_start3A_861 = tpu.memref_slice %arg16[%dma_start3A_860] : memref<100352xf32, #tpu.memory_space<vmem_shared>> -> memref<100352xf32, #tpu.memory_space<vmem_shared>>
    tpu.enqueue_indirect_dma source(%dma_start3A_857 : memref<2048xf32, #tpu.memory_space<vmem>>) target(%dma_start3A_861 : memref<100352xf32, #tpu.memory_space<vmem_shared>>) offsets(%dma_start3A_859 : memref<2048xi32, #tpu.memory_space<vmem>>) semaphore(%arg25 : memref<!tpu.dma_semaphore, #tpu.memory_space<semaphore_mem>>) {add = true}
    %dma_start3A_862 = arith.constant 0 : i32
    %dma_start3A_863 = tpu.memref_slice %arg15[%dma_start3A_862] : memref<2048xf32, #tpu.memory_space<vmem>> -> memref<2048xf32, #tpu.memory_space<vmem>>
    %dma_start3A_864 = arith.constant 0 : i32
    %dma_start3A_865 = tpu.memref_slice %arg11[%dma_start3A_864] : memref<2048xi32, #tpu.memory_space<vmem>> -> memref<2048xi32, #tpu.memory_space<vmem>>
    %dma_start3A_866 = arith.constant 0 : i32
    %dma_start3A_867 = tpu.memref_slice %arg17[%dma_start3A_866] : memref<100352xf32, #tpu.memory_space<vmem_shared>> -> memref<100352xf32, #tpu.memory_space<vmem_shared>>
    tpu.enqueue_indirect_dma source(%dma_start3A_863 : memref<2048xf32, #tpu.memory_space<vmem>>) target(%dma_start3A_867 : memref<100352xf32, #tpu.memory_space<vmem_shared>>) offsets(%dma_start3A_865 : memref<2048xi32, #tpu.memory_space<vmem>>) semaphore(%arg25 : memref<!tpu.dma_semaphore, #tpu.memory_space<semaphore_mem>>) {add = true}
    %dma_wait3A_868 = arith.constant 0 : i32
    %dma_wait3A_869 = tpu.memref_slice %arg3[%dma_wait3A_868, %mul3A_841] : memref<2x1600000xi32, #tpu.memory_space<hbm>> -> memref<1x2048xi32, #tpu.memory_space<hbm>>
    %dma_wait3A_870 = tpu.memref_squeeze %dma_wait3A_869 : memref<1x2048xi32, #tpu.memory_space<hbm>> -> memref<2048xi32, #tpu.memory_space<hbm>>
    %dma_wait3A_871 = tpu.memref_slice %arg3[%dma_wait3A_868, %mul3A_841] : memref<2x1600000xi32, #tpu.memory_space<hbm>> -> memref<1x2048xi32, #tpu.memory_space<hbm>>
    %dma_wait3A_872 = tpu.memref_squeeze %dma_wait3A_871 : memref<1x2048xi32, #tpu.memory_space<hbm>> -> memref<2048xi32, #tpu.memory_space<hbm>>
    tpu.wait_dma2 semaphore(%arg19 : memref<!tpu.dma_semaphore, #tpu.memory_space<semaphore_mem>>) src(%dma_wait3A_872 : memref<2048xi32, #tpu.memory_space<hbm>>) dst(%arg8 : memref<2048xi32, #tpu.memory_space<vmem>>)
    %dma_wait3A_873 = tpu.memref_slice %arg3[%add3A_1, %mul3A_848] : memref<2x1600000xi32, #tpu.memory_space<hbm>> -> memref<1x2048xi32, #tpu.memory_space<hbm>>
    %dma_wait3A_874 = tpu.memref_squeeze %dma_wait3A_873 : memref<1x2048xi32, #tpu.memory_space<hbm>> -> memref<2048xi32, #tpu.memory_space<hbm>>
    %dma_wait3A_875 = tpu.memref_slice %arg3[%add3A_1, %mul3A_848] : memref<2x1600000xi32, #tpu.memory_space<hbm>> -> memref<1x2048xi32, #tpu.memory_space<hbm>>
    %dma_wait3A_876 = tpu.memref_squeeze %dma_wait3A_875 : memref<1x2048xi32, #tpu.memory_space<hbm>> -> memref<2048xi32, #tpu.memory_space<hbm>>
    tpu.wait_dma2 semaphore(%arg20 : memref<!tpu.dma_semaphore, #tpu.memory_space<semaphore_mem>>) src(%dma_wait3A_876 : memref<2048xi32, #tpu.memory_space<hbm>>) dst(%arg9 : memref<2048xi32, #tpu.memory_space<vmem>>)
    %dma_wait3A_877 = arith.constant 0 : i32
    %dma_wait3A_878 = tpu.memref_slice %arg13[%dma_wait3A_877] : memref<2048xf32, #tpu.memory_space<vmem>> -> memref<2048xf32, #tpu.memory_space<vmem>>
    %dma_wait3A_879 = arith.constant 0 : i32
    %dma_wait3A_880 = tpu.memref_slice %arg10[%dma_wait3A_879] : memref<2048xi32, #tpu.memory_space<vmem>> -> memref<2048xi32, #tpu.memory_space<vmem>>
    %dma_wait3A_881 = arith.constant 0 : i32
    %dma_wait3A_882 = tpu.memref_slice %arg16[%dma_wait3A_881] : memref<100352xf32, #tpu.memory_space<vmem_shared>> -> memref<100352xf32, #tpu.memory_space<vmem_shared>>
    tpu.wait_indirect_dma semaphore(%arg24 : memref<!tpu.dma_semaphore, #tpu.memory_space<semaphore_mem>>) src(%dma_wait3A_878 : memref<2048xf32, #tpu.memory_space<vmem>>) dst(%dma_wait3A_882 : memref<100352xf32, #tpu.memory_space<vmem_shared>>)
    %dma_wait3A_883 = arith.constant 0 : i32
    %dma_wait3A_884 = tpu.memref_slice %arg15[%dma_wait3A_883] : memref<2048xf32, #tpu.memory_space<vmem>> -> memref<2048xf32, #tpu.memory_space<vmem>>
    %dma_wait3A_885 = arith.constant 0 : i32
    %dma_wait3A_886 = tpu.memref_slice %arg10[%dma_wait3A_885] : memref<2048xi32, #tpu.memory_space<vmem>> -> memref<2048xi32, #tpu.memory_space<vmem>>
    %dma_wait3A_887 = arith.constant 0 : i32
    %dma_wait3A_888 = tpu.memref_slice %arg17[%dma_wait3A_887] : memref<100352xf32, #tpu.memory_space<vmem_shared>> -> memref<100352xf32, #tpu.memory_space<vmem_shared>>
    tpu.wait_indirect_dma semaphore(%arg24 : memref<!tpu.dma_semaphore, #tpu.memory_space<semaphore_mem>>) src(%dma_wait3A_884 : memref<2048xf32, #tpu.memory_space<vmem>>) dst(%dma_wait3A_888 : memref<100352xf32, #tpu.memory_space<vmem_shared>>)
    %mul3A_889 = arith.constant 24 : i32
    %mul3A_890 = arith.muli %add3A_80, %mul3A_889 : i32
    %add3A_891 = arith.constant 16 : i32
    %add3A_892 = arith.addi %mul3A_890, %add3A_891 : i32
    %mul3A_893 = arith.constant 2048 : i32
    %mul3A_894 = arith.muli %add3A_892, %mul3A_893 : i32
    %dma_start3A_895 = arith.constant 0 : i32
    %dma_start3A_896 = tpu.memref_slice %arg3[%dma_start3A_895, %mul3A_894] : memref<2x1600000xi32, #tpu.memory_space<hbm>> -> memref<1x2048xi32, #tpu.memory_space<hbm>>
    %dma_start3A_897 = tpu.memref_squeeze %dma_start3A_896 : memref<1x2048xi32, #tpu.memory_space<hbm>> -> memref<2048xi32, #tpu.memory_space<hbm>>
    %dma_start3A_898 = tpu.memref_slice %arg3[%dma_start3A_895, %mul3A_894] : memref<2x1600000xi32, #tpu.memory_space<hbm>> -> memref<1x2048xi32, #tpu.memory_space<hbm>>
    %dma_start3A_899 = tpu.memref_squeeze %dma_start3A_898 : memref<1x2048xi32, #tpu.memory_space<hbm>> -> memref<2048xi32, #tpu.memory_space<hbm>>
    tpu.enqueue_dma source(%dma_start3A_899 : memref<2048xi32, #tpu.memory_space<hbm>>) target(%arg7 : memref<2048xi32, #tpu.memory_space<vmem>>) target_semaphore(%arg18 : memref<!tpu.dma_semaphore, #tpu.memory_space<semaphore_mem>>)
    %mul3A_900 = arith.constant 2048 : i32
    %mul3A_901 = arith.muli %add3A_892, %mul3A_900 : i32
    %dma_start3A_902 = tpu.memref_slice %arg3[%add3A_1, %mul3A_901] : memref<2x1600000xi32, #tpu.memory_space<hbm>> -> memref<1x2048xi32, #tpu.memory_space<hbm>>
    %dma_start3A_903 = tpu.memref_squeeze %dma_start3A_902 : memref<1x2048xi32, #tpu.memory_space<hbm>> -> memref<2048xi32, #tpu.memory_space<hbm>>
    %dma_start3A_904 = tpu.memref_slice %arg3[%add3A_1, %mul3A_901] : memref<2x1600000xi32, #tpu.memory_space<hbm>> -> memref<1x2048xi32, #tpu.memory_space<hbm>>
    %dma_start3A_905 = tpu.memref_squeeze %dma_start3A_904 : memref<1x2048xi32, #tpu.memory_space<hbm>> -> memref<2048xi32, #tpu.memory_space<hbm>>
    tpu.enqueue_dma source(%dma_start3A_905 : memref<2048xi32, #tpu.memory_space<hbm>>) target(%arg10 : memref<2048xi32, #tpu.memory_space<vmem>>) target_semaphore(%arg21 : memref<!tpu.dma_semaphore, #tpu.memory_space<semaphore_mem>>)
    %parallel_loop3A_906 = arith.constant 0 : i32
    %parallel_loop3A_907 = arith.constant 2048 : i32
    %parallel_loop3A_908 = arith.constant 16 : i32
    scf.for %parallel_loop3A_1361 = %parallel_loop3A_906 to %parallel_loop3A_907 step %parallel_loop3A_908  : i32 {
      %parallel_loop3A_1362 = arith.index_cast %parallel_loop3A_1361 : i32 to index
      %parallel_loop3A_1363 = tpu.vector_load %arg8[%parallel_loop3A_1362] {strides = array<i32>} : memref<2048xi32, #tpu.memory_space<vmem>>, vector<16xi32>,
      %parallel_loop3A_1364 = tpu.vector_load_idx %arg6[%parallel_loop3A_1363] : memref<100000xf32, #tpu.memory_space<vmem>>[vector<16xi32>], vector<16xf32>,
      %parallel_loop3A_1365 = arith.index_cast %parallel_loop3A_1361 : i32 to index
      %parallel_loop3A_1366 = tpu.vector_load %arg12[%parallel_loop3A_1365] {strides = array<i32>} : memref<2048xf32, #tpu.memory_space<vmem>>, vector<16xf32>,
      tpu.vector_store %arg12[%parallel_loop3A_1365], %parallel_loop3A_1364 {strides = array<i32>} : memref<2048xf32, #tpu.memory_space<vmem>>, vector<16xf32>,
    } {sc.loop_unroll_factor = 8 : i64, sc.parallel_access}
    %dma_start3A_909 = arith.constant 0 : i32
    %dma_start3A_910 = tpu.memref_slice %arg12[%dma_start3A_909] : memref<2048xf32, #tpu.memory_space<vmem>> -> memref<2048xf32, #tpu.memory_space<vmem>>
    %dma_start3A_911 = arith.constant 0 : i32
    %dma_start3A_912 = tpu.memref_slice %arg9[%dma_start3A_911] : memref<2048xi32, #tpu.memory_space<vmem>> -> memref<2048xi32, #tpu.memory_space<vmem>>
    %dma_start3A_913 = arith.constant 0 : i32
    %dma_start3A_914 = tpu.memref_slice %arg16[%dma_start3A_913] : memref<100352xf32, #tpu.memory_space<vmem_shared>> -> memref<100352xf32, #tpu.memory_space<vmem_shared>>
    tpu.enqueue_indirect_dma source(%dma_start3A_910 : memref<2048xf32, #tpu.memory_space<vmem>>) target(%dma_start3A_914 : memref<100352xf32, #tpu.memory_space<vmem_shared>>) offsets(%dma_start3A_912 : memref<2048xi32, #tpu.memory_space<vmem>>) semaphore(%arg23 : memref<!tpu.dma_semaphore, #tpu.memory_space<semaphore_mem>>) {add = true}
    %dma_start3A_915 = arith.constant 0 : i32
    %dma_start3A_916 = tpu.memref_slice %arg15[%dma_start3A_915] : memref<2048xf32, #tpu.memory_space<vmem>> -> memref<2048xf32, #tpu.memory_space<vmem>>
    %dma_start3A_917 = arith.constant 0 : i32
    %dma_start3A_918 = tpu.memref_slice %arg9[%dma_start3A_917] : memref<2048xi32, #tpu.memory_space<vmem>> -> memref<2048xi32, #tpu.memory_space<vmem>>
    %dma_start3A_919 = arith.constant 0 : i32
    %dma_start3A_920 = tpu.memref_slice %arg17[%dma_start3A_919] : memref<100352xf32, #tpu.memory_space<vmem_shared>> -> memref<100352xf32, #tpu.memory_space<vmem_shared>>
    tpu.enqueue_indirect_dma source(%dma_start3A_916 : memref<2048xf32, #tpu.memory_space<vmem>>) target(%dma_start3A_920 : memref<100352xf32, #tpu.memory_space<vmem_shared>>) offsets(%dma_start3A_918 : memref<2048xi32, #tpu.memory_space<vmem>>) semaphore(%arg23 : memref<!tpu.dma_semaphore, #tpu.memory_space<semaphore_mem>>) {add = true}
    %dma_wait3A_921 = arith.constant 0 : i32
    %dma_wait3A_922 = tpu.memref_slice %arg3[%dma_wait3A_921, %mul3A_894] : memref<2x1600000xi32, #tpu.memory_space<hbm>> -> memref<1x2048xi32, #tpu.memory_space<hbm>>
    %dma_wait3A_923 = tpu.memref_squeeze %dma_wait3A_922 : memref<1x2048xi32, #tpu.memory_space<hbm>> -> memref<2048xi32, #tpu.memory_space<hbm>>
    %dma_wait3A_924 = tpu.memref_slice %arg3[%dma_wait3A_921, %mul3A_894] : memref<2x1600000xi32, #tpu.memory_space<hbm>> -> memref<1x2048xi32, #tpu.memory_space<hbm>>
    %dma_wait3A_925 = tpu.memref_squeeze %dma_wait3A_924 : memref<1x2048xi32, #tpu.memory_space<hbm>> -> memref<2048xi32, #tpu.memory_space<hbm>>
    tpu.wait_dma2 semaphore(%arg18 : memref<!tpu.dma_semaphore, #tpu.memory_space<semaphore_mem>>) src(%dma_wait3A_925 : memref<2048xi32, #tpu.memory_space<hbm>>) dst(%arg7 : memref<2048xi32, #tpu.memory_space<vmem>>)
    %dma_wait3A_926 = tpu.memref_slice %arg3[%add3A_1, %mul3A_901] : memref<2x1600000xi32, #tpu.memory_space<hbm>> -> memref<1x2048xi32, #tpu.memory_space<hbm>>
    %dma_wait3A_927 = tpu.memref_squeeze %dma_wait3A_926 : memref<1x2048xi32, #tpu.memory_space<hbm>> -> memref<2048xi32, #tpu.memory_space<hbm>>
    %dma_wait3A_928 = tpu.memref_slice %arg3[%add3A_1, %mul3A_901] : memref<2x1600000xi32, #tpu.memory_space<hbm>> -> memref<1x2048xi32, #tpu.memory_space<hbm>>
    %dma_wait3A_929 = tpu.memref_squeeze %dma_wait3A_928 : memref<1x2048xi32, #tpu.memory_space<hbm>> -> memref<2048xi32, #tpu.memory_space<hbm>>
    tpu.wait_dma2 semaphore(%arg21 : memref<!tpu.dma_semaphore, #tpu.memory_space<semaphore_mem>>) src(%dma_wait3A_929 : memref<2048xi32, #tpu.memory_space<hbm>>) dst(%arg10 : memref<2048xi32, #tpu.memory_space<vmem>>)
    %dma_wait3A_930 = arith.constant 0 : i32
    %dma_wait3A_931 = tpu.memref_slice %arg14[%dma_wait3A_930] : memref<2048xf32, #tpu.memory_space<vmem>> -> memref<2048xf32, #tpu.memory_space<vmem>>
    %dma_wait3A_932 = arith.constant 0 : i32
    %dma_wait3A_933 = tpu.memref_slice %arg11[%dma_wait3A_932] : memref<2048xi32, #tpu.memory_space<vmem>> -> memref<2048xi32, #tpu.memory_space<vmem>>
    %dma_wait3A_934 = arith.constant 0 : i32
    %dma_wait3A_935 = tpu.memref_slice %arg16[%dma_wait3A_934] : memref<100352xf32, #tpu.memory_space<vmem_shared>> -> memref<100352xf32, #tpu.memory_space<vmem_shared>>
    tpu.wait_indirect_dma semaphore(%arg25 : memref<!tpu.dma_semaphore, #tpu.memory_space<semaphore_mem>>) src(%dma_wait3A_931 : memref<2048xf32, #tpu.memory_space<vmem>>) dst(%dma_wait3A_935 : memref<100352xf32, #tpu.memory_space<vmem_shared>>)
    %dma_wait3A_936 = arith.constant 0 : i32
    %dma_wait3A_937 = tpu.memref_slice %arg15[%dma_wait3A_936] : memref<2048xf32, #tpu.memory_space<vmem>> -> memref<2048xf32, #tpu.memory_space<vmem>>
    %dma_wait3A_938 = arith.constant 0 : i32
    %dma_wait3A_939 = tpu.memref_slice %arg11[%dma_wait3A_938] : memref<2048xi32, #tpu.memory_space<vmem>> -> memref<2048xi32, #tpu.memory_space<vmem>>
    %dma_wait3A_940 = arith.constant 0 : i32
    %dma_wait3A_941 = tpu.memref_slice %arg17[%dma_wait3A_940] : memref<100352xf32, #tpu.memory_space<vmem_shared>> -> memref<100352xf32, #tpu.memory_space<vmem_shared>>
    tpu.wait_indirect_dma semaphore(%arg25 : memref<!tpu.dma_semaphore, #tpu.memory_space<semaphore_mem>>) src(%dma_wait3A_937 : memref<2048xf32, #tpu.memory_space<vmem>>) dst(%dma_wait3A_941 : memref<100352xf32, #tpu.memory_space<vmem_shared>>)
    %mul3A_942 = arith.constant 24 : i32
    %mul3A_943 = arith.muli %add3A_80, %mul3A_942 : i32
    %add3A_944 = arith.constant 17 : i32
    %add3A_945 = arith.addi %mul3A_943, %add3A_944 : i32
    %mul3A_946 = arith.constant 2048 : i32
    %mul3A_947 = arith.muli %add3A_945, %mul3A_946 : i32
    %dma_start3A_948 = arith.constant 0 : i32
    %dma_start3A_949 = tpu.memref_slice %arg3[%dma_start3A_948, %mul3A_947] : memref<2x1600000xi32, #tpu.memory_space<hbm>> -> memref<1x2048xi32, #tpu.memory_space<hbm>>
    %dma_start3A_950 = tpu.memref_squeeze %dma_start3A_949 : memref<1x2048xi32, #tpu.memory_space<hbm>> -> memref<2048xi32, #tpu.memory_space<hbm>>
    %dma_start3A_951 = tpu.memref_slice %arg3[%dma_start3A_948, %mul3A_947] : memref<2x1600000xi32, #tpu.memory_space<hbm>> -> memref<1x2048xi32, #tpu.memory_space<hbm>>
    %dma_start3A_952 = tpu.memref_squeeze %dma_start3A_951 : memref<1x2048xi32, #tpu.memory_space<hbm>> -> memref<2048xi32, #tpu.memory_space<hbm>>
    tpu.enqueue_dma source(%dma_start3A_952 : memref<2048xi32, #tpu.memory_space<hbm>>) target(%arg8 : memref<2048xi32, #tpu.memory_space<vmem>>) target_semaphore(%arg19 : memref<!tpu.dma_semaphore, #tpu.memory_space<semaphore_mem>>)
    %mul3A_953 = arith.constant 2048 : i32
    %mul3A_954 = arith.muli %add3A_945, %mul3A_953 : i32
    %dma_start3A_955 = tpu.memref_slice %arg3[%add3A_1, %mul3A_954] : memref<2x1600000xi32, #tpu.memory_space<hbm>> -> memref<1x2048xi32, #tpu.memory_space<hbm>>
    %dma_start3A_956 = tpu.memref_squeeze %dma_start3A_955 : memref<1x2048xi32, #tpu.memory_space<hbm>> -> memref<2048xi32, #tpu.memory_space<hbm>>
    %dma_start3A_957 = tpu.memref_slice %arg3[%add3A_1, %mul3A_954] : memref<2x1600000xi32, #tpu.memory_space<hbm>> -> memref<1x2048xi32, #tpu.memory_space<hbm>>
    %dma_start3A_958 = tpu.memref_squeeze %dma_start3A_957 : memref<1x2048xi32, #tpu.memory_space<hbm>> -> memref<2048xi32, #tpu.memory_space<hbm>>
    tpu.enqueue_dma source(%dma_start3A_958 : memref<2048xi32, #tpu.memory_space<hbm>>) target(%arg11 : memref<2048xi32, #tpu.memory_space<vmem>>) target_semaphore(%arg22 : memref<!tpu.dma_semaphore, #tpu.memory_space<semaphore_mem>>)
    %parallel_loop3A_959 = arith.constant 0 : i32
    %parallel_loop3A_960 = arith.constant 2048 : i32
    %parallel_loop3A_961 = arith.constant 16 : i32
    scf.for %parallel_loop3A_1361 = %parallel_loop3A_959 to %parallel_loop3A_960 step %parallel_loop3A_961  : i32 {
      %parallel_loop3A_1362 = arith.index_cast %parallel_loop3A_1361 : i32 to index
      %parallel_loop3A_1363 = tpu.vector_load %arg7[%parallel_loop3A_1362] {strides = array<i32>} : memref<2048xi32, #tpu.memory_space<vmem>>, vector<16xi32>,
      %parallel_loop3A_1364 = tpu.vector_load_idx %arg6[%parallel_loop3A_1363] : memref<100000xf32, #tpu.memory_space<vmem>>[vector<16xi32>], vector<16xf32>,
      %parallel_loop3A_1365 = arith.index_cast %parallel_loop3A_1361 : i32 to index
      %parallel_loop3A_1366 = tpu.vector_load %arg13[%parallel_loop3A_1365] {strides = array<i32>} : memref<2048xf32, #tpu.memory_space<vmem>>, vector<16xf32>,
      tpu.vector_store %arg13[%parallel_loop3A_1365], %parallel_loop3A_1364 {strides = array<i32>} : memref<2048xf32, #tpu.memory_space<vmem>>, vector<16xf32>,
    } {sc.loop_unroll_factor = 8 : i64, sc.parallel_access}
    %dma_start3A_962 = arith.constant 0 : i32
    %dma_start3A_963 = tpu.memref_slice %arg13[%dma_start3A_962] : memref<2048xf32, #tpu.memory_space<vmem>> -> memref<2048xf32, #tpu.memory_space<vmem>>
    %dma_start3A_964 = arith.constant 0 : i32
    %dma_start3A_965 = tpu.memref_slice %arg10[%dma_start3A_964] : memref<2048xi32, #tpu.memory_space<vmem>> -> memref<2048xi32, #tpu.memory_space<vmem>>
    %dma_start3A_966 = arith.constant 0 : i32
    %dma_start3A_967 = tpu.memref_slice %arg16[%dma_start3A_966] : memref<100352xf32, #tpu.memory_space<vmem_shared>> -> memref<100352xf32, #tpu.memory_space<vmem_shared>>
    tpu.enqueue_indirect_dma source(%dma_start3A_963 : memref<2048xf32, #tpu.memory_space<vmem>>) target(%dma_start3A_967 : memref<100352xf32, #tpu.memory_space<vmem_shared>>) offsets(%dma_start3A_965 : memref<2048xi32, #tpu.memory_space<vmem>>) semaphore(%arg24 : memref<!tpu.dma_semaphore, #tpu.memory_space<semaphore_mem>>) {add = true}
    %dma_start3A_968 = arith.constant 0 : i32
    %dma_start3A_969 = tpu.memref_slice %arg15[%dma_start3A_968] : memref<2048xf32, #tpu.memory_space<vmem>> -> memref<2048xf32, #tpu.memory_space<vmem>>
    %dma_start3A_970 = arith.constant 0 : i32
    %dma_start3A_971 = tpu.memref_slice %arg10[%dma_start3A_970] : memref<2048xi32, #tpu.memory_space<vmem>> -> memref<2048xi32, #tpu.memory_space<vmem>>
    %dma_start3A_972 = arith.constant 0 : i32
    %dma_start3A_973 = tpu.memref_slice %arg17[%dma_start3A_972] : memref<100352xf32, #tpu.memory_space<vmem_shared>> -> memref<100352xf32, #tpu.memory_space<vmem_shared>>
    tpu.enqueue_indirect_dma source(%dma_start3A_969 : memref<2048xf32, #tpu.memory_space<vmem>>) target(%dma_start3A_973 : memref<100352xf32, #tpu.memory_space<vmem_shared>>) offsets(%dma_start3A_971 : memref<2048xi32, #tpu.memory_space<vmem>>) semaphore(%arg24 : memref<!tpu.dma_semaphore, #tpu.memory_space<semaphore_mem>>) {add = true}
    %dma_wait3A_974 = arith.constant 0 : i32
    %dma_wait3A_975 = tpu.memref_slice %arg3[%dma_wait3A_974, %mul3A_947] : memref<2x1600000xi32, #tpu.memory_space<hbm>> -> memref<1x2048xi32, #tpu.memory_space<hbm>>
    %dma_wait3A_976 = tpu.memref_squeeze %dma_wait3A_975 : memref<1x2048xi32, #tpu.memory_space<hbm>> -> memref<2048xi32, #tpu.memory_space<hbm>>
    %dma_wait3A_977 = tpu.memref_slice %arg3[%dma_wait3A_974, %mul3A_947] : memref<2x1600000xi32, #tpu.memory_space<hbm>> -> memref<1x2048xi32, #tpu.memory_space<hbm>>
    %dma_wait3A_978 = tpu.memref_squeeze %dma_wait3A_977 : memref<1x2048xi32, #tpu.memory_space<hbm>> -> memref<2048xi32, #tpu.memory_space<hbm>>
    tpu.wait_dma2 semaphore(%arg19 : memref<!tpu.dma_semaphore, #tpu.memory_space<semaphore_mem>>) src(%dma_wait3A_978 : memref<2048xi32, #tpu.memory_space<hbm>>) dst(%arg8 : memref<2048xi32, #tpu.memory_space<vmem>>)
    %dma_wait3A_979 = tpu.memref_slice %arg3[%add3A_1, %mul3A_954] : memref<2x1600000xi32, #tpu.memory_space<hbm>> -> memref<1x2048xi32, #tpu.memory_space<hbm>>
    %dma_wait3A_980 = tpu.memref_squeeze %dma_wait3A_979 : memref<1x2048xi32, #tpu.memory_space<hbm>> -> memref<2048xi32, #tpu.memory_space<hbm>>
    %dma_wait3A_981 = tpu.memref_slice %arg3[%add3A_1, %mul3A_954] : memref<2x1600000xi32, #tpu.memory_space<hbm>> -> memref<1x2048xi32, #tpu.memory_space<hbm>>
    %dma_wait3A_982 = tpu.memref_squeeze %dma_wait3A_981 : memref<1x2048xi32, #tpu.memory_space<hbm>> -> memref<2048xi32, #tpu.memory_space<hbm>>
    tpu.wait_dma2 semaphore(%arg22 : memref<!tpu.dma_semaphore, #tpu.memory_space<semaphore_mem>>) src(%dma_wait3A_982 : memref<2048xi32, #tpu.memory_space<hbm>>) dst(%arg11 : memref<2048xi32, #tpu.memory_space<vmem>>)
    %dma_wait3A_983 = arith.constant 0 : i32
    %dma_wait3A_984 = tpu.memref_slice %arg12[%dma_wait3A_983] : memref<2048xf32, #tpu.memory_space<vmem>> -> memref<2048xf32, #tpu.memory_space<vmem>>
    %dma_wait3A_985 = arith.constant 0 : i32
    %dma_wait3A_986 = tpu.memref_slice %arg9[%dma_wait3A_985] : memref<2048xi32, #tpu.memory_space<vmem>> -> memref<2048xi32, #tpu.memory_space<vmem>>
    %dma_wait3A_987 = arith.constant 0 : i32
    %dma_wait3A_988 = tpu.memref_slice %arg16[%dma_wait3A_987] : memref<100352xf32, #tpu.memory_space<vmem_shared>> -> memref<100352xf32, #tpu.memory_space<vmem_shared>>
    tpu.wait_indirect_dma semaphore(%arg23 : memref<!tpu.dma_semaphore, #tpu.memory_space<semaphore_mem>>) src(%dma_wait3A_984 : memref<2048xf32, #tpu.memory_space<vmem>>) dst(%dma_wait3A_988 : memref<100352xf32, #tpu.memory_space<vmem_shared>>)
    %dma_wait3A_989 = arith.constant 0 : i32
    %dma_wait3A_990 = tpu.memref_slice %arg15[%dma_wait3A_989] : memref<2048xf32, #tpu.memory_space<vmem>> -> memref<2048xf32, #tpu.memory_space<vmem>>
    %dma_wait3A_991 = arith.constant 0 : i32
    %dma_wait3A_992 = tpu.memref_slice %arg9[%dma_wait3A_991] : memref<2048xi32, #tpu.memory_space<vmem>> -> memref<2048xi32, #tpu.memory_space<vmem>>
    %dma_wait3A_993 = arith.constant 0 : i32
    %dma_wait3A_994 = tpu.memref_slice %arg17[%dma_wait3A_993] : memref<100352xf32, #tpu.memory_space<vmem_shared>> -> memref<100352xf32, #tpu.memory_space<vmem_shared>>
    tpu.wait_indirect_dma semaphore(%arg23 : memref<!tpu.dma_semaphore, #tpu.memory_space<semaphore_mem>>) src(%dma_wait3A_990 : memref<2048xf32, #tpu.memory_space<vmem>>) dst(%dma_wait3A_994 : memref<100352xf32, #tpu.memory_space<vmem_shared>>)
    %mul3A_995 = arith.constant 24 : i32
    %mul3A_996 = arith.muli %add3A_80, %mul3A_995 : i32
    %add3A_997 = arith.constant 18 : i32
    %add3A_998 = arith.addi %mul3A_996, %add3A_997 : i32
    %mul3A_999 = arith.constant 2048 : i32
    %mul3A_1000 = arith.muli %add3A_998, %mul3A_999 : i32
    %dma_start3A_1001 = arith.constant 0 : i32
    %dma_start3A_1002 = tpu.memref_slice %arg3[%dma_start3A_1001, %mul3A_1000] : memref<2x1600000xi32, #tpu.memory_space<hbm>> -> memref<1x2048xi32, #tpu.memory_space<hbm>>
    %dma_start3A_1003 = tpu.memref_squeeze %dma_start3A_1002 : memref<1x2048xi32, #tpu.memory_space<hbm>> -> memref<2048xi32, #tpu.memory_space<hbm>>
    %dma_start3A_1004 = tpu.memref_slice %arg3[%dma_start3A_1001, %mul3A_1000] : memref<2x1600000xi32, #tpu.memory_space<hbm>> -> memref<1x2048xi32, #tpu.memory_space<hbm>>
    %dma_start3A_1005 = tpu.memref_squeeze %dma_start3A_1004 : memref<1x2048xi32, #tpu.memory_space<hbm>> -> memref<2048xi32, #tpu.memory_space<hbm>>
    tpu.enqueue_dma source(%dma_start3A_1005 : memref<2048xi32, #tpu.memory_space<hbm>>) target(%arg7 : memref<2048xi32, #tpu.memory_space<vmem>>) target_semaphore(%arg18 : memref<!tpu.dma_semaphore, #tpu.memory_space<semaphore_mem>>)
    %mul3A_1006 = arith.constant 2048 : i32
    %mul3A_1007 = arith.muli %add3A_998, %mul3A_1006 : i32
    %dma_start3A_1008 = tpu.memref_slice %arg3[%add3A_1, %mul3A_1007] : memref<2x1600000xi32, #tpu.memory_space<hbm>> -> memref<1x2048xi32, #tpu.memory_space<hbm>>
    %dma_start3A_1009 = tpu.memref_squeeze %dma_start3A_1008 : memref<1x2048xi32, #tpu.memory_space<hbm>> -> memref<2048xi32, #tpu.memory_space<hbm>>
    %dma_start3A_1010 = tpu.memref_slice %arg3[%add3A_1, %mul3A_1007] : memref<2x1600000xi32, #tpu.memory_space<hbm>> -> memref<1x2048xi32, #tpu.memory_space<hbm>>
    %dma_start3A_1011 = tpu.memref_squeeze %dma_start3A_1010 : memref<1x2048xi32, #tpu.memory_space<hbm>> -> memref<2048xi32, #tpu.memory_space<hbm>>
    tpu.enqueue_dma source(%dma_start3A_1011 : memref<2048xi32, #tpu.memory_space<hbm>>) target(%arg9 : memref<2048xi32, #tpu.memory_space<vmem>>) target_semaphore(%arg20 : memref<!tpu.dma_semaphore, #tpu.memory_space<semaphore_mem>>)
    %parallel_loop3A_1012 = arith.constant 0 : i32
    %parallel_loop3A_1013 = arith.constant 2048 : i32
    %parallel_loop3A_1014 = arith.constant 16 : i32
    scf.for %parallel_loop3A_1361 = %parallel_loop3A_1012 to %parallel_loop3A_1013 step %parallel_loop3A_1014  : i32 {
      %parallel_loop3A_1362 = arith.index_cast %parallel_loop3A_1361 : i32 to index
      %parallel_loop3A_1363 = tpu.vector_load %arg8[%parallel_loop3A_1362] {strides = array<i32>} : memref<2048xi32, #tpu.memory_space<vmem>>, vector<16xi32>,
      %parallel_loop3A_1364 = tpu.vector_load_idx %arg6[%parallel_loop3A_1363] : memref<100000xf32, #tpu.memory_space<vmem>>[vector<16xi32>], vector<16xf32>,
      %parallel_loop3A_1365 = arith.index_cast %parallel_loop3A_1361 : i32 to index
      %parallel_loop3A_1366 = tpu.vector_load %arg14[%parallel_loop3A_1365] {strides = array<i32>} : memref<2048xf32, #tpu.memory_space<vmem>>, vector<16xf32>,
      tpu.vector_store %arg14[%parallel_loop3A_1365], %parallel_loop3A_1364 {strides = array<i32>} : memref<2048xf32, #tpu.memory_space<vmem>>, vector<16xf32>,
    } {sc.loop_unroll_factor = 8 : i64, sc.parallel_access}
    %dma_start3A_1015 = arith.constant 0 : i32
    %dma_start3A_1016 = tpu.memref_slice %arg14[%dma_start3A_1015] : memref<2048xf32, #tpu.memory_space<vmem>> -> memref<2048xf32, #tpu.memory_space<vmem>>
    %dma_start3A_1017 = arith.constant 0 : i32
    %dma_start3A_1018 = tpu.memref_slice %arg11[%dma_start3A_1017] : memref<2048xi32, #tpu.memory_space<vmem>> -> memref<2048xi32, #tpu.memory_space<vmem>>
    %dma_start3A_1019 = arith.constant 0 : i32
    %dma_start3A_1020 = tpu.memref_slice %arg16[%dma_start3A_1019] : memref<100352xf32, #tpu.memory_space<vmem_shared>> -> memref<100352xf32, #tpu.memory_space<vmem_shared>>
    tpu.enqueue_indirect_dma source(%dma_start3A_1016 : memref<2048xf32, #tpu.memory_space<vmem>>) target(%dma_start3A_1020 : memref<100352xf32, #tpu.memory_space<vmem_shared>>) offsets(%dma_start3A_1018 : memref<2048xi32, #tpu.memory_space<vmem>>) semaphore(%arg25 : memref<!tpu.dma_semaphore, #tpu.memory_space<semaphore_mem>>) {add = true}
    %dma_start3A_1021 = arith.constant 0 : i32
    %dma_start3A_1022 = tpu.memref_slice %arg15[%dma_start3A_1021] : memref<2048xf32, #tpu.memory_space<vmem>> -> memref<2048xf32, #tpu.memory_space<vmem>>
    %dma_start3A_1023 = arith.constant 0 : i32
    %dma_start3A_1024 = tpu.memref_slice %arg11[%dma_start3A_1023] : memref<2048xi32, #tpu.memory_space<vmem>> -> memref<2048xi32, #tpu.memory_space<vmem>>
    %dma_start3A_1025 = arith.constant 0 : i32
    %dma_start3A_1026 = tpu.memref_slice %arg17[%dma_start3A_1025] : memref<100352xf32, #tpu.memory_space<vmem_shared>> -> memref<100352xf32, #tpu.memory_space<vmem_shared>>
    tpu.enqueue_indirect_dma source(%dma_start3A_1022 : memref<2048xf32, #tpu.memory_space<vmem>>) target(%dma_start3A_1026 : memref<100352xf32, #tpu.memory_space<vmem_shared>>) offsets(%dma_start3A_1024 : memref<2048xi32, #tpu.memory_space<vmem>>) semaphore(%arg25 : memref<!tpu.dma_semaphore, #tpu.memory_space<semaphore_mem>>) {add = true}
    %dma_wait3A_1027 = arith.constant 0 : i32
    %dma_wait3A_1028 = tpu.memref_slice %arg3[%dma_wait3A_1027, %mul3A_1000] : memref<2x1600000xi32, #tpu.memory_space<hbm>> -> memref<1x2048xi32, #tpu.memory_space<hbm>>
    %dma_wait3A_1029 = tpu.memref_squeeze %dma_wait3A_1028 : memref<1x2048xi32, #tpu.memory_space<hbm>> -> memref<2048xi32, #tpu.memory_space<hbm>>
    %dma_wait3A_1030 = tpu.memref_slice %arg3[%dma_wait3A_1027, %mul3A_1000] : memref<2x1600000xi32, #tpu.memory_space<hbm>> -> memref<1x2048xi32, #tpu.memory_space<hbm>>
    %dma_wait3A_1031 = tpu.memref_squeeze %dma_wait3A_1030 : memref<1x2048xi32, #tpu.memory_space<hbm>> -> memref<2048xi32, #tpu.memory_space<hbm>>
    tpu.wait_dma2 semaphore(%arg18 : memref<!tpu.dma_semaphore, #tpu.memory_space<semaphore_mem>>) src(%dma_wait3A_1031 : memref<2048xi32, #tpu.memory_space<hbm>>) dst(%arg7 : memref<2048xi32, #tpu.memory_space<vmem>>)
    %dma_wait3A_1032 = tpu.memref_slice %arg3[%add3A_1, %mul3A_1007] : memref<2x1600000xi32, #tpu.memory_space<hbm>> -> memref<1x2048xi32, #tpu.memory_space<hbm>>
    %dma_wait3A_1033 = tpu.memref_squeeze %dma_wait3A_1032 : memref<1x2048xi32, #tpu.memory_space<hbm>> -> memref<2048xi32, #tpu.memory_space<hbm>>
    %dma_wait3A_1034 = tpu.memref_slice %arg3[%add3A_1, %mul3A_1007] : memref<2x1600000xi32, #tpu.memory_space<hbm>> -> memref<1x2048xi32, #tpu.memory_space<hbm>>
    %dma_wait3A_1035 = tpu.memref_squeeze %dma_wait3A_1034 : memref<1x2048xi32, #tpu.memory_space<hbm>> -> memref<2048xi32, #tpu.memory_space<hbm>>
    tpu.wait_dma2 semaphore(%arg20 : memref<!tpu.dma_semaphore, #tpu.memory_space<semaphore_mem>>) src(%dma_wait3A_1035 : memref<2048xi32, #tpu.memory_space<hbm>>) dst(%arg9 : memref<2048xi32, #tpu.memory_space<vmem>>)
    %dma_wait3A_1036 = arith.constant 0 : i32
    %dma_wait3A_1037 = tpu.memref_slice %arg13[%dma_wait3A_1036] : memref<2048xf32, #tpu.memory_space<vmem>> -> memref<2048xf32, #tpu.memory_space<vmem>>
    %dma_wait3A_1038 = arith.constant 0 : i32
    %dma_wait3A_1039 = tpu.memref_slice %arg10[%dma_wait3A_1038] : memref<2048xi32, #tpu.memory_space<vmem>> -> memref<2048xi32, #tpu.memory_space<vmem>>
    %dma_wait3A_1040 = arith.constant 0 : i32
    %dma_wait3A_1041 = tpu.memref_slice %arg16[%dma_wait3A_1040] : memref<100352xf32, #tpu.memory_space<vmem_shared>> -> memref<100352xf32, #tpu.memory_space<vmem_shared>>
    tpu.wait_indirect_dma semaphore(%arg24 : memref<!tpu.dma_semaphore, #tpu.memory_space<semaphore_mem>>) src(%dma_wait3A_1037 : memref<2048xf32, #tpu.memory_space<vmem>>) dst(%dma_wait3A_1041 : memref<100352xf32, #tpu.memory_space<vmem_shared>>)
    %dma_wait3A_1042 = arith.constant 0 : i32
    %dma_wait3A_1043 = tpu.memref_slice %arg15[%dma_wait3A_1042] : memref<2048xf32, #tpu.memory_space<vmem>> -> memref<2048xf32, #tpu.memory_space<vmem>>
    %dma_wait3A_1044 = arith.constant 0 : i32
    %dma_wait3A_1045 = tpu.memref_slice %arg10[%dma_wait3A_1044] : memref<2048xi32, #tpu.memory_space<vmem>> -> memref<2048xi32, #tpu.memory_space<vmem>>
    %dma_wait3A_1046 = arith.constant 0 : i32
    %dma_wait3A_1047 = tpu.memref_slice %arg17[%dma_wait3A_1046] : memref<100352xf32, #tpu.memory_space<vmem_shared>> -> memref<100352xf32, #tpu.memory_space<vmem_shared>>
    tpu.wait_indirect_dma semaphore(%arg24 : memref<!tpu.dma_semaphore, #tpu.memory_space<semaphore_mem>>) src(%dma_wait3A_1043 : memref<2048xf32, #tpu.memory_space<vmem>>) dst(%dma_wait3A_1047 : memref<100352xf32, #tpu.memory_space<vmem_shared>>)
    %mul3A_1048 = arith.constant 24 : i32
    %mul3A_1049 = arith.muli %add3A_80, %mul3A_1048 : i32
    %add3A_1050 = arith.constant 19 : i32
    %add3A_1051 = arith.addi %mul3A_1049, %add3A_1050 : i32
    %mul3A_1052 = arith.constant 2048 : i32
    %mul3A_1053 = arith.muli %add3A_1051, %mul3A_1052 : i32
    %dma_start3A_1054 = arith.constant 0 : i32
    %dma_start3A_1055 = tpu.memref_slice %arg3[%dma_start3A_1054, %mul3A_1053] : memref<2x1600000xi32, #tpu.memory_space<hbm>> -> memref<1x2048xi32, #tpu.memory_space<hbm>>
    %dma_start3A_1056 = tpu.memref_squeeze %dma_start3A_1055 : memref<1x2048xi32, #tpu.memory_space<hbm>> -> memref<2048xi32, #tpu.memory_space<hbm>>
    %dma_start3A_1057 = tpu.memref_slice %arg3[%dma_start3A_1054, %mul3A_1053] : memref<2x1600000xi32, #tpu.memory_space<hbm>> -> memref<1x2048xi32, #tpu.memory_space<hbm>>
    %dma_start3A_1058 = tpu.memref_squeeze %dma_start3A_1057 : memref<1x2048xi32, #tpu.memory_space<hbm>> -> memref<2048xi32, #tpu.memory_space<hbm>>
    tpu.enqueue_dma source(%dma_start3A_1058 : memref<2048xi32, #tpu.memory_space<hbm>>) target(%arg8 : memref<2048xi32, #tpu.memory_space<vmem>>) target_semaphore(%arg19 : memref<!tpu.dma_semaphore, #tpu.memory_space<semaphore_mem>>)
    %mul3A_1059 = arith.constant 2048 : i32
    %mul3A_1060 = arith.muli %add3A_1051, %mul3A_1059 : i32
    %dma_start3A_1061 = tpu.memref_slice %arg3[%add3A_1, %mul3A_1060] : memref<2x1600000xi32, #tpu.memory_space<hbm>> -> memref<1x2048xi32, #tpu.memory_space<hbm>>
    %dma_start3A_1062 = tpu.memref_squeeze %dma_start3A_1061 : memref<1x2048xi32, #tpu.memory_space<hbm>> -> memref<2048xi32, #tpu.memory_space<hbm>>
    %dma_start3A_1063 = tpu.memref_slice %arg3[%add3A_1, %mul3A_1060] : memref<2x1600000xi32, #tpu.memory_space<hbm>> -> memref<1x2048xi32, #tpu.memory_space<hbm>>
    %dma_start3A_1064 = tpu.memref_squeeze %dma_start3A_1063 : memref<1x2048xi32, #tpu.memory_space<hbm>> -> memref<2048xi32, #tpu.memory_space<hbm>>
    tpu.enqueue_dma source(%dma_start3A_1064 : memref<2048xi32, #tpu.memory_space<hbm>>) target(%arg10 : memref<2048xi32, #tpu.memory_space<vmem>>) target_semaphore(%arg21 : memref<!tpu.dma_semaphore, #tpu.memory_space<semaphore_mem>>)
    %parallel_loop3A_1065 = arith.constant 0 : i32
    %parallel_loop3A_1066 = arith.constant 2048 : i32
    %parallel_loop3A_1067 = arith.constant 16 : i32
    scf.for %parallel_loop3A_1361 = %parallel_loop3A_1065 to %parallel_loop3A_1066 step %parallel_loop3A_1067  : i32 {
      %parallel_loop3A_1362 = arith.index_cast %parallel_loop3A_1361 : i32 to index
      %parallel_loop3A_1363 = tpu.vector_load %arg7[%parallel_loop3A_1362] {strides = array<i32>} : memref<2048xi32, #tpu.memory_space<vmem>>, vector<16xi32>,
      %parallel_loop3A_1364 = tpu.vector_load_idx %arg6[%parallel_loop3A_1363] : memref<100000xf32, #tpu.memory_space<vmem>>[vector<16xi32>], vector<16xf32>,
      %parallel_loop3A_1365 = arith.index_cast %parallel_loop3A_1361 : i32 to index
      %parallel_loop3A_1366 = tpu.vector_load %arg12[%parallel_loop3A_1365] {strides = array<i32>} : memref<2048xf32, #tpu.memory_space<vmem>>, vector<16xf32>,
      tpu.vector_store %arg12[%parallel_loop3A_1365], %parallel_loop3A_1364 {strides = array<i32>} : memref<2048xf32, #tpu.memory_space<vmem>>, vector<16xf32>,
    } {sc.loop_unroll_factor = 8 : i64, sc.parallel_access}
    %dma_start3A_1068 = arith.constant 0 : i32
    %dma_start3A_1069 = tpu.memref_slice %arg12[%dma_start3A_1068] : memref<2048xf32, #tpu.memory_space<vmem>> -> memref<2048xf32, #tpu.memory_space<vmem>>
    %dma_start3A_1070 = arith.constant 0 : i32
    %dma_start3A_1071 = tpu.memref_slice %arg9[%dma_start3A_1070] : memref<2048xi32, #tpu.memory_space<vmem>> -> memref<2048xi32, #tpu.memory_space<vmem>>
    %dma_start3A_1072 = arith.constant 0 : i32
    %dma_start3A_1073 = tpu.memref_slice %arg16[%dma_start3A_1072] : memref<100352xf32, #tpu.memory_space<vmem_shared>> -> memref<100352xf32, #tpu.memory_space<vmem_shared>>
    tpu.enqueue_indirect_dma source(%dma_start3A_1069 : memref<2048xf32, #tpu.memory_space<vmem>>) target(%dma_start3A_1073 : memref<100352xf32, #tpu.memory_space<vmem_shared>>) offsets(%dma_start3A_1071 : memref<2048xi32, #tpu.memory_space<vmem>>) semaphore(%arg23 : memref<!tpu.dma_semaphore, #tpu.memory_space<semaphore_mem>>) {add = true}
    %dma_start3A_1074 = arith.constant 0 : i32
    %dma_start3A_1075 = tpu.memref_slice %arg15[%dma_start3A_1074] : memref<2048xf32, #tpu.memory_space<vmem>> -> memref<2048xf32, #tpu.memory_space<vmem>>
    %dma_start3A_1076 = arith.constant 0 : i32
    %dma_start3A_1077 = tpu.memref_slice %arg9[%dma_start3A_1076] : memref<2048xi32, #tpu.memory_space<vmem>> -> memref<2048xi32, #tpu.memory_space<vmem>>
    %dma_start3A_1078 = arith.constant 0 : i32
    %dma_start3A_1079 = tpu.memref_slice %arg17[%dma_start3A_1078] : memref<100352xf32, #tpu.memory_space<vmem_shared>> -> memref<100352xf32, #tpu.memory_space<vmem_shared>>
    tpu.enqueue_indirect_dma source(%dma_start3A_1075 : memref<2048xf32, #tpu.memory_space<vmem>>) target(%dma_start3A_1079 : memref<100352xf32, #tpu.memory_space<vmem_shared>>) offsets(%dma_start3A_1077 : memref<2048xi32, #tpu.memory_space<vmem>>) semaphore(%arg23 : memref<!tpu.dma_semaphore, #tpu.memory_space<semaphore_mem>>) {add = true}
    %dma_wait3A_1080 = arith.constant 0 : i32
    %dma_wait3A_1081 = tpu.memref_slice %arg3[%dma_wait3A_1080, %mul3A_1053] : memref<2x1600000xi32, #tpu.memory_space<hbm>> -> memref<1x2048xi32, #tpu.memory_space<hbm>>
    %dma_wait3A_1082 = tpu.memref_squeeze %dma_wait3A_1081 : memref<1x2048xi32, #tpu.memory_space<hbm>> -> memref<2048xi32, #tpu.memory_space<hbm>>
    %dma_wait3A_1083 = tpu.memref_slice %arg3[%dma_wait3A_1080, %mul3A_1053] : memref<2x1600000xi32, #tpu.memory_space<hbm>> -> memref<1x2048xi32, #tpu.memory_space<hbm>>
    %dma_wait3A_1084 = tpu.memref_squeeze %dma_wait3A_1083 : memref<1x2048xi32, #tpu.memory_space<hbm>> -> memref<2048xi32, #tpu.memory_space<hbm>>
    tpu.wait_dma2 semaphore(%arg19 : memref<!tpu.dma_semaphore, #tpu.memory_space<semaphore_mem>>) src(%dma_wait3A_1084 : memref<2048xi32, #tpu.memory_space<hbm>>) dst(%arg8 : memref<2048xi32, #tpu.memory_space<vmem>>)
    %dma_wait3A_1085 = tpu.memref_slice %arg3[%add3A_1, %mul3A_1060] : memref<2x1600000xi32, #tpu.memory_space<hbm>> -> memref<1x2048xi32, #tpu.memory_space<hbm>>
    %dma_wait3A_1086 = tpu.memref_squeeze %dma_wait3A_1085 : memref<1x2048xi32, #tpu.memory_space<hbm>> -> memref<2048xi32, #tpu.memory_space<hbm>>
    %dma_wait3A_1087 = tpu.memref_slice %arg3[%add3A_1, %mul3A_1060] : memref<2x1600000xi32, #tpu.memory_space<hbm>> -> memref<1x2048xi32, #tpu.memory_space<hbm>>
    %dma_wait3A_1088 = tpu.memref_squeeze %dma_wait3A_1087 : memref<1x2048xi32, #tpu.memory_space<hbm>> -> memref<2048xi32, #tpu.memory_space<hbm>>
    tpu.wait_dma2 semaphore(%arg21 : memref<!tpu.dma_semaphore, #tpu.memory_space<semaphore_mem>>) src(%dma_wait3A_1088 : memref<2048xi32, #tpu.memory_space<hbm>>) dst(%arg10 : memref<2048xi32, #tpu.memory_space<vmem>>)
    %dma_wait3A_1089 = arith.constant 0 : i32
    %dma_wait3A_1090 = tpu.memref_slice %arg14[%dma_wait3A_1089] : memref<2048xf32, #tpu.memory_space<vmem>> -> memref<2048xf32, #tpu.memory_space<vmem>>
    %dma_wait3A_1091 = arith.constant 0 : i32
    %dma_wait3A_1092 = tpu.memref_slice %arg11[%dma_wait3A_1091] : memref<2048xi32, #tpu.memory_space<vmem>> -> memref<2048xi32, #tpu.memory_space<vmem>>
    %dma_wait3A_1093 = arith.constant 0 : i32
    %dma_wait3A_1094 = tpu.memref_slice %arg16[%dma_wait3A_1093] : memref<100352xf32, #tpu.memory_space<vmem_shared>> -> memref<100352xf32, #tpu.memory_space<vmem_shared>>
    tpu.wait_indirect_dma semaphore(%arg25 : memref<!tpu.dma_semaphore, #tpu.memory_space<semaphore_mem>>) src(%dma_wait3A_1090 : memref<2048xf32, #tpu.memory_space<vmem>>) dst(%dma_wait3A_1094 : memref<100352xf32, #tpu.memory_space<vmem_shared>>)
    %dma_wait3A_1095 = arith.constant 0 : i32
    %dma_wait3A_1096 = tpu.memref_slice %arg15[%dma_wait3A_1095] : memref<2048xf32, #tpu.memory_space<vmem>> -> memref<2048xf32, #tpu.memory_space<vmem>>
    %dma_wait3A_1097 = arith.constant 0 : i32
    %dma_wait3A_1098 = tpu.memref_slice %arg11[%dma_wait3A_1097] : memref<2048xi32, #tpu.memory_space<vmem>> -> memref<2048xi32, #tpu.memory_space<vmem>>
    %dma_wait3A_1099 = arith.constant 0 : i32
    %dma_wait3A_1100 = tpu.memref_slice %arg17[%dma_wait3A_1099] : memref<100352xf32, #tpu.memory_space<vmem_shared>> -> memref<100352xf32, #tpu.memory_space<vmem_shared>>
    tpu.wait_indirect_dma semaphore(%arg25 : memref<!tpu.dma_semaphore, #tpu.memory_space<semaphore_mem>>) src(%dma_wait3A_1096 : memref<2048xf32, #tpu.memory_space<vmem>>) dst(%dma_wait3A_1100 : memref<100352xf32, #tpu.memory_space<vmem_shared>>)
    %mul3A_1101 = arith.constant 24 : i32
    %mul3A_1102 = arith.muli %add3A_80, %mul3A_1101 : i32
    %add3A_1103 = arith.constant 20 : i32
    %add3A_1104 = arith.addi %mul3A_1102, %add3A_1103 : i32
    %mul3A_1105 = arith.constant 2048 : i32
    %mul3A_1106 = arith.muli %add3A_1104, %mul3A_1105 : i32
    %dma_start3A_1107 = arith.constant 0 : i32
    %dma_start3A_1108 = tpu.memref_slice %arg3[%dma_start3A_1107, %mul3A_1106] : memref<2x1600000xi32, #tpu.memory_space<hbm>> -> memref<1x2048xi32, #tpu.memory_space<hbm>>
    %dma_start3A_1109 = tpu.memref_squeeze %dma_start3A_1108 : memref<1x2048xi32, #tpu.memory_space<hbm>> -> memref<2048xi32, #tpu.memory_space<hbm>>
    %dma_start3A_1110 = tpu.memref_slice %arg3[%dma_start3A_1107, %mul3A_1106] : memref<2x1600000xi32, #tpu.memory_space<hbm>> -> memref<1x2048xi32, #tpu.memory_space<hbm>>
    %dma_start3A_1111 = tpu.memref_squeeze %dma_start3A_1110 : memref<1x2048xi32, #tpu.memory_space<hbm>> -> memref<2048xi32, #tpu.memory_space<hbm>>
    tpu.enqueue_dma source(%dma_start3A_1111 : memref<2048xi32, #tpu.memory_space<hbm>>) target(%arg7 : memref<2048xi32, #tpu.memory_space<vmem>>) target_semaphore(%arg18 : memref<!tpu.dma_semaphore, #tpu.memory_space<semaphore_mem>>)
    %mul3A_1112 = arith.constant 2048 : i32
    %mul3A_1113 = arith.muli %add3A_1104, %mul3A_1112 : i32
    %dma_start3A_1114 = tpu.memref_slice %arg3[%add3A_1, %mul3A_1113] : memref<2x1600000xi32, #tpu.memory_space<hbm>> -> memref<1x2048xi32, #tpu.memory_space<hbm>>
    %dma_start3A_1115 = tpu.memref_squeeze %dma_start3A_1114 : memref<1x2048xi32, #tpu.memory_space<hbm>> -> memref<2048xi32, #tpu.memory_space<hbm>>
    %dma_start3A_1116 = tpu.memref_slice %arg3[%add3A_1, %mul3A_1113] : memref<2x1600000xi32, #tpu.memory_space<hbm>> -> memref<1x2048xi32, #tpu.memory_space<hbm>>
    %dma_start3A_1117 = tpu.memref_squeeze %dma_start3A_1116 : memref<1x2048xi32, #tpu.memory_space<hbm>> -> memref<2048xi32, #tpu.memory_space<hbm>>
    tpu.enqueue_dma source(%dma_start3A_1117 : memref<2048xi32, #tpu.memory_space<hbm>>) target(%arg11 : memref<2048xi32, #tpu.memory_space<vmem>>) target_semaphore(%arg22 : memref<!tpu.dma_semaphore, #tpu.memory_space<semaphore_mem>>)
    %parallel_loop3A_1118 = arith.constant 0 : i32
    %parallel_loop3A_1119 = arith.constant 2048 : i32
    %parallel_loop3A_1120 = arith.constant 16 : i32
    scf.for %parallel_loop3A_1361 = %parallel_loop3A_1118 to %parallel_loop3A_1119 step %parallel_loop3A_1120  : i32 {
      %parallel_loop3A_1362 = arith.index_cast %parallel_loop3A_1361 : i32 to index
      %parallel_loop3A_1363 = tpu.vector_load %arg8[%parallel_loop3A_1362] {strides = array<i32>} : memref<2048xi32, #tpu.memory_space<vmem>>, vector<16xi32>,
      %parallel_loop3A_1364 = tpu.vector_load_idx %arg6[%parallel_loop3A_1363] : memref<100000xf32, #tpu.memory_space<vmem>>[vector<16xi32>], vector<16xf32>,
      %parallel_loop3A_1365 = arith.index_cast %parallel_loop3A_1361 : i32 to index
      %parallel_loop3A_1366 = tpu.vector_load %arg13[%parallel_loop3A_1365] {strides = array<i32>} : memref<2048xf32, #tpu.memory_space<vmem>>, vector<16xf32>,
      tpu.vector_store %arg13[%parallel_loop3A_1365], %parallel_loop3A_1364 {strides = array<i32>} : memref<2048xf32, #tpu.memory_space<vmem>>, vector<16xf32>,
    } {sc.loop_unroll_factor = 8 : i64, sc.parallel_access}
    %dma_start3A_1121 = arith.constant 0 : i32
    %dma_start3A_1122 = tpu.memref_slice %arg13[%dma_start3A_1121] : memref<2048xf32, #tpu.memory_space<vmem>> -> memref<2048xf32, #tpu.memory_space<vmem>>
    %dma_start3A_1123 = arith.constant 0 : i32
    %dma_start3A_1124 = tpu.memref_slice %arg10[%dma_start3A_1123] : memref<2048xi32, #tpu.memory_space<vmem>> -> memref<2048xi32, #tpu.memory_space<vmem>>
    %dma_start3A_1125 = arith.constant 0 : i32
    %dma_start3A_1126 = tpu.memref_slice %arg16[%dma_start3A_1125] : memref<100352xf32, #tpu.memory_space<vmem_shared>> -> memref<100352xf32, #tpu.memory_space<vmem_shared>>
    tpu.enqueue_indirect_dma source(%dma_start3A_1122 : memref<2048xf32, #tpu.memory_space<vmem>>) target(%dma_start3A_1126 : memref<100352xf32, #tpu.memory_space<vmem_shared>>) offsets(%dma_start3A_1124 : memref<2048xi32, #tpu.memory_space<vmem>>) semaphore(%arg24 : memref<!tpu.dma_semaphore, #tpu.memory_space<semaphore_mem>>) {add = true}
    %dma_start3A_1127 = arith.constant 0 : i32
    %dma_start3A_1128 = tpu.memref_slice %arg15[%dma_start3A_1127] : memref<2048xf32, #tpu.memory_space<vmem>> -> memref<2048xf32, #tpu.memory_space<vmem>>
    %dma_start3A_1129 = arith.constant 0 : i32
    %dma_start3A_1130 = tpu.memref_slice %arg10[%dma_start3A_1129] : memref<2048xi32, #tpu.memory_space<vmem>> -> memref<2048xi32, #tpu.memory_space<vmem>>
    %dma_start3A_1131 = arith.constant 0 : i32
    %dma_start3A_1132 = tpu.memref_slice %arg17[%dma_start3A_1131] : memref<100352xf32, #tpu.memory_space<vmem_shared>> -> memref<100352xf32, #tpu.memory_space<vmem_shared>>
    tpu.enqueue_indirect_dma source(%dma_start3A_1128 : memref<2048xf32, #tpu.memory_space<vmem>>) target(%dma_start3A_1132 : memref<100352xf32, #tpu.memory_space<vmem_shared>>) offsets(%dma_start3A_1130 : memref<2048xi32, #tpu.memory_space<vmem>>) semaphore(%arg24 : memref<!tpu.dma_semaphore, #tpu.memory_space<semaphore_mem>>) {add = true}
    %dma_wait3A_1133 = arith.constant 0 : i32
    %dma_wait3A_1134 = tpu.memref_slice %arg3[%dma_wait3A_1133, %mul3A_1106] : memref<2x1600000xi32, #tpu.memory_space<hbm>> -> memref<1x2048xi32, #tpu.memory_space<hbm>>
    %dma_wait3A_1135 = tpu.memref_squeeze %dma_wait3A_1134 : memref<1x2048xi32, #tpu.memory_space<hbm>> -> memref<2048xi32, #tpu.memory_space<hbm>>
    %dma_wait3A_1136 = tpu.memref_slice %arg3[%dma_wait3A_1133, %mul3A_1106] : memref<2x1600000xi32, #tpu.memory_space<hbm>> -> memref<1x2048xi32, #tpu.memory_space<hbm>>
    %dma_wait3A_1137 = tpu.memref_squeeze %dma_wait3A_1136 : memref<1x2048xi32, #tpu.memory_space<hbm>> -> memref<2048xi32, #tpu.memory_space<hbm>>
    tpu.wait_dma2 semaphore(%arg18 : memref<!tpu.dma_semaphore, #tpu.memory_space<semaphore_mem>>) src(%dma_wait3A_1137 : memref<2048xi32, #tpu.memory_space<hbm>>) dst(%arg7 : memref<2048xi32, #tpu.memory_space<vmem>>)
    %dma_wait3A_1138 = tpu.memref_slice %arg3[%add3A_1, %mul3A_1113] : memref<2x1600000xi32, #tpu.memory_space<hbm>> -> memref<1x2048xi32, #tpu.memory_space<hbm>>
    %dma_wait3A_1139 = tpu.memref_squeeze %dma_wait3A_1138 : memref<1x2048xi32, #tpu.memory_space<hbm>> -> memref<2048xi32, #tpu.memory_space<hbm>>
    %dma_wait3A_1140 = tpu.memref_slice %arg3[%add3A_1, %mul3A_1113] : memref<2x1600000xi32, #tpu.memory_space<hbm>> -> memref<1x2048xi32, #tpu.memory_space<hbm>>
    %dma_wait3A_1141 = tpu.memref_squeeze %dma_wait3A_1140 : memref<1x2048xi32, #tpu.memory_space<hbm>> -> memref<2048xi32, #tpu.memory_space<hbm>>
    tpu.wait_dma2 semaphore(%arg22 : memref<!tpu.dma_semaphore, #tpu.memory_space<semaphore_mem>>) src(%dma_wait3A_1141 : memref<2048xi32, #tpu.memory_space<hbm>>) dst(%arg11 : memref<2048xi32, #tpu.memory_space<vmem>>)
    %dma_wait3A_1142 = arith.constant 0 : i32
    %dma_wait3A_1143 = tpu.memref_slice %arg12[%dma_wait3A_1142] : memref<2048xf32, #tpu.memory_space<vmem>> -> memref<2048xf32, #tpu.memory_space<vmem>>
    %dma_wait3A_1144 = arith.constant 0 : i32
    %dma_wait3A_1145 = tpu.memref_slice %arg9[%dma_wait3A_1144] : memref<2048xi32, #tpu.memory_space<vmem>> -> memref<2048xi32, #tpu.memory_space<vmem>>
    %dma_wait3A_1146 = arith.constant 0 : i32
    %dma_wait3A_1147 = tpu.memref_slice %arg16[%dma_wait3A_1146] : memref<100352xf32, #tpu.memory_space<vmem_shared>> -> memref<100352xf32, #tpu.memory_space<vmem_shared>>
    tpu.wait_indirect_dma semaphore(%arg23 : memref<!tpu.dma_semaphore, #tpu.memory_space<semaphore_mem>>) src(%dma_wait3A_1143 : memref<2048xf32, #tpu.memory_space<vmem>>) dst(%dma_wait3A_1147 : memref<100352xf32, #tpu.memory_space<vmem_shared>>)
    %dma_wait3A_1148 = arith.constant 0 : i32
    %dma_wait3A_1149 = tpu.memref_slice %arg15[%dma_wait3A_1148] : memref<2048xf32, #tpu.memory_space<vmem>> -> memref<2048xf32, #tpu.memory_space<vmem>>
    %dma_wait3A_1150 = arith.constant 0 : i32
    %dma_wait3A_1151 = tpu.memref_slice %arg9[%dma_wait3A_1150] : memref<2048xi32, #tpu.memory_space<vmem>> -> memref<2048xi32, #tpu.memory_space<vmem>>
    %dma_wait3A_1152 = arith.constant 0 : i32
    %dma_wait3A_1153 = tpu.memref_slice %arg17[%dma_wait3A_1152] : memref<100352xf32, #tpu.memory_space<vmem_shared>> -> memref<100352xf32, #tpu.memory_space<vmem_shared>>
    tpu.wait_indirect_dma semaphore(%arg23 : memref<!tpu.dma_semaphore, #tpu.memory_space<semaphore_mem>>) src(%dma_wait3A_1149 : memref<2048xf32, #tpu.memory_space<vmem>>) dst(%dma_wait3A_1153 : memref<100352xf32, #tpu.memory_space<vmem_shared>>)
    %mul3A_1154 = arith.constant 24 : i32
    %mul3A_1155 = arith.muli %add3A_80, %mul3A_1154 : i32
    %add3A_1156 = arith.constant 21 : i32
    %add3A_1157 = arith.addi %mul3A_1155, %add3A_1156 : i32
    %mul3A_1158 = arith.constant 2048 : i32
    %mul3A_1159 = arith.muli %add3A_1157, %mul3A_1158 : i32
    %dma_start3A_1160 = arith.constant 0 : i32
    %dma_start3A_1161 = tpu.memref_slice %arg3[%dma_start3A_1160, %mul3A_1159] : memref<2x1600000xi32, #tpu.memory_space<hbm>> -> memref<1x2048xi32, #tpu.memory_space<hbm>>
    %dma_start3A_1162 = tpu.memref_squeeze %dma_start3A_1161 : memref<1x2048xi32, #tpu.memory_space<hbm>> -> memref<2048xi32, #tpu.memory_space<hbm>>
    %dma_start3A_1163 = tpu.memref_slice %arg3[%dma_start3A_1160, %mul3A_1159] : memref<2x1600000xi32, #tpu.memory_space<hbm>> -> memref<1x2048xi32, #tpu.memory_space<hbm>>
    %dma_start3A_1164 = tpu.memref_squeeze %dma_start3A_1163 : memref<1x2048xi32, #tpu.memory_space<hbm>> -> memref<2048xi32, #tpu.memory_space<hbm>>
    tpu.enqueue_dma source(%dma_start3A_1164 : memref<2048xi32, #tpu.memory_space<hbm>>) target(%arg8 : memref<2048xi32, #tpu.memory_space<vmem>>) target_semaphore(%arg19 : memref<!tpu.dma_semaphore, #tpu.memory_space<semaphore_mem>>)
    %mul3A_1165 = arith.constant 2048 : i32
    %mul3A_1166 = arith.muli %add3A_1157, %mul3A_1165 : i32
    %dma_start3A_1167 = tpu.memref_slice %arg3[%add3A_1, %mul3A_1166] : memref<2x1600000xi32, #tpu.memory_space<hbm>> -> memref<1x2048xi32, #tpu.memory_space<hbm>>
    %dma_start3A_1168 = tpu.memref_squeeze %dma_start3A_1167 : memref<1x2048xi32, #tpu.memory_space<hbm>> -> memref<2048xi32, #tpu.memory_space<hbm>>
    %dma_start3A_1169 = tpu.memref_slice %arg3[%add3A_1, %mul3A_1166] : memref<2x1600000xi32, #tpu.memory_space<hbm>> -> memref<1x2048xi32, #tpu.memory_space<hbm>>
    %dma_start3A_1170 = tpu.memref_squeeze %dma_start3A_1169 : memref<1x2048xi32, #tpu.memory_space<hbm>> -> memref<2048xi32, #tpu.memory_space<hbm>>
    tpu.enqueue_dma source(%dma_start3A_1170 : memref<2048xi32, #tpu.memory_space<hbm>>) target(%arg9 : memref<2048xi32, #tpu.memory_space<vmem>>) target_semaphore(%arg20 : memref<!tpu.dma_semaphore, #tpu.memory_space<semaphore_mem>>)
    %parallel_loop3A_1171 = arith.constant 0 : i32
    %parallel_loop3A_1172 = arith.constant 2048 : i32
    %parallel_loop3A_1173 = arith.constant 16 : i32
    scf.for %parallel_loop3A_1361 = %parallel_loop3A_1171 to %parallel_loop3A_1172 step %parallel_loop3A_1173  : i32 {
      %parallel_loop3A_1362 = arith.index_cast %parallel_loop3A_1361 : i32 to index
      %parallel_loop3A_1363 = tpu.vector_load %arg7[%parallel_loop3A_1362] {strides = array<i32>} : memref<2048xi32, #tpu.memory_space<vmem>>, vector<16xi32>,
      %parallel_loop3A_1364 = tpu.vector_load_idx %arg6[%parallel_loop3A_1363] : memref<100000xf32, #tpu.memory_space<vmem>>[vector<16xi32>], vector<16xf32>,
      %parallel_loop3A_1365 = arith.index_cast %parallel_loop3A_1361 : i32 to index
      %parallel_loop3A_1366 = tpu.vector_load %arg14[%parallel_loop3A_1365] {strides = array<i32>} : memref<2048xf32, #tpu.memory_space<vmem>>, vector<16xf32>,
      tpu.vector_store %arg14[%parallel_loop3A_1365], %parallel_loop3A_1364 {strides = array<i32>} : memref<2048xf32, #tpu.memory_space<vmem>>, vector<16xf32>,
    } {sc.loop_unroll_factor = 8 : i64, sc.parallel_access}
    %dma_start3A_1174 = arith.constant 0 : i32
    %dma_start3A_1175 = tpu.memref_slice %arg14[%dma_start3A_1174] : memref<2048xf32, #tpu.memory_space<vmem>> -> memref<2048xf32, #tpu.memory_space<vmem>>
    %dma_start3A_1176 = arith.constant 0 : i32
    %dma_start3A_1177 = tpu.memref_slice %arg11[%dma_start3A_1176] : memref<2048xi32, #tpu.memory_space<vmem>> -> memref<2048xi32, #tpu.memory_space<vmem>>
    %dma_start3A_1178 = arith.constant 0 : i32
    %dma_start3A_1179 = tpu.memref_slice %arg16[%dma_start3A_1178] : memref<100352xf32, #tpu.memory_space<vmem_shared>> -> memref<100352xf32, #tpu.memory_space<vmem_shared>>
    tpu.enqueue_indirect_dma source(%dma_start3A_1175 : memref<2048xf32, #tpu.memory_space<vmem>>) target(%dma_start3A_1179 : memref<100352xf32, #tpu.memory_space<vmem_shared>>) offsets(%dma_start3A_1177 : memref<2048xi32, #tpu.memory_space<vmem>>) semaphore(%arg25 : memref<!tpu.dma_semaphore, #tpu.memory_space<semaphore_mem>>) {add = true}
    %dma_start3A_1180 = arith.constant 0 : i32
    %dma_start3A_1181 = tpu.memref_slice %arg15[%dma_start3A_1180] : memref<2048xf32, #tpu.memory_space<vmem>> -> memref<2048xf32, #tpu.memory_space<vmem>>
    %dma_start3A_1182 = arith.constant 0 : i32
    %dma_start3A_1183 = tpu.memref_slice %arg11[%dma_start3A_1182] : memref<2048xi32, #tpu.memory_space<vmem>> -> memref<2048xi32, #tpu.memory_space<vmem>>
    %dma_start3A_1184 = arith.constant 0 : i32
    %dma_start3A_1185 = tpu.memref_slice %arg17[%dma_start3A_1184] : memref<100352xf32, #tpu.memory_space<vmem_shared>> -> memref<100352xf32, #tpu.memory_space<vmem_shared>>
    tpu.enqueue_indirect_dma source(%dma_start3A_1181 : memref<2048xf32, #tpu.memory_space<vmem>>) target(%dma_start3A_1185 : memref<100352xf32, #tpu.memory_space<vmem_shared>>) offsets(%dma_start3A_1183 : memref<2048xi32, #tpu.memory_space<vmem>>) semaphore(%arg25 : memref<!tpu.dma_semaphore, #tpu.memory_space<semaphore_mem>>) {add = true}
    %dma_wait3A_1186 = arith.constant 0 : i32
    %dma_wait3A_1187 = tpu.memref_slice %arg3[%dma_wait3A_1186, %mul3A_1159] : memref<2x1600000xi32, #tpu.memory_space<hbm>> -> memref<1x2048xi32, #tpu.memory_space<hbm>>
    %dma_wait3A_1188 = tpu.memref_squeeze %dma_wait3A_1187 : memref<1x2048xi32, #tpu.memory_space<hbm>> -> memref<2048xi32, #tpu.memory_space<hbm>>
    %dma_wait3A_1189 = tpu.memref_slice %arg3[%dma_wait3A_1186, %mul3A_1159] : memref<2x1600000xi32, #tpu.memory_space<hbm>> -> memref<1x2048xi32, #tpu.memory_space<hbm>>
    %dma_wait3A_1190 = tpu.memref_squeeze %dma_wait3A_1189 : memref<1x2048xi32, #tpu.memory_space<hbm>> -> memref<2048xi32, #tpu.memory_space<hbm>>
    tpu.wait_dma2 semaphore(%arg19 : memref<!tpu.dma_semaphore, #tpu.memory_space<semaphore_mem>>) src(%dma_wait3A_1190 : memref<2048xi32, #tpu.memory_space<hbm>>) dst(%arg8 : memref<2048xi32, #tpu.memory_space<vmem>>)
    %dma_wait3A_1191 = tpu.memref_slice %arg3[%add3A_1, %mul3A_1166] : memref<2x1600000xi32, #tpu.memory_space<hbm>> -> memref<1x2048xi32, #tpu.memory_space<hbm>>
    %dma_wait3A_1192 = tpu.memref_squeeze %dma_wait3A_1191 : memref<1x2048xi32, #tpu.memory_space<hbm>> -> memref<2048xi32, #tpu.memory_space<hbm>>
    %dma_wait3A_1193 = tpu.memref_slice %arg3[%add3A_1, %mul3A_1166] : memref<2x1600000xi32, #tpu.memory_space<hbm>> -> memref<1x2048xi32, #tpu.memory_space<hbm>>
    %dma_wait3A_1194 = tpu.memref_squeeze %dma_wait3A_1193 : memref<1x2048xi32, #tpu.memory_space<hbm>> -> memref<2048xi32, #tpu.memory_space<hbm>>
    tpu.wait_dma2 semaphore(%arg20 : memref<!tpu.dma_semaphore, #tpu.memory_space<semaphore_mem>>) src(%dma_wait3A_1194 : memref<2048xi32, #tpu.memory_space<hbm>>) dst(%arg9 : memref<2048xi32, #tpu.memory_space<vmem>>)
    %dma_wait3A_1195 = arith.constant 0 : i32
    %dma_wait3A_1196 = tpu.memref_slice %arg13[%dma_wait3A_1195] : memref<2048xf32, #tpu.memory_space<vmem>> -> memref<2048xf32, #tpu.memory_space<vmem>>
    %dma_wait3A_1197 = arith.constant 0 : i32
    %dma_wait3A_1198 = tpu.memref_slice %arg10[%dma_wait3A_1197] : memref<2048xi32, #tpu.memory_space<vmem>> -> memref<2048xi32, #tpu.memory_space<vmem>>
    %dma_wait3A_1199 = arith.constant 0 : i32
    %dma_wait3A_1200 = tpu.memref_slice %arg16[%dma_wait3A_1199] : memref<100352xf32, #tpu.memory_space<vmem_shared>> -> memref<100352xf32, #tpu.memory_space<vmem_shared>>
    tpu.wait_indirect_dma semaphore(%arg24 : memref<!tpu.dma_semaphore, #tpu.memory_space<semaphore_mem>>) src(%dma_wait3A_1196 : memref<2048xf32, #tpu.memory_space<vmem>>) dst(%dma_wait3A_1200 : memref<100352xf32, #tpu.memory_space<vmem_shared>>)
    %dma_wait3A_1201 = arith.constant 0 : i32
    %dma_wait3A_1202 = tpu.memref_slice %arg15[%dma_wait3A_1201] : memref<2048xf32, #tpu.memory_space<vmem>> -> memref<2048xf32, #tpu.memory_space<vmem>>
    %dma_wait3A_1203 = arith.constant 0 : i32
    %dma_wait3A_1204 = tpu.memref_slice %arg10[%dma_wait3A_1203] : memref<2048xi32, #tpu.memory_space<vmem>> -> memref<2048xi32, #tpu.memory_space<vmem>>
    %dma_wait3A_1205 = arith.constant 0 : i32
    %dma_wait3A_1206 = tpu.memref_slice %arg17[%dma_wait3A_1205] : memref<100352xf32, #tpu.memory_space<vmem_shared>> -> memref<100352xf32, #tpu.memory_space<vmem_shared>>
    tpu.wait_indirect_dma semaphore(%arg24 : memref<!tpu.dma_semaphore, #tpu.memory_space<semaphore_mem>>) src(%dma_wait3A_1202 : memref<2048xf32, #tpu.memory_space<vmem>>) dst(%dma_wait3A_1206 : memref<100352xf32, #tpu.memory_space<vmem_shared>>)
    %mul3A_1207 = arith.constant 24 : i32
    %mul3A_1208 = arith.muli %add3A_80, %mul3A_1207 : i32
    %add3A_1209 = arith.constant 22 : i32
    %add3A_1210 = arith.addi %mul3A_1208, %add3A_1209 : i32
    %mul3A_1211 = arith.constant 2048 : i32
    %mul3A_1212 = arith.muli %add3A_1210, %mul3A_1211 : i32
    %dma_start3A_1213 = arith.constant 0 : i32
    %dma_start3A_1214 = tpu.memref_slice %arg3[%dma_start3A_1213, %mul3A_1212] : memref<2x1600000xi32, #tpu.memory_space<hbm>> -> memref<1x2048xi32, #tpu.memory_space<hbm>>
    %dma_start3A_1215 = tpu.memref_squeeze %dma_start3A_1214 : memref<1x2048xi32, #tpu.memory_space<hbm>> -> memref<2048xi32, #tpu.memory_space<hbm>>
    %dma_start3A_1216 = tpu.memref_slice %arg3[%dma_start3A_1213, %mul3A_1212] : memref<2x1600000xi32, #tpu.memory_space<hbm>> -> memref<1x2048xi32, #tpu.memory_space<hbm>>
    %dma_start3A_1217 = tpu.memref_squeeze %dma_start3A_1216 : memref<1x2048xi32, #tpu.memory_space<hbm>> -> memref<2048xi32, #tpu.memory_space<hbm>>
    tpu.enqueue_dma source(%dma_start3A_1217 : memref<2048xi32, #tpu.memory_space<hbm>>) target(%arg7 : memref<2048xi32, #tpu.memory_space<vmem>>) target_semaphore(%arg18 : memref<!tpu.dma_semaphore, #tpu.memory_space<semaphore_mem>>)
    %mul3A_1218 = arith.constant 2048 : i32
    %mul3A_1219 = arith.muli %add3A_1210, %mul3A_1218 : i32
    %dma_start3A_1220 = tpu.memref_slice %arg3[%add3A_1, %mul3A_1219] : memref<2x1600000xi32, #tpu.memory_space<hbm>> -> memref<1x2048xi32, #tpu.memory_space<hbm>>
    %dma_start3A_1221 = tpu.memref_squeeze %dma_start3A_1220 : memref<1x2048xi32, #tpu.memory_space<hbm>> -> memref<2048xi32, #tpu.memory_space<hbm>>
    %dma_start3A_1222 = tpu.memref_slice %arg3[%add3A_1, %mul3A_1219] : memref<2x1600000xi32, #tpu.memory_space<hbm>> -> memref<1x2048xi32, #tpu.memory_space<hbm>>
    %dma_start3A_1223 = tpu.memref_squeeze %dma_start3A_1222 : memref<1x2048xi32, #tpu.memory_space<hbm>> -> memref<2048xi32, #tpu.memory_space<hbm>>
    tpu.enqueue_dma source(%dma_start3A_1223 : memref<2048xi32, #tpu.memory_space<hbm>>) target(%arg10 : memref<2048xi32, #tpu.memory_space<vmem>>) target_semaphore(%arg21 : memref<!tpu.dma_semaphore, #tpu.memory_space<semaphore_mem>>)
    %parallel_loop3A_1224 = arith.constant 0 : i32
    %parallel_loop3A_1225 = arith.constant 2048 : i32
    %parallel_loop3A_1226 = arith.constant 16 : i32
    scf.for %parallel_loop3A_1361 = %parallel_loop3A_1224 to %parallel_loop3A_1225 step %parallel_loop3A_1226  : i32 {
      %parallel_loop3A_1362 = arith.index_cast %parallel_loop3A_1361 : i32 to index
      %parallel_loop3A_1363 = tpu.vector_load %arg8[%parallel_loop3A_1362] {strides = array<i32>} : memref<2048xi32, #tpu.memory_space<vmem>>, vector<16xi32>,
      %parallel_loop3A_1364 = tpu.vector_load_idx %arg6[%parallel_loop3A_1363] : memref<100000xf32, #tpu.memory_space<vmem>>[vector<16xi32>], vector<16xf32>,
      %parallel_loop3A_1365 = arith.index_cast %parallel_loop3A_1361 : i32 to index
      %parallel_loop3A_1366 = tpu.vector_load %arg12[%parallel_loop3A_1365] {strides = array<i32>} : memref<2048xf32, #tpu.memory_space<vmem>>, vector<16xf32>,
      tpu.vector_store %arg12[%parallel_loop3A_1365], %parallel_loop3A_1364 {strides = array<i32>} : memref<2048xf32, #tpu.memory_space<vmem>>, vector<16xf32>,
    } {sc.loop_unroll_factor = 8 : i64, sc.parallel_access}
    %dma_start3A_1227 = arith.constant 0 : i32
    %dma_start3A_1228 = tpu.memref_slice %arg12[%dma_start3A_1227] : memref<2048xf32, #tpu.memory_space<vmem>> -> memref<2048xf32, #tpu.memory_space<vmem>>
    %dma_start3A_1229 = arith.constant 0 : i32
    %dma_start3A_1230 = tpu.memref_slice %arg9[%dma_start3A_1229] : memref<2048xi32, #tpu.memory_space<vmem>> -> memref<2048xi32, #tpu.memory_space<vmem>>
    %dma_start3A_1231 = arith.constant 0 : i32
    %dma_start3A_1232 = tpu.memref_slice %arg16[%dma_start3A_1231] : memref<100352xf32, #tpu.memory_space<vmem_shared>> -> memref<100352xf32, #tpu.memory_space<vmem_shared>>
    tpu.enqueue_indirect_dma source(%dma_start3A_1228 : memref<2048xf32, #tpu.memory_space<vmem>>) target(%dma_start3A_1232 : memref<100352xf32, #tpu.memory_space<vmem_shared>>) offsets(%dma_start3A_1230 : memref<2048xi32, #tpu.memory_space<vmem>>) semaphore(%arg23 : memref<!tpu.dma_semaphore, #tpu.memory_space<semaphore_mem>>) {add = true}
    %dma_start3A_1233 = arith.constant 0 : i32
    %dma_start3A_1234 = tpu.memref_slice %arg15[%dma_start3A_1233] : memref<2048xf32, #tpu.memory_space<vmem>> -> memref<2048xf32, #tpu.memory_space<vmem>>
    %dma_start3A_1235 = arith.constant 0 : i32
    %dma_start3A_1236 = tpu.memref_slice %arg9[%dma_start3A_1235] : memref<2048xi32, #tpu.memory_space<vmem>> -> memref<2048xi32, #tpu.memory_space<vmem>>
    %dma_start3A_1237 = arith.constant 0 : i32
    %dma_start3A_1238 = tpu.memref_slice %arg17[%dma_start3A_1237] : memref<100352xf32, #tpu.memory_space<vmem_shared>> -> memref<100352xf32, #tpu.memory_space<vmem_shared>>
    tpu.enqueue_indirect_dma source(%dma_start3A_1234 : memref<2048xf32, #tpu.memory_space<vmem>>) target(%dma_start3A_1238 : memref<100352xf32, #tpu.memory_space<vmem_shared>>) offsets(%dma_start3A_1236 : memref<2048xi32, #tpu.memory_space<vmem>>) semaphore(%arg23 : memref<!tpu.dma_semaphore, #tpu.memory_space<semaphore_mem>>) {add = true}
    %dma_wait3A_1239 = arith.constant 0 : i32
    %dma_wait3A_1240 = tpu.memref_slice %arg3[%dma_wait3A_1239, %mul3A_1212] : memref<2x1600000xi32, #tpu.memory_space<hbm>> -> memref<1x2048xi32, #tpu.memory_space<hbm>>
    %dma_wait3A_1241 = tpu.memref_squeeze %dma_wait3A_1240 : memref<1x2048xi32, #tpu.memory_space<hbm>> -> memref<2048xi32, #tpu.memory_space<hbm>>
    %dma_wait3A_1242 = tpu.memref_slice %arg3[%dma_wait3A_1239, %mul3A_1212] : memref<2x1600000xi32, #tpu.memory_space<hbm>> -> memref<1x2048xi32, #tpu.memory_space<hbm>>
    %dma_wait3A_1243 = tpu.memref_squeeze %dma_wait3A_1242 : memref<1x2048xi32, #tpu.memory_space<hbm>> -> memref<2048xi32, #tpu.memory_space<hbm>>
    tpu.wait_dma2 semaphore(%arg18 : memref<!tpu.dma_semaphore, #tpu.memory_space<semaphore_mem>>) src(%dma_wait3A_1243 : memref<2048xi32, #tpu.memory_space<hbm>>) dst(%arg7 : memref<2048xi32, #tpu.memory_space<vmem>>)
    %dma_wait3A_1244 = tpu.memref_slice %arg3[%add3A_1, %mul3A_1219] : memref<2x1600000xi32, #tpu.memory_space<hbm>> -> memref<1x2048xi32, #tpu.memory_space<hbm>>
    %dma_wait3A_1245 = tpu.memref_squeeze %dma_wait3A_1244 : memref<1x2048xi32, #tpu.memory_space<hbm>> -> memref<2048xi32, #tpu.memory_space<hbm>>
    %dma_wait3A_1246 = tpu.memref_slice %arg3[%add3A_1, %mul3A_1219] : memref<2x1600000xi32, #tpu.memory_space<hbm>> -> memref<1x2048xi32, #tpu.memory_space<hbm>>
    %dma_wait3A_1247 = tpu.memref_squeeze %dma_wait3A_1246 : memref<1x2048xi32, #tpu.memory_space<hbm>> -> memref<2048xi32, #tpu.memory_space<hbm>>
    tpu.wait_dma2 semaphore(%arg21 : memref<!tpu.dma_semaphore, #tpu.memory_space<semaphore_mem>>) src(%dma_wait3A_1247 : memref<2048xi32, #tpu.memory_space<hbm>>) dst(%arg10 : memref<2048xi32, #tpu.memory_space<vmem>>)
    %dma_wait3A_1248 = arith.constant 0 : i32
    %dma_wait3A_1249 = tpu.memref_slice %arg14[%dma_wait3A_1248] : memref<2048xf32, #tpu.memory_space<vmem>> -> memref<2048xf32, #tpu.memory_space<vmem>>
    %dma_wait3A_1250 = arith.constant 0 : i32
    %dma_wait3A_1251 = tpu.memref_slice %arg11[%dma_wait3A_1250] : memref<2048xi32, #tpu.memory_space<vmem>> -> memref<2048xi32, #tpu.memory_space<vmem>>
    %dma_wait3A_1252 = arith.constant 0 : i32
    %dma_wait3A_1253 = tpu.memref_slice %arg16[%dma_wait3A_1252] : memref<100352xf32, #tpu.memory_space<vmem_shared>> -> memref<100352xf32, #tpu.memory_space<vmem_shared>>
    tpu.wait_indirect_dma semaphore(%arg25 : memref<!tpu.dma_semaphore, #tpu.memory_space<semaphore_mem>>) src(%dma_wait3A_1249 : memref<2048xf32, #tpu.memory_space<vmem>>) dst(%dma_wait3A_1253 : memref<100352xf32, #tpu.memory_space<vmem_shared>>)
    %dma_wait3A_1254 = arith.constant 0 : i32
    %dma_wait3A_1255 = tpu.memref_slice %arg15[%dma_wait3A_1254] : memref<2048xf32, #tpu.memory_space<vmem>> -> memref<2048xf32, #tpu.memory_space<vmem>>
    %dma_wait3A_1256 = arith.constant 0 : i32
    %dma_wait3A_1257 = tpu.memref_slice %arg11[%dma_wait3A_1256] : memref<2048xi32, #tpu.memory_space<vmem>> -> memref<2048xi32, #tpu.memory_space<vmem>>
    %dma_wait3A_1258 = arith.constant 0 : i32
    %dma_wait3A_1259 = tpu.memref_slice %arg17[%dma_wait3A_1258] : memref<100352xf32, #tpu.memory_space<vmem_shared>> -> memref<100352xf32, #tpu.memory_space<vmem_shared>>
    tpu.wait_indirect_dma semaphore(%arg25 : memref<!tpu.dma_semaphore, #tpu.memory_space<semaphore_mem>>) src(%dma_wait3A_1255 : memref<2048xf32, #tpu.memory_space<vmem>>) dst(%dma_wait3A_1259 : memref<100352xf32, #tpu.memory_space<vmem_shared>>)
    %mul3A_1260 = arith.constant 24 : i32
    %mul3A_1261 = arith.muli %add3A_80, %mul3A_1260 : i32
    %add3A_1262 = arith.constant 23 : i32
    %add3A_1263 = arith.addi %mul3A_1261, %add3A_1262 : i32
    %mul3A_1264 = arith.constant 2048 : i32
    %mul3A_1265 = arith.muli %add3A_1263, %mul3A_1264 : i32
    %dma_start3A_1266 = arith.constant 0 : i32
    %dma_start3A_1267 = tpu.memref_slice %arg3[%dma_start3A_1266, %mul3A_1265] : memref<2x1600000xi32, #tpu.memory_space<hbm>> -> memref<1x2048xi32, #tpu.memory_space<hbm>>
    %dma_start3A_1268 = tpu.memref_squeeze %dma_start3A_1267 : memref<1x2048xi32, #tpu.memory_space<hbm>> -> memref<2048xi32, #tpu.memory_space<hbm>>
    %dma_start3A_1269 = tpu.memref_slice %arg3[%dma_start3A_1266, %mul3A_1265] : memref<2x1600000xi32, #tpu.memory_space<hbm>> -> memref<1x2048xi32, #tpu.memory_space<hbm>>
    %dma_start3A_1270 = tpu.memref_squeeze %dma_start3A_1269 : memref<1x2048xi32, #tpu.memory_space<hbm>> -> memref<2048xi32, #tpu.memory_space<hbm>>
    tpu.enqueue_dma source(%dma_start3A_1270 : memref<2048xi32, #tpu.memory_space<hbm>>) target(%arg8 : memref<2048xi32, #tpu.memory_space<vmem>>) target_semaphore(%arg19 : memref<!tpu.dma_semaphore, #tpu.memory_space<semaphore_mem>>)
    %mul3A_1271 = arith.constant 2048 : i32
    %mul3A_1272 = arith.muli %add3A_1263, %mul3A_1271 : i32
    %dma_start3A_1273 = tpu.memref_slice %arg3[%add3A_1, %mul3A_1272] : memref<2x1600000xi32, #tpu.memory_space<hbm>> -> memref<1x2048xi32, #tpu.memory_space<hbm>>
    %dma_start3A_1274 = tpu.memref_squeeze %dma_start3A_1273 : memref<1x2048xi32, #tpu.memory_space<hbm>> -> memref<2048xi32, #tpu.memory_space<hbm>>
    %dma_start3A_1275 = tpu.memref_slice %arg3[%add3A_1, %mul3A_1272] : memref<2x1600000xi32, #tpu.memory_space<hbm>> -> memref<1x2048xi32, #tpu.memory_space<hbm>>
    %dma_start3A_1276 = tpu.memref_squeeze %dma_start3A_1275 : memref<1x2048xi32, #tpu.memory_space<hbm>> -> memref<2048xi32, #tpu.memory_space<hbm>>
    tpu.enqueue_dma source(%dma_start3A_1276 : memref<2048xi32, #tpu.memory_space<hbm>>) target(%arg11 : memref<2048xi32, #tpu.memory_space<vmem>>) target_semaphore(%arg22 : memref<!tpu.dma_semaphore, #tpu.memory_space<semaphore_mem>>)
    %parallel_loop3A_1277 = arith.constant 0 : i32
    %parallel_loop3A_1278 = arith.constant 2048 : i32
    %parallel_loop3A_1279 = arith.constant 16 : i32
    scf.for %parallel_loop3A_1361 = %parallel_loop3A_1277 to %parallel_loop3A_1278 step %parallel_loop3A_1279  : i32 {
      %parallel_loop3A_1362 = arith.index_cast %parallel_loop3A_1361 : i32 to index
      %parallel_loop3A_1363 = tpu.vector_load %arg7[%parallel_loop3A_1362] {strides = array<i32>} : memref<2048xi32, #tpu.memory_space<vmem>>, vector<16xi32>,
      %parallel_loop3A_1364 = tpu.vector_load_idx %arg6[%parallel_loop3A_1363] : memref<100000xf32, #tpu.memory_space<vmem>>[vector<16xi32>], vector<16xf32>,
      %parallel_loop3A_1365 = arith.index_cast %parallel_loop3A_1361 : i32 to index
      %parallel_loop3A_1366 = tpu.vector_load %arg13[%parallel_loop3A_1365] {strides = array<i32>} : memref<2048xf32, #tpu.memory_space<vmem>>, vector<16xf32>,
      tpu.vector_store %arg13[%parallel_loop3A_1365], %parallel_loop3A_1364 {strides = array<i32>} : memref<2048xf32, #tpu.memory_space<vmem>>, vector<16xf32>,
    } {sc.loop_unroll_factor = 8 : i64, sc.parallel_access}
    %dma_start3A_1280 = arith.constant 0 : i32
    %dma_start3A_1281 = tpu.memref_slice %arg13[%dma_start3A_1280] : memref<2048xf32, #tpu.memory_space<vmem>> -> memref<2048xf32, #tpu.memory_space<vmem>>
    %dma_start3A_1282 = arith.constant 0 : i32
    %dma_start3A_1283 = tpu.memref_slice %arg10[%dma_start3A_1282] : memref<2048xi32, #tpu.memory_space<vmem>> -> memref<2048xi32, #tpu.memory_space<vmem>>
    %dma_start3A_1284 = arith.constant 0 : i32
    %dma_start3A_1285 = tpu.memref_slice %arg16[%dma_start3A_1284] : memref<100352xf32, #tpu.memory_space<vmem_shared>> -> memref<100352xf32, #tpu.memory_space<vmem_shared>>
    tpu.enqueue_indirect_dma source(%dma_start3A_1281 : memref<2048xf32, #tpu.memory_space<vmem>>) target(%dma_start3A_1285 : memref<100352xf32, #tpu.memory_space<vmem_shared>>) offsets(%dma_start3A_1283 : memref<2048xi32, #tpu.memory_space<vmem>>) semaphore(%arg24 : memref<!tpu.dma_semaphore, #tpu.memory_space<semaphore_mem>>) {add = true}
    %dma_start3A_1286 = arith.constant 0 : i32
    %dma_start3A_1287 = tpu.memref_slice %arg15[%dma_start3A_1286] : memref<2048xf32, #tpu.memory_space<vmem>> -> memref<2048xf32, #tpu.memory_space<vmem>>
    %dma_start3A_1288 = arith.constant 0 : i32
    %dma_start3A_1289 = tpu.memref_slice %arg10[%dma_start3A_1288] : memref<2048xi32, #tpu.memory_space<vmem>> -> memref<2048xi32, #tpu.memory_space<vmem>>
    %dma_start3A_1290 = arith.constant 0 : i32
    %dma_start3A_1291 = tpu.memref_slice %arg17[%dma_start3A_1290] : memref<100352xf32, #tpu.memory_space<vmem_shared>> -> memref<100352xf32, #tpu.memory_space<vmem_shared>>
    tpu.enqueue_indirect_dma source(%dma_start3A_1287 : memref<2048xf32, #tpu.memory_space<vmem>>) target(%dma_start3A_1291 : memref<100352xf32, #tpu.memory_space<vmem_shared>>) offsets(%dma_start3A_1289 : memref<2048xi32, #tpu.memory_space<vmem>>) semaphore(%arg24 : memref<!tpu.dma_semaphore, #tpu.memory_space<semaphore_mem>>) {add = true}
    %dma_wait3A_1292 = arith.constant 0 : i32
    %dma_wait3A_1293 = tpu.memref_slice %arg3[%dma_wait3A_1292, %mul3A_1265] : memref<2x1600000xi32, #tpu.memory_space<hbm>> -> memref<1x2048xi32, #tpu.memory_space<hbm>>
    %dma_wait3A_1294 = tpu.memref_squeeze %dma_wait3A_1293 : memref<1x2048xi32, #tpu.memory_space<hbm>> -> memref<2048xi32, #tpu.memory_space<hbm>>
    %dma_wait3A_1295 = tpu.memref_slice %arg3[%dma_wait3A_1292, %mul3A_1265] : memref<2x1600000xi32, #tpu.memory_space<hbm>> -> memref<1x2048xi32, #tpu.memory_space<hbm>>
    %dma_wait3A_1296 = tpu.memref_squeeze %dma_wait3A_1295 : memref<1x2048xi32, #tpu.memory_space<hbm>> -> memref<2048xi32, #tpu.memory_space<hbm>>
    tpu.wait_dma2 semaphore(%arg19 : memref<!tpu.dma_semaphore, #tpu.memory_space<semaphore_mem>>) src(%dma_wait3A_1296 : memref<2048xi32, #tpu.memory_space<hbm>>) dst(%arg8 : memref<2048xi32, #tpu.memory_space<vmem>>)
    %dma_wait3A_1297 = tpu.memref_slice %arg3[%add3A_1, %mul3A_1272] : memref<2x1600000xi32, #tpu.memory_space<hbm>> -> memref<1x2048xi32, #tpu.memory_space<hbm>>
    %dma_wait3A_1298 = tpu.memref_squeeze %dma_wait3A_1297 : memref<1x2048xi32, #tpu.memory_space<hbm>> -> memref<2048xi32, #tpu.memory_space<hbm>>
    %dma_wait3A_1299 = tpu.memref_slice %arg3[%add3A_1, %mul3A_1272] : memref<2x1600000xi32, #tpu.memory_space<hbm>> -> memref<1x2048xi32, #tpu.memory_space<hbm>>
    %dma_wait3A_1300 = tpu.memref_squeeze %dma_wait3A_1299 : memref<1x2048xi32, #tpu.memory_space<hbm>> -> memref<2048xi32, #tpu.memory_space<hbm>>
    tpu.wait_dma2 semaphore(%arg22 : memref<!tpu.dma_semaphore, #tpu.memory_space<semaphore_mem>>) src(%dma_wait3A_1300 : memref<2048xi32, #tpu.memory_space<hbm>>) dst(%arg11 : memref<2048xi32, #tpu.memory_space<vmem>>)
    %parallel_loop3A_1301 = arith.constant 0 : i32
    %parallel_loop3A_1302 = arith.constant 2048 : i32
    %parallel_loop3A_1303 = arith.constant 16 : i32
    scf.for %parallel_loop3A_1361 = %parallel_loop3A_1301 to %parallel_loop3A_1302 step %parallel_loop3A_1303  : i32 {
      %parallel_loop3A_1362 = arith.index_cast %parallel_loop3A_1361 : i32 to index
      %parallel_loop3A_1363 = tpu.vector_load %arg8[%parallel_loop3A_1362] {strides = array<i32>} : memref<2048xi32, #tpu.memory_space<vmem>>, vector<16xi32>,
      %parallel_loop3A_1364 = tpu.vector_load_idx %arg6[%parallel_loop3A_1363] : memref<100000xf32, #tpu.memory_space<vmem>>[vector<16xi32>], vector<16xf32>,
      %parallel_loop3A_1365 = arith.index_cast %parallel_loop3A_1361 : i32 to index
      %parallel_loop3A_1366 = tpu.vector_load %arg14[%parallel_loop3A_1365] {strides = array<i32>} : memref<2048xf32, #tpu.memory_space<vmem>>, vector<16xf32>,
      tpu.vector_store %arg14[%parallel_loop3A_1365], %parallel_loop3A_1364 {strides = array<i32>} : memref<2048xf32, #tpu.memory_space<vmem>>, vector<16xf32>,
    } {sc.loop_unroll_factor = 8 : i64, sc.parallel_access}
    %dma_start3A_1304 = arith.constant 0 : i32
    %dma_start3A_1305 = tpu.memref_slice %arg14[%dma_start3A_1304] : memref<2048xf32, #tpu.memory_space<vmem>> -> memref<2048xf32, #tpu.memory_space<vmem>>
    %dma_start3A_1306 = arith.constant 0 : i32
    %dma_start3A_1307 = tpu.memref_slice %arg11[%dma_start3A_1306] : memref<2048xi32, #tpu.memory_space<vmem>> -> memref<2048xi32, #tpu.memory_space<vmem>>
    %dma_start3A_1308 = arith.constant 0 : i32
    %dma_start3A_1309 = tpu.memref_slice %arg16[%dma_start3A_1308] : memref<100352xf32, #tpu.memory_space<vmem_shared>> -> memref<100352xf32, #tpu.memory_space<vmem_shared>>
    tpu.enqueue_indirect_dma source(%dma_start3A_1305 : memref<2048xf32, #tpu.memory_space<vmem>>) target(%dma_start3A_1309 : memref<100352xf32, #tpu.memory_space<vmem_shared>>) offsets(%dma_start3A_1307 : memref<2048xi32, #tpu.memory_space<vmem>>) semaphore(%arg25 : memref<!tpu.dma_semaphore, #tpu.memory_space<semaphore_mem>>) {add = true}
    %dma_start3A_1310 = arith.constant 0 : i32
    %dma_start3A_1311 = tpu.memref_slice %arg15[%dma_start3A_1310] : memref<2048xf32, #tpu.memory_space<vmem>> -> memref<2048xf32, #tpu.memory_space<vmem>>
    %dma_start3A_1312 = arith.constant 0 : i32
    %dma_start3A_1313 = tpu.memref_slice %arg11[%dma_start3A_1312] : memref<2048xi32, #tpu.memory_space<vmem>> -> memref<2048xi32, #tpu.memory_space<vmem>>
    %dma_start3A_1314 = arith.constant 0 : i32
    %dma_start3A_1315 = tpu.memref_slice %arg17[%dma_start3A_1314] : memref<100352xf32, #tpu.memory_space<vmem_shared>> -> memref<100352xf32, #tpu.memory_space<vmem_shared>>
    tpu.enqueue_indirect_dma source(%dma_start3A_1311 : memref<2048xf32, #tpu.memory_space<vmem>>) target(%dma_start3A_1315 : memref<100352xf32, #tpu.memory_space<vmem_shared>>) offsets(%dma_start3A_1313 : memref<2048xi32, #tpu.memory_space<vmem>>) semaphore(%arg25 : memref<!tpu.dma_semaphore, #tpu.memory_space<semaphore_mem>>) {add = true}
    %dma_wait3A_1316 = arith.constant 0 : i32
    %dma_wait3A_1317 = tpu.memref_slice %arg12[%dma_wait3A_1316] : memref<2048xf32, #tpu.memory_space<vmem>> -> memref<2048xf32, #tpu.memory_space<vmem>>
    %dma_wait3A_1318 = arith.constant 0 : i32
    %dma_wait3A_1319 = tpu.memref_slice %arg9[%dma_wait3A_1318] : memref<2048xi32, #tpu.memory_space<vmem>> -> memref<2048xi32, #tpu.memory_space<vmem>>
    %dma_wait3A_1320 = arith.constant 0 : i32
    %dma_wait3A_1321 = tpu.memref_slice %arg16[%dma_wait3A_1320] : memref<100352xf32, #tpu.memory_space<vmem_shared>> -> memref<100352xf32, #tpu.memory_space<vmem_shared>>
    tpu.wait_indirect_dma semaphore(%arg23 : memref<!tpu.dma_semaphore, #tpu.memory_space<semaphore_mem>>) src(%dma_wait3A_1317 : memref<2048xf32, #tpu.memory_space<vmem>>) dst(%dma_wait3A_1321 : memref<100352xf32, #tpu.memory_space<vmem_shared>>)
    %dma_wait3A_1322 = arith.constant 0 : i32
    %dma_wait3A_1323 = tpu.memref_slice %arg15[%dma_wait3A_1322] : memref<2048xf32, #tpu.memory_space<vmem>> -> memref<2048xf32, #tpu.memory_space<vmem>>
    %dma_wait3A_1324 = arith.constant 0 : i32
    %dma_wait3A_1325 = tpu.memref_slice %arg9[%dma_wait3A_1324] : memref<2048xi32, #tpu.memory_space<vmem>> -> memref<2048xi32, #tpu.memory_space<vmem>>
    %dma_wait3A_1326 = arith.constant 0 : i32
    %dma_wait3A_1327 = tpu.memref_slice %arg17[%dma_wait3A_1326] : memref<100352xf32, #tpu.memory_space<vmem_shared>> -> memref<100352xf32, #tpu.memory_space<vmem_shared>>
    tpu.wait_indirect_dma semaphore(%arg23 : memref<!tpu.dma_semaphore, #tpu.memory_space<semaphore_mem>>) src(%dma_wait3A_1323 : memref<2048xf32, #tpu.memory_space<vmem>>) dst(%dma_wait3A_1327 : memref<100352xf32, #tpu.memory_space<vmem_shared>>)
    %dma_wait3A_1328 = arith.constant 0 : i32
    %dma_wait3A_1329 = tpu.memref_slice %arg13[%dma_wait3A_1328] : memref<2048xf32, #tpu.memory_space<vmem>> -> memref<2048xf32, #tpu.memory_space<vmem>>
    %dma_wait3A_1330 = arith.constant 0 : i32
    %dma_wait3A_1331 = tpu.memref_slice %arg10[%dma_wait3A_1330] : memref<2048xi32, #tpu.memory_space<vmem>> -> memref<2048xi32, #tpu.memory_space<vmem>>
    %dma_wait3A_1332 = arith.constant 0 : i32
    %dma_wait3A_1333 = tpu.memref_slice %arg16[%dma_wait3A_1332] : memref<100352xf32, #tpu.memory_space<vmem_shared>> -> memref<100352xf32, #tpu.memory_space<vmem_shared>>
    tpu.wait_indirect_dma semaphore(%arg24 : memref<!tpu.dma_semaphore, #tpu.memory_space<semaphore_mem>>) src(%dma_wait3A_1329 : memref<2048xf32, #tpu.memory_space<vmem>>) dst(%dma_wait3A_1333 : memref<100352xf32, #tpu.memory_space<vmem_shared>>)
    %dma_wait3A_1334 = arith.constant 0 : i32
    %dma_wait3A_1335 = tpu.memref_slice %arg15[%dma_wait3A_1334] : memref<2048xf32, #tpu.memory_space<vmem>> -> memref<2048xf32, #tpu.memory_space<vmem>>
    %dma_wait3A_1336 = arith.constant 0 : i32
    %dma_wait3A_1337 = tpu.memref_slice %arg10[%dma_wait3A_1336] : memref<2048xi32, #tpu.memory_space<vmem>> -> memref<2048xi32, #tpu.memory_space<vmem>>
    %dma_wait3A_1338 = arith.constant 0 : i32
    %dma_wait3A_1339 = tpu.memref_slice %arg17[%dma_wait3A_1338] : memref<100352xf32, #tpu.memory_space<vmem_shared>> -> memref<100352xf32, #tpu.memory_space<vmem_shared>>
    tpu.wait_indirect_dma semaphore(%arg24 : memref<!tpu.dma_semaphore, #tpu.memory_space<semaphore_mem>>) src(%dma_wait3A_1335 : memref<2048xf32, #tpu.memory_space<vmem>>) dst(%dma_wait3A_1339 : memref<100352xf32, #tpu.memory_space<vmem_shared>>)
    %dma_wait3A_1340 = arith.constant 0 : i32
    %dma_wait3A_1341 = tpu.memref_slice %arg14[%dma_wait3A_1340] : memref<2048xf32, #tpu.memory_space<vmem>> -> memref<2048xf32, #tpu.memory_space<vmem>>
    %dma_wait3A_1342 = arith.constant 0 : i32
    %dma_wait3A_1343 = tpu.memref_slice %arg11[%dma_wait3A_1342] : memref<2048xi32, #tpu.memory_space<vmem>> -> memref<2048xi32, #tpu.memory_space<vmem>>
    %dma_wait3A_1344 = arith.constant 0 : i32
    %dma_wait3A_1345 = tpu.memref_slice %arg16[%dma_wait3A_1344] : memref<100352xf32, #tpu.memory_space<vmem_shared>> -> memref<100352xf32, #tpu.memory_space<vmem_shared>>
    tpu.wait_indirect_dma semaphore(%arg25 : memref<!tpu.dma_semaphore, #tpu.memory_space<semaphore_mem>>) src(%dma_wait3A_1341 : memref<2048xf32, #tpu.memory_space<vmem>>) dst(%dma_wait3A_1345 : memref<100352xf32, #tpu.memory_space<vmem_shared>>)
    %dma_wait3A_1346 = arith.constant 0 : i32
    %dma_wait3A_1347 = tpu.memref_slice %arg15[%dma_wait3A_1346] : memref<2048xf32, #tpu.memory_space<vmem>> -> memref<2048xf32, #tpu.memory_space<vmem>>
    %dma_wait3A_1348 = arith.constant 0 : i32
    %dma_wait3A_1349 = tpu.memref_slice %arg11[%dma_wait3A_1348] : memref<2048xi32, #tpu.memory_space<vmem>> -> memref<2048xi32, #tpu.memory_space<vmem>>
    %dma_wait3A_1350 = arith.constant 0 : i32
    %dma_wait3A_1351 = tpu.memref_slice %arg17[%dma_wait3A_1350] : memref<100352xf32, #tpu.memory_space<vmem_shared>> -> memref<100352xf32, #tpu.memory_space<vmem_shared>>
    tpu.wait_indirect_dma semaphore(%arg25 : memref<!tpu.dma_semaphore, #tpu.memory_space<semaphore_mem>>) src(%dma_wait3A_1347 : memref<2048xf32, #tpu.memory_space<vmem>>) dst(%dma_wait3A_1351 : memref<100352xf32, #tpu.memory_space<vmem_shared>>)
    %add3A_1352 = arith.constant 768 : i32
    %add3A_1353 = arith.addi %add3A_1352, %add3A_80 : i32
    %lt3A = arith.constant 781 : i32
    %lt3A_1354 = arith.cmpi slt, %add3A_1353, %lt3A : i32
    %convert_element_type3A = arith.extui %lt3A_1354 : i1 to i32
    %cond3A = arith.constant 0 : i32
    %cond3A_1355 = arith.cmpi ne, %convert_element_type3A, %cond3A : i32
    scf.if %cond3A_1355 {
      %mul3A_1361 = arith.constant 2048 : i32
      %mul3A_1362 = arith.muli %add3A_1353, %mul3A_1361 : i32
      %run_scoped3A = arith.constant 0 : i32
      "tpu.region"() ({
        %run_scoped3A_1390 = tpu.sem_alloc : memref<!tpu.dma_semaphore, #tpu.memory_space<semaphore_mem>>
        %dma_start3A_1391 = arith.constant 0 : i32
        %dma_start3A_1392 = tpu.memref_slice %arg7[%dma_start3A_1391] : memref<2048xi32, #tpu.memory_space<vmem>> -> memref<2048xi32, #tpu.memory_space<vmem>>
        %dma_start3A_1393 = tpu.memref_slice %arg3[%run_scoped3A, %mul3A_1362] : memref<2x1600000xi32, #tpu.memory_space<hbm>> -> memref<1x2048xi32, #tpu.memory_space<hbm>>
        %dma_start3A_1394 = tpu.memref_squeeze %dma_start3A_1393 : memref<1x2048xi32, #tpu.memory_space<hbm>> -> memref<2048xi32, #tpu.memory_space<hbm>>
        %dma_start3A_1395 = arith.constant 0 : i32
        %dma_start3A_1396 = tpu.memref_slice %arg7[%dma_start3A_1395] : memref<2048xi32, #tpu.memory_space<vmem>> -> memref<2048xi32, #tpu.memory_space<vmem>>
        %dma_start3A_1397 = tpu.memref_slice %arg3[%run_scoped3A, %mul3A_1362] : memref<2x1600000xi32, #tpu.memory_space<hbm>> -> memref<1x2048xi32, #tpu.memory_space<hbm>>
        %dma_start3A_1398 = tpu.memref_squeeze %dma_start3A_1397 : memref<1x2048xi32, #tpu.memory_space<hbm>> -> memref<2048xi32, #tpu.memory_space<hbm>>
        tpu.enqueue_dma source(%dma_start3A_1398 : memref<2048xi32, #tpu.memory_space<hbm>>) target(%dma_start3A_1396 : memref<2048xi32, #tpu.memory_space<vmem>>) target_semaphore(%run_scoped3A_1390 : memref<!tpu.dma_semaphore, #tpu.memory_space<semaphore_mem>>)
        %dma_wait3A_1399 = arith.constant 0 : i32
        %dma_wait3A_1400 = tpu.memref_slice %arg7[%dma_wait3A_1399] : memref<2048xi32, #tpu.memory_space<vmem>> -> memref<2048xi32, #tpu.memory_space<vmem>>
        %dma_wait3A_1401 = tpu.memref_slice %arg3[%run_scoped3A, %mul3A_1362] : memref<2x1600000xi32, #tpu.memory_space<hbm>> -> memref<1x2048xi32, #tpu.memory_space<hbm>>
        %dma_wait3A_1402 = tpu.memref_squeeze %dma_wait3A_1401 : memref<1x2048xi32, #tpu.memory_space<hbm>> -> memref<2048xi32, #tpu.memory_space<hbm>>
        %dma_wait3A_1403 = arith.constant 0 : i32
        %dma_wait3A_1404 = tpu.memref_slice %arg7[%dma_wait3A_1403] : memref<2048xi32, #tpu.memory_space<vmem>> -> memref<2048xi32, #tpu.memory_space<vmem>>
        %dma_wait3A_1405 = tpu.memref_slice %arg3[%run_scoped3A, %mul3A_1362] : memref<2x1600000xi32, #tpu.memory_space<hbm>> -> memref<1x2048xi32, #tpu.memory_space<hbm>>
        %dma_wait3A_1406 = tpu.memref_squeeze %dma_wait3A_1405 : memref<1x2048xi32, #tpu.memory_space<hbm>> -> memref<2048xi32, #tpu.memory_space<hbm>>
        tpu.wait_dma2 semaphore(%run_scoped3A_1390 : memref<!tpu.dma_semaphore, #tpu.memory_space<semaphore_mem>>) src(%dma_wait3A_1406 : memref<2048xi32, #tpu.memory_space<hbm>>) dst(%dma_wait3A_1404 : memref<2048xi32, #tpu.memory_space<vmem>>)
        tpu.yield
      }) : () -> ()
      "tpu.region"() ({
        %run_scoped3A_1390 = tpu.sem_alloc : memref<!tpu.dma_semaphore, #tpu.memory_space<semaphore_mem>>
        %dma_start3A_1391 = arith.constant 0 : i32
        %dma_start3A_1392 = tpu.memref_slice %arg9[%dma_start3A_1391] : memref<2048xi32, #tpu.memory_space<vmem>> -> memref<2048xi32, #tpu.memory_space<vmem>>
        %dma_start3A_1393 = tpu.memref_slice %arg3[%add3A_1, %mul3A_1362] : memref<2x1600000xi32, #tpu.memory_space<hbm>> -> memref<1x2048xi32, #tpu.memory_space<hbm>>
        %dma_start3A_1394 = tpu.memref_squeeze %dma_start3A_1393 : memref<1x2048xi32, #tpu.memory_space<hbm>> -> memref<2048xi32, #tpu.memory_space<hbm>>
        %dma_start3A_1395 = arith.constant 0 : i32
        %dma_start3A_1396 = tpu.memref_slice %arg9[%dma_start3A_1395] : memref<2048xi32, #tpu.memory_space<vmem>> -> memref<2048xi32, #tpu.memory_space<vmem>>
        %dma_start3A_1397 = tpu.memref_slice %arg3[%add3A_1, %mul3A_1362] : memref<2x1600000xi32, #tpu.memory_space<hbm>> -> memref<1x2048xi32, #tpu.memory_space<hbm>>
        %dma_start3A_1398 = tpu.memref_squeeze %dma_start3A_1397 : memref<1x2048xi32, #tpu.memory_space<hbm>> -> memref<2048xi32, #tpu.memory_space<hbm>>
        tpu.enqueue_dma source(%dma_start3A_1398 : memref<2048xi32, #tpu.memory_space<hbm>>) target(%dma_start3A_1396 : memref<2048xi32, #tpu.memory_space<vmem>>) target_semaphore(%run_scoped3A_1390 : memref<!tpu.dma_semaphore, #tpu.memory_space<semaphore_mem>>)
        %dma_wait3A_1399 = arith.constant 0 : i32
        %dma_wait3A_1400 = tpu.memref_slice %arg9[%dma_wait3A_1399] : memref<2048xi32, #tpu.memory_space<vmem>> -> memref<2048xi32, #tpu.memory_space<vmem>>
        %dma_wait3A_1401 = tpu.memref_slice %arg3[%add3A_1, %mul3A_1362] : memref<2x1600000xi32, #tpu.memory_space<hbm>> -> memref<1x2048xi32, #tpu.memory_space<hbm>>
        %dma_wait3A_1402 = tpu.memref_squeeze %dma_wait3A_1401 : memref<1x2048xi32, #tpu.memory_space<hbm>> -> memref<2048xi32, #tpu.memory_space<hbm>>
        %dma_wait3A_1403 = arith.constant 0 : i32
        %dma_wait3A_1404 = tpu.memref_slice %arg9[%dma_wait3A_1403] : memref<2048xi32, #tpu.memory_space<vmem>> -> memref<2048xi32, #tpu.memory_space<vmem>>
        %dma_wait3A_1405 = tpu.memref_slice %arg3[%add3A_1, %mul3A_1362] : memref<2x1600000xi32, #tpu.memory_space<hbm>> -> memref<1x2048xi32, #tpu.memory_space<hbm>>
        %dma_wait3A_1406 = tpu.memref_squeeze %dma_wait3A_1405 : memref<1x2048xi32, #tpu.memory_space<hbm>> -> memref<2048xi32, #tpu.memory_space<hbm>>
        tpu.wait_dma2 semaphore(%run_scoped3A_1390 : memref<!tpu.dma_semaphore, #tpu.memory_space<semaphore_mem>>) src(%dma_wait3A_1406 : memref<2048xi32, #tpu.memory_space<hbm>>) dst(%dma_wait3A_1404 : memref<2048xi32, #tpu.memory_space<vmem>>)
        tpu.yield
      }) : () -> ()
      %parallel_loop3A_1363 = arith.constant 0 : i32
      %parallel_loop3A_1364 = arith.constant 2048 : i32
      %parallel_loop3A_1365 = arith.constant 16 : i32
      scf.for %parallel_loop3A_1390 = %parallel_loop3A_1363 to %parallel_loop3A_1364 step %parallel_loop3A_1365  : i32 {
        %parallel_loop3A_1391 = arith.index_cast %parallel_loop3A_1390 : i32 to index
        %parallel_loop3A_1392 = tpu.vector_load %arg7[%parallel_loop3A_1391] {strides = array<i32>} : memref<2048xi32, #tpu.memory_space<vmem>>, vector<16xi32>,
        %parallel_loop3A_1393 = tpu.vector_load_idx %arg6[%parallel_loop3A_1392] : memref<100000xf32, #tpu.memory_space<vmem>>[vector<16xi32>], vector<16xf32>,
        %parallel_loop3A_1394 = arith.index_cast %parallel_loop3A_1390 : i32 to index
        %parallel_loop3A_1395 = tpu.vector_load %arg12[%parallel_loop3A_1394] {strides = array<i32>} : memref<2048xf32, #tpu.memory_space<vmem>>, vector<16xf32>,
        tpu.vector_store %arg12[%parallel_loop3A_1394], %parallel_loop3A_1393 {strides = array<i32>} : memref<2048xf32, #tpu.memory_space<vmem>>, vector<16xf32>,
      } {sc.loop_unroll_factor = 8 : i64, sc.parallel_access}
      %dma_start3A_1366 = arith.constant 0 : i32
      %dma_start3A_1367 = tpu.memref_slice %arg12[%dma_start3A_1366] : memref<2048xf32, #tpu.memory_space<vmem>> -> memref<2048xf32, #tpu.memory_space<vmem>>
      %dma_start3A_1368 = arith.constant 0 : i32
      %dma_start3A_1369 = tpu.memref_slice %arg9[%dma_start3A_1368] : memref<2048xi32, #tpu.memory_space<vmem>> -> memref<2048xi32, #tpu.memory_space<vmem>>
      %dma_start3A_1370 = arith.constant 0 : i32
      %dma_start3A_1371 = tpu.memref_slice %arg16[%dma_start3A_1370] : memref<100352xf32, #tpu.memory_space<vmem_shared>> -> memref<100352xf32, #tpu.memory_space<vmem_shared>>
      tpu.enqueue_indirect_dma source(%dma_start3A_1367 : memref<2048xf32, #tpu.memory_space<vmem>>) target(%dma_start3A_1371 : memref<100352xf32, #tpu.memory_space<vmem_shared>>) offsets(%dma_start3A_1369 : memref<2048xi32, #tpu.memory_space<vmem>>) semaphore(%arg23 : memref<!tpu.dma_semaphore, #tpu.memory_space<semaphore_mem>>) {add = true}
      %dma_start3A_1372 = arith.constant 0 : i32
      %dma_start3A_1373 = tpu.memref_slice %arg15[%dma_start3A_1372] : memref<2048xf32, #tpu.memory_space<vmem>> -> memref<2048xf32, #tpu.memory_space<vmem>>
      %dma_start3A_1374 = arith.constant 0 : i32
      %dma_start3A_1375 = tpu.memref_slice %arg9[%dma_start3A_1374] : memref<2048xi32, #tpu.memory_space<vmem>> -> memref<2048xi32, #tpu.memory_space<vmem>>
      %dma_start3A_1376 = arith.constant 0 : i32
      %dma_start3A_1377 = tpu.memref_slice %arg17[%dma_start3A_1376] : memref<100352xf32, #tpu.memory_space<vmem_shared>> -> memref<100352xf32, #tpu.memory_space<vmem_shared>>
      tpu.enqueue_indirect_dma source(%dma_start3A_1373 : memref<2048xf32, #tpu.memory_space<vmem>>) target(%dma_start3A_1377 : memref<100352xf32, #tpu.memory_space<vmem_shared>>) offsets(%dma_start3A_1375 : memref<2048xi32, #tpu.memory_space<vmem>>) semaphore(%arg23 : memref<!tpu.dma_semaphore, #tpu.memory_space<semaphore_mem>>) {add = true}
      %dma_wait3A_1378 = arith.constant 0 : i32
      %dma_wait3A_1379 = tpu.memref_slice %arg12[%dma_wait3A_1378] : memref<2048xf32, #tpu.memory_space<vmem>> -> memref<2048xf32, #tpu.memory_space<vmem>>
      %dma_wait3A_1380 = arith.constant 0 : i32
      %dma_wait3A_1381 = tpu.memref_slice %arg9[%dma_wait3A_1380] : memref<2048xi32, #tpu.memory_space<vmem>> -> memref<2048xi32, #tpu.memory_space<vmem>>
      %dma_wait3A_1382 = arith.constant 0 : i32
      %dma_wait3A_1383 = tpu.memref_slice %arg16[%dma_wait3A_1382] : memref<100352xf32, #tpu.memory_space<vmem_shared>> -> memref<100352xf32, #tpu.memory_space<vmem_shared>>
      tpu.wait_indirect_dma semaphore(%arg23 : memref<!tpu.dma_semaphore, #tpu.memory_space<semaphore_mem>>) src(%dma_wait3A_1379 : memref<2048xf32, #tpu.memory_space<vmem>>) dst(%dma_wait3A_1383 : memref<100352xf32, #tpu.memory_space<vmem_shared>>)
      %dma_wait3A_1384 = arith.constant 0 : i32
      %dma_wait3A_1385 = tpu.memref_slice %arg15[%dma_wait3A_1384] : memref<2048xf32, #tpu.memory_space<vmem>> -> memref<2048xf32, #tpu.memory_space<vmem>>
      %dma_wait3A_1386 = arith.constant 0 : i32
      %dma_wait3A_1387 = tpu.memref_slice %arg9[%dma_wait3A_1386] : memref<2048xi32, #tpu.memory_space<vmem>> -> memref<2048xi32, #tpu.memory_space<vmem>>
      %dma_wait3A_1388 = arith.constant 0 : i32
      %dma_wait3A_1389 = tpu.memref_slice %arg17[%dma_wait3A_1388] : memref<100352xf32, #tpu.memory_space<vmem_shared>> -> memref<100352xf32, #tpu.memory_space<vmem_shared>>
      tpu.wait_indirect_dma semaphore(%arg23 : memref<!tpu.dma_semaphore, #tpu.memory_space<semaphore_mem>>) src(%dma_wait3A_1385 : memref<2048xf32, #tpu.memory_space<vmem>>) dst(%dma_wait3A_1389 : memref<100352xf32, #tpu.memory_space<vmem_shared>>)
    } else {
    }
    %eq3A = arith.constant 781 : i32
    %eq3A_1356 = arith.cmpi eq, %add3A_1353, %eq3A : i32
    %convert_element_type3A_1357 = arith.extui %eq3A_1356 : i1 to i32
    %cond3A_1358 = arith.constant 0 : i32
    %cond3A_1359 = arith.cmpi ne, %convert_element_type3A_1357, %cond3A_1358 : i32
    scf.if %cond3A_1359 {
      %mul3A_1361 = arith.constant 2048 : i32
      %mul3A_1362 = arith.muli %add3A_1353, %mul3A_1361 : i32
      %run_scoped3A = arith.constant 0 : i32
      "tpu.region"() ({
        %run_scoped3A_1390 = tpu.sem_alloc : memref<!tpu.dma_semaphore, #tpu.memory_space<semaphore_mem>>
        %dma_start3A_1391 = arith.constant 0 : i32
        %dma_start3A_1392 = tpu.memref_slice %arg7[%dma_start3A_1391] : memref<2048xi32, #tpu.memory_space<vmem>> -> memref<512xi32, #tpu.memory_space<vmem>>
        %dma_start3A_1393 = tpu.memref_slice %arg3[%run_scoped3A, %mul3A_1362] : memref<2x1600000xi32, #tpu.memory_space<hbm>> -> memref<1x512xi32, #tpu.memory_space<hbm>>
        %dma_start3A_1394 = tpu.memref_squeeze %dma_start3A_1393 : memref<1x512xi32, #tpu.memory_space<hbm>> -> memref<512xi32, #tpu.memory_space<hbm>>
        %dma_start3A_1395 = arith.constant 0 : i32
        %dma_start3A_1396 = tpu.memref_slice %arg7[%dma_start3A_1395] : memref<2048xi32, #tpu.memory_space<vmem>> -> memref<512xi32, #tpu.memory_space<vmem>>
        %dma_start3A_1397 = tpu.memref_slice %arg3[%run_scoped3A, %mul3A_1362] : memref<2x1600000xi32, #tpu.memory_space<hbm>> -> memref<1x512xi32, #tpu.memory_space<hbm>>
        %dma_start3A_1398 = tpu.memref_squeeze %dma_start3A_1397 : memref<1x512xi32, #tpu.memory_space<hbm>> -> memref<512xi32, #tpu.memory_space<hbm>>
        tpu.enqueue_dma source(%dma_start3A_1398 : memref<512xi32, #tpu.memory_space<hbm>>) target(%dma_start3A_1396 : memref<512xi32, #tpu.memory_space<vmem>>) target_semaphore(%run_scoped3A_1390 : memref<!tpu.dma_semaphore, #tpu.memory_space<semaphore_mem>>)
        %dma_wait3A_1399 = arith.constant 0 : i32
        %dma_wait3A_1400 = tpu.memref_slice %arg7[%dma_wait3A_1399] : memref<2048xi32, #tpu.memory_space<vmem>> -> memref<512xi32, #tpu.memory_space<vmem>>
        %dma_wait3A_1401 = tpu.memref_slice %arg3[%run_scoped3A, %mul3A_1362] : memref<2x1600000xi32, #tpu.memory_space<hbm>> -> memref<1x512xi32, #tpu.memory_space<hbm>>
        %dma_wait3A_1402 = tpu.memref_squeeze %dma_wait3A_1401 : memref<1x512xi32, #tpu.memory_space<hbm>> -> memref<512xi32, #tpu.memory_space<hbm>>
        %dma_wait3A_1403 = arith.constant 0 : i32
        %dma_wait3A_1404 = tpu.memref_slice %arg7[%dma_wait3A_1403] : memref<2048xi32, #tpu.memory_space<vmem>> -> memref<512xi32, #tpu.memory_space<vmem>>
        %dma_wait3A_1405 = tpu.memref_slice %arg3[%run_scoped3A, %mul3A_1362] : memref<2x1600000xi32, #tpu.memory_space<hbm>> -> memref<1x512xi32, #tpu.memory_space<hbm>>
        %dma_wait3A_1406 = tpu.memref_squeeze %dma_wait3A_1405 : memref<1x512xi32, #tpu.memory_space<hbm>> -> memref<512xi32, #tpu.memory_space<hbm>>
        tpu.wait_dma2 semaphore(%run_scoped3A_1390 : memref<!tpu.dma_semaphore, #tpu.memory_space<semaphore_mem>>) src(%dma_wait3A_1406 : memref<512xi32, #tpu.memory_space<hbm>>) dst(%dma_wait3A_1404 : memref<512xi32, #tpu.memory_space<vmem>>)
        tpu.yield
      }) : () -> ()
      "tpu.region"() ({
        %run_scoped3A_1390 = tpu.sem_alloc : memref<!tpu.dma_semaphore, #tpu.memory_space<semaphore_mem>>
        %dma_start3A_1391 = arith.constant 0 : i32
        %dma_start3A_1392 = tpu.memref_slice %arg9[%dma_start3A_1391] : memref<2048xi32, #tpu.memory_space<vmem>> -> memref<512xi32, #tpu.memory_space<vmem>>
        %dma_start3A_1393 = tpu.memref_slice %arg3[%add3A_1, %mul3A_1362] : memref<2x1600000xi32, #tpu.memory_space<hbm>> -> memref<1x512xi32, #tpu.memory_space<hbm>>
        %dma_start3A_1394 = tpu.memref_squeeze %dma_start3A_1393 : memref<1x512xi32, #tpu.memory_space<hbm>> -> memref<512xi32, #tpu.memory_space<hbm>>
        %dma_start3A_1395 = arith.constant 0 : i32
        %dma_start3A_1396 = tpu.memref_slice %arg9[%dma_start3A_1395] : memref<2048xi32, #tpu.memory_space<vmem>> -> memref<512xi32, #tpu.memory_space<vmem>>
        %dma_start3A_1397 = tpu.memref_slice %arg3[%add3A_1, %mul3A_1362] : memref<2x1600000xi32, #tpu.memory_space<hbm>> -> memref<1x512xi32, #tpu.memory_space<hbm>>
        %dma_start3A_1398 = tpu.memref_squeeze %dma_start3A_1397 : memref<1x512xi32, #tpu.memory_space<hbm>> -> memref<512xi32, #tpu.memory_space<hbm>>
        tpu.enqueue_dma source(%dma_start3A_1398 : memref<512xi32, #tpu.memory_space<hbm>>) target(%dma_start3A_1396 : memref<512xi32, #tpu.memory_space<vmem>>) target_semaphore(%run_scoped3A_1390 : memref<!tpu.dma_semaphore, #tpu.memory_space<semaphore_mem>>)
        %dma_wait3A_1399 = arith.constant 0 : i32
        %dma_wait3A_1400 = tpu.memref_slice %arg9[%dma_wait3A_1399] : memref<2048xi32, #tpu.memory_space<vmem>> -> memref<512xi32, #tpu.memory_space<vmem>>
        %dma_wait3A_1401 = tpu.memref_slice %arg3[%add3A_1, %mul3A_1362] : memref<2x1600000xi32, #tpu.memory_space<hbm>> -> memref<1x512xi32, #tpu.memory_space<hbm>>
        %dma_wait3A_1402 = tpu.memref_squeeze %dma_wait3A_1401 : memref<1x512xi32, #tpu.memory_space<hbm>> -> memref<512xi32, #tpu.memory_space<hbm>>
        %dma_wait3A_1403 = arith.constant 0 : i32
        %dma_wait3A_1404 = tpu.memref_slice %arg9[%dma_wait3A_1403] : memref<2048xi32, #tpu.memory_space<vmem>> -> memref<512xi32, #tpu.memory_space<vmem>>
        %dma_wait3A_1405 = tpu.memref_slice %arg3[%add3A_1, %mul3A_1362] : memref<2x1600000xi32, #tpu.memory_space<hbm>> -> memref<1x512xi32, #tpu.memory_space<hbm>>
        %dma_wait3A_1406 = tpu.memref_squeeze %dma_wait3A_1405 : memref<1x512xi32, #tpu.memory_space<hbm>> -> memref<512xi32, #tpu.memory_space<hbm>>
        tpu.wait_dma2 semaphore(%run_scoped3A_1390 : memref<!tpu.dma_semaphore, #tpu.memory_space<semaphore_mem>>) src(%dma_wait3A_1406 : memref<512xi32, #tpu.memory_space<hbm>>) dst(%dma_wait3A_1404 : memref<512xi32, #tpu.memory_space<vmem>>)
        tpu.yield
      }) : () -> ()
      %parallel_loop3A_1363 = arith.constant 0 : i32
      %parallel_loop3A_1364 = arith.constant 512 : i32
      %parallel_loop3A_1365 = arith.constant 16 : i32
      scf.for %parallel_loop3A_1390 = %parallel_loop3A_1363 to %parallel_loop3A_1364 step %parallel_loop3A_1365  : i32 {
        %parallel_loop3A_1391 = arith.index_cast %parallel_loop3A_1390 : i32 to index
        %parallel_loop3A_1392 = tpu.vector_load %arg7[%parallel_loop3A_1391] {strides = array<i32>} : memref<2048xi32, #tpu.memory_space<vmem>>, vector<16xi32>,
        %parallel_loop3A_1393 = tpu.vector_load_idx %arg6[%parallel_loop3A_1392] : memref<100000xf32, #tpu.memory_space<vmem>>[vector<16xi32>], vector<16xf32>,
        %parallel_loop3A_1394 = arith.index_cast %parallel_loop3A_1390 : i32 to index
        %parallel_loop3A_1395 = tpu.vector_load %arg12[%parallel_loop3A_1394] {strides = array<i32>} : memref<2048xf32, #tpu.memory_space<vmem>>, vector<16xf32>,
        tpu.vector_store %arg12[%parallel_loop3A_1394], %parallel_loop3A_1393 {strides = array<i32>} : memref<2048xf32, #tpu.memory_space<vmem>>, vector<16xf32>,
      } {sc.loop_unroll_factor = 8 : i64, sc.parallel_access}
      %dma_start3A_1366 = arith.constant 0 : i32
      %dma_start3A_1367 = tpu.memref_slice %arg12[%dma_start3A_1366] : memref<2048xf32, #tpu.memory_space<vmem>> -> memref<512xf32, #tpu.memory_space<vmem>>
      %dma_start3A_1368 = arith.constant 0 : i32
      %dma_start3A_1369 = tpu.memref_slice %arg9[%dma_start3A_1368] : memref<2048xi32, #tpu.memory_space<vmem>> -> memref<512xi32, #tpu.memory_space<vmem>>
      %dma_start3A_1370 = arith.constant 0 : i32
      %dma_start3A_1371 = tpu.memref_slice %arg16[%dma_start3A_1370] : memref<100352xf32, #tpu.memory_space<vmem_shared>> -> memref<100352xf32, #tpu.memory_space<vmem_shared>>
      tpu.enqueue_indirect_dma source(%dma_start3A_1367 : memref<512xf32, #tpu.memory_space<vmem>>) target(%dma_start3A_1371 : memref<100352xf32, #tpu.memory_space<vmem_shared>>) offsets(%dma_start3A_1369 : memref<512xi32, #tpu.memory_space<vmem>>) semaphore(%arg23 : memref<!tpu.dma_semaphore, #tpu.memory_space<semaphore_mem>>) {add = true}
      %dma_start3A_1372 = arith.constant 0 : i32
      %dma_start3A_1373 = tpu.memref_slice %arg15[%dma_start3A_1372] : memref<2048xf32, #tpu.memory_space<vmem>> -> memref<512xf32, #tpu.memory_space<vmem>>
      %dma_start3A_1374 = arith.constant 0 : i32
      %dma_start3A_1375 = tpu.memref_slice %arg9[%dma_start3A_1374] : memref<2048xi32, #tpu.memory_space<vmem>> -> memref<512xi32, #tpu.memory_space<vmem>>
      %dma_start3A_1376 = arith.constant 0 : i32
      %dma_start3A_1377 = tpu.memref_slice %arg17[%dma_start3A_1376] : memref<100352xf32, #tpu.memory_space<vmem_shared>> -> memref<100352xf32, #tpu.memory_space<vmem_shared>>
      tpu.enqueue_indirect_dma source(%dma_start3A_1373 : memref<512xf32, #tpu.memory_space<vmem>>) target(%dma_start3A_1377 : memref<100352xf32, #tpu.memory_space<vmem_shared>>) offsets(%dma_start3A_1375 : memref<512xi32, #tpu.memory_space<vmem>>) semaphore(%arg23 : memref<!tpu.dma_semaphore, #tpu.memory_space<semaphore_mem>>) {add = true}
      %dma_wait3A_1378 = arith.constant 0 : i32
      %dma_wait3A_1379 = tpu.memref_slice %arg12[%dma_wait3A_1378] : memref<2048xf32, #tpu.memory_space<vmem>> -> memref<512xf32, #tpu.memory_space<vmem>>
      %dma_wait3A_1380 = arith.constant 0 : i32
      %dma_wait3A_1381 = tpu.memref_slice %arg9[%dma_wait3A_1380] : memref<2048xi32, #tpu.memory_space<vmem>> -> memref<512xi32, #tpu.memory_space<vmem>>
      %dma_wait3A_1382 = arith.constant 0 : i32
      %dma_wait3A_1383 = tpu.memref_slice %arg16[%dma_wait3A_1382] : memref<100352xf32, #tpu.memory_space<vmem_shared>> -> memref<100352xf32, #tpu.memory_space<vmem_shared>>
      tpu.wait_indirect_dma semaphore(%arg23 : memref<!tpu.dma_semaphore, #tpu.memory_space<semaphore_mem>>) src(%dma_wait3A_1379 : memref<512xf32, #tpu.memory_space<vmem>>) dst(%dma_wait3A_1383 : memref<100352xf32, #tpu.memory_space<vmem_shared>>)
      %dma_wait3A_1384 = arith.constant 0 : i32
      %dma_wait3A_1385 = tpu.memref_slice %arg15[%dma_wait3A_1384] : memref<2048xf32, #tpu.memory_space<vmem>> -> memref<512xf32, #tpu.memory_space<vmem>>
      %dma_wait3A_1386 = arith.constant 0 : i32
      %dma_wait3A_1387 = tpu.memref_slice %arg9[%dma_wait3A_1386] : memref<2048xi32, #tpu.memory_space<vmem>> -> memref<512xi32, #tpu.memory_space<vmem>>
      %dma_wait3A_1388 = arith.constant 0 : i32
      %dma_wait3A_1389 = tpu.memref_slice %arg17[%dma_wait3A_1388] : memref<100352xf32, #tpu.memory_space<vmem_shared>> -> memref<100352xf32, #tpu.memory_space<vmem_shared>>
      tpu.wait_indirect_dma semaphore(%arg23 : memref<!tpu.dma_semaphore, #tpu.memory_space<semaphore_mem>>) src(%dma_wait3A_1385 : memref<512xf32, #tpu.memory_space<vmem>>) dst(%dma_wait3A_1389 : memref<100352xf32, #tpu.memory_space<vmem_shared>>)
    } else {
    }
    %barrier3A_1360 = arith.constant 0 : index
    tpu.barrier barrier_id(%barrier3A_1360)
    "tpu.region"() ({
      %run_scoped3A = tpu.sem_alloc : memref<!tpu.dma_semaphore, #tpu.memory_space<semaphore_mem>>
      %dma_start3A_1361 = tpu.memref_slice %arg4[%arg0, %mul3A_8] : memref<2x100352xf32, #tpu.memory_space<hbm>> -> memref<1x6272xf32, #tpu.memory_space<hbm>>
      %dma_start3A_1362 = tpu.memref_squeeze %dma_start3A_1361 : memref<1x6272xf32, #tpu.memory_space<hbm>> -> memref<6272xf32, #tpu.memory_space<hbm>>
      %dma_start3A_1363 = tpu.memref_slice %arg16[%mul3A_8] : memref<100352xf32, #tpu.memory_space<vmem_shared>> -> memref<6272xf32, #tpu.memory_space<vmem_shared>>
      tpu.enqueue_dma source(%dma_start3A_1363 : memref<6272xf32, #tpu.memory_space<vmem_shared>>) target(%dma_start3A_1362 : memref<6272xf32, #tpu.memory_space<hbm>>) target_semaphore(%run_scoped3A : memref<!tpu.dma_semaphore, #tpu.memory_space<semaphore_mem>>)
      %dma_wait3A_1364 = tpu.memref_slice %arg4[%arg0, %mul3A_8] : memref<2x100352xf32, #tpu.memory_space<hbm>> -> memref<1x6272xf32, #tpu.memory_space<hbm>>
      %dma_wait3A_1365 = tpu.memref_squeeze %dma_wait3A_1364 : memref<1x6272xf32, #tpu.memory_space<hbm>> -> memref<6272xf32, #tpu.memory_space<hbm>>
      %dma_wait3A_1366 = tpu.memref_slice %arg16[%mul3A_8] : memref<100352xf32, #tpu.memory_space<vmem_shared>> -> memref<6272xf32, #tpu.memory_space<vmem_shared>>
      tpu.wait_dma2 semaphore(%run_scoped3A : memref<!tpu.dma_semaphore, #tpu.memory_space<semaphore_mem>>) src(%dma_wait3A_1366 : memref<6272xf32, #tpu.memory_space<vmem_shared>>) dst(%dma_wait3A_1365 : memref<6272xf32, #tpu.memory_space<hbm>>)
      tpu.yield
    }) : () -> ()
    "tpu.region"() ({
      %run_scoped3A = tpu.sem_alloc : memref<!tpu.dma_semaphore, #tpu.memory_space<semaphore_mem>>
      %dma_start3A_1361 = tpu.memref_slice %arg5[%arg0, %mul3A_8] : memref<2x100352xf32, #tpu.memory_space<hbm>> -> memref<1x6272xf32, #tpu.memory_space<hbm>>
      %dma_start3A_1362 = tpu.memref_squeeze %dma_start3A_1361 : memref<1x6272xf32, #tpu.memory_space<hbm>> -> memref<6272xf32, #tpu.memory_space<hbm>>
      %dma_start3A_1363 = tpu.memref_slice %arg17[%mul3A_8] : memref<100352xf32, #tpu.memory_space<vmem_shared>> -> memref<6272xf32, #tpu.memory_space<vmem_shared>>
      tpu.enqueue_dma source(%dma_start3A_1363 : memref<6272xf32, #tpu.memory_space<vmem_shared>>) target(%dma_start3A_1362 : memref<6272xf32, #tpu.memory_space<hbm>>) target_semaphore(%run_scoped3A : memref<!tpu.dma_semaphore, #tpu.memory_space<semaphore_mem>>)
      %dma_wait3A_1364 = tpu.memref_slice %arg5[%arg0, %mul3A_8] : memref<2x100352xf32, #tpu.memory_space<hbm>> -> memref<1x6272xf32, #tpu.memory_space<hbm>>
      %dma_wait3A_1365 = tpu.memref_squeeze %dma_wait3A_1364 : memref<1x6272xf32, #tpu.memory_space<hbm>> -> memref<6272xf32, #tpu.memory_space<hbm>>
      %dma_wait3A_1366 = tpu.memref_slice %arg17[%mul3A_8] : memref<100352xf32, #tpu.memory_space<vmem_shared>> -> memref<6272xf32, #tpu.memory_space<vmem_shared>>
      tpu.wait_dma2 semaphore(%run_scoped3A : memref<!tpu.dma_semaphore, #tpu.memory_space<semaphore_mem>>) src(%dma_wait3A_1366 : memref<6272xf32, #tpu.memory_space<vmem_shared>>) dst(%dma_wait3A_1365 : memref<6272xf32, #tpu.memory_space<hbm>>)
      tpu.yield
    }) : () -> ()
    return
  }
}

</mosaic_0001>

<sc_bundles>
// kernel: _edge_pass.3.cloned.1.call-start
scs
__scs_entry_jumppad:
0x0: {  	(pc) =	sbr.rel $0x88, $3  }
0x1: {  	(tag) =	ssettag $0x0;
	lr =	simm.s32 $0x1  }
0x2: {  	[smem:$0x3F9F] =	sst lr;
	_ =	strace $0xD0000000  }
0x3: {  	_ = 	snop  }
0x4: {  	_ = 	snop  }
0x5: {  	_ = 	snop  }
0x6: {  	_ = 	snop  }
0x7: {  	_ = 	snop  }
__scs_overlays_trampoline_lowered:
0x8: {  	[smem:$0x3FAE] =	sst s0  }
0x9: {  	[smem:$0x3FAF] =	sst s1  }
0xa: {  	[smem:$0x3FB0] =	sst s2  }
0xb: {  	[smem:$0x3FB1] =	sst s3  }
0xc: {  	[smem:$0x3FB2] =	sst s4  }
0xd: {  	[smem:$0x3FB3] =	sst s5  }
0xe: {  	[smem:$0x3FB4] =	sst s6  }
0xf: {  	[smem:$0x3FB5] =	sst s7  }
0x10: {  	[smem:$0x3FB6] =	sst s8  }
0x11: {  	[smem:$0x3FB7] =	sst s9;
	s0 =	simm.s32 @!p0 $0x0  }
0x12: {  	s1 =	sld [smem:$0x3F9D];
	s0 =	simm.s32 @p0 $0x1  }
0x13: {  	[smem:$0x3FB8] =	sst s0;
	s0 =	simm.s32 @!p1 $0x0  }
0x14: {  	s2 =	sld [smem:$0x3F9C];
	s0 =	simm.s32 @p1 $0x1  }
0x15: {  	[smem:$0x3FB9] =	sst s0;
	s0 =	simm.s32 @!p2 $0x0  }
0x16: {  	s3 =	sld [smem:$0x3FDB];
	s0 =	simm.s32 @p2 $0x1  }
0x17: {  	s4 =	simm.s32 $0x1BF5;
	[smem:$0x3FBB] =	sst s0  }
0x18: {  	s0 =	sld [smem:$0x3F9E];
	_ =	swait.ge [sflag:s4], $0x0  }
0x19: {  	s7 =	sld [smem:$0x3F9F]  }
0x1a: {  	s8 =	sadd.s32 $0xFFFFE003, lr  }
0x1b: {  	s9 =	sadd.s32 $0xFFFFFEF7, lr;
	s5 =	simm.s32 $0xFFFFFFFF;
	p2 =	slt.u32 s8, $0xFFFFF086  }
0x1c: {  	p1 =	slt.u32 s9, $0xF7A;
	s5 =	simm.s32 @!p2 $0x0  }
0x1d: {  	s5 =	simm.s32 @p1 $0x1;
	p0 =	seq.s32 s7, s2  }
0x1e: {  	s7 =	smul.u32 @!p0 $0xF7A, s2;
	p2 =	seq.s32 @!p0 s5, $0x0  }
0x1f: {  	s9 =	smul.u32 $0xF7A, s1;
	s8 =	simm.s32 @!p0 $0x1BF5;
	p2 =	por !p2, p0  }
0x20: {  	[sflag:s8] =	ssyncset.s32 @!p0 $0xFFFFF086;
	s6 =	sadd.s32 @!p0 s3, s7;
	s7 =	simm.s32 @!p0 $0x108  }
0x21: {  	s3 =	sadd.s32 s3, s9;
	s6 =	sadd.s32 @!p0 $0x88, s6;
	s7 =	simm.s32 @p2 $0x1082  }
0x22: {  	[simem:s7], [sflag:s8] =	dma.local @!p0 [hbm:s6], $0xF7A  }
0x23: {  	s9 =	sor.u32 $0xD0000000, s2;
	s6 =	simm.s32 $0x108;
	_ =	swait.ge @!p0 [sflag:s8], $0x0  }
0x24: {  	s3 =	sadd.s32 $0x88, s3;
	s6 =	simm.s32 @!p1 $0x1082;
	[sflag:s4] =	ssyncset.s32 $0xFFFFF086  }
0x25: {  	[simem:s6], [sflag:s4] =	dma.local [hbm:s3], $0xF7A  }
0x26: {  	[smem:$0x3F9F] =	sst s1;
	(tag) =	ssettag s2;
	_ =	strace s9  }
0x27: {  	s1 =	sld [smem:$0x3FAF]  }
0x28: {  	s2 =	sld [smem:$0x3FB0]  }
0x29: {  	s4 =	sld [smem:$0x3FB2]  }
0x2a: {  	p0 =	seq.s32 s5, $0x0;
	s5 =	sld [smem:$0x3FB3]  }
0x2b: {  	s6 =	sld [smem:$0x3FB4]  }
0x2c: {  	s7 =	sld [smem:$0x3FB5]  }
0x2d: {  	s3 =	simm.s32 $0x108;
	s8 =	sld [smem:$0x3FB6]  }
0x2e: {  	s3 =	simm.s32 @!p0 $0x1082;
	s9 =	sld [smem:$0x3FB7]  }
0x2f: {  	lr =	sadd.s32 s0, s3;
	s0 =	sld [smem:$0x3FAE]  }
0x30: {  	s3 =	sld [smem:$0x3FB1]  }
0x31: {  	[smem:$0x3FBA] =	sst s10  }
0x32: {  	s10 =	sld [smem:$0x3FB8];
	_ =	sdelay $0x3  }
0x33: {  	p0 =	seq.s32 s10, $0x1;
	s10 =	sld [smem:$0x3FBA];
	_ =	sdelay $0x3  }
0x34: {  	[smem:$0x3FBA] =	sst s10  }
0x35: {  	s10 =	sld [smem:$0x3FB9];
	_ =	sdelay $0x3  }
0x36: {  	p1 =	seq.s32 s10, $0x1;
	s10 =	sld [smem:$0x3FBA];
	_ =	sdelay $0x3  }
0x37: {  	[smem:$0x3FBA] =	sst s10  }
0x38: {  	s10 =	sld [smem:$0x3FBB]  }
0x39: {  	_ = 	snop;
	(pc) =	sbr.ind lr, $3  }
0x3a: {  	_ = 	snop  }
0x3b: {  	_ = 	snop  }
0x3c: {  	p2 =	seq.s32 s10, $0x1;
	s10 =	sld [smem:$0x3FBA]  }
0x3d: {  	_ =	shalt  }
0x3e: {  	_ =	shalt  }
0x3f: {  	_ =	shalt  }
0x40: {  	_ =	shalt  }
0x41: {  	_ =	shalt  }
0x42: {  	_ =	shalt  }
0x43: {  	_ =	shalt  }
0x44: {  	_ =	shalt  }
0x45: {  	_ =	shalt  }
0x46: {  	_ =	shalt  }
0x47: {  	_ =	shalt  }
0x48: {  	_ =	shalt  }
0x49: {  	_ =	shalt  }
0x4a: {  	_ =	shalt  }
0x4b: {  	_ =	shalt  }
0x4c: {  	_ =	shalt  }
0x4d: {  	_ =	shalt  }
0x4e: {  	_ =	shalt  }
0x4f: {  	_ =	shalt  }
0x50: {  	_ =	shalt  }
0x51: {  	_ =	shalt  }
0x52: {  	_ =	shalt  }
0x53: {  	_ =	shalt  }
0x54: {  	_ =	shalt  }
0x55: {  	_ =	shalt  }
0x56: {  	_ =	shalt  }
0x57: {  	_ =	shalt  }
0x58: {  	_ =	shalt  }
0x59: {  	_ =	shalt  }
0x5a: {  	_ =	shalt  }
0x5b: {  	_ =	shalt  }
0x5c: {  	_ =	shalt  }
0x5d: {  	_ =	shalt  }
0x5e: {  	_ =	shalt  }
0x5f: {  	_ =	shalt  }
0x60: {  	_ =	shalt  }
0x61: {  	_ =	shalt  }
0x62: {  	_ =	shalt  }
0x63: {  	_ =	shalt  }
0x64: {  	_ =	shalt  }
0x65: {  	_ =	shalt  }
0x66: {  	_ =	shalt  }
0x67: {  	_ =	shalt  }
0x68: {  	_ =	shalt  }
0x69: {  	_ =	shalt  }
0x6a: {  	_ =	shalt  }
0x6b: {  	_ =	shalt  }
0x6c: {  	_ =	shalt  }
0x6d: {  	_ =	shalt  }
0x6e: {  	_ =	shalt  }
0x6f: {  	_ =	shalt  }
0x70: {  	_ =	shalt  }
0x71: {  	_ =	shalt  }
0x72: {  	_ =	shalt  }
0x73: {  	_ =	shalt  }
0x74: {  	_ =	shalt  }
0x75: {  	_ =	shalt  }
0x76: {  	_ =	shalt  }
0x77: {  	_ =	shalt  }
0x78: {  	_ =	shalt  }
0x79: {  	_ =	shalt  }
0x7a: {  	_ =	shalt  }
0x7b: {  	_ =	shalt  }
0x7c: {  	_ =	shalt  }
0x7d: {  	_ =	shalt  }
0x7e: {  	_ =	shalt  }
0x7f: {  	_ =	shalt  }
0x80: {  	_ =	shalt  }
0x81: {  	_ =	shalt  }
0x82: {  	_ =	shalt  }
0x83: {  	_ =	shalt  }
0x84: {  	_ =	shalt  }
0x85: {  	_ =	shalt  }
0x86: {  	_ =	shalt  }
0x87: {  	_ =	shalt  }
.Lfunc_end0:
.L_simem_size_0:
called_computation_lowered:
.L_overlay_start_0:
0x88: {  	s2 =	sld [smem:$0x3FD9]  }
0x89: {  	s3 =	sld [smem:$0x3FFE];
	_ =	sdelay $0x1  }
0x8a: {  	s1 =	srdreg.scid  }
0x8b: {  	s0 =	sand.u32 $0x1, s1  }
0x8c: {  	s15 =	sshll.u32 s0, $0xA;
	s2 =	sadd.s32 s3, s2  }
0x8d: {  	s2 =	sadd.s32 s2, s15  }
0x8e: {  	[smem:$0x3FC6] =	sst s2  }
0x8f: {  	_ = 	snop  }
0x90: {  	s2 =	sld [smem:$0x3FD0];
	_ =	sdelay $0x1  }
0x91: {  	s16 =	sld [smem:$0x3FC9]  }
0x92: {  	s5 =	simm.s32 $0xA;
	s6 =	simm.s32 $0x10;
	s4 =	sld [smem:$0x3FC8]  }
0x93: {  	[smem:s6], [sflag:s5] =	dma.local [hbm:s2], $0x1  }
0x94: {  	_ =	swait.eq [sflag:s5], $0x1  }
0x95: {  	[sflag:s5] =	ssyncset.done $0x0  }
0x96: {  	s17 =	sld [smem:$0x10];
	[sflag:s5] =	ssyncadd.s32 $0xFFFFFFFF  }
0x97: {  	s18 =	sld [smem:$0x11];
	(tm) =	ssettm $0x1  }
0x98: {  	s19 =	sld [smem:$0x3FFB];
	_ =	sdelay $0x3  }
0x99: {  	_ =	strace s19  }
0x9a: {  	s6 =	sld [smem:$0x3FFC];
	_ =	sdelay $0x3  }
0x9b: {  	_ =	strace s6  }
0x9c: {  	s6 =	sld [smem:$0x3FFD];
	_ =	sdelay $0x3  }
0x9d: {  	_ =	strace s6  }
0x9e: {  	_ =	strace $0x8FFFFFFF  }
0x9f: {  	s20 =	sld [smem:$0x3FDB];
	_ =	sdelay $0x1  }
0xa0: {  	s7 =	simm.s32 $_scs_section_size  }
0xa1: {  	s8 =	simm.s32 $_size__tile_overlayer_lowered;
	s9 =	simm.s32 $_tile_overlayer_lowered  }
0xa2: {  	s23 =	simm.s32 $0x1BFF;
	s22 =	sshll.u32 s9, $0x1;
	s6 =	sadd.s32 s7, s20  }
0xa3: {  	s10 =	simm.s32 $0x0;
	s21 =	sshll.u32 s8, $0x1;
	s8 =	sadd.s32 s22, s6  }
0xa4: {  	[timem:s10], [sflag:s23] =	dma.local [hbm:s8], s21  }
0xa5: {  	_ =	swait.ge [sflag:s23], s21  }
0xa6: {  	s7 =	ssub.s32 $0x0, s21;
	[sflag:s23] =	ssyncset.done $0x0  }
0xa7: {  	[sflag:s23] =	ssyncadd.s32 s7;
	_ =	sdelay $0x1  }
0xa8: {  	s24 =	simm.s32 $0x1B8B  }
0xa9: {  	_ =	swait.ge [sflag:s24], $0x1  }
0xaa: {  	[sflag:s24] =	ssyncset.done $0x0  }
0xab: {  	s25 =	simm.s32 $0x1B8E;
	[sflag:s24] =	ssyncadd.s32 $0xFFFFFFFF  }
0xac: {  	s26 =	simm.s32 $execute0_lowered;
	[smem:$0x3FD2] =	sst s25  }
0xad: {  	s7 =	sshll.u32 s26, $0x1;
	_ =	strace $0x80000046;
	[dreg:$0x1] =	wrdreg $0xFFFFFFFF  }
0xae: {  	s28 =	simm.s32 $_size_execute0_lowered;
	s6 =	sadd.s32 s6, s7;
	[dreg:$0x0] =	wrdreg $0x0  }
0xaf: {  	s7 =	sshll.u32 s28, $0x1;
	[dreg:$0x2] =	wrdreg s6  }
0xb0: {  	[dreg:$0x3] =	wrdreg s7  }
0xb1: {  	[dreg:$0x4] =	wrdreg $0xC0  }
0xb2: {  	_ =	task [dreg:s10], $0x5FFFF  }
0xb3: {  	[dreg:$0x1] =	wrdreg $0xFFFFFFFF  }
0xb4: {  	[dreg:$0x0] =	wrdreg $0x60  }
0xb5: {  	[dreg:$0x2] =	wrdreg s16  }
0xb6: {  	[dreg:$0x3] =	wrdreg s4  }
0xb7: {  	[dreg:$0x4] =	wrdreg s17  }
0xb8: {  	[dreg:$0x5] =	wrdreg s18  }
0xb9: {  	[dreg:$0x6] =	wrdreg $0x1CF000  }
0xba: {  	[dreg:$0x7] =	wrdreg $0x1E7800  }
0xbb: {  	[dreg:$0x8] =	wrdreg $0x9  }
0xbc: {  	_ =	task.clear_ibuf [dreg:s10], $0x9FFFF;
	_ =	strace $0x90000046  }
0xbd: {  	s29 =	simm.s32 $0x9;
	_ =	strace $0x80000048  }
0xbe: {  	_ =	swait.ge [sflag:s29], $0x1  }
0xbf: {  	[sflag:s29] =	ssyncadd.s32 $0xFFFFFFFF  }
0xc0: {  	_ =	strace $0x90000048  }
0xc1: {  	_ =	sfence  }
0xc2: {  	s30 =	sld [smem:$0x0];
	_ =	sdelay $0x2  }
0xc3: {  	s31 =	sshll.u32 s1, $0xD;
	s1 =	sshrl.u32 s1, $0x2  }
0xc4: {  	s3 =	sand.u32 $0x4000, s31;
	s1 =	sadd.s32 s1, s30  }
0xc5: {  	s0 =	sor.u32 s3, s0;
	s1 =	sshll.u32 s1, $0x11  }
0xc6: {  	s0 =	sor.u32 s1, s0  }
0xc7: {  	s0 =	sadd.s32 $0x8F2B, s0  }
0xc8: {  	[sflag:s0] =	ssyncadd.remote.s32 $0x1  }
0xc9: {  	_ =	sfence.sel $0xFFFF  }
0xca: {  	[dreg:$0x0] =	wrdreg $0xFFFFFFFF;
	(pc) =	sbr.abs _section_cstart, $3  }
0xcb: {  	[dreg:$0x1] =	wrdreg $0xFFFFFFFF  }
0xcc: {  	_ =	task.clear_ibuf [dreg:s10], $0x2FFFF;
	_ =	strace $0x9FFFFFFF  }
0xcd: {  	(tm) =	ssettm $0x7FFFFFFF  }
tec
execute0_lowered:
.L_overlay_start_1:
0x0: {  	(tag) =	ssettag $0x1  }
0x1: {  	s0 =	rddreg [dreg:$0x1]  }
0x2: {  	s4 =	rddreg [dreg:$0x2]  }
0x3: {  	s8 =	rddreg [dreg:$0x3]  }
0x4: {  	s2 =	rddreg [dreg:$0x4]  }
0x5: {  	s3 =	rddreg [dreg:$0x5]  }
0x6: {  	s1 =	srdreg.scid;
	s5 =	simm.s32 $0x0;
	s15 =	stileid.u32  }
0x7: {  	s9 =	sand.u32 $0x1, s1;
	[smem:$0x7FF] =	sst s5;
	s10 =	smul.u32 $0x1880, s15  }
0x8: {  	s24 =	smul.u32 $0x3100, s15;
	s1 =	ssub.s32 $0x2, s9;
	_ =	strace $0x80000047  }
0x9: {  	s12 =	sshll.u32 s9, $0x4;
	s9 =	sshll.u32 s9, $0x7;
	s6 =	sshrl.u32 s1, $0x1  }
0xa: {  	s20 =	sadd.s32 s10, s2;
	s11 =	sadd.s32 $0x800, s10;
	s7 =	sadd.s32 s10, s3  }
0xb: {  	s12 =	sor.u32 s15, s12;
	s21 =	sadd.s32 $0x1000, s10;
	s10 =	sadd.s32 $0x1800, s10  }
0xc: {  	s9 =	sor.u32 s9, s24;
	[smem:$0x7D9] =	sst s20;
	s13 =	sadd.s32 s11, s2  }
0xd: {  	s1 =	ssub.s32 s1, s6;
	s11 =	sadd.s32 s11, s3;
	[dreg:$0x7] =	wrdreg s13  }
0xe: {  	s22 =	smul.u32 $0x18000, s12;
	s14 =	sadd.s32 s21, s2;
	[dreg:$0x8] =	wrdreg s11  }
0xf: {  	s23 =	sadd.s32 s10, s2;
	s10 =	sadd.s32 s10, s3;
	[dreg:$0x9] =	wrdreg s14  }
0x10: {  	s9 =	sshrl.u32 s9, $0x3;
	p0 =	sgt.u32 s12, $0xC;
	[dreg:$0xb] =	wrdreg s23  }
0x11: {  	p1 =	sne.s32 s12, $0xD;
	s11 =	sadd.s32 s21, s3;
	[dreg:$0xc] =	wrdreg s10  }
0x12: {  	s4 =	sadd.s32 s4, s9;
	[dreg:$0xa] =	wrdreg s11;
	s11 =	sshrl.u32 s22, $0x3  }
0x13: {  	s8 =	sadd.s32 s8, s9;
	[dreg:$0x11] =	wrdreg s4;
	s25 =	sadd.s32 $0x1000, s11  }
0x14: {  	s14 =	sadd.s32 $0x10, s0;
	[dreg:$0x12] =	wrdreg s8;
	s16 =	sadd.s32 s0, s25  }
0x15: {  	s26 =	sadd.s32 $0x1200, s11;
	s10 =	sadd.s32 s25, s14;
	[dreg:$0xd] =	wrdreg s16  }
0x16: {  	s9 =	sadd.s32 $0x1400, s11;
	s6 =	sadd.s32 s0, s26;
	[dreg:$0xe] =	wrdreg s10  }
0x17: {  	s12 =	sadd.s32 $0x1600, s11;
	s4 =	sadd.s32 s9, s14;
	[dreg:$0xf] =	wrdreg s6  }
0x18: {  	s13 =	sadd.s32 s0, s12;
	[dreg:$0x14] =	wrdreg s4  }
0x19: {  	s18 =	sadd.s32 $0x1A00, s11;
	s8 =	sadd.s32 s12, s14;
	[dreg:$0x15] =	wrdreg s13  }
0x1a: {  	s20 =	sadd.s32 $0x1C00, s11;
	s19 =	sadd.s32 s0, s18;
	[dreg:$0x16] =	wrdreg s8  }
0x1b: {  	s22 =	sadd.s32 $0x1E00, s11;
	s21 =	sadd.s32 s0, s20;
	[dreg:$0x19] =	wrdreg s19  }
0x1c: {  	s24 =	sadd.s32 $0x2000, s11;
	s23 =	sadd.s32 s0, s22;
	[dreg:$0x1b] =	wrdreg s21  }
0x1d: {  	s25 =	sadd.s32 s0, s24;
	[dreg:$0x1d] =	wrdreg s23  }
0x1e: {  	s10 =	sadd.s32 s26, s14;
	[dreg:$0x1f] =	wrdreg s25  }
0x1f: {  	s12 =	sadd.s32 $0x2600, s11;
	s8 =	sadd.s32 s18, s14;
	[dreg:$0x10] =	wrdreg s10  }
0x20: {  	s13 =	sadd.s32 s0, s12;
	[dreg:$0x1a] =	wrdreg s8  }
0x21: {  	s21 =	sadd.s32 s11, s14;
	[smem:$0x7DF] =	sst s13  }
0x22: {  	s16 =	sadd.s32 $0x1800, s11;
	s10 =	sadd.s32 s0, s9;
	[smem:$0x7E5] =	sst s21  }
0x23: {  	s17 =	sadd.s32 s0, s16;
	[dreg:$0x13] =	wrdreg s10  }
0x24: {  	s4 =	sadd.s32 s16, s14;
	[dreg:$0x17] =	wrdreg s17  }
0x25: {  	s26 =	sadd.s32 $0x2200, s11;
	s8 =	sadd.s32 s22, s14;
	[dreg:$0x18] =	wrdreg s4  }
0x26: {  	s18 =	sadd.s32 $0x2A00, s11;
	s6 =	sadd.s32 s0, s26;
	[dreg:$0x1e] =	wrdreg s8  }
0x27: {  	s19 =	sadd.s32 s0, s18;
	[smem:$0x7DB] =	sst s6  }
0x28: {  	s4 =	sadd.s32 s20, s14;
	[smem:$0x7E3] =	sst s19  }
0x29: {  	s9 =	sadd.s32 $0x2400, s11;
	s8 =	sadd.s32 s26, s14;
	[dreg:$0x1c] =	wrdreg s4  }
0x2a: {  	s16 =	sadd.s32 $0x2800, s11;
	s10 =	sadd.s32 s0, s9;
	[smem:$0x7DC] =	sst s8  }
0x2b: {  	s17 =	sadd.s32 s0, s16;
	[smem:$0x7DD] =	sst s10  }
0x2c: {  	s23 =	sadd.s32 $0x2E00, s11;
	s20 =	sadd.s32 s18, s14;
	[smem:$0x7E1] =	sst s17  }
0x2d: {  	s26 =	sadd.s32 s23, s14;
	[smem:$0x7E4] =	sst s20  }
0x2e: {  	s4 =	sadd.s32 s24, s14;
	[smem:$0x7E8] =	sst s26  }
0x2f: {  	s22 =	sadd.s32 $0x2C00, s11;
	s8 =	sadd.s32 s12, s14;
	[smem:$0x7DA] =	sst s4  }
0x30: {  	s24 =	sadd.s32 s0, s22;
	[smem:$0x7E0] =	sst s8  }
0x31: {  	s10 =	sadd.s32 s0, s11;
	s11 =	sadd.s32 $0x61A00, s0;
	[smem:$0x7E6] =	sst s24  }
0x32: {  	s12 =	smax.u32 s1, $0x1;
	[smem:$0x7EC] =	sst s11  }
0x33: {  	[smem:$0x7EE] =	sst s12  }
0x34: {  	s25 =	sshll.u32 s15, $0x9;
	s4 =	sadd.s32 s9, s14;
	[smem:$0x7FC] =	sst s10  }
0x35: {  	s6 =	sadd.s32 s25, s0;
	s8 =	sadd.s32 s0, s23;
	[smem:$0x7DE] =	sst s4  }
0x36: {  	s9 =	sadd.s32 $0x60000, s6;
	[smem:$0x7E9] =	sst s8  }
0x37: {  	s0 =	sadd.s32 $0x61A10, s0;
	[smem:$0x7EA] =	sst s9  }
0x38: {  	s13 =	sadd.s32 $0x200, s10;
	[smem:$0x7ED] =	sst s0  }
0x39: {  	s15 =	sadd.s32 $0x400, s10;
	[smem:$0x7EF] =	sst s13  }
0x3a: {  	s17 =	sadd.s32 $0x600, s10;
	[smem:$0x7F1] =	sst s15  }
0x3b: {  	s18 =	sadd.s32 $0x610, s10;
	[smem:$0x7F3] =	sst s17  }
0x3c: {  	s28 =	simm.s32 $0x2;
	s19 =	sadd.s32 $0x800, s10;
	[smem:$0x7F4] =	sst s18  }
0x3d: {  	s29 =	simm.s32 $0x4;
	s20 =	sadd.s32 $0x810, s10;
	[smem:$0x7F5] =	sst s19  }
0x3e: {  	s30 =	simm.s32 $0x1A700;
	s21 =	sadd.s32 $0xA00, s10;
	[smem:$0x7F6] =	sst s20  }
0x3f: {  	s31 =	simm.s32 $0x1B700;
	s23 =	sadd.s32 $0xC00, s10;
	[smem:$0x7F7] =	sst s21  }
0x40: {  	s1 =	simm.s32 $0x5;
	s24 =	sadd.s32 $0xC10, s10;
	[smem:$0x7F9] =	sst s23  }
0x41: {  	s25 =	sadd.s32 $0xE00, s10;
	s26 =	sadd.s32 $0xE10, s10;
	[smem:$0x7FA] =	sst s24  }
0x42: {  	s4 =	sadd.s32 s16, s14;
	s16 =	sadd.s32 $0x410, s10;
	[smem:$0x7FB] =	sst s25  }
0x43: {  	[smem:$0x7FD] =	sst s26;
	s13 =	simm.s32 $0x1C700;
	s15 =	simm.s32 $0x7  }
0x44: {  	s17 =	simm.s32 $0x100;
	s19 =	simm.s32 $0x18700;
	s20 =	simm.s32 $0x19700  }
0x45: {  	s21 =	simm.s32 $0x1;
	s23 =	simm.s32 $0x18F00;
	s24 =	simm.s32 $0x19F00  }
0x46: {  	s25 =	simm.s32 $0x800;
	s26 =	simm.s32 $0x1AF00;
	s0 =	simm.s32 $0x1BF00  }
0x47: {  	s8 =	simm.s32 $0x9;
	s9 =	simm.s32 $0x0;
	[smem:$0x7E2] =	sst s4  }
.Ltmp0:
0x48: {  	s4 =	sadd.s32 s22, s14;
	[smem:$0x7F2] =	sst s16;
	(pc) =	sbr.rel .LBB2_1-.Ltmp0, $4  }
0x49: {  	s18 =	simm.s32 $0x20;
	s14 =	sadd.s32 $0x210, s10;
	[smem:$0x7E7] =	sst s4  }
0x4a: {  	s22 =	sadd.s32 $0xA10, s10;
	s16 =	simm.s32 $0x80;
	[smem:$0x7F0] =	sst s14  }
0x4b: {  	s4 =	sadd.s32 $0x60010, s6;
	[smem:$0x7F8] =	sst s22;
	s14 =	simm.s32 $0x6  }
0x4c: {  	v0 =	vimm.f32 $0.0e+00;
	v1 =	vimm.f32 $1.000000000e+00;
	s22 =	simm.s32 $0x3;
	[smem:$0x7EB] =	sst s4;
	s4 =	simm.s32 $0x8  }
.LBB2_60:
0x4d: {  	[tilespmem:s10+$0xFFFFFFE0] =	vst v7  }
0x4e: {  	[tilespmem:s10+$0xFFFFFFF0] =	vst v5  }
0x4f: {  	[tilespmem:s10+$0x0] =	vst v2  }
0x50: {  	[tilespmem:s10+$0x10] =	vst v3  }
0x51: {  	[tilespmem:s10+$0x20] =	vst v4  }
0x52: {  	[tilespmem:s10+$0xFFFFFFC0] =	vst v6;
	s6 =	simm.s32 $0x200  }
0x53: {  	[spmem:s2] =	stream.indirect.scatter.add.f32 [tilespmem:s26], [sflag:$0x6], $0x1, s20, s6, $0xb8;
	v63 =	vld [tilespmem:$0x0]  }
0x54: {  	_ = 	snop  }
0x55: {  	[spmem:s3] =	stream.indirect.scatter.add.f32 [tilespmem:s13], [sflag:$0x6], $0x1, s20, s6, $0xb8;
	v63 =	vld [tilespmem:$0x0]  }
0x56: {  	_ =	swait.ge [sflag:s14], $0x200  }
0x57: {  	[sflag:s14] =	ssyncset.done $0x0  }
0x58: {  	[sflag:s14] =	ssyncadd.s32 $0xFFFFFE00  }
0x59: {  	_ =	swait.ge [sflag:s14], $0x200  }
0x5a: {  	[sflag:s14] =	ssyncset.done $0x0  }
0x5b: {  	[sflag:s14] =	ssyncadd.s32 $0xFFFFFE00  }
.LBB2_61:
0x5c: {  	[bflag:$0x0] =	sbarrier.arrive $0xFFFF  }
0x5d: {  	s6 =	sld [smem:$0x7D9]  }
0x5e: {  	s10 =	stileid.u32  }
0x5f: {  	s10 =	sshll.u32 s10, $0x6;
	s12 =	rddreg [dreg:$0x11]  }
0x60: {  	s10 =	sor.u32 $0x1C09, s10;
	s11 =	sshrl.u32 s6, $0x3;
	s6 =	simm.s32 $0x10  }
0x61: {  	[hbm:s12@s18], [sflag:s10] =	dma.strided [spmem:s11@s6], $0x310, s21, $0x10   }
0x62: {  	_ =	swait.ge [sflag:s8], $0x310  }
0x63: {  	[sflag:s8] =	ssyncset.done $0x0  }
0x64: {  	s11 =	sshrl.u32 s7, $0x3;
	s12 =	rddreg [dreg:$0x12];
	[sflag:s8] =	ssyncadd.s32 $0xFFFFFCF0  }
0x65: {  	[hbm:s12@s18], [sflag:s10] =	dma.strided [spmem:s11@s6], $0x310, s21, $0x10   }
0x66: {  	_ =	swait.ge [sflag:s8], $0x310  }
0x67: {  	s12 =	sld [smem:$0x7EE];
	_ =	sdelay $0x1  }
0x68: {  	s9 =	sadd.s32 $0x1, s9  }
0x69: {  	p2 =	sne.s32 s9, s12  }
.Ltmp1:
0x6a: {  	_ = 	snop;
	(pc) =	sbr.rel @!p2 .LBB2_62-.Ltmp1, $3  }
0x6b: {  	_ =	sdelay $0x1  }
0x6c: {  	[sflag:s8] =	ssyncset.done $0x0  }
0x6d: {  	[sflag:s8] =	ssyncadd.s32 $0xFFFFFCF0  }
.LBB2_1:
0x6e: {  	s10 =	simm.s32 $0x40;
	s11 =	simm.s32 $0x0  }
.LBB2_2:
0x6f: {  	p2 =	sne.s32 s10, $0x1FC0;
	[tilespmem:s11+$0x1C700] =	vst v0;
	s11 =	smov.u32 s10;
	s10 =	sadd.s32 $0x40, s10  }
.Ltmp2:
0x70: {  	(pc) =	sbr.rel @p2 .LBB2_2-.Ltmp2, $2  }
0x71: {  	_ =	sdelay $0x2  }
0x72: {  	s11 =	sshra.s32 s11, $0x2  }
0x73: {  	s12 =	rddreg [dreg:$0x0]  }
0x74: {  	[tilespmem:s11+$0x1C700] =	vst v0;
	s10 =	simm.s32 $0x0;
	s6 =	sld [smem:$0x7D9]  }
0x75: {  	[tilespmem:s10], [sflag:$0x6] =	stream.linear.gather [hbm4b:s12+s10], $0x18700, $0x38;
	v63 =	vld [tilespmem:$0x0]  }
0x76: {  	_ = 	snop  }
0x77: {  	[spmem:s6] =	stream.linear.scatter [tilespmem:s13], [sflag:$0x7], $0x800, $0x38;
	v63 =	vld [tilespmem:$0x0]  }
0x78: {  	_ = 	snop  }
0x79: {  	[spmem:s7] =	stream.linear.scatter [tilespmem:s13], [sflag:$0x7], $0x800, $0x38;
	v63 =	vld [tilespmem:$0x0]  }
0x7a: {  	s6 =	rddreg [dreg:$0x7]  }
0x7b: {  	[spmem:s6] =	stream.linear.scatter [tilespmem:s13], [sflag:$0x7], $0x800, $0x38;
	v63 =	vld [tilespmem:$0x0]  }
0x7c: {  	s11 =	rddreg [dreg:$0x8]  }
0x7d: {  	[spmem:s11] =	stream.linear.scatter [tilespmem:s13], [sflag:$0x7], $0x800, $0x38;
	v63 =	vld [tilespmem:$0x0]  }
0x7e: {  	s12 =	rddreg [dreg:$0x9]  }
0x7f: {  	[spmem:s12] =	stream.linear.scatter [tilespmem:s13], [sflag:$0x7], $0x800, $0x38;
	v63 =	vld [tilespmem:$0x0]  }
0x80: {  	s6 =	rddreg [dreg:$0xa]  }
0x81: {  	[spmem:s6] =	stream.linear.scatter [tilespmem:s13], [sflag:$0x7], $0x800, $0x38;
	v63 =	vld [tilespmem:$0x0]  }
0x82: {  	s11 =	rddreg [dreg:$0xb]  }
0x83: {  	[spmem:s11] =	stream.linear.scatter [tilespmem:s13], [sflag:$0x7], $0x80, $0x38;
	v63 =	vld [tilespmem:$0x0]  }
0x84: {  	s12 =	rddreg [dreg:$0xc]  }
0x85: {  	[spmem:s12] =	stream.linear.scatter [tilespmem:s13], [sflag:$0x7], $0x80, $0x38;
	v63 =	vld [tilespmem:$0x0]  }
0x86: {  	_ =	swait.ge [sflag:s14], $0x18700  }
0x87: {  	[sflag:s14] =	ssyncset.done $0x0  }
0x88: {  	[sflag:s14] =	ssyncadd.s32 $0xFFFE7900  }
0x89: {  	_ =	swait.ge [sflag:s15], $0x800  }
0x8a: {  	[sflag:s15] =	ssyncset.done $0x0  }
0x8b: {  	[sflag:s15] =	ssyncadd.s32 $0xFFFFF800  }
0x8c: {  	_ =	swait.ge [sflag:s15], $0x800  }
0x8d: {  	[sflag:s15] =	ssyncset.done $0x0  }
0x8e: {  	[sflag:s15] =	ssyncadd.s32 $0xFFFFF800  }
0x8f: {  	_ =	swait.ge [sflag:s15], $0x800  }
0x90: {  	[sflag:s15] =	ssyncset.done $0x0  }
0x91: {  	[sflag:s15] =	ssyncadd.s32 $0xFFFFF800  }
0x92: {  	_ =	swait.ge [sflag:s15], $0x800  }
0x93: {  	[sflag:s15] =	ssyncset.done $0x0  }
0x94: {  	[sflag:s15] =	ssyncadd.s32 $0xFFFFF800  }
0x95: {  	_ =	swait.ge [sflag:s15], $0x800  }
0x96: {  	[sflag:s15] =	ssyncset.done $0x0  }
0x97: {  	[sflag:s15] =	ssyncadd.s32 $0xFFFFF800  }
0x98: {  	_ =	swait.ge [sflag:s15], $0x800  }
0x99: {  	[sflag:s15] =	ssyncset.done $0x0  }
0x9a: {  	[sflag:s15] =	ssyncadd.s32 $0xFFFFF800  }
0x9b: {  	_ =	swait.ge [sflag:s15], $0x80  }
0x9c: {  	[sflag:s15] =	ssyncset.done $0x0  }
0x9d: {  	[sflag:s15] =	ssyncadd.s32 $0xFFFFFF80  }
0x9e: {  	_ =	swait.ge [sflag:s15], $0x80  }
0x9f: {  	[sflag:s15] =	ssyncset.done $0x0  }
0xa0: {  	s10 =	simm.s32 $0x40;
	s11 =	simm.s32 $0x0;
	[sflag:s15] =	ssyncadd.s32 $0xFFFFFF80  }
.LBB2_4:
0xa1: {  	p2 =	sne.s32 s10, $0x1FC0;
	[tilespmem:s11+$0x1C700] =	vst v1;
	s11 =	smov.u32 s10;
	s10 =	sadd.s32 $0x40, s10  }
.Ltmp3:
0xa2: {  	(pc) =	sbr.rel @p2 .LBB2_4-.Ltmp3, $2  }
0xa3: {  	_ =	sdelay $0x2  }
0xa4: {  	s11 =	sshra.s32 s11, $0x2  }
0xa5: {  	[tilespmem:s11+$0x1C700] =	vst v1  }
0xa6: {  	[bflag:$0x0] =	sbarrier.arrive $0xFFFF  }
0xa7: {  	s10 =	sld [smem:$0x7FC];
	_ =	sdelay $0x1  }
0xa8: {  	s12 =	sld [smem:$0x7E5]  }
0xa9: {  	[tilespmem:s19], [sflag:$0x1] =	stream.strided.gather [hbm4b:s10+s16], $0x800, s17, s16, $0x38;
	v63 =	vld [tilespmem:$0x0]  }
0xaa: {  	_ = 	snop  }
0xab: {  	[tilespmem:s20], [sflag:$0x3] =	stream.strided.gather [hbm4b:s12+s16], $0x800, s17, s16, $0x38;
	v63 =	vld [tilespmem:$0x0]  }
0xac: {  	_ =	swait.ge [sflag:s21], $0x800  }
0xad: {  	[sflag:s21] =	ssyncset.done $0x0  }
0xae: {  	[sflag:s21] =	ssyncadd.s32 $0xFFFFF800  }
0xaf: {  	_ =	swait.ge [sflag:s22], $0x800  }
0xb0: {  	s6 =	sld [smem:$0x7EF]  }
0xb1: {  	[sflag:s22] =	ssyncset.done $0x0  }
0xb2: {  	s11 =	sld [smem:$0x7F0];
	[sflag:s22] =	ssyncadd.s32 $0xFFFFF800  }
0xb3: {  	[tilespmem:s23], [sflag:$0x2] =	stream.strided.gather [hbm4b:s6+s16], $0x800, s17, s16, $0x38;
	v63 =	vld [tilespmem:$0x0]  }
0xb4: {  	s12 =	simm.s32 $0x18740  }
0xb5: {  	[tilespmem:s24], [sflag:$0x4] =	stream.strided.gather [hbm4b:s11+s16], $0x800, s17, s16, $0x38;
	v63 =	vld [tilespmem:$0x0]  }
0xb6: {  	v2 =	vld [tilespmem:s12+$0x30]  }
0xb7: {  	v3 =	vld [tilespmem:s12+$0xFFFFFFD0]  }
0xb8: {  	v4 =	vld [tilespmem:s12+$0xFFFFFFE0]  }
0xb9: {  	v5 =	vld [tilespmem:s12+$0xFFFFFFF0]  }
0xba: {  	v6 =	vld [tilespmem:s12+$0x0]  }
0xbb: {  	v8 =	vld [tilespmem:s12+$0x10]  }
0xbc: {  	v9 =	vld [tilespmem:s12+$0x20]  }
0xbd: {  	v10 =	vld [tilespmem:s12+$0xFFFFFFC0]  }
0xbe: {  	v11 =	vld.idx.msk [tilespmem:v2+s5+$0x0], $0xffff  }
0xbf: {  	v12 =	vld.idx.msk [tilespmem:v3+s5+$0x0], $0xffff  }
0xc0: {  	v7 =	vld.idx.msk [tilespmem:v4+s5+$0x0], $0xffff  }
0xc1: {  	v5 =	vld.idx.msk [tilespmem:v5+s5+$0x0], $0xffff  }
0xc2: {  	v2 =	vld.idx.msk [tilespmem:v6+s5+$0x0], $0xffff  }
0xc3: {  	s10 =	simm.s32 $0x1AF40;
	v3 =	vld.idx.msk [tilespmem:v8+s5+$0x0], $0xffff  }
0xc4: {  	v4 =	vld.idx.msk [tilespmem:v9+s5+$0x0], $0xffff;
	[tilespmem:s10+$0x30] =	vst v11  }
0xc5: {  	s11 =	simm.s32 $0x0;
	s12 =	simm.s32 $0x187C0;
	v6 =	vld.idx.msk [tilespmem:v10+s5+$0x0], $0xffff;
	[tilespmem:s10+$0xFFFFFFD0] =	vst v12  }
.LBB2_6:
0xc6: {  	v8 =	vld [tilespmem:s12+$0x30];
	s11 =	sadd.s32 $0x80, s11;
	[tilespmem:s10+$0xFFFFFFE0] =	vst v7  }
0xc7: {  	v7 =	vld [tilespmem:s12+$0xFFFFFFD0];
	p2 =	slt.u32 s11, $0x780;
	[tilespmem:s10+$0xFFFFFFF0] =	vst v5  }
0xc8: {  	v5 =	vld [tilespmem:s12+$0xFFFFFFE0];
	[tilespmem:s10+$0x0] =	vst v2  }
0xc9: {  	v2 =	vld [tilespmem:s12+$0xFFFFFFF0];
	[tilespmem:s10+$0x10] =	vst v3  }
0xca: {  	v3 =	vld [tilespmem:s12+$0x0];
	[tilespmem:s10+$0x20] =	vst v4  }
0xcb: {  	v4 =	vld [tilespmem:s12+$0x10];
	[tilespmem:s10+$0xFFFFFFC0] =	vst v6  }
0xcc: {  	v6 =	vld [tilespmem:s12+$0x20]  }
0xcd: {  	v9 =	vld [tilespmem:s12+$0xFFFFFFC0]  }
0xce: {  	v8 =	vld.idx.msk [tilespmem:v8+s5+$0x0], $0xffff  }
0xcf: {  	v10 =	vld.idx.msk [tilespmem:v7+s5+$0x0], $0xffff  }
0xd0: {  	v7 =	vld.idx.msk [tilespmem:v5+s5+$0x0], $0xffff  }
.Ltmp4:
0xd1: {  	v5 =	vld.idx.msk [tilespmem:v2+s5+$0x0], $0xffff;
	(pc) =	sbr.rel @p2 .LBB2_6-.Ltmp4, $4  }
0xd2: {  	v2 =	vld.idx.msk [tilespmem:v3+s5+$0x0], $0xffff  }
0xd3: {  	s10 =	sadd.s32 $0x80, s10;
	v3 =	vld.idx.msk [tilespmem:v4+s5+$0x0], $0xffff  }
0xd4: {  	v4 =	vld.idx.msk [tilespmem:v6+s5+$0x0], $0xffff;
	[tilespmem:s10+$0x30] =	vst v8  }
0xd5: {  	s12 =	sadd.s32 $0x80, s12;
	v6 =	vld.idx.msk [tilespmem:v9+s5+$0x0], $0xffff;
	[tilespmem:s10+$0xFFFFFFD0] =	vst v10  }
0xd6: {  	[tilespmem:s10+$0xFFFFFFE0] =	vst v7  }
0xd7: {  	[tilespmem:s10+$0xFFFFFFF0] =	vst v5  }
0xd8: {  	[tilespmem:s10+$0x0] =	vst v2  }
0xd9: {  	[tilespmem:s10+$0x10] =	vst v3  }
0xda: {  	[tilespmem:s10+$0x20] =	vst v4  }
0xdb: {  	[tilespmem:s10+$0xFFFFFFC0] =	vst v6  }
0xdc: {  	[spmem:s2] =	stream.indirect.scatter.add.f32 [tilespmem:s26], [sflag:$0x6], $0x1, s20, s25, $0xb8;
	v63 =	vld [tilespmem:$0x0]  }
0xdd: {  	_ = 	snop  }
0xde: {  	[spmem:s3] =	stream.indirect.scatter.add.f32 [tilespmem:s13], [sflag:$0x6], $0x1, s20, s25, $0xb8;
	v63 =	vld [tilespmem:$0x0]  }
0xdf: {  	_ =	swait.ge [sflag:s28], $0x800  }
0xe0: {  	[sflag:s28] =	ssyncset.done $0x0  }
0xe1: {  	[sflag:s28] =	ssyncadd.s32 $0xFFFFF800  }
0xe2: {  	_ =	swait.ge [sflag:s29], $0x800  }
0xe3: {  	s6 =	sld [smem:$0x7F1]  }
0xe4: {  	[sflag:s29] =	ssyncset.done $0x0  }
0xe5: {  	s11 =	sld [smem:$0x7F2];
	[sflag:s29] =	ssyncadd.s32 $0xFFFFF800  }
0xe6: {  	[tilespmem:s19], [sflag:$0x1] =	stream.strided.gather [hbm4b:s6+s16], $0x800, s17, s16, $0x38;
	v63 =	vld [tilespmem:$0x0]  }
0xe7: {  	s12 =	simm.s32 $0x18F40  }
0xe8: {  	[tilespmem:s30], [sflag:$0x5] =	stream.strided.gather [hbm4b:s11+s16], $0x800, s17, s16, $0x38;
	v63 =	vld [tilespmem:$0x0]  }
0xe9: {  	v2 =	vld [tilespmem:s12+$0x30]  }
0xea: {  	v3 =	vld [tilespmem:s12+$0xFFFFFFD0]  }
0xeb: {  	v4 =	vld [tilespmem:s12+$0xFFFFFFE0]  }
0xec: {  	v5 =	vld [tilespmem:s12+$0xFFFFFFF0]  }
0xed: {  	v6 =	vld [tilespmem:s12+$0x0]  }
0xee: {  	v8 =	vld [tilespmem:s12+$0x10]  }
0xef: {  	v9 =	vld [tilespmem:s12+$0x20]  }
0xf0: {  	v10 =	vld [tilespmem:s12+$0xFFFFFFC0]  }
0xf1: {  	v11 =	vld.idx.msk [tilespmem:v2+s5+$0x0], $0xffff  }
0xf2: {  	v12 =	vld.idx.msk [tilespmem:v3+s5+$0x0], $0xffff  }
0xf3: {  	v7 =	vld.idx.msk [tilespmem:v4+s5+$0x0], $0xffff  }
0xf4: {  	v5 =	vld.idx.msk [tilespmem:v5+s5+$0x0], $0xffff  }
0xf5: {  	v2 =	vld.idx.msk [tilespmem:v6+s5+$0x0], $0xffff  }
0xf6: {  	s10 =	simm.s32 $0x1B740;
	v3 =	vld.idx.msk [tilespmem:v8+s5+$0x0], $0xffff  }
0xf7: {  	v4 =	vld.idx.msk [tilespmem:v9+s5+$0x0], $0xffff;
	[tilespmem:s10+$0x30] =	vst v11  }
0xf8: {  	s11 =	simm.s32 $0x0;
	s12 =	simm.s32 $0x18FC0;
	v6 =	vld.idx.msk [tilespmem:v10+s5+$0x0], $0xffff;
	[tilespmem:s10+$0xFFFFFFD0] =	vst v12  }
.LBB2_8:
0xf9: {  	v8 =	vld [tilespmem:s12+$0x30];
	s11 =	sadd.s32 $0x80, s11;
	[tilespmem:s10+$0xFFFFFFE0] =	vst v7  }
0xfa: {  	v7 =	vld [tilespmem:s12+$0xFFFFFFD0];
	p2 =	slt.u32 s11, $0x780;
	[tilespmem:s10+$0xFFFFFFF0] =	vst v5  }
0xfb: {  	v5 =	vld [tilespmem:s12+$0xFFFFFFE0];
	[tilespmem:s10+$0x0] =	vst v2  }
0xfc: {  	v2 =	vld [tilespmem:s12+$0xFFFFFFF0];
	[tilespmem:s10+$0x10] =	vst v3  }
0xfd: {  	v3 =	vld [tilespmem:s12+$0x0];
	[tilespmem:s10+$0x20] =	vst v4  }
0xfe: {  	v4 =	vld [tilespmem:s12+$0x10];
	[tilespmem:s10+$0xFFFFFFC0] =	vst v6  }
0xff: {  	v6 =	vld [tilespmem:s12+$0x20]  }
0x100: {  	v9 =	vld [tilespmem:s12+$0xFFFFFFC0]  }
0x101: {  	v8 =	vld.idx.msk [tilespmem:v8+s5+$0x0], $0xffff  }
0x102: {  	v10 =	vld.idx.msk [tilespmem:v7+s5+$0x0], $0xffff  }
0x103: {  	v7 =	vld.idx.msk [tilespmem:v5+s5+$0x0], $0xffff  }
.Ltmp5:
0x104: {  	v5 =	vld.idx.msk [tilespmem:v2+s5+$0x0], $0xffff;
	(pc) =	sbr.rel @p2 .LBB2_8-.Ltmp5, $4  }
0x105: {  	v2 =	vld.idx.msk [tilespmem:v3+s5+$0x0], $0xffff  }
0x106: {  	s10 =	sadd.s32 $0x80, s10;
	v3 =	vld.idx.msk [tilespmem:v4+s5+$0x0], $0xffff  }
0x107: {  	v4 =	vld.idx.msk [tilespmem:v6+s5+$0x0], $0xffff;
	[tilespmem:s10+$0x30] =	vst v8  }
0x108: {  	s12 =	sadd.s32 $0x80, s12;
	v6 =	vld.idx.msk [tilespmem:v9+s5+$0x0], $0xffff;
	[tilespmem:s10+$0xFFFFFFD0] =	vst v10  }
0x109: {  	[tilespmem:s10+$0xFFFFFFE0] =	vst v7  }
0x10a: {  	[tilespmem:s10+$0xFFFFFFF0] =	vst v5  }
0x10b: {  	[tilespmem:s10+$0x0] =	vst v2  }
0x10c: {  	[tilespmem:s10+$0x10] =	vst v3  }
0x10d: {  	[tilespmem:s10+$0x20] =	vst v4  }
0x10e: {  	[tilespmem:s10+$0xFFFFFFC0] =	vst v6  }
0x10f: {  	[spmem:s2] =	stream.indirect.scatter.add.f32 [tilespmem:s31], [sflag:$0x7], $0x1, s24, s25, $0xb8;
	v63 =	vld [tilespmem:$0x0]  }
0x110: {  	_ = 	snop  }
0x111: {  	[spmem:s3] =	stream.indirect.scatter.add.f32 [tilespmem:s13], [sflag:$0x7], $0x1, s24, s25, $0xb8;
	v63 =	vld [tilespmem:$0x0]  }
0x112: {  	_ =	swait.ge [sflag:s21], $0x800  }
0x113: {  	[sflag:s21] =	ssyncset.done $0x0  }
0x114: {  	[sflag:s21] =	ssyncadd.s32 $0xFFFFF800  }
0x115: {  	_ =	swait.ge [sflag:s1], $0x800  }
0x116: {  	[sflag:s1] =	ssyncset.done $0x0  }
0x117: {  	[sflag:s1] =	ssyncadd.s32 $0xFFFFF800  }
0x118: {  	_ =	swait.ge [sflag:s14], $0x800  }
0x119: {  	[sflag:s14] =	ssyncset.done $0x0  }
0x11a: {  	[sflag:s14] =	ssyncadd.s32 $0xFFFFF800  }
0x11b: {  	_ =	swait.ge [sflag:s14], $0x800  }
0x11c: {  	s6 =	sld [smem:$0x7F3]  }
0x11d: {  	[sflag:s14] =	ssyncset.done $0x0  }
0x11e: {  	s11 =	sld [smem:$0x7F4];
	[sflag:s14] =	ssyncadd.s32 $0xFFFFF800  }
0x11f: {  	[tilespmem:s23], [sflag:$0x2] =	stream.strided.gather [hbm4b:s6+s16], $0x800, s17, s16, $0x38;
	v63 =	vld [tilespmem:$0x0]  }
0x120: {  	s12 =	simm.s32 $0x18740  }
0x121: {  	[tilespmem:s20], [sflag:$0x3] =	stream.strided.gather [hbm4b:s11+s16], $0x800, s17, s16, $0x38;
	v63 =	vld [tilespmem:$0x0]  }
0x122: {  	v2 =	vld [tilespmem:s12+$0x30]  }
0x123: {  	v3 =	vld [tilespmem:s12+$0xFFFFFFD0]  }
0x124: {  	v4 =	vld [tilespmem:s12+$0xFFFFFFE0]  }
0x125: {  	v5 =	vld [tilespmem:s12+$0xFFFFFFF0]  }
0x126: {  	v6 =	vld [tilespmem:s12+$0x0]  }
0x127: {  	v8 =	vld [tilespmem:s12+$0x10]  }
0x128: {  	v9 =	vld [tilespmem:s12+$0x20]  }
0x129: {  	v10 =	vld [tilespmem:s12+$0xFFFFFFC0]  }
0x12a: {  	v11 =	vld.idx.msk [tilespmem:v2+s5+$0x0], $0xffff  }
0x12b: {  	v12 =	vld.idx.msk [tilespmem:v3+s5+$0x0], $0xffff  }
0x12c: {  	v7 =	vld.idx.msk [tilespmem:v4+s5+$0x0], $0xffff  }
0x12d: {  	v5 =	vld.idx.msk [tilespmem:v5+s5+$0x0], $0xffff  }
0x12e: {  	v2 =	vld.idx.msk [tilespmem:v6+s5+$0x0], $0xffff  }
0x12f: {  	s10 =	simm.s32 $0x1BF40;
	v3 =	vld.idx.msk [tilespmem:v8+s5+$0x0], $0xffff  }
0x130: {  	v4 =	vld.idx.msk [tilespmem:v9+s5+$0x0], $0xffff;
	[tilespmem:s10+$0x30] =	vst v11  }
0x131: {  	s11 =	simm.s32 $0x0;
	s12 =	simm.s32 $0x187C0;
	v6 =	vld.idx.msk [tilespmem:v10+s5+$0x0], $0xffff;
	[tilespmem:s10+$0xFFFFFFD0] =	vst v12  }
.LBB2_10:
0x132: {  	v8 =	vld [tilespmem:s12+$0x30];
	s11 =	sadd.s32 $0x80, s11;
	[tilespmem:s10+$0xFFFFFFE0] =	vst v7  }
0x133: {  	v7 =	vld [tilespmem:s12+$0xFFFFFFD0];
	p2 =	slt.u32 s11, $0x780;
	[tilespmem:s10+$0xFFFFFFF0] =	vst v5  }
0x134: {  	v5 =	vld [tilespmem:s12+$0xFFFFFFE0];
	[tilespmem:s10+$0x0] =	vst v2  }
0x135: {  	v2 =	vld [tilespmem:s12+$0xFFFFFFF0];
	[tilespmem:s10+$0x10] =	vst v3  }
0x136: {  	v3 =	vld [tilespmem:s12+$0x0];
	[tilespmem:s10+$0x20] =	vst v4  }
0x137: {  	v4 =	vld [tilespmem:s12+$0x10];
	[tilespmem:s10+$0xFFFFFFC0] =	vst v6  }
0x138: {  	v6 =	vld [tilespmem:s12+$0x20]  }
0x139: {  	v9 =	vld [tilespmem:s12+$0xFFFFFFC0]  }
0x13a: {  	v8 =	vld.idx.msk [tilespmem:v8+s5+$0x0], $0xffff  }
0x13b: {  	v10 =	vld.idx.msk [tilespmem:v7+s5+$0x0], $0xffff  }
0x13c: {  	v7 =	vld.idx.msk [tilespmem:v5+s5+$0x0], $0xffff  }
.Ltmp6:
0x13d: {  	v5 =	vld.idx.msk [tilespmem:v2+s5+$0x0], $0xffff;
	(pc) =	sbr.rel @p2 .LBB2_10-.Ltmp6, $4  }
0x13e: {  	v2 =	vld.idx.msk [tilespmem:v3+s5+$0x0], $0xffff  }
0x13f: {  	s10 =	sadd.s32 $0x80, s10;
	v3 =	vld.idx.msk [tilespmem:v4+s5+$0x0], $0xffff  }
0x140: {  	v4 =	vld.idx.msk [tilespmem:v6+s5+$0x0], $0xffff;
	[tilespmem:s10+$0x30] =	vst v8  }
0x141: {  	s12 =	sadd.s32 $0x80, s12;
	v6 =	vld.idx.msk [tilespmem:v9+s5+$0x0], $0xffff;
	[tilespmem:s10+$0xFFFFFFD0] =	vst v10  }
0x142: {  	[tilespmem:s10+$0xFFFFFFE0] =	vst v7  }
0x143: {  	[tilespmem:s10+$0xFFFFFFF0] =	vst v5  }
0x144: {  	[tilespmem:s10+$0x0] =	vst v2  }
0x145: {  	[tilespmem:s10+$0x10] =	vst v3  }
0x146: {  	[tilespmem:s10+$0x20] =	vst v4  }
0x147: {  	[tilespmem:s10+$0xFFFFFFC0] =	vst v6  }
0x148: {  	[spmem:s2] =	stream.indirect.scatter.add.f32 [tilespmem:s0], [sflag:$0x8], $0x1, s30, s25, $0xb8;
	v63 =	vld [tilespmem:$0x0]  }
0x149: {  	_ = 	snop  }
0x14a: {  	[spmem:s3] =	stream.indirect.scatter.add.f32 [tilespmem:s13], [sflag:$0x8], $0x1, s30, s25, $0xb8;
	v63 =	vld [tilespmem:$0x0]  }
0x14b: {  	_ =	swait.ge [sflag:s28], $0x800  }
0x14c: {  	[sflag:s28] =	ssyncset.done $0x0  }
0x14d: {  	[sflag:s28] =	ssyncadd.s32 $0xFFFFF800  }
0x14e: {  	_ =	swait.ge [sflag:s22], $0x800  }
0x14f: {  	[sflag:s22] =	ssyncset.done $0x0  }
0x150: {  	[sflag:s22] =	ssyncadd.s32 $0xFFFFF800  }
0x151: {  	_ =	swait.ge [sflag:s15], $0x800  }
0x152: {  	[sflag:s15] =	ssyncset.done $0x0  }
0x153: {  	[sflag:s15] =	ssyncadd.s32 $0xFFFFF800  }
0x154: {  	_ =	swait.ge [sflag:s15], $0x800  }
0x155: {  	s6 =	sld [smem:$0x7F5]  }
0x156: {  	[sflag:s15] =	ssyncset.done $0x0  }
0x157: {  	s11 =	sld [smem:$0x7F6];
	[sflag:s15] =	ssyncadd.s32 $0xFFFFF800  }
0x158: {  	[tilespmem:s19], [sflag:$0x1] =	stream.strided.gather [hbm4b:s6+s16], $0x800, s17, s16, $0x38;
	v63 =	vld [tilespmem:$0x0]  }
0x159: {  	s12 =	simm.s32 $0x18F40  }
0x15a: {  	[tilespmem:s24], [sflag:$0x4] =	stream.strided.gather [hbm4b:s11+s16], $0x800, s17, s16, $0x38;
	v63 =	vld [tilespmem:$0x0]  }
0x15b: {  	v2 =	vld [tilespmem:s12+$0x30]  }
0x15c: {  	v3 =	vld [tilespmem:s12+$0xFFFFFFD0]  }
0x15d: {  	v4 =	vld [tilespmem:s12+$0xFFFFFFE0]  }
0x15e: {  	v5 =	vld [tilespmem:s12+$0xFFFFFFF0]  }
0x15f: {  	v6 =	vld [tilespmem:s12+$0x0]  }
0x160: {  	v8 =	vld [tilespmem:s12+$0x10]  }
0x161: {  	v9 =	vld [tilespmem:s12+$0x20]  }
0x162: {  	v10 =	vld [tilespmem:s12+$0xFFFFFFC0]  }
0x163: {  	v11 =	vld.idx.msk [tilespmem:v2+s5+$0x0], $0xffff  }
0x164: {  	v12 =	vld.idx.msk [tilespmem:v3+s5+$0x0], $0xffff  }
0x165: {  	v7 =	vld.idx.msk [tilespmem:v4+s5+$0x0], $0xffff  }
0x166: {  	v5 =	vld.idx.msk [tilespmem:v5+s5+$0x0], $0xffff  }
0x167: {  	v2 =	vld.idx.msk [tilespmem:v6+s5+$0x0], $0xffff  }
0x168: {  	s10 =	simm.s32 $0x1AF40;
	v3 =	vld.idx.msk [tilespmem:v8+s5+$0x0], $0xffff  }
0x169: {  	v4 =	vld.idx.msk [tilespmem:v9+s5+$0x0], $0xffff;
	[tilespmem:s10+$0x30] =	vst v11  }
0x16a: {  	s11 =	simm.s32 $0x0;
	s12 =	simm.s32 $0x18FC0;
	v6 =	vld.idx.msk [tilespmem:v10+s5+$0x0], $0xffff;
	[tilespmem:s10+$0xFFFFFFD0] =	vst v12  }
.LBB2_12:
0x16b: {  	v8 =	vld [tilespmem:s12+$0x30];
	s11 =	sadd.s32 $0x80, s11;
	[tilespmem:s10+$0xFFFFFFE0] =	vst v7  }
0x16c: {  	v7 =	vld [tilespmem:s12+$0xFFFFFFD0];
	p2 =	slt.u32 s11, $0x780;
	[tilespmem:s10+$0xFFFFFFF0] =	vst v5  }
0x16d: {  	v5 =	vld [tilespmem:s12+$0xFFFFFFE0];
	[tilespmem:s10+$0x0] =	vst v2  }
0x16e: {  	v2 =	vld [tilespmem:s12+$0xFFFFFFF0];
	[tilespmem:s10+$0x10] =	vst v3  }
0x16f: {  	v3 =	vld [tilespmem:s12+$0x0];
	[tilespmem:s10+$0x20] =	vst v4  }
0x170: {  	v4 =	vld [tilespmem:s12+$0x10];
	[tilespmem:s10+$0xFFFFFFC0] =	vst v6  }
0x171: {  	v6 =	vld [tilespmem:s12+$0x20]  }
0x172: {  	v9 =	vld [tilespmem:s12+$0xFFFFFFC0]  }
0x173: {  	v8 =	vld.idx.msk [tilespmem:v8+s5+$0x0], $0xffff  }
0x174: {  	v10 =	vld.idx.msk [tilespmem:v7+s5+$0x0], $0xffff  }
0x175: {  	v7 =	vld.idx.msk [tilespmem:v5+s5+$0x0], $0xffff  }
.Ltmp7:
0x176: {  	v5 =	vld.idx.msk [tilespmem:v2+s5+$0x0], $0xffff;
	(pc) =	sbr.rel @p2 .LBB2_12-.Ltmp7, $4  }
0x177: {  	v2 =	vld.idx.msk [tilespmem:v3+s5+$0x0], $0xffff  }
0x178: {  	s10 =	sadd.s32 $0x80, s10;
	v3 =	vld.idx.msk [tilespmem:v4+s5+$0x0], $0xffff  }
0x179: {  	v4 =	vld.idx.msk [tilespmem:v6+s5+$0x0], $0xffff;
	[tilespmem:s10+$0x30] =	vst v8  }
0x17a: {  	s12 =	sadd.s32 $0x80, s12;
	v6 =	vld.idx.msk [tilespmem:v9+s5+$0x0], $0xffff;
	[tilespmem:s10+$0xFFFFFFD0] =	vst v10  }
0x17b: {  	[tilespmem:s10+$0xFFFFFFE0] =	vst v7  }
0x17c: {  	[tilespmem:s10+$0xFFFFFFF0] =	vst v5  }
0x17d: {  	[tilespmem:s10+$0x0] =	vst v2  }
0x17e: {  	[tilespmem:s10+$0x10] =	vst v3  }
0x17f: {  	[tilespmem:s10+$0x20] =	vst v4  }
0x180: {  	[tilespmem:s10+$0xFFFFFFC0] =	vst v6  }
0x181: {  	[spmem:s2] =	stream.indirect.scatter.add.f32 [tilespmem:s26], [sflag:$0x6], $0x1, s20, s25, $0xb8;
	v63 =	vld [tilespmem:$0x0]  }
0x182: {  	_ = 	snop  }
0x183: {  	[spmem:s3] =	stream.indirect.scatter.add.f32 [tilespmem:s13], [sflag:$0x6], $0x1, s20, s25, $0xb8;
	v63 =	vld [tilespmem:$0x0]  }
0x184: {  	_ =	swait.ge [sflag:s21], $0x800  }
0x185: {  	[sflag:s21] =	ssyncset.done $0x0  }
0x186: {  	[sflag:s21] =	ssyncadd.s32 $0xFFFFF800  }
0x187: {  	_ =	swait.ge [sflag:s29], $0x800  }
0x188: {  	[sflag:s29] =	ssyncset.done $0x0  }
0x189: {  	[sflag:s29] =	ssyncadd.s32 $0xFFFFF800  }
0x18a: {  	_ =	swait.ge [sflag:s4], $0x800  }
0x18b: {  	[sflag:s4] =	ssyncset.done $0x0  }
0x18c: {  	[sflag:s4] =	ssyncadd.s32 $0xFFFFF800  }
0x18d: {  	_ =	swait.ge [sflag:s4], $0x800  }
0x18e: {  	s6 =	sld [smem:$0x7F7]  }
0x18f: {  	[sflag:s4] =	ssyncset.done $0x0  }
0x190: {  	s11 =	sld [smem:$0x7F8];
	[sflag:s4] =	ssyncadd.s32 $0xFFFFF800  }
0x191: {  	[tilespmem:s23], [sflag:$0x2] =	stream.strided.gather [hbm4b:s6+s16], $0x800, s17, s16, $0x38;
	v63 =	vld [tilespmem:$0x0]  }
0x192: {  	s12 =	simm.s32 $0x18740  }
0x193: {  	[tilespmem:s30], [sflag:$0x5] =	stream.strided.gather [hbm4b:s11+s16], $0x800, s17, s16, $0x38;
	v63 =	vld [tilespmem:$0x0]  }
0x194: {  	v2 =	vld [tilespmem:s12+$0x30]  }
0x195: {  	v3 =	vld [tilespmem:s12+$0xFFFFFFD0]  }
0x196: {  	v4 =	vld [tilespmem:s12+$0xFFFFFFE0]  }
0x197: {  	v5 =	vld [tilespmem:s12+$0xFFFFFFF0]  }
0x198: {  	v6 =	vld [tilespmem:s12+$0x0]  }
0x199: {  	v8 =	vld [tilespmem:s12+$0x10]  }
0x19a: {  	v9 =	vld [tilespmem:s12+$0x20]  }
0x19b: {  	v10 =	vld [tilespmem:s12+$0xFFFFFFC0]  }
0x19c: {  	v11 =	vld.idx.msk [tilespmem:v2+s5+$0x0], $0xffff  }
0x19d: {  	v12 =	vld.idx.msk [tilespmem:v3+s5+$0x0], $0xffff  }
0x19e: {  	v7 =	vld.idx.msk [tilespmem:v4+s5+$0x0], $0xffff  }
0x19f: {  	v5 =	vld.idx.msk [tilespmem:v5+s5+$0x0], $0xffff  }
0x1a0: {  	v2 =	vld.idx.msk [tilespmem:v6+s5+$0x0], $0xffff  }
0x1a1: {  	s10 =	simm.s32 $0x1B740;
	v3 =	vld.idx.msk [tilespmem:v8+s5+$0x0], $0xffff  }
0x1a2: {  	v4 =	vld.idx.msk [tilespmem:v9+s5+$0x0], $0xffff;
	[tilespmem:s10+$0x30] =	vst v11  }
0x1a3: {  	s11 =	simm.s32 $0x0;
	s12 =	simm.s32 $0x187C0;
	v6 =	vld.idx.msk [tilespmem:v10+s5+$0x0], $0xffff;
	[tilespmem:s10+$0xFFFFFFD0] =	vst v12  }
.LBB2_14:
0x1a4: {  	v8 =	vld [tilespmem:s12+$0x30];
	s11 =	sadd.s32 $0x80, s11;
	[tilespmem:s10+$0xFFFFFFE0] =	vst v7  }
0x1a5: {  	v7 =	vld [tilespmem:s12+$0xFFFFFFD0];
	p2 =	slt.u32 s11, $0x780;
	[tilespmem:s10+$0xFFFFFFF0] =	vst v5  }
0x1a6: {  	v5 =	vld [tilespmem:s12+$0xFFFFFFE0];
	[tilespmem:s10+$0x0] =	vst v2  }
0x1a7: {  	v2 =	vld [tilespmem:s12+$0xFFFFFFF0];
	[tilespmem:s10+$0x10] =	vst v3  }
0x1a8: {  	v3 =	vld [tilespmem:s12+$0x0];
	[tilespmem:s10+$0x20] =	vst v4  }
0x1a9: {  	v4 =	vld [tilespmem:s12+$0x10];
	[tilespmem:s10+$0xFFFFFFC0] =	vst v6  }
0x1aa: {  	v6 =	vld [tilespmem:s12+$0x20]  }
0x1ab: {  	v9 =	vld [tilespmem:s12+$0xFFFFFFC0]  }
0x1ac: {  	v8 =	vld.idx.msk [tilespmem:v8+s5+$0x0], $0xffff  }
0x1ad: {  	v10 =	vld.idx.msk [tilespmem:v7+s5+$0x0], $0xffff  }
0x1ae: {  	v7 =	vld.idx.msk [tilespmem:v5+s5+$0x0], $0xffff  }
.Ltmp8:
0x1af: {  	v5 =	vld.idx.msk [tilespmem:v2+s5+$0x0], $0xffff;
	(pc) =	sbr.rel @p2 .LBB2_14-.Ltmp8, $4  }
0x1b0: {  	v2 =	vld.idx.msk [tilespmem:v3+s5+$0x0], $0xffff  }
0x1b1: {  	s10 =	sadd.s32 $0x80, s10;
	v3 =	vld.idx.msk [tilespmem:v4+s5+$0x0], $0xffff  }
0x1b2: {  	v4 =	vld.idx.msk [tilespmem:v6+s5+$0x0], $0xffff;
	[tilespmem:s10+$0x30] =	vst v8  }
0x1b3: {  	s12 =	sadd.s32 $0x80, s12;
	v6 =	vld.idx.msk [tilespmem:v9+s5+$0x0], $0xffff;
	[tilespmem:s10+$0xFFFFFFD0] =	vst v10  }
0x1b4: {  	[tilespmem:s10+$0xFFFFFFE0] =	vst v7  }
0x1b5: {  	[tilespmem:s10+$0xFFFFFFF0] =	vst v5  }
0x1b6: {  	[tilespmem:s10+$0x0] =	vst v2  }
0x1b7: {  	[tilespmem:s10+$0x10] =	vst v3  }
0x1b8: {  	[tilespmem:s10+$0x20] =	vst v4  }
0x1b9: {  	[tilespmem:s10+$0xFFFFFFC0] =	vst v6  }
0x1ba: {  	[spmem:s2] =	stream.indirect.scatter.add.f32 [tilespmem:s31], [sflag:$0x7], $0x1, s24, s25, $0xb8;
	v63 =	vld [tilespmem:$0x0]  }
0x1bb: {  	_ = 	snop  }
0x1bc: {  	[spmem:s3] =	stream.indirect.scatter.add.f32 [tilespmem:s13], [sflag:$0x7], $0x1, s24, s25, $0xb8;
	v63 =	vld [tilespmem:$0x0]  }
0x1bd: {  	_ =	swait.ge [sflag:s28], $0x800  }
0x1be: {  	[sflag:s28] =	ssyncset.done $0x0  }
0x1bf: {  	[sflag:s28] =	ssyncadd.s32 $0xFFFFF800  }
0x1c0: {  	_ =	swait.ge [sflag:s1], $0x800  }
0x1c1: {  	[sflag:s1] =	ssyncset.done $0x0  }
0x1c2: {  	[sflag:s1] =	ssyncadd.s32 $0xFFFFF800  }
0x1c3: {  	_ =	swait.ge [sflag:s14], $0x800  }
0x1c4: {  	[sflag:s14] =	ssyncset.done $0x0  }
0x1c5: {  	[sflag:s14] =	ssyncadd.s32 $0xFFFFF800  }
0x1c6: {  	_ =	swait.ge [sflag:s14], $0x800  }
0x1c7: {  	s6 =	sld [smem:$0x7F9]  }
0x1c8: {  	[sflag:s14] =	ssyncset.done $0x0  }
0x1c9: {  	s11 =	sld [smem:$0x7FA];
	[sflag:s14] =	ssyncadd.s32 $0xFFFFF800  }
0x1ca: {  	[tilespmem:s19], [sflag:$0x1] =	stream.strided.gather [hbm4b:s6+s16], $0x800, s17, s16, $0x38;
	v63 =	vld [tilespmem:$0x0]  }
0x1cb: {  	s12 =	simm.s32 $0x18F40  }
0x1cc: {  	[tilespmem:s20], [sflag:$0x3] =	stream.strided.gather [hbm4b:s11+s16], $0x800, s17, s16, $0x38;
	v63 =	vld [tilespmem:$0x0]  }
0x1cd: {  	v2 =	vld [tilespmem:s12+$0x30]  }
0x1ce: {  	v3 =	vld [tilespmem:s12+$0xFFFFFFD0]  }
0x1cf: {  	v4 =	vld [tilespmem:s12+$0xFFFFFFE0]  }
0x1d0: {  	v5 =	vld [tilespmem:s12+$0xFFFFFFF0]  }
0x1d1: {  	v6 =	vld [tilespmem:s12+$0x0]  }
0x1d2: {  	v8 =	vld [tilespmem:s12+$0x10]  }
0x1d3: {  	v9 =	vld [tilespmem:s12+$0x20]  }
0x1d4: {  	v10 =	vld [tilespmem:s12+$0xFFFFFFC0]  }
0x1d5: {  	v11 =	vld.idx.msk [tilespmem:v2+s5+$0x0], $0xffff  }
0x1d6: {  	v12 =	vld.idx.msk [tilespmem:v3+s5+$0x0], $0xffff  }
0x1d7: {  	v7 =	vld.idx.msk [tilespmem:v4+s5+$0x0], $0xffff  }
0x1d8: {  	v5 =	vld.idx.msk [tilespmem:v5+s5+$0x0], $0xffff  }
0x1d9: {  	v2 =	vld.idx.msk [tilespmem:v6+s5+$0x0], $0xffff  }
0x1da: {  	s10 =	simm.s32 $0x1BF40;
	v3 =	vld.idx.msk [tilespmem:v8+s5+$0x0], $0xffff  }
0x1db: {  	v4 =	vld.idx.msk [tilespmem:v9+s5+$0x0], $0xffff;
	[tilespmem:s10+$0x30] =	vst v11  }
0x1dc: {  	s11 =	simm.s32 $0x0;
	s12 =	simm.s32 $0x18FC0;
	v6 =	vld.idx.msk [tilespmem:v10+s5+$0x0], $0xffff;
	[tilespmem:s10+$0xFFFFFFD0] =	vst v12  }
.LBB2_16:
0x1dd: {  	v8 =	vld [tilespmem:s12+$0x30];
	s11 =	sadd.s32 $0x80, s11;
	[tilespmem:s10+$0xFFFFFFE0] =	vst v7  }
0x1de: {  	v7 =	vld [tilespmem:s12+$0xFFFFFFD0];
	p2 =	slt.u32 s11, $0x780;
	[tilespmem:s10+$0xFFFFFFF0] =	vst v5  }
0x1df: {  	v5 =	vld [tilespmem:s12+$0xFFFFFFE0];
	[tilespmem:s10+$0x0] =	vst v2  }
0x1e0: {  	v2 =	vld [tilespmem:s12+$0xFFFFFFF0];
	[tilespmem:s10+$0x10] =	vst v3  }
0x1e1: {  	v3 =	vld [tilespmem:s12+$0x0];
	[tilespmem:s10+$0x20] =	vst v4  }
0x1e2: {  	v4 =	vld [tilespmem:s12+$0x10];
	[tilespmem:s10+$0xFFFFFFC0] =	vst v6  }
0x1e3: {  	v6 =	vld [tilespmem:s12+$0x20]  }
0x1e4: {  	v9 =	vld [tilespmem:s12+$0xFFFFFFC0]  }
0x1e5: {  	v8 =	vld.idx.msk [tilespmem:v8+s5+$0x0], $0xffff  }
0x1e6: {  	v10 =	vld.idx.msk [tilespmem:v7+s5+$0x0], $0xffff  }
0x1e7: {  	v7 =	vld.idx.msk [tilespmem:v5+s5+$0x0], $0xffff  }
.Ltmp9:
0x1e8: {  	v5 =	vld.idx.msk [tilespmem:v2+s5+$0x0], $0xffff;
	(pc) =	sbr.rel @p2 .LBB2_16-.Ltmp9, $4  }
0x1e9: {  	v2 =	vld.idx.msk [tilespmem:v3+s5+$0x0], $0xffff  }
0x1ea: {  	s10 =	sadd.s32 $0x80, s10;
	v3 =	vld.idx.msk [tilespmem:v4+s5+$0x0], $0xffff  }
0x1eb: {  	v4 =	vld.idx.msk [tilespmem:v6+s5+$0x0], $0xffff;
	[tilespmem:s10+$0x30] =	vst v8  }
0x1ec: {  	s12 =	sadd.s32 $0x80, s12;
	v6 =	vld.idx.msk [tilespmem:v9+s5+$0x0], $0xffff;
	[tilespmem:s10+$0xFFFFFFD0] =	vst v10  }
0x1ed: {  	[tilespmem:s10+$0xFFFFFFE0] =	vst v7  }
0x1ee: {  	[tilespmem:s10+$0xFFFFFFF0] =	vst v5  }
0x1ef: {  	[tilespmem:s10+$0x0] =	vst v2  }
0x1f0: {  	[tilespmem:s10+$0x10] =	vst v3  }
0x1f1: {  	[tilespmem:s10+$0x20] =	vst v4  }
0x1f2: {  	[tilespmem:s10+$0xFFFFFFC0] =	vst v6  }
0x1f3: {  	[spmem:s2] =	stream.indirect.scatter.add.f32 [tilespmem:s0], [sflag:$0x8], $0x1, s30, s25, $0xb8;
	v63 =	vld [tilespmem:$0x0]  }
0x1f4: {  	_ = 	snop  }
0x1f5: {  	[spmem:s3] =	stream.indirect.scatter.add.f32 [tilespmem:s13], [sflag:$0x8], $0x1, s30, s25, $0xb8;
	v63 =	vld [tilespmem:$0x0]  }
0x1f6: {  	_ =	swait.ge [sflag:s21], $0x800  }
0x1f7: {  	[sflag:s21] =	ssyncset.done $0x0  }
0x1f8: {  	[sflag:s21] =	ssyncadd.s32 $0xFFFFF800  }
0x1f9: {  	_ =	swait.ge [sflag:s22], $0x800  }
0x1fa: {  	[sflag:s22] =	ssyncset.done $0x0  }
0x1fb: {  	[sflag:s22] =	ssyncadd.s32 $0xFFFFF800  }
0x1fc: {  	_ =	swait.ge [sflag:s15], $0x800  }
0x1fd: {  	[sflag:s15] =	ssyncset.done $0x0  }
0x1fe: {  	[sflag:s15] =	ssyncadd.s32 $0xFFFFF800  }
0x1ff: {  	_ =	swait.ge [sflag:s15], $0x800  }
0x200: {  	s6 =	sld [smem:$0x7FB]  }
0x201: {  	[sflag:s15] =	ssyncset.done $0x0  }
0x202: {  	s11 =	sld [smem:$0x7FD];
	[sflag:s15] =	ssyncadd.s32 $0xFFFFF800  }
0x203: {  	[tilespmem:s23], [sflag:$0x2] =	stream.strided.gather [hbm4b:s6+s16], $0x800, s17, s16, $0x38;
	v63 =	vld [tilespmem:$0x0]  }
0x204: {  	s12 =	simm.s32 $0x18740  }
0x205: {  	[tilespmem:s24], [sflag:$0x4] =	stream.strided.gather [hbm4b:s11+s16], $0x800, s17, s16, $0x38;
	v63 =	vld [tilespmem:$0x0]  }
0x206: {  	v2 =	vld [tilespmem:s12+$0x30]  }
0x207: {  	v3 =	vld [tilespmem:s12+$0xFFFFFFD0]  }
0x208: {  	v4 =	vld [tilespmem:s12+$0xFFFFFFE0]  }
0x209: {  	v5 =	vld [tilespmem:s12+$0xFFFFFFF0]  }
0x20a: {  	v6 =	vld [tilespmem:s12+$0x0]  }
0x20b: {  	v8 =	vld [tilespmem:s12+$0x10]  }
0x20c: {  	v9 =	vld [tilespmem:s12+$0x20]  }
0x20d: {  	v10 =	vld [tilespmem:s12+$0xFFFFFFC0]  }
0x20e: {  	v11 =	vld.idx.msk [tilespmem:v2+s5+$0x0], $0xffff  }
0x20f: {  	v12 =	vld.idx.msk [tilespmem:v3+s5+$0x0], $0xffff  }
0x210: {  	v7 =	vld.idx.msk [tilespmem:v4+s5+$0x0], $0xffff  }
0x211: {  	v5 =	vld.idx.msk [tilespmem:v5+s5+$0x0], $0xffff  }
0x212: {  	v2 =	vld.idx.msk [tilespmem:v6+s5+$0x0], $0xffff  }
0x213: {  	s10 =	simm.s32 $0x1AF40;
	v3 =	vld.idx.msk [tilespmem:v8+s5+$0x0], $0xffff  }
0x214: {  	v4 =	vld.idx.msk [tilespmem:v9+s5+$0x0], $0xffff;
	[tilespmem:s10+$0x30] =	vst v11  }
0x215: {  	s11 =	simm.s32 $0x0;
	s12 =	simm.s32 $0x187C0;
	v6 =	vld.idx.msk [tilespmem:v10+s5+$0x0], $0xffff;
	[tilespmem:s10+$0xFFFFFFD0] =	vst v12  }
.LBB2_18:
0x216: {  	v8 =	vld [tilespmem:s12+$0x30];
	s11 =	sadd.s32 $0x80, s11;
	[tilespmem:s10+$0xFFFFFFE0] =	vst v7  }
0x217: {  	v7 =	vld [tilespmem:s12+$0xFFFFFFD0];
	p2 =	slt.u32 s11, $0x780;
	[tilespmem:s10+$0xFFFFFFF0] =	vst v5  }
0x218: {  	v5 =	vld [tilespmem:s12+$0xFFFFFFE0];
	[tilespmem:s10+$0x0] =	vst v2  }
0x219: {  	v2 =	vld [tilespmem:s12+$0xFFFFFFF0];
	[tilespmem:s10+$0x10] =	vst v3  }
0x21a: {  	v3 =	vld [tilespmem:s12+$0x0];
	[tilespmem:s10+$0x20] =	vst v4  }
0x21b: {  	v4 =	vld [tilespmem:s12+$0x10];
	[tilespmem:s10+$0xFFFFFFC0] =	vst v6  }
0x21c: {  	v6 =	vld [tilespmem:s12+$0x20]  }
0x21d: {  	v9 =	vld [tilespmem:s12+$0xFFFFFFC0]  }
0x21e: {  	v8 =	vld.idx.msk [tilespmem:v8+s5+$0x0], $0xffff  }
0x21f: {  	v10 =	vld.idx.msk [tilespmem:v7+s5+$0x0], $0xffff  }
0x220: {  	v7 =	vld.idx.msk [tilespmem:v5+s5+$0x0], $0xffff  }
.Ltmp10:
0x221: {  	v5 =	vld.idx.msk [tilespmem:v2+s5+$0x0], $0xffff;
	(pc) =	sbr.rel @p2 .LBB2_18-.Ltmp10, $4  }
0x222: {  	v2 =	vld.idx.msk [tilespmem:v3+s5+$0x0], $0xffff  }
0x223: {  	s10 =	sadd.s32 $0x80, s10;
	v3 =	vld.idx.msk [tilespmem:v4+s5+$0x0], $0xffff  }
0x224: {  	v4 =	vld.idx.msk [tilespmem:v6+s5+$0x0], $0xffff;
	[tilespmem:s10+$0x30] =	vst v8  }
0x225: {  	s12 =	sadd.s32 $0x80, s12;
	v6 =	vld.idx.msk [tilespmem:v9+s5+$0x0], $0xffff;
	[tilespmem:s10+$0xFFFFFFD0] =	vst v10  }
0x226: {  	[tilespmem:s10+$0xFFFFFFE0] =	vst v7  }
0x227: {  	[tilespmem:s10+$0xFFFFFFF0] =	vst v5  }
0x228: {  	[tilespmem:s10+$0x0] =	vst v2  }
0x229: {  	[tilespmem:s10+$0x10] =	vst v3  }
0x22a: {  	[tilespmem:s10+$0x20] =	vst v4  }
0x22b: {  	[tilespmem:s10+$0xFFFFFFC0] =	vst v6  }
0x22c: {  	[spmem:s2] =	stream.indirect.scatter.add.f32 [tilespmem:s26], [sflag:$0x6], $0x1, s20, s25, $0xb8;
	v63 =	vld [tilespmem:$0x0]  }
0x22d: {  	_ = 	snop  }
0x22e: {  	[spmem:s3] =	stream.indirect.scatter.add.f32 [tilespmem:s13], [sflag:$0x6], $0x1, s20, s25, $0xb8;
	v63 =	vld [tilespmem:$0x0]  }
0x22f: {  	_ =	swait.ge [sflag:s28], $0x800  }
0x230: {  	[sflag:s28] =	ssyncset.done $0x0  }
0x231: {  	[sflag:s28] =	ssyncadd.s32 $0xFFFFF800  }
0x232: {  	_ =	swait.ge [sflag:s29], $0x800  }
0x233: {  	[sflag:s29] =	ssyncset.done $0x0  }
0x234: {  	[sflag:s29] =	ssyncadd.s32 $0xFFFFF800  }
0x235: {  	_ =	swait.ge [sflag:s4], $0x800  }
0x236: {  	[sflag:s4] =	ssyncset.done $0x0  }
0x237: {  	[sflag:s4] =	ssyncadd.s32 $0xFFFFF800  }
0x238: {  	_ =	swait.ge [sflag:s4], $0x800  }
0x239: {  	[sflag:s4] =	ssyncset.done $0x0  }
0x23a: {  	s6 =	rddreg [dreg:$0xd];
	[sflag:s4] =	ssyncadd.s32 $0xFFFFF800  }
0x23b: {  	[tilespmem:s19], [sflag:$0x1] =	stream.strided.gather [hbm4b:s6+s16], $0x800, s17, s16, $0x38;
	v63 =	vld [tilespmem:$0x0]  }
0x23c: {  	s12 =	simm.s32 $0x18F40;
	s11 =	rddreg [dreg:$0xe]  }
0x23d: {  	[tilespmem:s30], [sflag:$0x5] =	stream.strided.gather [hbm4b:s11+s16], $0x800, s17, s16, $0x38;
	v63 =	vld [tilespmem:$0x0]  }
0x23e: {  	v2 =	vld [tilespmem:s12+$0x30]  }
0x23f: {  	v3 =	vld [tilespmem:s12+$0xFFFFFFD0]  }
0x240: {  	v4 =	vld [tilespmem:s12+$0xFFFFFFE0]  }
0x241: {  	v5 =	vld [tilespmem:s12+$0xFFFFFFF0]  }
0x242: {  	v6 =	vld [tilespmem:s12+$0x0]  }
0x243: {  	v8 =	vld [tilespmem:s12+$0x10]  }
0x244: {  	v9 =	vld [tilespmem:s12+$0x20]  }
0x245: {  	v10 =	vld [tilespmem:s12+$0xFFFFFFC0]  }
0x246: {  	v11 =	vld.idx.msk [tilespmem:v2+s5+$0x0], $0xffff  }
0x247: {  	v12 =	vld.idx.msk [tilespmem:v3+s5+$0x0], $0xffff  }
0x248: {  	v7 =	vld.idx.msk [tilespmem:v4+s5+$0x0], $0xffff  }
0x249: {  	v5 =	vld.idx.msk [tilespmem:v5+s5+$0x0], $0xffff  }
0x24a: {  	v2 =	vld.idx.msk [tilespmem:v6+s5+$0x0], $0xffff  }
0x24b: {  	s10 =	simm.s32 $0x1B740;
	v3 =	vld.idx.msk [tilespmem:v8+s5+$0x0], $0xffff  }
0x24c: {  	v4 =	vld.idx.msk [tilespmem:v9+s5+$0x0], $0xffff;
	[tilespmem:s10+$0x30] =	vst v11  }
0x24d: {  	s11 =	simm.s32 $0x0;
	s12 =	simm.s32 $0x18FC0;
	v6 =	vld.idx.msk [tilespmem:v10+s5+$0x0], $0xffff;
	[tilespmem:s10+$0xFFFFFFD0] =	vst v12  }
.LBB2_20:
0x24e: {  	v8 =	vld [tilespmem:s12+$0x30];
	s11 =	sadd.s32 $0x80, s11;
	[tilespmem:s10+$0xFFFFFFE0] =	vst v7  }
0x24f: {  	v7 =	vld [tilespmem:s12+$0xFFFFFFD0];
	p2 =	slt.u32 s11, $0x780;
	[tilespmem:s10+$0xFFFFFFF0] =	vst v5  }
0x250: {  	v5 =	vld [tilespmem:s12+$0xFFFFFFE0];
	[tilespmem:s10+$0x0] =	vst v2  }
0x251: {  	v2 =	vld [tilespmem:s12+$0xFFFFFFF0];
	[tilespmem:s10+$0x10] =	vst v3  }
0x252: {  	v3 =	vld [tilespmem:s12+$0x0];
	[tilespmem:s10+$0x20] =	vst v4  }
0x253: {  	v4 =	vld [tilespmem:s12+$0x10];
	[tilespmem:s10+$0xFFFFFFC0] =	vst v6  }
0x254: {  	v6 =	vld [tilespmem:s12+$0x20]  }
0x255: {  	v9 =	vld [tilespmem:s12+$0xFFFFFFC0]  }
0x256: {  	v8 =	vld.idx.msk [tilespmem:v8+s5+$0x0], $0xffff  }
0x257: {  	v10 =	vld.idx.msk [tilespmem:v7+s5+$0x0], $0xffff  }
0x258: {  	v7 =	vld.idx.msk [tilespmem:v5+s5+$0x0], $0xffff  }
.Ltmp11:
0x259: {  	v5 =	vld.idx.msk [tilespmem:v2+s5+$0x0], $0xffff;
	(pc) =	sbr.rel @p2 .LBB2_20-.Ltmp11, $4  }
0x25a: {  	v2 =	vld.idx.msk [tilespmem:v3+s5+$0x0], $0xffff  }
0x25b: {  	s10 =	sadd.s32 $0x80, s10;
	v3 =	vld.idx.msk [tilespmem:v4+s5+$0x0], $0xffff  }
0x25c: {  	v4 =	vld.idx.msk [tilespmem:v6+s5+$0x0], $0xffff;
	[tilespmem:s10+$0x30] =	vst v8  }
0x25d: {  	s12 =	sadd.s32 $0x80, s12;
	v6 =	vld.idx.msk [tilespmem:v9+s5+$0x0], $0xffff;
	[tilespmem:s10+$0xFFFFFFD0] =	vst v10  }
0x25e: {  	[tilespmem:s10+$0xFFFFFFE0] =	vst v7  }
0x25f: {  	[tilespmem:s10+$0xFFFFFFF0] =	vst v5  }
0x260: {  	[tilespmem:s10+$0x0] =	vst v2  }
0x261: {  	[tilespmem:s10+$0x10] =	vst v3  }
0x262: {  	[tilespmem:s10+$0x20] =	vst v4  }
0x263: {  	[tilespmem:s10+$0xFFFFFFC0] =	vst v6  }
0x264: {  	[spmem:s2] =	stream.indirect.scatter.add.f32 [tilespmem:s31], [sflag:$0x7], $0x1, s24, s25, $0xb8;
	v63 =	vld [tilespmem:$0x0]  }
0x265: {  	_ = 	snop  }
0x266: {  	[spmem:s3] =	stream.indirect.scatter.add.f32 [tilespmem:s13], [sflag:$0x7], $0x1, s24, s25, $0xb8;
	v63 =	vld [tilespmem:$0x0]  }
0x267: {  	_ =	swait.ge [sflag:s21], $0x800  }
0x268: {  	[sflag:s21] =	ssyncset.done $0x0  }
0x269: {  	[sflag:s21] =	ssyncadd.s32 $0xFFFFF800  }
0x26a: {  	_ =	swait.ge [sflag:s1], $0x800  }
0x26b: {  	[sflag:s1] =	ssyncset.done $0x0  }
0x26c: {  	[sflag:s1] =	ssyncadd.s32 $0xFFFFF800  }
0x26d: {  	_ =	swait.ge [sflag:s14], $0x800  }
0x26e: {  	[sflag:s14] =	ssyncset.done $0x0  }
0x26f: {  	[sflag:s14] =	ssyncadd.s32 $0xFFFFF800  }
0x270: {  	_ =	swait.ge [sflag:s14], $0x800  }
0x271: {  	[sflag:s14] =	ssyncset.done $0x0  }
0x272: {  	s6 =	rddreg [dreg:$0xf];
	[sflag:s14] =	ssyncadd.s32 $0xFFFFF800  }
0x273: {  	[tilespmem:s23], [sflag:$0x2] =	stream.strided.gather [hbm4b:s6+s16], $0x800, s17, s16, $0x38;
	v63 =	vld [tilespmem:$0x0]  }
0x274: {  	s12 =	simm.s32 $0x18740;
	s11 =	rddreg [dreg:$0x10]  }
0x275: {  	[tilespmem:s20], [sflag:$0x3] =	stream.strided.gather [hbm4b:s11+s16], $0x800, s17, s16, $0x38;
	v63 =	vld [tilespmem:$0x0]  }
0x276: {  	v2 =	vld [tilespmem:s12+$0x30]  }
0x277: {  	v3 =	vld [tilespmem:s12+$0xFFFFFFD0]  }
0x278: {  	v4 =	vld [tilespmem:s12+$0xFFFFFFE0]  }
0x279: {  	v5 =	vld [tilespmem:s12+$0xFFFFFFF0]  }
0x27a: {  	v6 =	vld [tilespmem:s12+$0x0]  }
0x27b: {  	v8 =	vld [tilespmem:s12+$0x10]  }
0x27c: {  	v9 =	vld [tilespmem:s12+$0x20]  }
0x27d: {  	v10 =	vld [tilespmem:s12+$0xFFFFFFC0]  }
0x27e: {  	v11 =	vld.idx.msk [tilespmem:v2+s5+$0x0], $0xffff  }
0x27f: {  	v12 =	vld.idx.msk [tilespmem:v3+s5+$0x0], $0xffff  }
0x280: {  	v7 =	vld.idx.msk [tilespmem:v4+s5+$0x0], $0xffff  }
0x281: {  	v5 =	vld.idx.msk [tilespmem:v5+s5+$0x0], $0xffff  }
0x282: {  	v2 =	vld.idx.msk [tilespmem:v6+s5+$0x0], $0xffff  }
0x283: {  	s10 =	simm.s32 $0x1BF40;
	v3 =	vld.idx.msk [tilespmem:v8+s5+$0x0], $0xffff  }
0x284: {  	v4 =	vld.idx.msk [tilespmem:v9+s5+$0x0], $0xffff;
	[tilespmem:s10+$0x30] =	vst v11  }
0x285: {  	s11 =	simm.s32 $0x0;
	s12 =	simm.s32 $0x187C0;
	v6 =	vld.idx.msk [tilespmem:v10+s5+$0x0], $0xffff;
	[tilespmem:s10+$0xFFFFFFD0] =	vst v12  }
.LBB2_22:
0x286: {  	v8 =	vld [tilespmem:s12+$0x30];
	s11 =	sadd.s32 $0x80, s11;
	[tilespmem:s10+$0xFFFFFFE0] =	vst v7  }
0x287: {  	v7 =	vld [tilespmem:s12+$0xFFFFFFD0];
	p2 =	slt.u32 s11, $0x780;
	[tilespmem:s10+$0xFFFFFFF0] =	vst v5  }
0x288: {  	v5 =	vld [tilespmem:s12+$0xFFFFFFE0];
	[tilespmem:s10+$0x0] =	vst v2  }
0x289: {  	v2 =	vld [tilespmem:s12+$0xFFFFFFF0];
	[tilespmem:s10+$0x10] =	vst v3  }
0x28a: {  	v3 =	vld [tilespmem:s12+$0x0];
	[tilespmem:s10+$0x20] =	vst v4  }
0x28b: {  	v4 =	vld [tilespmem:s12+$0x10];
	[tilespmem:s10+$0xFFFFFFC0] =	vst v6  }
0x28c: {  	v6 =	vld [tilespmem:s12+$0x20]  }
0x28d: {  	v9 =	vld [tilespmem:s12+$0xFFFFFFC0]  }
0x28e: {  	v8 =	vld.idx.msk [tilespmem:v8+s5+$0x0], $0xffff  }
0x28f: {  	v10 =	vld.idx.msk [tilespmem:v7+s5+$0x0], $0xffff  }
0x290: {  	v7 =	vld.idx.msk [tilespmem:v5+s5+$0x0], $0xffff  }
.Ltmp12:
0x291: {  	v5 =	vld.idx.msk [tilespmem:v2+s5+$0x0], $0xffff;
	(pc) =	sbr.rel @p2 .LBB2_22-.Ltmp12, $4  }
0x292: {  	v2 =	vld.idx.msk [tilespmem:v3+s5+$0x0], $0xffff  }
0x293: {  	s10 =	sadd.s32 $0x80, s10;
	v3 =	vld.idx.msk [tilespmem:v4+s5+$0x0], $0xffff  }
0x294: {  	v4 =	vld.idx.msk [tilespmem:v6+s5+$0x0], $0xffff;
	[tilespmem:s10+$0x30] =	vst v8  }
0x295: {  	s12 =	sadd.s32 $0x80, s12;
	v6 =	vld.idx.msk [tilespmem:v9+s5+$0x0], $0xffff;
	[tilespmem:s10+$0xFFFFFFD0] =	vst v10  }
0x296: {  	[tilespmem:s10+$0xFFFFFFE0] =	vst v7  }
0x297: {  	[tilespmem:s10+$0xFFFFFFF0] =	vst v5  }
0x298: {  	[tilespmem:s10+$0x0] =	vst v2  }
0x299: {  	[tilespmem:s10+$0x10] =	vst v3  }
0x29a: {  	[tilespmem:s10+$0x20] =	vst v4  }
0x29b: {  	[tilespmem:s10+$0xFFFFFFC0] =	vst v6  }
0x29c: {  	[spmem:s2] =	stream.indirect.scatter.add.f32 [tilespmem:s0], [sflag:$0x8], $0x1, s30, s25, $0xb8;
	v63 =	vld [tilespmem:$0x0]  }
0x29d: {  	_ = 	snop  }
0x29e: {  	[spmem:s3] =	stream.indirect.scatter.add.f32 [tilespmem:s13], [sflag:$0x8], $0x1, s30, s25, $0xb8;
	v63 =	vld [tilespmem:$0x0]  }
0x29f: {  	_ =	swait.ge [sflag:s28], $0x800  }
0x2a0: {  	[sflag:s28] =	ssyncset.done $0x0  }
0x2a1: {  	[sflag:s28] =	ssyncadd.s32 $0xFFFFF800  }
0x2a2: {  	_ =	swait.ge [sflag:s22], $0x800  }
0x2a3: {  	[sflag:s22] =	ssyncset.done $0x0  }
0x2a4: {  	[sflag:s22] =	ssyncadd.s32 $0xFFFFF800  }
0x2a5: {  	_ =	swait.ge [sflag:s15], $0x800  }
0x2a6: {  	[sflag:s15] =	ssyncset.done $0x0  }
0x2a7: {  	[sflag:s15] =	ssyncadd.s32 $0xFFFFF800  }
0x2a8: {  	_ =	swait.ge [sflag:s15], $0x800  }
0x2a9: {  	[sflag:s15] =	ssyncset.done $0x0  }
0x2aa: {  	s6 =	rddreg [dreg:$0x13];
	[sflag:s15] =	ssyncadd.s32 $0xFFFFF800  }
0x2ab: {  	[tilespmem:s19], [sflag:$0x1] =	stream.strided.gather [hbm4b:s6+s16], $0x800, s17, s16, $0x38;
	v63 =	vld [tilespmem:$0x0]  }
0x2ac: {  	s12 =	simm.s32 $0x18F40;
	s11 =	rddreg [dreg:$0x14]  }
0x2ad: {  	[tilespmem:s24], [sflag:$0x4] =	stream.strided.gather [hbm4b:s11+s16], $0x800, s17, s16, $0x38;
	v63 =	vld [tilespmem:$0x0]  }
0x2ae: {  	v2 =	vld [tilespmem:s12+$0x30]  }
0x2af: {  	v3 =	vld [tilespmem:s12+$0xFFFFFFD0]  }
0x2b0: {  	v4 =	vld [tilespmem:s12+$0xFFFFFFE0]  }
0x2b1: {  	v5 =	vld [tilespmem:s12+$0xFFFFFFF0]  }
0x2b2: {  	v6 =	vld [tilespmem:s12+$0x0]  }
0x2b3: {  	v8 =	vld [tilespmem:s12+$0x10]  }
0x2b4: {  	v9 =	vld [tilespmem:s12+$0x20]  }
0x2b5: {  	v10 =	vld [tilespmem:s12+$0xFFFFFFC0]  }
0x2b6: {  	v11 =	vld.idx.msk [tilespmem:v2+s5+$0x0], $0xffff  }
0x2b7: {  	v12 =	vld.idx.msk [tilespmem:v3+s5+$0x0], $0xffff  }
0x2b8: {  	v7 =	vld.idx.msk [tilespmem:v4+s5+$0x0], $0xffff  }
0x2b9: {  	v5 =	vld.idx.msk [tilespmem:v5+s5+$0x0], $0xffff  }
0x2ba: {  	v2 =	vld.idx.msk [tilespmem:v6+s5+$0x0], $0xffff  }
0x2bb: {  	s10 =	simm.s32 $0x1AF40;
	v3 =	vld.idx.msk [tilespmem:v8+s5+$0x0], $0xffff  }
0x2bc: {  	v4 =	vld.idx.msk [tilespmem:v9+s5+$0x0], $0xffff;
	[tilespmem:s10+$0x30] =	vst v11  }
0x2bd: {  	s11 =	simm.s32 $0x0;
	s12 =	simm.s32 $0x18FC0;
	v6 =	vld.idx.msk [tilespmem:v10+s5+$0x0], $0xffff;
	[tilespmem:s10+$0xFFFFFFD0] =	vst v12  }
.LBB2_24:
0x2be: {  	v8 =	vld [tilespmem:s12+$0x30];
	s11 =	sadd.s32 $0x80, s11;
	[tilespmem:s10+$0xFFFFFFE0] =	vst v7  }
0x2bf: {  	v7 =	vld [tilespmem:s12+$0xFFFFFFD0];
	p2 =	slt.u32 s11, $0x780;
	[tilespmem:s10+$0xFFFFFFF0] =	vst v5  }
0x2c0: {  	v5 =	vld [tilespmem:s12+$0xFFFFFFE0];
	[tilespmem:s10+$0x0] =	vst v2  }
0x2c1: {  	v2 =	vld [tilespmem:s12+$0xFFFFFFF0];
	[tilespmem:s10+$0x10] =	vst v3  }
0x2c2: {  	v3 =	vld [tilespmem:s12+$0x0];
	[tilespmem:s10+$0x20] =	vst v4  }
0x2c3: {  	v4 =	vld [tilespmem:s12+$0x10];
	[tilespmem:s10+$0xFFFFFFC0] =	vst v6  }
0x2c4: {  	v6 =	vld [tilespmem:s12+$0x20]  }
0x2c5: {  	v9 =	vld [tilespmem:s12+$0xFFFFFFC0]  }
0x2c6: {  	v8 =	vld.idx.msk [tilespmem:v8+s5+$0x0], $0xffff  }
0x2c7: {  	v10 =	vld.idx.msk [tilespmem:v7+s5+$0x0], $0xffff  }
0x2c8: {  	v7 =	vld.idx.msk [tilespmem:v5+s5+$0x0], $0xffff  }
.Ltmp13:
0x2c9: {  	v5 =	vld.idx.msk [tilespmem:v2+s5+$0x0], $0xffff;
	(pc) =	sbr.rel @p2 .LBB2_24-.Ltmp13, $4  }
0x2ca: {  	v2 =	vld.idx.msk [tilespmem:v3+s5+$0x0], $0xffff  }
0x2cb: {  	s10 =	sadd.s32 $0x80, s10;
	v3 =	vld.idx.msk [tilespmem:v4+s5+$0x0], $0xffff  }
0x2cc: {  	v4 =	vld.idx.msk [tilespmem:v6+s5+$0x0], $0xffff;
	[tilespmem:s10+$0x30] =	vst v8  }
0x2cd: {  	s12 =	sadd.s32 $0x80, s12;
	v6 =	vld.idx.msk [tilespmem:v9+s5+$0x0], $0xffff;
	[tilespmem:s10+$0xFFFFFFD0] =	vst v10  }
0x2ce: {  	[tilespmem:s10+$0xFFFFFFE0] =	vst v7  }
0x2cf: {  	[tilespmem:s10+$0xFFFFFFF0] =	vst v5  }
0x2d0: {  	[tilespmem:s10+$0x0] =	vst v2  }
0x2d1: {  	[tilespmem:s10+$0x10] =	vst v3  }
0x2d2: {  	[tilespmem:s10+$0x20] =	vst v4  }
0x2d3: {  	[tilespmem:s10+$0xFFFFFFC0] =	vst v6  }
0x2d4: {  	[spmem:s2] =	stream.indirect.scatter.add.f32 [tilespmem:s26], [sflag:$0x6], $0x1, s20, s25, $0xb8;
	v63 =	vld [tilespmem:$0x0]  }
0x2d5: {  	_ = 	snop  }
0x2d6: {  	[spmem:s3] =	stream.indirect.scatter.add.f32 [tilespmem:s13], [sflag:$0x6], $0x1, s20, s25, $0xb8;
	v63 =	vld [tilespmem:$0x0]  }
0x2d7: {  	_ =	swait.ge [sflag:s21], $0x800  }
0x2d8: {  	[sflag:s21] =	ssyncset.done $0x0  }
0x2d9: {  	[sflag:s21] =	ssyncadd.s32 $0xFFFFF800  }
0x2da: {  	_ =	swait.ge [sflag:s29], $0x800  }
0x2db: {  	[sflag:s29] =	ssyncset.done $0x0  }
0x2dc: {  	[sflag:s29] =	ssyncadd.s32 $0xFFFFF800  }
0x2dd: {  	_ =	swait.ge [sflag:s4], $0x800  }
0x2de: {  	[sflag:s4] =	ssyncset.done $0x0  }
0x2df: {  	[sflag:s4] =	ssyncadd.s32 $0xFFFFF800  }
0x2e0: {  	_ =	swait.ge [sflag:s4], $0x800  }
0x2e1: {  	[sflag:s4] =	ssyncset.done $0x0  }
0x2e2: {  	s6 =	rddreg [dreg:$0x15];
	[sflag:s4] =	ssyncadd.s32 $0xFFFFF800  }
0x2e3: {  	[tilespmem:s23], [sflag:$0x2] =	stream.strided.gather [hbm4b:s6+s16], $0x800, s17, s16, $0x38;
	v63 =	vld [tilespmem:$0x0]  }
0x2e4: {  	s12 =	simm.s32 $0x18740;
	s11 =	rddreg [dreg:$0x16]  }
0x2e5: {  	[tilespmem:s30], [sflag:$0x5] =	stream.strided.gather [hbm4b:s11+s16], $0x800, s17, s16, $0x38;
	v63 =	vld [tilespmem:$0x0]  }
0x2e6: {  	v2 =	vld [tilespmem:s12+$0x30]  }
0x2e7: {  	v3 =	vld [tilespmem:s12+$0xFFFFFFD0]  }
0x2e8: {  	v4 =	vld [tilespmem:s12+$0xFFFFFFE0]  }
0x2e9: {  	v5 =	vld [tilespmem:s12+$0xFFFFFFF0]  }
0x2ea: {  	v6 =	vld [tilespmem:s12+$0x0]  }
0x2eb: {  	v8 =	vld [tilespmem:s12+$0x10]  }
0x2ec: {  	v9 =	vld [tilespmem:s12+$0x20]  }
0x2ed: {  	v10 =	vld [tilespmem:s12+$0xFFFFFFC0]  }
0x2ee: {  	v11 =	vld.idx.msk [tilespmem:v2+s5+$0x0], $0xffff  }
0x2ef: {  	v12 =	vld.idx.msk [tilespmem:v3+s5+$0x0], $0xffff  }
0x2f0: {  	v7 =	vld.idx.msk [tilespmem:v4+s5+$0x0], $0xffff  }
0x2f1: {  	v5 =	vld.idx.msk [tilespmem:v5+s5+$0x0], $0xffff  }
0x2f2: {  	v2 =	vld.idx.msk [tilespmem:v6+s5+$0x0], $0xffff  }
0x2f3: {  	s10 =	simm.s32 $0x1B740;
	v3 =	vld.idx.msk [tilespmem:v8+s5+$0x0], $0xffff  }
0x2f4: {  	v4 =	vld.idx.msk [tilespmem:v9+s5+$0x0], $0xffff;
	[tilespmem:s10+$0x30] =	vst v11  }
0x2f5: {  	s11 =	simm.s32 $0x0;
	s12 =	simm.s32 $0x187C0;
	v6 =	vld.idx.msk [tilespmem:v10+s5+$0x0], $0xffff;
	[tilespmem:s10+$0xFFFFFFD0] =	vst v12  }
.LBB2_26:
0x2f6: {  	v8 =	vld [tilespmem:s12+$0x30];
	s11 =	sadd.s32 $0x80, s11;
	[tilespmem:s10+$0xFFFFFFE0] =	vst v7  }
0x2f7: {  	v7 =	vld [tilespmem:s12+$0xFFFFFFD0];
	p2 =	slt.u32 s11, $0x780;
	[tilespmem:s10+$0xFFFFFFF0] =	vst v5  }
0x2f8: {  	v5 =	vld [tilespmem:s12+$0xFFFFFFE0];
	[tilespmem:s10+$0x0] =	vst v2  }
0x2f9: {  	v2 =	vld [tilespmem:s12+$0xFFFFFFF0];
	[tilespmem:s10+$0x10] =	vst v3  }
0x2fa: {  	v3 =	vld [tilespmem:s12+$0x0];
	[tilespmem:s10+$0x20] =	vst v4  }
0x2fb: {  	v4 =	vld [tilespmem:s12+$0x10];
	[tilespmem:s10+$0xFFFFFFC0] =	vst v6  }
0x2fc: {  	v6 =	vld [tilespmem:s12+$0x20]  }
0x2fd: {  	v9 =	vld [tilespmem:s12+$0xFFFFFFC0]  }
0x2fe: {  	v8 =	vld.idx.msk [tilespmem:v8+s5+$0x0], $0xffff  }
0x2ff: {  	v10 =	vld.idx.msk [tilespmem:v7+s5+$0x0], $0xffff  }
0x300: {  	v7 =	vld.idx.msk [tilespmem:v5+s5+$0x0], $0xffff  }
.Ltmp14:
0x301: {  	v5 =	vld.idx.msk [tilespmem:v2+s5+$0x0], $0xffff;
	(pc) =	sbr.rel @p2 .LBB2_26-.Ltmp14, $4  }
0x302: {  	v2 =	vld.idx.msk [tilespmem:v3+s5+$0x0], $0xffff  }
0x303: {  	s10 =	sadd.s32 $0x80, s10;
	v3 =	vld.idx.msk [tilespmem:v4+s5+$0x0], $0xffff  }
0x304: {  	v4 =	vld.idx.msk [tilespmem:v6+s5+$0x0], $0xffff;
	[tilespmem:s10+$0x30] =	vst v8  }
0x305: {  	s12 =	sadd.s32 $0x80, s12;
	v6 =	vld.idx.msk [tilespmem:v9+s5+$0x0], $0xffff;
	[tilespmem:s10+$0xFFFFFFD0] =	vst v10  }
0x306: {  	[tilespmem:s10+$0xFFFFFFE0] =	vst v7  }
0x307: {  	[tilespmem:s10+$0xFFFFFFF0] =	vst v5  }
0x308: {  	[tilespmem:s10+$0x0] =	vst v2  }
0x309: {  	[tilespmem:s10+$0x10] =	vst v3  }
0x30a: {  	[tilespmem:s10+$0x20] =	vst v4  }
0x30b: {  	[tilespmem:s10+$0xFFFFFFC0] =	vst v6  }
0x30c: {  	[spmem:s2] =	stream.indirect.scatter.add.f32 [tilespmem:s31], [sflag:$0x7], $0x1, s24, s25, $0xb8;
	v63 =	vld [tilespmem:$0x0]  }
0x30d: {  	_ = 	snop  }
0x30e: {  	[spmem:s3] =	stream.indirect.scatter.add.f32 [tilespmem:s13], [sflag:$0x7], $0x1, s24, s25, $0xb8;
	v63 =	vld [tilespmem:$0x0]  }
0x30f: {  	_ =	swait.ge [sflag:s28], $0x800  }
0x310: {  	[sflag:s28] =	ssyncset.done $0x0  }
0x311: {  	[sflag:s28] =	ssyncadd.s32 $0xFFFFF800  }
0x312: {  	_ =	swait.ge [sflag:s1], $0x800  }
0x313: {  	[sflag:s1] =	ssyncset.done $0x0  }
0x314: {  	[sflag:s1] =	ssyncadd.s32 $0xFFFFF800  }
0x315: {  	_ =	swait.ge [sflag:s14], $0x800  }
0x316: {  	[sflag:s14] =	ssyncset.done $0x0  }
0x317: {  	[sflag:s14] =	ssyncadd.s32 $0xFFFFF800  }
0x318: {  	_ =	swait.ge [sflag:s14], $0x800  }
0x319: {  	[sflag:s14] =	ssyncset.done $0x0  }
0x31a: {  	s6 =	rddreg [dreg:$0x17];
	[sflag:s14] =	ssyncadd.s32 $0xFFFFF800  }
0x31b: {  	[tilespmem:s19], [sflag:$0x1] =	stream.strided.gather [hbm4b:s6+s16], $0x800, s17, s16, $0x38;
	v63 =	vld [tilespmem:$0x0]  }
0x31c: {  	s12 =	simm.s32 $0x18F40;
	s11 =	rddreg [dreg:$0x18]  }
0x31d: {  	[tilespmem:s20], [sflag:$0x3] =	stream.strided.gather [hbm4b:s11+s16], $0x800, s17, s16, $0x38;
	v63 =	vld [tilespmem:$0x0]  }
0x31e: {  	v2 =	vld [tilespmem:s12+$0x30]  }
0x31f: {  	v3 =	vld [tilespmem:s12+$0xFFFFFFD0]  }
0x320: {  	v4 =	vld [tilespmem:s12+$0xFFFFFFE0]  }
0x321: {  	v5 =	vld [tilespmem:s12+$0xFFFFFFF0]  }
0x322: {  	v6 =	vld [tilespmem:s12+$0x0]  }
0x323: {  	v8 =	vld [tilespmem:s12+$0x10]  }
0x324: {  	v9 =	vld [tilespmem:s12+$0x20]  }
0x325: {  	v10 =	vld [tilespmem:s12+$0xFFFFFFC0]  }
0x326: {  	v11 =	vld.idx.msk [tilespmem:v2+s5+$0x0], $0xffff  }
0x327: {  	v12 =	vld.idx.msk [tilespmem:v3+s5+$0x0], $0xffff  }
0x328: {  	v7 =	vld.idx.msk [tilespmem:v4+s5+$0x0], $0xffff  }
0x329: {  	v5 =	vld.idx.msk [tilespmem:v5+s5+$0x0], $0xffff  }
0x32a: {  	v2 =	vld.idx.msk [tilespmem:v6+s5+$0x0], $0xffff  }
0x32b: {  	s10 =	simm.s32 $0x1BF40;
	v3 =	vld.idx.msk [tilespmem:v8+s5+$0x0], $0xffff  }
0x32c: {  	v4 =	vld.idx.msk [tilespmem:v9+s5+$0x0], $0xffff;
	[tilespmem:s10+$0x30] =	vst v11  }
0x32d: {  	s11 =	simm.s32 $0x0;
	s12 =	simm.s32 $0x18FC0;
	v6 =	vld.idx.msk [tilespmem:v10+s5+$0x0], $0xffff;
	[tilespmem:s10+$0xFFFFFFD0] =	vst v12  }
.LBB2_28:
0x32e: {  	v8 =	vld [tilespmem:s12+$0x30];
	s11 =	sadd.s32 $0x80, s11;
	[tilespmem:s10+$0xFFFFFFE0] =	vst v7  }
0x32f: {  	v7 =	vld [tilespmem:s12+$0xFFFFFFD0];
	p2 =	slt.u32 s11, $0x780;
	[tilespmem:s10+$0xFFFFFFF0] =	vst v5  }
0x330: {  	v5 =	vld [tilespmem:s12+$0xFFFFFFE0];
	[tilespmem:s10+$0x0] =	vst v2  }
0x331: {  	v2 =	vld [tilespmem:s12+$0xFFFFFFF0];
	[tilespmem:s10+$0x10] =	vst v3  }
0x332: {  	v3 =	vld [tilespmem:s12+$0x0];
	[tilespmem:s10+$0x20] =	vst v4  }
0x333: {  	v4 =	vld [tilespmem:s12+$0x10];
	[tilespmem:s10+$0xFFFFFFC0] =	vst v6  }
0x334: {  	v6 =	vld [tilespmem:s12+$0x20]  }
0x335: {  	v9 =	vld [tilespmem:s12+$0xFFFFFFC0]  }
0x336: {  	v8 =	vld.idx.msk [tilespmem:v8+s5+$0x0], $0xffff  }
0x337: {  	v10 =	vld.idx.msk [tilespmem:v7+s5+$0x0], $0xffff  }
0x338: {  	v7 =	vld.idx.msk [tilespmem:v5+s5+$0x0], $0xffff  }
.Ltmp15:
0x339: {  	v5 =	vld.idx.msk [tilespmem:v2+s5+$0x0], $0xffff;
	(pc) =	sbr.rel @p2 .LBB2_28-.Ltmp15, $4  }
0x33a: {  	v2 =	vld.idx.msk [tilespmem:v3+s5+$0x0], $0xffff  }
0x33b: {  	s10 =	sadd.s32 $0x80, s10;
	v3 =	vld.idx.msk [tilespmem:v4+s5+$0x0], $0xffff  }
0x33c: {  	v4 =	vld.idx.msk [tilespmem:v6+s5+$0x0], $0xffff;
	[tilespmem:s10+$0x30] =	vst v8  }
0x33d: {  	s12 =	sadd.s32 $0x80, s12;
	v6 =	vld.idx.msk [tilespmem:v9+s5+$0x0], $0xffff;
	[tilespmem:s10+$0xFFFFFFD0] =	vst v10  }
0x33e: {  	[tilespmem:s10+$0xFFFFFFE0] =	vst v7  }
0x33f: {  	[tilespmem:s10+$0xFFFFFFF0] =	vst v5  }
0x340: {  	[tilespmem:s10+$0x0] =	vst v2  }
0x341: {  	[tilespmem:s10+$0x10] =	vst v3  }
0x342: {  	[tilespmem:s10+$0x20] =	vst v4  }
0x343: {  	[tilespmem:s10+$0xFFFFFFC0] =	vst v6  }
0x344: {  	[spmem:s2] =	stream.indirect.scatter.add.f32 [tilespmem:s0], [sflag:$0x8], $0x1, s30, s25, $0xb8;
	v63 =	vld [tilespmem:$0x0]  }
0x345: {  	_ = 	snop  }
0x346: {  	[spmem:s3] =	stream.indirect.scatter.add.f32 [tilespmem:s13], [sflag:$0x8], $0x1, s30, s25, $0xb8;
	v63 =	vld [tilespmem:$0x0]  }
0x347: {  	_ =	swait.ge [sflag:s21], $0x800  }
0x348: {  	[sflag:s21] =	ssyncset.done $0x0  }
0x349: {  	[sflag:s21] =	ssyncadd.s32 $0xFFFFF800  }
0x34a: {  	_ =	swait.ge [sflag:s22], $0x800  }
0x34b: {  	[sflag:s22] =	ssyncset.done $0x0  }
0x34c: {  	[sflag:s22] =	ssyncadd.s32 $0xFFFFF800  }
0x34d: {  	_ =	swait.ge [sflag:s15], $0x800  }
0x34e: {  	[sflag:s15] =	ssyncset.done $0x0  }
0x34f: {  	[sflag:s15] =	ssyncadd.s32 $0xFFFFF800  }
0x350: {  	_ =	swait.ge [sflag:s15], $0x800  }
0x351: {  	[sflag:s15] =	ssyncset.done $0x0  }
0x352: {  	s6 =	rddreg [dreg:$0x19];
	[sflag:s15] =	ssyncadd.s32 $0xFFFFF800  }
0x353: {  	[tilespmem:s23], [sflag:$0x2] =	stream.strided.gather [hbm4b:s6+s16], $0x800, s17, s16, $0x38;
	v63 =	vld [tilespmem:$0x0]  }
0x354: {  	s12 =	simm.s32 $0x18740;
	s11 =	rddreg [dreg:$0x1a]  }
0x355: {  	[tilespmem:s24], [sflag:$0x4] =	stream.strided.gather [hbm4b:s11+s16], $0x800, s17, s16, $0x38;
	v63 =	vld [tilespmem:$0x0]  }
0x356: {  	v2 =	vld [tilespmem:s12+$0x30]  }
0x357: {  	v3 =	vld [tilespmem:s12+$0xFFFFFFD0]  }
0x358: {  	v4 =	vld [tilespmem:s12+$0xFFFFFFE0]  }
0x359: {  	v5 =	vld [tilespmem:s12+$0xFFFFFFF0]  }
0x35a: {  	v6 =	vld [tilespmem:s12+$0x0]  }
0x35b: {  	v8 =	vld [tilespmem:s12+$0x10]  }
0x35c: {  	v9 =	vld [tilespmem:s12+$0x20]  }
0x35d: {  	v10 =	vld [tilespmem:s12+$0xFFFFFFC0]  }
0x35e: {  	v11 =	vld.idx.msk [tilespmem:v2+s5+$0x0], $0xffff  }
0x35f: {  	v12 =	vld.idx.msk [tilespmem:v3+s5+$0x0], $0xffff  }
0x360: {  	v7 =	vld.idx.msk [tilespmem:v4+s5+$0x0], $0xffff  }
0x361: {  	v5 =	vld.idx.msk [tilespmem:v5+s5+$0x0], $0xffff  }
0x362: {  	v2 =	vld.idx.msk [tilespmem:v6+s5+$0x0], $0xffff  }
0x363: {  	s10 =	simm.s32 $0x1AF40;
	v3 =	vld.idx.msk [tilespmem:v8+s5+$0x0], $0xffff  }
0x364: {  	v4 =	vld.idx.msk [tilespmem:v9+s5+$0x0], $0xffff;
	[tilespmem:s10+$0x30] =	vst v11  }
0x365: {  	s11 =	simm.s32 $0x0;
	s12 =	simm.s32 $0x187C0;
	v6 =	vld.idx.msk [tilespmem:v10+s5+$0x0], $0xffff;
	[tilespmem:s10+$0xFFFFFFD0] =	vst v12  }
.LBB2_30:
0x366: {  	v8 =	vld [tilespmem:s12+$0x30];
	s11 =	sadd.s32 $0x80, s11;
	[tilespmem:s10+$0xFFFFFFE0] =	vst v7  }
0x367: {  	v7 =	vld [tilespmem:s12+$0xFFFFFFD0];
	p2 =	slt.u32 s11, $0x780;
	[tilespmem:s10+$0xFFFFFFF0] =	vst v5  }
0x368: {  	v5 =	vld [tilespmem:s12+$0xFFFFFFE0];
	[tilespmem:s10+$0x0] =	vst v2  }
0x369: {  	v2 =	vld [tilespmem:s12+$0xFFFFFFF0];
	[tilespmem:s10+$0x10] =	vst v3  }
0x36a: {  	v3 =	vld [tilespmem:s12+$0x0];
	[tilespmem:s10+$0x20] =	vst v4  }
0x36b: {  	v4 =	vld [tilespmem:s12+$0x10];
	[tilespmem:s10+$0xFFFFFFC0] =	vst v6  }
0x36c: {  	v6 =	vld [tilespmem:s12+$0x20]  }
0x36d: {  	v9 =	vld [tilespmem:s12+$0xFFFFFFC0]  }
0x36e: {  	v8 =	vld.idx.msk [tilespmem:v8+s5+$0x0], $0xffff  }
0x36f: {  	v10 =	vld.idx.msk [tilespmem:v7+s5+$0x0], $0xffff  }
0x370: {  	v7 =	vld.idx.msk [tilespmem:v5+s5+$0x0], $0xffff  }
.Ltmp16:
0x371: {  	v5 =	vld.idx.msk [tilespmem:v2+s5+$0x0], $0xffff;
	(pc) =	sbr.rel @p2 .LBB2_30-.Ltmp16, $4  }
0x372: {  	v2 =	vld.idx.msk [tilespmem:v3+s5+$0x0], $0xffff  }
0x373: {  	s10 =	sadd.s32 $0x80, s10;
	v3 =	vld.idx.msk [tilespmem:v4+s5+$0x0], $0xffff  }
0x374: {  	v4 =	vld.idx.msk [tilespmem:v6+s5+$0x0], $0xffff;
	[tilespmem:s10+$0x30] =	vst v8  }
0x375: {  	s12 =	sadd.s32 $0x80, s12;
	v6 =	vld.idx.msk [tilespmem:v9+s5+$0x0], $0xffff;
	[tilespmem:s10+$0xFFFFFFD0] =	vst v10  }
0x376: {  	[tilespmem:s10+$0xFFFFFFE0] =	vst v7  }
0x377: {  	[tilespmem:s10+$0xFFFFFFF0] =	vst v5  }
0x378: {  	[tilespmem:s10+$0x0] =	vst v2  }
0x379: {  	[tilespmem:s10+$0x10] =	vst v3  }
0x37a: {  	[tilespmem:s10+$0x20] =	vst v4  }
0x37b: {  	[tilespmem:s10+$0xFFFFFFC0] =	vst v6  }
0x37c: {  	[spmem:s2] =	stream.indirect.scatter.add.f32 [tilespmem:s26], [sflag:$0x6], $0x1, s20, s25, $0xb8;
	v63 =	vld [tilespmem:$0x0]  }
0x37d: {  	_ = 	snop  }
0x37e: {  	[spmem:s3] =	stream.indirect.scatter.add.f32 [tilespmem:s13], [sflag:$0x6], $0x1, s20, s25, $0xb8;
	v63 =	vld [tilespmem:$0x0]  }
0x37f: {  	_ =	swait.ge [sflag:s28], $0x800  }
0x380: {  	[sflag:s28] =	ssyncset.done $0x0  }
0x381: {  	[sflag:s28] =	ssyncadd.s32 $0xFFFFF800  }
0x382: {  	_ =	swait.ge [sflag:s29], $0x800  }
0x383: {  	[sflag:s29] =	ssyncset.done $0x0  }
0x384: {  	[sflag:s29] =	ssyncadd.s32 $0xFFFFF800  }
0x385: {  	_ =	swait.ge [sflag:s4], $0x800  }
0x386: {  	[sflag:s4] =	ssyncset.done $0x0  }
0x387: {  	[sflag:s4] =	ssyncadd.s32 $0xFFFFF800  }
0x388: {  	_ =	swait.ge [sflag:s4], $0x800  }
0x389: {  	[sflag:s4] =	ssyncset.done $0x0  }
0x38a: {  	s6 =	rddreg [dreg:$0x1b];
	[sflag:s4] =	ssyncadd.s32 $0xFFFFF800  }
0x38b: {  	[tilespmem:s19], [sflag:$0x1] =	stream.strided.gather [hbm4b:s6+s16], $0x800, s17, s16, $0x38;
	v63 =	vld [tilespmem:$0x0]  }
0x38c: {  	s12 =	simm.s32 $0x18F40;
	s11 =	rddreg [dreg:$0x1c]  }
0x38d: {  	[tilespmem:s30], [sflag:$0x5] =	stream.strided.gather [hbm4b:s11+s16], $0x800, s17, s16, $0x38;
	v63 =	vld [tilespmem:$0x0]  }
0x38e: {  	v2 =	vld [tilespmem:s12+$0x30]  }
0x38f: {  	v3 =	vld [tilespmem:s12+$0xFFFFFFD0]  }
0x390: {  	v4 =	vld [tilespmem:s12+$0xFFFFFFE0]  }
0x391: {  	v5 =	vld [tilespmem:s12+$0xFFFFFFF0]  }
0x392: {  	v6 =	vld [tilespmem:s12+$0x0]  }
0x393: {  	v8 =	vld [tilespmem:s12+$0x10]  }
0x394: {  	v9 =	vld [tilespmem:s12+$0x20]  }
0x395: {  	v10 =	vld [tilespmem:s12+$0xFFFFFFC0]  }
0x396: {  	v11 =	vld.idx.msk [tilespmem:v2+s5+$0x0], $0xffff  }
0x397: {  	v12 =	vld.idx.msk [tilespmem:v3+s5+$0x0], $0xffff  }
0x398: {  	v7 =	vld.idx.msk [tilespmem:v4+s5+$0x0], $0xffff  }
0x399: {  	v5 =	vld.idx.msk [tilespmem:v5+s5+$0x0], $0xffff  }
0x39a: {  	v2 =	vld.idx.msk [tilespmem:v6+s5+$0x0], $0xffff  }
0x39b: {  	s10 =	simm.s32 $0x1B740;
	v3 =	vld.idx.msk [tilespmem:v8+s5+$0x0], $0xffff  }
0x39c: {  	v4 =	vld.idx.msk [tilespmem:v9+s5+$0x0], $0xffff;
	[tilespmem:s10+$0x30] =	vst v11  }
0x39d: {  	s11 =	simm.s32 $0x0;
	s12 =	simm.s32 $0x18FC0;
	v6 =	vld.idx.msk [tilespmem:v10+s5+$0x0], $0xffff;
	[tilespmem:s10+$0xFFFFFFD0] =	vst v12  }
.LBB2_32:
0x39e: {  	v8 =	vld [tilespmem:s12+$0x30];
	s11 =	sadd.s32 $0x80, s11;
	[tilespmem:s10+$0xFFFFFFE0] =	vst v7  }
0x39f: {  	v7 =	vld [tilespmem:s12+$0xFFFFFFD0];
	p2 =	slt.u32 s11, $0x780;
	[tilespmem:s10+$0xFFFFFFF0] =	vst v5  }
0x3a0: {  	v5 =	vld [tilespmem:s12+$0xFFFFFFE0];
	[tilespmem:s10+$0x0] =	vst v2  }
0x3a1: {  	v2 =	vld [tilespmem:s12+$0xFFFFFFF0];
	[tilespmem:s10+$0x10] =	vst v3  }
0x3a2: {  	v3 =	vld [tilespmem:s12+$0x0];
	[tilespmem:s10+$0x20] =	vst v4  }
0x3a3: {  	v4 =	vld [tilespmem:s12+$0x10];
	[tilespmem:s10+$0xFFFFFFC0] =	vst v6  }
0x3a4: {  	v6 =	vld [tilespmem:s12+$0x20]  }
0x3a5: {  	v9 =	vld [tilespmem:s12+$0xFFFFFFC0]  }
0x3a6: {  	v8 =	vld.idx.msk [tilespmem:v8+s5+$0x0], $0xffff  }
0x3a7: {  	v10 =	vld.idx.msk [tilespmem:v7+s5+$0x0], $0xffff  }
0x3a8: {  	v7 =	vld.idx.msk [tilespmem:v5+s5+$0x0], $0xffff  }
.Ltmp17:
0x3a9: {  	v5 =	vld.idx.msk [tilespmem:v2+s5+$0x0], $0xffff;
	(pc) =	sbr.rel @p2 .LBB2_32-.Ltmp17, $4  }
0x3aa: {  	v2 =	vld.idx.msk [tilespmem:v3+s5+$0x0], $0xffff  }
0x3ab: {  	s10 =	sadd.s32 $0x80, s10;
	v3 =	vld.idx.msk [tilespmem:v4+s5+$0x0], $0xffff  }
0x3ac: {  	v4 =	vld.idx.msk [tilespmem:v6+s5+$0x0], $0xffff;
	[tilespmem:s10+$0x30] =	vst v8  }
0x3ad: {  	s12 =	sadd.s32 $0x80, s12;
	v6 =	vld.idx.msk [tilespmem:v9+s5+$0x0], $0xffff;
	[tilespmem:s10+$0xFFFFFFD0] =	vst v10  }
0x3ae: {  	[tilespmem:s10+$0xFFFFFFE0] =	vst v7  }
0x3af: {  	[tilespmem:s10+$0xFFFFFFF0] =	vst v5  }
0x3b0: {  	[tilespmem:s10+$0x0] =	vst v2  }
0x3b1: {  	[tilespmem:s10+$0x10] =	vst v3  }
0x3b2: {  	[tilespmem:s10+$0x20] =	vst v4  }
0x3b3: {  	[tilespmem:s10+$0xFFFFFFC0] =	vst v6  }
0x3b4: {  	[spmem:s2] =	stream.indirect.scatter.add.f32 [tilespmem:s31], [sflag:$0x7], $0x1, s24, s25, $0xb8;
	v63 =	vld [tilespmem:$0x0]  }
0x3b5: {  	_ = 	snop  }
0x3b6: {  	[spmem:s3] =	stream.indirect.scatter.add.f32 [tilespmem:s13], [sflag:$0x7], $0x1, s24, s25, $0xb8;
	v63 =	vld [tilespmem:$0x0]  }
0x3b7: {  	_ =	swait.ge [sflag:s21], $0x800  }
0x3b8: {  	[sflag:s21] =	ssyncset.done $0x0  }
0x3b9: {  	[sflag:s21] =	ssyncadd.s32 $0xFFFFF800  }
0x3ba: {  	_ =	swait.ge [sflag:s1], $0x800  }
0x3bb: {  	[sflag:s1] =	ssyncset.done $0x0  }
0x3bc: {  	[sflag:s1] =	ssyncadd.s32 $0xFFFFF800  }
0x3bd: {  	_ =	swait.ge [sflag:s14], $0x800  }
0x3be: {  	[sflag:s14] =	ssyncset.done $0x0  }
0x3bf: {  	[sflag:s14] =	ssyncadd.s32 $0xFFFFF800  }
0x3c0: {  	_ =	swait.ge [sflag:s14], $0x800  }
0x3c1: {  	[sflag:s14] =	ssyncset.done $0x0  }
0x3c2: {  	s6 =	rddreg [dreg:$0x1d];
	[sflag:s14] =	ssyncadd.s32 $0xFFFFF800  }
0x3c3: {  	[tilespmem:s23], [sflag:$0x2] =	stream.strided.gather [hbm4b:s6+s16], $0x800, s17, s16, $0x38;
	v63 =	vld [tilespmem:$0x0]  }
0x3c4: {  	s12 =	simm.s32 $0x18740;
	s11 =	rddreg [dreg:$0x1e]  }
0x3c5: {  	[tilespmem:s20], [sflag:$0x3] =	stream.strided.gather [hbm4b:s11+s16], $0x800, s17, s16, $0x38;
	v63 =	vld [tilespmem:$0x0]  }
0x3c6: {  	v2 =	vld [tilespmem:s12+$0x30]  }
0x3c7: {  	v3 =	vld [tilespmem:s12+$0xFFFFFFD0]  }
0x3c8: {  	v4 =	vld [tilespmem:s12+$0xFFFFFFE0]  }
0x3c9: {  	v5 =	vld [tilespmem:s12+$0xFFFFFFF0]  }
0x3ca: {  	v6 =	vld [tilespmem:s12+$0x0]  }
0x3cb: {  	v8 =	vld [tilespmem:s12+$0x10]  }
0x3cc: {  	v9 =	vld [tilespmem:s12+$0x20]  }
0x3cd: {  	v10 =	vld [tilespmem:s12+$0xFFFFFFC0]  }
0x3ce: {  	v11 =	vld.idx.msk [tilespmem:v2+s5+$0x0], $0xffff  }
0x3cf: {  	v12 =	vld.idx.msk [tilespmem:v3+s5+$0x0], $0xffff  }
0x3d0: {  	v7 =	vld.idx.msk [tilespmem:v4+s5+$0x0], $0xffff  }
0x3d1: {  	v5 =	vld.idx.msk [tilespmem:v5+s5+$0x0], $0xffff  }
0x3d2: {  	v2 =	vld.idx.msk [tilespmem:v6+s5+$0x0], $0xffff  }
0x3d3: {  	s10 =	simm.s32 $0x1BF40;
	v3 =	vld.idx.msk [tilespmem:v8+s5+$0x0], $0xffff  }
0x3d4: {  	v4 =	vld.idx.msk [tilespmem:v9+s5+$0x0], $0xffff;
	[tilespmem:s10+$0x30] =	vst v11  }
0x3d5: {  	s11 =	simm.s32 $0x0;
	s12 =	simm.s32 $0x187C0;
	v6 =	vld.idx.msk [tilespmem:v10+s5+$0x0], $0xffff;
	[tilespmem:s10+$0xFFFFFFD0] =	vst v12  }
.LBB2_34:
0x3d6: {  	v8 =	vld [tilespmem:s12+$0x30];
	s11 =	sadd.s32 $0x80, s11;
	[tilespmem:s10+$0xFFFFFFE0] =	vst v7  }
0x3d7: {  	v7 =	vld [tilespmem:s12+$0xFFFFFFD0];
	p2 =	slt.u32 s11, $0x780;
	[tilespmem:s10+$0xFFFFFFF0] =	vst v5  }
0x3d8: {  	v5 =	vld [tilespmem:s12+$0xFFFFFFE0];
	[tilespmem:s10+$0x0] =	vst v2  }
0x3d9: {  	v2 =	vld [tilespmem:s12+$0xFFFFFFF0];
	[tilespmem:s10+$0x10] =	vst v3  }
0x3da: {  	v3 =	vld [tilespmem:s12+$0x0];
	[tilespmem:s10+$0x20] =	vst v4  }
0x3db: {  	v4 =	vld [tilespmem:s12+$0x10];
	[tilespmem:s10+$0xFFFFFFC0] =	vst v6  }
0x3dc: {  	v6 =	vld [tilespmem:s12+$0x20]  }
0x3dd: {  	v9 =	vld [tilespmem:s12+$0xFFFFFFC0]  }
0x3de: {  	v8 =	vld.idx.msk [tilespmem:v8+s5+$0x0], $0xffff  }
0x3df: {  	v10 =	vld.idx.msk [tilespmem:v7+s5+$0x0], $0xffff  }
0x3e0: {  	v7 =	vld.idx.msk [tilespmem:v5+s5+$0x0], $0xffff  }
.Ltmp18:
0x3e1: {  	v5 =	vld.idx.msk [tilespmem:v2+s5+$0x0], $0xffff;
	(pc) =	sbr.rel @p2 .LBB2_34-.Ltmp18, $4  }
0x3e2: {  	v2 =	vld.idx.msk [tilespmem:v3+s5+$0x0], $0xffff  }
0x3e3: {  	s10 =	sadd.s32 $0x80, s10;
	v3 =	vld.idx.msk [tilespmem:v4+s5+$0x0], $0xffff  }
0x3e4: {  	v4 =	vld.idx.msk [tilespmem:v6+s5+$0x0], $0xffff;
	[tilespmem:s10+$0x30] =	vst v8  }
0x3e5: {  	s12 =	sadd.s32 $0x80, s12;
	v6 =	vld.idx.msk [tilespmem:v9+s5+$0x0], $0xffff;
	[tilespmem:s10+$0xFFFFFFD0] =	vst v10  }
0x3e6: {  	[tilespmem:s10+$0xFFFFFFE0] =	vst v7  }
0x3e7: {  	[tilespmem:s10+$0xFFFFFFF0] =	vst v5  }
0x3e8: {  	[tilespmem:s10+$0x0] =	vst v2  }
0x3e9: {  	[tilespmem:s10+$0x10] =	vst v3  }
0x3ea: {  	[tilespmem:s10+$0x20] =	vst v4  }
0x3eb: {  	[tilespmem:s10+$0xFFFFFFC0] =	vst v6  }
0x3ec: {  	[spmem:s2] =	stream.indirect.scatter.add.f32 [tilespmem:s0], [sflag:$0x8], $0x1, s30, s25, $0xb8;
	v63 =	vld [tilespmem:$0x0]  }
0x3ed: {  	_ = 	snop  }
0x3ee: {  	[spmem:s3] =	stream.indirect.scatter.add.f32 [tilespmem:s13], [sflag:$0x8], $0x1, s30, s25, $0xb8;
	v63 =	vld [tilespmem:$0x0]  }
0x3ef: {  	_ =	swait.ge [sflag:s28], $0x800  }
0x3f0: {  	[sflag:s28] =	ssyncset.done $0x0  }
0x3f1: {  	[sflag:s28] =	ssyncadd.s32 $0xFFFFF800  }
0x3f2: {  	_ =	swait.ge [sflag:s22], $0x800  }
0x3f3: {  	[sflag:s22] =	ssyncset.done $0x0  }
0x3f4: {  	[sflag:s22] =	ssyncadd.s32 $0xFFFFF800  }
0x3f5: {  	_ =	swait.ge [sflag:s15], $0x800  }
0x3f6: {  	[sflag:s15] =	ssyncset.done $0x0  }
0x3f7: {  	[sflag:s15] =	ssyncadd.s32 $0xFFFFF800  }
0x3f8: {  	_ =	swait.ge [sflag:s15], $0x800  }
0x3f9: {  	[sflag:s15] =	ssyncset.done $0x0;
	s6 =	rddreg [dreg:$0x1f]  }
0x3fa: {  	s11 =	sld [smem:$0x7DA];
	[sflag:s15] =	ssyncadd.s32 $0xFFFFF800  }
0x3fb: {  	[tilespmem:s19], [sflag:$0x1] =	stream.strided.gather [hbm4b:s6+s16], $0x800, s17, s16, $0x38;
	v63 =	vld [tilespmem:$0x0]  }
0x3fc: {  	s12 =	simm.s32 $0x18F40  }
0x3fd: {  	[tilespmem:s24], [sflag:$0x4] =	stream.strided.gather [hbm4b:s11+s16], $0x800, s17, s16, $0x38;
	v63 =	vld [tilespmem:$0x0]  }
0x3fe: {  	v2 =	vld [tilespmem:s12+$0x30]  }
0x3ff: {  	v3 =	vld [tilespmem:s12+$0xFFFFFFD0]  }
0x400: {  	v4 =	vld [tilespmem:s12+$0xFFFFFFE0]  }
0x401: {  	v5 =	vld [tilespmem:s12+$0xFFFFFFF0]  }
0x402: {  	v6 =	vld [tilespmem:s12+$0x0]  }
0x403: {  	v8 =	vld [tilespmem:s12+$0x10]  }
0x404: {  	v9 =	vld [tilespmem:s12+$0x20]  }
0x405: {  	v10 =	vld [tilespmem:s12+$0xFFFFFFC0]  }
0x406: {  	v11 =	vld.idx.msk [tilespmem:v2+s5+$0x0], $0xffff  }
0x407: {  	v12 =	vld.idx.msk [tilespmem:v3+s5+$0x0], $0xffff  }
0x408: {  	v7 =	vld.idx.msk [tilespmem:v4+s5+$0x0], $0xffff  }
0x409: {  	v5 =	vld.idx.msk [tilespmem:v5+s5+$0x0], $0xffff  }
0x40a: {  	v2 =	vld.idx.msk [tilespmem:v6+s5+$0x0], $0xffff  }
0x40b: {  	s10 =	simm.s32 $0x1AF40;
	v3 =	vld.idx.msk [tilespmem:v8+s5+$0x0], $0xffff  }
0x40c: {  	v4 =	vld.idx.msk [tilespmem:v9+s5+$0x0], $0xffff;
	[tilespmem:s10+$0x30] =	vst v11  }
0x40d: {  	s11 =	simm.s32 $0x0;
	s12 =	simm.s32 $0x18FC0;
	v6 =	vld.idx.msk [tilespmem:v10+s5+$0x0], $0xffff;
	[tilespmem:s10+$0xFFFFFFD0] =	vst v12  }
.LBB2_36:
0x40e: {  	v8 =	vld [tilespmem:s12+$0x30];
	s11 =	sadd.s32 $0x80, s11;
	[tilespmem:s10+$0xFFFFFFE0] =	vst v7  }
0x40f: {  	v7 =	vld [tilespmem:s12+$0xFFFFFFD0];
	p2 =	slt.u32 s11, $0x780;
	[tilespmem:s10+$0xFFFFFFF0] =	vst v5  }
0x410: {  	v5 =	vld [tilespmem:s12+$0xFFFFFFE0];
	[tilespmem:s10+$0x0] =	vst v2  }
0x411: {  	v2 =	vld [tilespmem:s12+$0xFFFFFFF0];
	[tilespmem:s10+$0x10] =	vst v3  }
0x412: {  	v3 =	vld [tilespmem:s12+$0x0];
	[tilespmem:s10+$0x20] =	vst v4  }
0x413: {  	v4 =	vld [tilespmem:s12+$0x10];
	[tilespmem:s10+$0xFFFFFFC0] =	vst v6  }
0x414: {  	v6 =	vld [tilespmem:s12+$0x20]  }
0x415: {  	v9 =	vld [tilespmem:s12+$0xFFFFFFC0]  }
0x416: {  	v8 =	vld.idx.msk [tilespmem:v8+s5+$0x0], $0xffff  }
0x417: {  	v10 =	vld.idx.msk [tilespmem:v7+s5+$0x0], $0xffff  }
0x418: {  	v7 =	vld.idx.msk [tilespmem:v5+s5+$0x0], $0xffff  }
.Ltmp19:
0x419: {  	v5 =	vld.idx.msk [tilespmem:v2+s5+$0x0], $0xffff;
	(pc) =	sbr.rel @p2 .LBB2_36-.Ltmp19, $4  }
0x41a: {  	v2 =	vld.idx.msk [tilespmem:v3+s5+$0x0], $0xffff  }
0x41b: {  	s10 =	sadd.s32 $0x80, s10;
	v3 =	vld.idx.msk [tilespmem:v4+s5+$0x0], $0xffff  }
0x41c: {  	v4 =	vld.idx.msk [tilespmem:v6+s5+$0x0], $0xffff;
	[tilespmem:s10+$0x30] =	vst v8  }
0x41d: {  	s12 =	sadd.s32 $0x80, s12;
	v6 =	vld.idx.msk [tilespmem:v9+s5+$0x0], $0xffff;
	[tilespmem:s10+$0xFFFFFFD0] =	vst v10  }
0x41e: {  	[tilespmem:s10+$0xFFFFFFE0] =	vst v7  }
0x41f: {  	[tilespmem:s10+$0xFFFFFFF0] =	vst v5  }
0x420: {  	[tilespmem:s10+$0x0] =	vst v2  }
0x421: {  	[tilespmem:s10+$0x10] =	vst v3  }
0x422: {  	[tilespmem:s10+$0x20] =	vst v4  }
0x423: {  	[tilespmem:s10+$0xFFFFFFC0] =	vst v6  }
0x424: {  	[spmem:s2] =	stream.indirect.scatter.add.f32 [tilespmem:s26], [sflag:$0x6], $0x1, s20, s25, $0xb8;
	v63 =	vld [tilespmem:$0x0]  }
0x425: {  	_ = 	snop  }
0x426: {  	[spmem:s3] =	stream.indirect.scatter.add.f32 [tilespmem:s13], [sflag:$0x6], $0x1, s20, s25, $0xb8;
	v63 =	vld [tilespmem:$0x0]  }
0x427: {  	_ =	swait.ge [sflag:s21], $0x800  }
0x428: {  	[sflag:s21] =	ssyncset.done $0x0  }
0x429: {  	[sflag:s21] =	ssyncadd.s32 $0xFFFFF800  }
0x42a: {  	_ =	swait.ge [sflag:s29], $0x800  }
0x42b: {  	[sflag:s29] =	ssyncset.done $0x0  }
0x42c: {  	[sflag:s29] =	ssyncadd.s32 $0xFFFFF800  }
0x42d: {  	_ =	swait.ge [sflag:s4], $0x800  }
0x42e: {  	[sflag:s4] =	ssyncset.done $0x0  }
0x42f: {  	[sflag:s4] =	ssyncadd.s32 $0xFFFFF800  }
0x430: {  	_ =	swait.ge [sflag:s4], $0x800  }
0x431: {  	s6 =	sld [smem:$0x7DB]  }
0x432: {  	[sflag:s4] =	ssyncset.done $0x0  }
0x433: {  	s11 =	sld [smem:$0x7DC];
	[sflag:s4] =	ssyncadd.s32 $0xFFFFF800  }
0x434: {  	[tilespmem:s23], [sflag:$0x2] =	stream.strided.gather [hbm4b:s6+s16], $0x800, s17, s16, $0x38;
	v63 =	vld [tilespmem:$0x0]  }
0x435: {  	s12 =	simm.s32 $0x18740  }
0x436: {  	[tilespmem:s30], [sflag:$0x5] =	stream.strided.gather [hbm4b:s11+s16], $0x800, s17, s16, $0x38;
	v63 =	vld [tilespmem:$0x0]  }
0x437: {  	v2 =	vld [tilespmem:s12+$0x30]  }
0x438: {  	v3 =	vld [tilespmem:s12+$0xFFFFFFD0]  }
0x439: {  	v4 =	vld [tilespmem:s12+$0xFFFFFFE0]  }
0x43a: {  	v5 =	vld [tilespmem:s12+$0xFFFFFFF0]  }
0x43b: {  	v6 =	vld [tilespmem:s12+$0x0]  }
0x43c: {  	v8 =	vld [tilespmem:s12+$0x10]  }
0x43d: {  	v9 =	vld [tilespmem:s12+$0x20]  }
0x43e: {  	v10 =	vld [tilespmem:s12+$0xFFFFFFC0]  }
0x43f: {  	v11 =	vld.idx.msk [tilespmem:v2+s5+$0x0], $0xffff  }
0x440: {  	v12 =	vld.idx.msk [tilespmem:v3+s5+$0x0], $0xffff  }
0x441: {  	v7 =	vld.idx.msk [tilespmem:v4+s5+$0x0], $0xffff  }
0x442: {  	v5 =	vld.idx.msk [tilespmem:v5+s5+$0x0], $0xffff  }
0x443: {  	v2 =	vld.idx.msk [tilespmem:v6+s5+$0x0], $0xffff  }
0x444: {  	s10 =	simm.s32 $0x1B740;
	v3 =	vld.idx.msk [tilespmem:v8+s5+$0x0], $0xffff  }
0x445: {  	v4 =	vld.idx.msk [tilespmem:v9+s5+$0x0], $0xffff;
	[tilespmem:s10+$0x30] =	vst v11  }
0x446: {  	s11 =	simm.s32 $0x0;
	s12 =	simm.s32 $0x187C0;
	v6 =	vld.idx.msk [tilespmem:v10+s5+$0x0], $0xffff;
	[tilespmem:s10+$0xFFFFFFD0] =	vst v12  }
.LBB2_38:
0x447: {  	v8 =	vld [tilespmem:s12+$0x30];
	s11 =	sadd.s32 $0x80, s11;
	[tilespmem:s10+$0xFFFFFFE0] =	vst v7  }
0x448: {  	v7 =	vld [tilespmem:s12+$0xFFFFFFD0];
	p2 =	slt.u32 s11, $0x780;
	[tilespmem:s10+$0xFFFFFFF0] =	vst v5  }
0x449: {  	v5 =	vld [tilespmem:s12+$0xFFFFFFE0];
	[tilespmem:s10+$0x0] =	vst v2  }
0x44a: {  	v2 =	vld [tilespmem:s12+$0xFFFFFFF0];
	[tilespmem:s10+$0x10] =	vst v3  }
0x44b: {  	v3 =	vld [tilespmem:s12+$0x0];
	[tilespmem:s10+$0x20] =	vst v4  }
0x44c: {  	v4 =	vld [tilespmem:s12+$0x10];
	[tilespmem:s10+$0xFFFFFFC0] =	vst v6  }
0x44d: {  	v6 =	vld [tilespmem:s12+$0x20]  }
0x44e: {  	v9 =	vld [tilespmem:s12+$0xFFFFFFC0]  }
0x44f: {  	v8 =	vld.idx.msk [tilespmem:v8+s5+$0x0], $0xffff  }
0x450: {  	v10 =	vld.idx.msk [tilespmem:v7+s5+$0x0], $0xffff  }
0x451: {  	v7 =	vld.idx.msk [tilespmem:v5+s5+$0x0], $0xffff  }
.Ltmp20:
0x452: {  	v5 =	vld.idx.msk [tilespmem:v2+s5+$0x0], $0xffff;
	(pc) =	sbr.rel @p2 .LBB2_38-.Ltmp20, $4  }
0x453: {  	v2 =	vld.idx.msk [tilespmem:v3+s5+$0x0], $0xffff  }
0x454: {  	s10 =	sadd.s32 $0x80, s10;
	v3 =	vld.idx.msk [tilespmem:v4+s5+$0x0], $0xffff  }
0x455: {  	v4 =	vld.idx.msk [tilespmem:v6+s5+$0x0], $0xffff;
	[tilespmem:s10+$0x30] =	vst v8  }
0x456: {  	s12 =	sadd.s32 $0x80, s12;
	v6 =	vld.idx.msk [tilespmem:v9+s5+$0x0], $0xffff;
	[tilespmem:s10+$0xFFFFFFD0] =	vst v10  }
0x457: {  	[tilespmem:s10+$0xFFFFFFE0] =	vst v7  }
0x458: {  	[tilespmem:s10+$0xFFFFFFF0] =	vst v5  }
0x459: {  	[tilespmem:s10+$0x0] =	vst v2  }
0x45a: {  	[tilespmem:s10+$0x10] =	vst v3  }
0x45b: {  	[tilespmem:s10+$0x20] =	vst v4  }
0x45c: {  	[tilespmem:s10+$0xFFFFFFC0] =	vst v6  }
0x45d: {  	[spmem:s2] =	stream.indirect.scatter.add.f32 [tilespmem:s31], [sflag:$0x7], $0x1, s24, s25, $0xb8;
	v63 =	vld [tilespmem:$0x0]  }
0x45e: {  	_ = 	snop  }
0x45f: {  	[spmem:s3] =	stream.indirect.scatter.add.f32 [tilespmem:s13], [sflag:$0x7], $0x1, s24, s25, $0xb8;
	v63 =	vld [tilespmem:$0x0]  }
0x460: {  	_ =	swait.ge [sflag:s28], $0x800  }
0x461: {  	[sflag:s28] =	ssyncset.done $0x0  }
0x462: {  	[sflag:s28] =	ssyncadd.s32 $0xFFFFF800  }
0x463: {  	_ =	swait.ge [sflag:s1], $0x800  }
0x464: {  	[sflag:s1] =	ssyncset.done $0x0  }
0x465: {  	[sflag:s1] =	ssyncadd.s32 $0xFFFFF800  }
0x466: {  	_ =	swait.ge [sflag:s14], $0x800  }
0x467: {  	[sflag:s14] =	ssyncset.done $0x0  }
0x468: {  	[sflag:s14] =	ssyncadd.s32 $0xFFFFF800  }
0x469: {  	_ =	swait.ge [sflag:s14], $0x800  }
0x46a: {  	s6 =	sld [smem:$0x7DD]  }
0x46b: {  	[sflag:s14] =	ssyncset.done $0x0  }
0x46c: {  	s11 =	sld [smem:$0x7DE];
	[sflag:s14] =	ssyncadd.s32 $0xFFFFF800  }
0x46d: {  	[tilespmem:s19], [sflag:$0x1] =	stream.strided.gather [hbm4b:s6+s16], $0x800, s17, s16, $0x38;
	v63 =	vld [tilespmem:$0x0]  }
0x46e: {  	s12 =	simm.s32 $0x18F40  }
0x46f: {  	[tilespmem:s20], [sflag:$0x3] =	stream.strided.gather [hbm4b:s11+s16], $0x800, s17, s16, $0x38;
	v63 =	vld [tilespmem:$0x0]  }
0x470: {  	v2 =	vld [tilespmem:s12+$0x30]  }
0x471: {  	v3 =	vld [tilespmem:s12+$0xFFFFFFD0]  }
0x472: {  	v4 =	vld [tilespmem:s12+$0xFFFFFFE0]  }
0x473: {  	v5 =	vld [tilespmem:s12+$0xFFFFFFF0]  }
0x474: {  	v6 =	vld [tilespmem:s12+$0x0]  }
0x475: {  	v8 =	vld [tilespmem:s12+$0x10]  }
0x476: {  	v9 =	vld [tilespmem:s12+$0x20]  }
0x477: {  	v10 =	vld [tilespmem:s12+$0xFFFFFFC0]  }
0x478: {  	v11 =	vld.idx.msk [tilespmem:v2+s5+$0x0], $0xffff  }
0x479: {  	v12 =	vld.idx.msk [tilespmem:v3+s5+$0x0], $0xffff  }
0x47a: {  	v7 =	vld.idx.msk [tilespmem:v4+s5+$0x0], $0xffff  }
0x47b: {  	v5 =	vld.idx.msk [tilespmem:v5+s5+$0x0], $0xffff  }
0x47c: {  	v2 =	vld.idx.msk [tilespmem:v6+s5+$0x0], $0xffff  }
0x47d: {  	s10 =	simm.s32 $0x1BF40;
	v3 =	vld.idx.msk [tilespmem:v8+s5+$0x0], $0xffff  }
0x47e: {  	v4 =	vld.idx.msk [tilespmem:v9+s5+$0x0], $0xffff;
	[tilespmem:s10+$0x30] =	vst v11  }
0x47f: {  	s11 =	simm.s32 $0x0;
	s12 =	simm.s32 $0x18FC0;
	v6 =	vld.idx.msk [tilespmem:v10+s5+$0x0], $0xffff;
	[tilespmem:s10+$0xFFFFFFD0] =	vst v12  }
.LBB2_40:
0x480: {  	v8 =	vld [tilespmem:s12+$0x30];
	s11 =	sadd.s32 $0x80, s11;
	[tilespmem:s10+$0xFFFFFFE0] =	vst v7  }
0x481: {  	v7 =	vld [tilespmem:s12+$0xFFFFFFD0];
	p2 =	slt.u32 s11, $0x780;
	[tilespmem:s10+$0xFFFFFFF0] =	vst v5  }
0x482: {  	v5 =	vld [tilespmem:s12+$0xFFFFFFE0];
	[tilespmem:s10+$0x0] =	vst v2  }
0x483: {  	v2 =	vld [tilespmem:s12+$0xFFFFFFF0];
	[tilespmem:s10+$0x10] =	vst v3  }
0x484: {  	v3 =	vld [tilespmem:s12+$0x0];
	[tilespmem:s10+$0x20] =	vst v4  }
0x485: {  	v4 =	vld [tilespmem:s12+$0x10];
	[tilespmem:s10+$0xFFFFFFC0] =	vst v6  }
0x486: {  	v6 =	vld [tilespmem:s12+$0x20]  }
0x487: {  	v9 =	vld [tilespmem:s12+$0xFFFFFFC0]  }
0x488: {  	v8 =	vld.idx.msk [tilespmem:v8+s5+$0x0], $0xffff  }
0x489: {  	v10 =	vld.idx.msk [tilespmem:v7+s5+$0x0], $0xffff  }
0x48a: {  	v7 =	vld.idx.msk [tilespmem:v5+s5+$0x0], $0xffff  }
.Ltmp21:
0x48b: {  	v5 =	vld.idx.msk [tilespmem:v2+s5+$0x0], $0xffff;
	(pc) =	sbr.rel @p2 .LBB2_40-.Ltmp21, $4  }
0x48c: {  	v2 =	vld.idx.msk [tilespmem:v3+s5+$0x0], $0xffff  }
0x48d: {  	s10 =	sadd.s32 $0x80, s10;
	v3 =	vld.idx.msk [tilespmem:v4+s5+$0x0], $0xffff  }
0x48e: {  	v4 =	vld.idx.msk [tilespmem:v6+s5+$0x0], $0xffff;
	[tilespmem:s10+$0x30] =	vst v8  }
0x48f: {  	s12 =	sadd.s32 $0x80, s12;
	v6 =	vld.idx.msk [tilespmem:v9+s5+$0x0], $0xffff;
	[tilespmem:s10+$0xFFFFFFD0] =	vst v10  }
0x490: {  	[tilespmem:s10+$0xFFFFFFE0] =	vst v7  }
0x491: {  	[tilespmem:s10+$0xFFFFFFF0] =	vst v5  }
0x492: {  	[tilespmem:s10+$0x0] =	vst v2  }
0x493: {  	[tilespmem:s10+$0x10] =	vst v3  }
0x494: {  	[tilespmem:s10+$0x20] =	vst v4  }
0x495: {  	[tilespmem:s10+$0xFFFFFFC0] =	vst v6  }
0x496: {  	[spmem:s2] =	stream.indirect.scatter.add.f32 [tilespmem:s0], [sflag:$0x8], $0x1, s30, s25, $0xb8;
	v63 =	vld [tilespmem:$0x0]  }
0x497: {  	_ = 	snop  }
0x498: {  	[spmem:s3] =	stream.indirect.scatter.add.f32 [tilespmem:s13], [sflag:$0x8], $0x1, s30, s25, $0xb8;
	v63 =	vld [tilespmem:$0x0]  }
0x499: {  	_ =	swait.ge [sflag:s21], $0x800  }
0x49a: {  	[sflag:s21] =	ssyncset.done $0x0  }
0x49b: {  	[sflag:s21] =	ssyncadd.s32 $0xFFFFF800  }
0x49c: {  	_ =	swait.ge [sflag:s22], $0x800  }
0x49d: {  	[sflag:s22] =	ssyncset.done $0x0  }
0x49e: {  	[sflag:s22] =	ssyncadd.s32 $0xFFFFF800  }
0x49f: {  	_ =	swait.ge [sflag:s15], $0x800  }
0x4a0: {  	[sflag:s15] =	ssyncset.done $0x0  }
0x4a1: {  	[sflag:s15] =	ssyncadd.s32 $0xFFFFF800  }
0x4a2: {  	_ =	swait.ge [sflag:s15], $0x800  }
0x4a3: {  	s6 =	sld [smem:$0x7DF]  }
0x4a4: {  	[sflag:s15] =	ssyncset.done $0x0  }
0x4a5: {  	s11 =	sld [smem:$0x7E0];
	[sflag:s15] =	ssyncadd.s32 $0xFFFFF800  }
0x4a6: {  	[tilespmem:s23], [sflag:$0x2] =	stream.strided.gather [hbm4b:s6+s16], $0x800, s17, s16, $0x38;
	v63 =	vld [tilespmem:$0x0]  }
0x4a7: {  	s12 =	simm.s32 $0x18740  }
0x4a8: {  	[tilespmem:s24], [sflag:$0x4] =	stream.strided.gather [hbm4b:s11+s16], $0x800, s17, s16, $0x38;
	v63 =	vld [tilespmem:$0x0]  }
0x4a9: {  	v2 =	vld [tilespmem:s12+$0x30]  }
0x4aa: {  	v3 =	vld [tilespmem:s12+$0xFFFFFFD0]  }
0x4ab: {  	v4 =	vld [tilespmem:s12+$0xFFFFFFE0]  }
0x4ac: {  	v5 =	vld [tilespmem:s12+$0xFFFFFFF0]  }
0x4ad: {  	v6 =	vld [tilespmem:s12+$0x0]  }
0x4ae: {  	v8 =	vld [tilespmem:s12+$0x10]  }
0x4af: {  	v9 =	vld [tilespmem:s12+$0x20]  }
0x4b0: {  	v10 =	vld [tilespmem:s12+$0xFFFFFFC0]  }
0x4b1: {  	v11 =	vld.idx.msk [tilespmem:v2+s5+$0x0], $0xffff  }
0x4b2: {  	v12 =	vld.idx.msk [tilespmem:v3+s5+$0x0], $0xffff  }
0x4b3: {  	v7 =	vld.idx.msk [tilespmem:v4+s5+$0x0], $0xffff  }
0x4b4: {  	v5 =	vld.idx.msk [tilespmem:v5+s5+$0x0], $0xffff  }
0x4b5: {  	v2 =	vld.idx.msk [tilespmem:v6+s5+$0x0], $0xffff  }
0x4b6: {  	s10 =	simm.s32 $0x1AF40;
	v3 =	vld.idx.msk [tilespmem:v8+s5+$0x0], $0xffff  }
0x4b7: {  	v4 =	vld.idx.msk [tilespmem:v9+s5+$0x0], $0xffff;
	[tilespmem:s10+$0x30] =	vst v11  }
0x4b8: {  	s11 =	simm.s32 $0x0;
	s12 =	simm.s32 $0x187C0;
	v6 =	vld.idx.msk [tilespmem:v10+s5+$0x0], $0xffff;
	[tilespmem:s10+$0xFFFFFFD0] =	vst v12  }
.LBB2_42:
0x4b9: {  	v8 =	vld [tilespmem:s12+$0x30];
	s11 =	sadd.s32 $0x80, s11;
	[tilespmem:s10+$0xFFFFFFE0] =	vst v7  }
0x4ba: {  	v7 =	vld [tilespmem:s12+$0xFFFFFFD0];
	p2 =	slt.u32 s11, $0x780;
	[tilespmem:s10+$0xFFFFFFF0] =	vst v5  }
0x4bb: {  	v5 =	vld [tilespmem:s12+$0xFFFFFFE0];
	[tilespmem:s10+$0x0] =	vst v2  }
0x4bc: {  	v2 =	vld [tilespmem:s12+$0xFFFFFFF0];
	[tilespmem:s10+$0x10] =	vst v3  }
0x4bd: {  	v3 =	vld [tilespmem:s12+$0x0];
	[tilespmem:s10+$0x20] =	vst v4  }
0x4be: {  	v4 =	vld [tilespmem:s12+$0x10];
	[tilespmem:s10+$0xFFFFFFC0] =	vst v6  }
0x4bf: {  	v6 =	vld [tilespmem:s12+$0x20]  }
0x4c0: {  	v9 =	vld [tilespmem:s12+$0xFFFFFFC0]  }
0x4c1: {  	v8 =	vld.idx.msk [tilespmem:v8+s5+$0x0], $0xffff  }
0x4c2: {  	v10 =	vld.idx.msk [tilespmem:v7+s5+$0x0], $0xffff  }
0x4c3: {  	v7 =	vld.idx.msk [tilespmem:v5+s5+$0x0], $0xffff  }
.Ltmp22:
0x4c4: {  	v5 =	vld.idx.msk [tilespmem:v2+s5+$0x0], $0xffff;
	(pc) =	sbr.rel @p2 .LBB2_42-.Ltmp22, $4  }
0x4c5: {  	v2 =	vld.idx.msk [tilespmem:v3+s5+$0x0], $0xffff  }
0x4c6: {  	s10 =	sadd.s32 $0x80, s10;
	v3 =	vld.idx.msk [tilespmem:v4+s5+$0x0], $0xffff  }
0x4c7: {  	v4 =	vld.idx.msk [tilespmem:v6+s5+$0x0], $0xffff;
	[tilespmem:s10+$0x30] =	vst v8  }
0x4c8: {  	s12 =	sadd.s32 $0x80, s12;
	v6 =	vld.idx.msk [tilespmem:v9+s5+$0x0], $0xffff;
	[tilespmem:s10+$0xFFFFFFD0] =	vst v10  }
0x4c9: {  	[tilespmem:s10+$0xFFFFFFE0] =	vst v7  }
0x4ca: {  	[tilespmem:s10+$0xFFFFFFF0] =	vst v5  }
0x4cb: {  	[tilespmem:s10+$0x0] =	vst v2  }
0x4cc: {  	[tilespmem:s10+$0x10] =	vst v3  }
0x4cd: {  	[tilespmem:s10+$0x20] =	vst v4  }
0x4ce: {  	[tilespmem:s10+$0xFFFFFFC0] =	vst v6  }
0x4cf: {  	[spmem:s2] =	stream.indirect.scatter.add.f32 [tilespmem:s26], [sflag:$0x6], $0x1, s20, s25, $0xb8;
	v63 =	vld [tilespmem:$0x0]  }
0x4d0: {  	_ = 	snop  }
0x4d1: {  	[spmem:s3] =	stream.indirect.scatter.add.f32 [tilespmem:s13], [sflag:$0x6], $0x1, s20, s25, $0xb8;
	v63 =	vld [tilespmem:$0x0]  }
0x4d2: {  	_ =	swait.ge [sflag:s28], $0x800  }
0x4d3: {  	[sflag:s28] =	ssyncset.done $0x0  }
0x4d4: {  	[sflag:s28] =	ssyncadd.s32 $0xFFFFF800  }
0x4d5: {  	_ =	swait.ge [sflag:s29], $0x800  }
0x4d6: {  	[sflag:s29] =	ssyncset.done $0x0  }
0x4d7: {  	[sflag:s29] =	ssyncadd.s32 $0xFFFFF800  }
0x4d8: {  	_ =	swait.ge [sflag:s4], $0x800  }
0x4d9: {  	[sflag:s4] =	ssyncset.done $0x0  }
0x4da: {  	[sflag:s4] =	ssyncadd.s32 $0xFFFFF800  }
0x4db: {  	_ =	swait.ge [sflag:s4], $0x800  }
0x4dc: {  	s6 =	sld [smem:$0x7E1]  }
0x4dd: {  	[sflag:s4] =	ssyncset.done $0x0  }
0x4de: {  	s11 =	sld [smem:$0x7E2];
	[sflag:s4] =	ssyncadd.s32 $0xFFFFF800  }
0x4df: {  	[tilespmem:s19], [sflag:$0x1] =	stream.strided.gather [hbm4b:s6+s16], $0x800, s17, s16, $0x38;
	v63 =	vld [tilespmem:$0x0]  }
0x4e0: {  	s12 =	simm.s32 $0x18F40  }
0x4e1: {  	[tilespmem:s30], [sflag:$0x5] =	stream.strided.gather [hbm4b:s11+s16], $0x800, s17, s16, $0x38;
	v63 =	vld [tilespmem:$0x0]  }
0x4e2: {  	v2 =	vld [tilespmem:s12+$0x30]  }
0x4e3: {  	v3 =	vld [tilespmem:s12+$0xFFFFFFD0]  }
0x4e4: {  	v4 =	vld [tilespmem:s12+$0xFFFFFFE0]  }
0x4e5: {  	v5 =	vld [tilespmem:s12+$0xFFFFFFF0]  }
0x4e6: {  	v6 =	vld [tilespmem:s12+$0x0]  }
0x4e7: {  	v8 =	vld [tilespmem:s12+$0x10]  }
0x4e8: {  	v9 =	vld [tilespmem:s12+$0x20]  }
0x4e9: {  	v10 =	vld [tilespmem:s12+$0xFFFFFFC0]  }
0x4ea: {  	v11 =	vld.idx.msk [tilespmem:v2+s5+$0x0], $0xffff  }
0x4eb: {  	v12 =	vld.idx.msk [tilespmem:v3+s5+$0x0], $0xffff  }
0x4ec: {  	v7 =	vld.idx.msk [tilespmem:v4+s5+$0x0], $0xffff  }
0x4ed: {  	v5 =	vld.idx.msk [tilespmem:v5+s5+$0x0], $0xffff  }
0x4ee: {  	v2 =	vld.idx.msk [tilespmem:v6+s5+$0x0], $0xffff  }
0x4ef: {  	s10 =	simm.s32 $0x1B740;
	v3 =	vld.idx.msk [tilespmem:v8+s5+$0x0], $0xffff  }
0x4f0: {  	v4 =	vld.idx.msk [tilespmem:v9+s5+$0x0], $0xffff;
	[tilespmem:s10+$0x30] =	vst v11  }
0x4f1: {  	s11 =	simm.s32 $0x0;
	s12 =	simm.s32 $0x18FC0;
	v6 =	vld.idx.msk [tilespmem:v10+s5+$0x0], $0xffff;
	[tilespmem:s10+$0xFFFFFFD0] =	vst v12  }
.LBB2_44:
0x4f2: {  	v8 =	vld [tilespmem:s12+$0x30];
	s11 =	sadd.s32 $0x80, s11;
	[tilespmem:s10+$0xFFFFFFE0] =	vst v7  }
0x4f3: {  	v7 =	vld [tilespmem:s12+$0xFFFFFFD0];
	p2 =	slt.u32 s11, $0x780;
	[tilespmem:s10+$0xFFFFFFF0] =	vst v5  }
0x4f4: {  	v5 =	vld [tilespmem:s12+$0xFFFFFFE0];
	[tilespmem:s10+$0x0] =	vst v2  }
0x4f5: {  	v2 =	vld [tilespmem:s12+$0xFFFFFFF0];
	[tilespmem:s10+$0x10] =	vst v3  }
0x4f6: {  	v3 =	vld [tilespmem:s12+$0x0];
	[tilespmem:s10+$0x20] =	vst v4  }
0x4f7: {  	v4 =	vld [tilespmem:s12+$0x10];
	[tilespmem:s10+$0xFFFFFFC0] =	vst v6  }
0x4f8: {  	v6 =	vld [tilespmem:s12+$0x20]  }
0x4f9: {  	v9 =	vld [tilespmem:s12+$0xFFFFFFC0]  }
0x4fa: {  	v8 =	vld.idx.msk [tilespmem:v8+s5+$0x0], $0xffff  }
0x4fb: {  	v10 =	vld.idx.msk [tilespmem:v7+s5+$0x0], $0xffff  }
0x4fc: {  	v7 =	vld.idx.msk [tilespmem:v5+s5+$0x0], $0xffff  }
.Ltmp23:
0x4fd: {  	v5 =	vld.idx.msk [tilespmem:v2+s5+$0x0], $0xffff;
	(pc) =	sbr.rel @p2 .LBB2_44-.Ltmp23, $4  }
0x4fe: {  	v2 =	vld.idx.msk [tilespmem:v3+s5+$0x0], $0xffff  }
0x4ff: {  	s10 =	sadd.s32 $0x80, s10;
	v3 =	vld.idx.msk [tilespmem:v4+s5+$0x0], $0xffff  }
0x500: {  	v4 =	vld.idx.msk [tilespmem:v6+s5+$0x0], $0xffff;
	[tilespmem:s10+$0x30] =	vst v8  }
0x501: {  	s12 =	sadd.s32 $0x80, s12;
	v6 =	vld.idx.msk [tilespmem:v9+s5+$0x0], $0xffff;
	[tilespmem:s10+$0xFFFFFFD0] =	vst v10  }
0x502: {  	[tilespmem:s10+$0xFFFFFFE0] =	vst v7  }
0x503: {  	[tilespmem:s10+$0xFFFFFFF0] =	vst v5  }
0x504: {  	[tilespmem:s10+$0x0] =	vst v2  }
0x505: {  	[tilespmem:s10+$0x10] =	vst v3  }
0x506: {  	[tilespmem:s10+$0x20] =	vst v4  }
0x507: {  	[tilespmem:s10+$0xFFFFFFC0] =	vst v6  }
0x508: {  	[spmem:s2] =	stream.indirect.scatter.add.f32 [tilespmem:s31], [sflag:$0x7], $0x1, s24, s25, $0xb8;
	v63 =	vld [tilespmem:$0x0]  }
0x509: {  	_ = 	snop  }
0x50a: {  	[spmem:s3] =	stream.indirect.scatter.add.f32 [tilespmem:s13], [sflag:$0x7], $0x1, s24, s25, $0xb8;
	v63 =	vld [tilespmem:$0x0]  }
0x50b: {  	_ =	swait.ge [sflag:s21], $0x800  }
0x50c: {  	[sflag:s21] =	ssyncset.done $0x0  }
0x50d: {  	[sflag:s21] =	ssyncadd.s32 $0xFFFFF800  }
0x50e: {  	_ =	swait.ge [sflag:s1], $0x800  }
0x50f: {  	[sflag:s1] =	ssyncset.done $0x0  }
0x510: {  	[sflag:s1] =	ssyncadd.s32 $0xFFFFF800  }
0x511: {  	_ =	swait.ge [sflag:s14], $0x800  }
0x512: {  	[sflag:s14] =	ssyncset.done $0x0  }
0x513: {  	[sflag:s14] =	ssyncadd.s32 $0xFFFFF800  }
0x514: {  	_ =	swait.ge [sflag:s14], $0x800  }
0x515: {  	s6 =	sld [smem:$0x7E3]  }
0x516: {  	[sflag:s14] =	ssyncset.done $0x0  }
0x517: {  	s11 =	sld [smem:$0x7E4];
	[sflag:s14] =	ssyncadd.s32 $0xFFFFF800  }
0x518: {  	[tilespmem:s23], [sflag:$0x2] =	stream.strided.gather [hbm4b:s6+s16], $0x800, s17, s16, $0x38;
	v63 =	vld [tilespmem:$0x0]  }
0x519: {  	s12 =	simm.s32 $0x18740  }
0x51a: {  	[tilespmem:s20], [sflag:$0x3] =	stream.strided.gather [hbm4b:s11+s16], $0x800, s17, s16, $0x38;
	v63 =	vld [tilespmem:$0x0]  }
0x51b: {  	v2 =	vld [tilespmem:s12+$0x30]  }
0x51c: {  	v3 =	vld [tilespmem:s12+$0xFFFFFFD0]  }
0x51d: {  	v4 =	vld [tilespmem:s12+$0xFFFFFFE0]  }
0x51e: {  	v5 =	vld [tilespmem:s12+$0xFFFFFFF0]  }
0x51f: {  	v6 =	vld [tilespmem:s12+$0x0]  }
0x520: {  	v8 =	vld [tilespmem:s12+$0x10]  }
0x521: {  	v9 =	vld [tilespmem:s12+$0x20]  }
0x522: {  	v10 =	vld [tilespmem:s12+$0xFFFFFFC0]  }
0x523: {  	v11 =	vld.idx.msk [tilespmem:v2+s5+$0x0], $0xffff  }
0x524: {  	v12 =	vld.idx.msk [tilespmem:v3+s5+$0x0], $0xffff  }
0x525: {  	v7 =	vld.idx.msk [tilespmem:v4+s5+$0x0], $0xffff  }
0x526: {  	v5 =	vld.idx.msk [tilespmem:v5+s5+$0x0], $0xffff  }
0x527: {  	v2 =	vld.idx.msk [tilespmem:v6+s5+$0x0], $0xffff  }
0x528: {  	s10 =	simm.s32 $0x1BF40;
	v3 =	vld.idx.msk [tilespmem:v8+s5+$0x0], $0xffff  }
0x529: {  	v4 =	vld.idx.msk [tilespmem:v9+s5+$0x0], $0xffff;
	[tilespmem:s10+$0x30] =	vst v11  }
0x52a: {  	s11 =	simm.s32 $0x0;
	s12 =	simm.s32 $0x187C0;
	v6 =	vld.idx.msk [tilespmem:v10+s5+$0x0], $0xffff;
	[tilespmem:s10+$0xFFFFFFD0] =	vst v12  }
.LBB2_46:
0x52b: {  	v8 =	vld [tilespmem:s12+$0x30];
	s11 =	sadd.s32 $0x80, s11;
	[tilespmem:s10+$0xFFFFFFE0] =	vst v7  }
0x52c: {  	v7 =	vld [tilespmem:s12+$0xFFFFFFD0];
	p2 =	slt.u32 s11, $0x780;
	[tilespmem:s10+$0xFFFFFFF0] =	vst v5  }
0x52d: {  	v5 =	vld [tilespmem:s12+$0xFFFFFFE0];
	[tilespmem:s10+$0x0] =	vst v2  }
0x52e: {  	v2 =	vld [tilespmem:s12+$0xFFFFFFF0];
	[tilespmem:s10+$0x10] =	vst v3  }
0x52f: {  	v3 =	vld [tilespmem:s12+$0x0];
	[tilespmem:s10+$0x20] =	vst v4  }
0x530: {  	v4 =	vld [tilespmem:s12+$0x10];
	[tilespmem:s10+$0xFFFFFFC0] =	vst v6  }
0x531: {  	v6 =	vld [tilespmem:s12+$0x20]  }
0x532: {  	v9 =	vld [tilespmem:s12+$0xFFFFFFC0]  }
0x533: {  	v8 =	vld.idx.msk [tilespmem:v8+s5+$0x0], $0xffff  }
0x534: {  	v10 =	vld.idx.msk [tilespmem:v7+s5+$0x0], $0xffff  }
0x535: {  	v7 =	vld.idx.msk [tilespmem:v5+s5+$0x0], $0xffff  }
.Ltmp24:
0x536: {  	v5 =	vld.idx.msk [tilespmem:v2+s5+$0x0], $0xffff;
	(pc) =	sbr.rel @p2 .LBB2_46-.Ltmp24, $4  }
0x537: {  	v2 =	vld.idx.msk [tilespmem:v3+s5+$0x0], $0xffff  }
0x538: {  	s10 =	sadd.s32 $0x80, s10;
	v3 =	vld.idx.msk [tilespmem:v4+s5+$0x0], $0xffff  }
0x539: {  	v4 =	vld.idx.msk [tilespmem:v6+s5+$0x0], $0xffff;
	[tilespmem:s10+$0x30] =	vst v8  }
0x53a: {  	s12 =	sadd.s32 $0x80, s12;
	v6 =	vld.idx.msk [tilespmem:v9+s5+$0x0], $0xffff;
	[tilespmem:s10+$0xFFFFFFD0] =	vst v10  }
0x53b: {  	[tilespmem:s10+$0xFFFFFFE0] =	vst v7  }
0x53c: {  	[tilespmem:s10+$0xFFFFFFF0] =	vst v5  }
0x53d: {  	[tilespmem:s10+$0x0] =	vst v2  }
0x53e: {  	[tilespmem:s10+$0x10] =	vst v3  }
0x53f: {  	[tilespmem:s10+$0x20] =	vst v4  }
0x540: {  	[tilespmem:s10+$0xFFFFFFC0] =	vst v6  }
0x541: {  	[spmem:s2] =	stream.indirect.scatter.add.f32 [tilespmem:s0], [sflag:$0x8], $0x1, s30, s25, $0xb8;
	v63 =	vld [tilespmem:$0x0]  }
0x542: {  	_ = 	snop  }
0x543: {  	[spmem:s3] =	stream.indirect.scatter.add.f32 [tilespmem:s13], [sflag:$0x8], $0x1, s30, s25, $0xb8;
	v63 =	vld [tilespmem:$0x0]  }
0x544: {  	_ =	swait.ge [sflag:s28], $0x800  }
0x545: {  	[sflag:s28] =	ssyncset.done $0x0  }
0x546: {  	[sflag:s28] =	ssyncadd.s32 $0xFFFFF800  }
0x547: {  	_ =	swait.ge [sflag:s22], $0x800  }
0x548: {  	[sflag:s22] =	ssyncset.done $0x0  }
0x549: {  	[sflag:s22] =	ssyncadd.s32 $0xFFFFF800  }
0x54a: {  	_ =	swait.ge [sflag:s15], $0x800  }
0x54b: {  	[sflag:s15] =	ssyncset.done $0x0  }
0x54c: {  	[sflag:s15] =	ssyncadd.s32 $0xFFFFF800  }
0x54d: {  	_ =	swait.ge [sflag:s15], $0x800  }
0x54e: {  	s6 =	sld [smem:$0x7E6]  }
0x54f: {  	[sflag:s15] =	ssyncset.done $0x0  }
0x550: {  	s11 =	sld [smem:$0x7E7];
	[sflag:s15] =	ssyncadd.s32 $0xFFFFF800  }
0x551: {  	[tilespmem:s19], [sflag:$0x1] =	stream.strided.gather [hbm4b:s6+s16], $0x800, s17, s16, $0x38;
	v63 =	vld [tilespmem:$0x0]  }
0x552: {  	s12 =	simm.s32 $0x18F40  }
0x553: {  	[tilespmem:s24], [sflag:$0x4] =	stream.strided.gather [hbm4b:s11+s16], $0x800, s17, s16, $0x38;
	v63 =	vld [tilespmem:$0x0]  }
0x554: {  	v2 =	vld [tilespmem:s12+$0x30]  }
0x555: {  	v3 =	vld [tilespmem:s12+$0xFFFFFFD0]  }
0x556: {  	v4 =	vld [tilespmem:s12+$0xFFFFFFE0]  }
0x557: {  	v5 =	vld [tilespmem:s12+$0xFFFFFFF0]  }
0x558: {  	v6 =	vld [tilespmem:s12+$0x0]  }
0x559: {  	v8 =	vld [tilespmem:s12+$0x10]  }
0x55a: {  	v9 =	vld [tilespmem:s12+$0x20]  }
0x55b: {  	v10 =	vld [tilespmem:s12+$0xFFFFFFC0]  }
0x55c: {  	v11 =	vld.idx.msk [tilespmem:v2+s5+$0x0], $0xffff  }
0x55d: {  	v12 =	vld.idx.msk [tilespmem:v3+s5+$0x0], $0xffff  }
0x55e: {  	v7 =	vld.idx.msk [tilespmem:v4+s5+$0x0], $0xffff  }
0x55f: {  	v5 =	vld.idx.msk [tilespmem:v5+s5+$0x0], $0xffff  }
0x560: {  	v2 =	vld.idx.msk [tilespmem:v6+s5+$0x0], $0xffff  }
0x561: {  	s10 =	simm.s32 $0x1AF40;
	v3 =	vld.idx.msk [tilespmem:v8+s5+$0x0], $0xffff  }
0x562: {  	v4 =	vld.idx.msk [tilespmem:v9+s5+$0x0], $0xffff;
	[tilespmem:s10+$0x30] =	vst v11  }
0x563: {  	s11 =	simm.s32 $0x0;
	s12 =	simm.s32 $0x18FC0;
	v6 =	vld.idx.msk [tilespmem:v10+s5+$0x0], $0xffff;
	[tilespmem:s10+$0xFFFFFFD0] =	vst v12  }
.LBB2_48:
0x564: {  	v8 =	vld [tilespmem:s12+$0x30];
	s11 =	sadd.s32 $0x80, s11;
	[tilespmem:s10+$0xFFFFFFE0] =	vst v7  }
0x565: {  	v7 =	vld [tilespmem:s12+$0xFFFFFFD0];
	p2 =	slt.u32 s11, $0x780;
	[tilespmem:s10+$0xFFFFFFF0] =	vst v5  }
0x566: {  	v5 =	vld [tilespmem:s12+$0xFFFFFFE0];
	[tilespmem:s10+$0x0] =	vst v2  }
0x567: {  	v2 =	vld [tilespmem:s12+$0xFFFFFFF0];
	[tilespmem:s10+$0x10] =	vst v3  }
0x568: {  	v3 =	vld [tilespmem:s12+$0x0];
	[tilespmem:s10+$0x20] =	vst v4  }
0x569: {  	v4 =	vld [tilespmem:s12+$0x10];
	[tilespmem:s10+$0xFFFFFFC0] =	vst v6  }
0x56a: {  	v6 =	vld [tilespmem:s12+$0x20]  }
0x56b: {  	v9 =	vld [tilespmem:s12+$0xFFFFFFC0]  }
0x56c: {  	v8 =	vld.idx.msk [tilespmem:v8+s5+$0x0], $0xffff  }
0x56d: {  	v10 =	vld.idx.msk [tilespmem:v7+s5+$0x0], $0xffff  }
0x56e: {  	v7 =	vld.idx.msk [tilespmem:v5+s5+$0x0], $0xffff  }
.Ltmp25:
0x56f: {  	v5 =	vld.idx.msk [tilespmem:v2+s5+$0x0], $0xffff;
	(pc) =	sbr.rel @p2 .LBB2_48-.Ltmp25, $4  }
0x570: {  	v2 =	vld.idx.msk [tilespmem:v3+s5+$0x0], $0xffff  }
0x571: {  	s10 =	sadd.s32 $0x80, s10;
	v3 =	vld.idx.msk [tilespmem:v4+s5+$0x0], $0xffff  }
0x572: {  	v4 =	vld.idx.msk [tilespmem:v6+s5+$0x0], $0xffff;
	[tilespmem:s10+$0x30] =	vst v8  }
0x573: {  	s12 =	sadd.s32 $0x80, s12;
	v6 =	vld.idx.msk [tilespmem:v9+s5+$0x0], $0xffff;
	[tilespmem:s10+$0xFFFFFFD0] =	vst v10  }
0x574: {  	[tilespmem:s10+$0xFFFFFFE0] =	vst v7  }
0x575: {  	[tilespmem:s10+$0xFFFFFFF0] =	vst v5  }
0x576: {  	[tilespmem:s10+$0x0] =	vst v2  }
0x577: {  	[tilespmem:s10+$0x10] =	vst v3  }
0x578: {  	[tilespmem:s10+$0x20] =	vst v4  }
0x579: {  	[tilespmem:s10+$0xFFFFFFC0] =	vst v6  }
0x57a: {  	[spmem:s2] =	stream.indirect.scatter.add.f32 [tilespmem:s26], [sflag:$0x6], $0x1, s20, s25, $0xb8;
	v63 =	vld [tilespmem:$0x0]  }
0x57b: {  	_ = 	snop  }
0x57c: {  	[spmem:s3] =	stream.indirect.scatter.add.f32 [tilespmem:s13], [sflag:$0x6], $0x1, s20, s25, $0xb8;
	v63 =	vld [tilespmem:$0x0]  }
0x57d: {  	_ =	swait.ge [sflag:s21], $0x800  }
0x57e: {  	[sflag:s21] =	ssyncset.done $0x0  }
0x57f: {  	[sflag:s21] =	ssyncadd.s32 $0xFFFFF800  }
0x580: {  	_ =	swait.ge [sflag:s29], $0x800  }
0x581: {  	[sflag:s29] =	ssyncset.done $0x0  }
0x582: {  	[sflag:s29] =	ssyncadd.s32 $0xFFFFF800  }
0x583: {  	_ =	swait.ge [sflag:s4], $0x800  }
0x584: {  	[sflag:s4] =	ssyncset.done $0x0  }
0x585: {  	[sflag:s4] =	ssyncadd.s32 $0xFFFFF800  }
0x586: {  	_ =	swait.ge [sflag:s4], $0x800  }
0x587: {  	s6 =	sld [smem:$0x7E9]  }
0x588: {  	[sflag:s4] =	ssyncset.done $0x0  }
0x589: {  	s11 =	sld [smem:$0x7E8];
	[sflag:s4] =	ssyncadd.s32 $0xFFFFF800  }
0x58a: {  	[tilespmem:s23], [sflag:$0x2] =	stream.strided.gather [hbm4b:s6+s16], $0x800, s17, s16, $0x38;
	v63 =	vld [tilespmem:$0x0]  }
0x58b: {  	s12 =	simm.s32 $0x18740  }
0x58c: {  	[tilespmem:s30], [sflag:$0x5] =	stream.strided.gather [hbm4b:s11+s16], $0x800, s17, s16, $0x38;
	v63 =	vld [tilespmem:$0x0]  }
0x58d: {  	v2 =	vld [tilespmem:s12+$0x30]  }
0x58e: {  	v3 =	vld [tilespmem:s12+$0xFFFFFFD0]  }
0x58f: {  	v4 =	vld [tilespmem:s12+$0xFFFFFFE0]  }
0x590: {  	v5 =	vld [tilespmem:s12+$0xFFFFFFF0]  }
0x591: {  	v6 =	vld [tilespmem:s12+$0x0]  }
0x592: {  	v8 =	vld [tilespmem:s12+$0x10]  }
0x593: {  	v9 =	vld [tilespmem:s12+$0x20]  }
0x594: {  	v10 =	vld [tilespmem:s12+$0xFFFFFFC0]  }
0x595: {  	v11 =	vld.idx.msk [tilespmem:v2+s5+$0x0], $0xffff  }
0x596: {  	v12 =	vld.idx.msk [tilespmem:v3+s5+$0x0], $0xffff  }
0x597: {  	v7 =	vld.idx.msk [tilespmem:v4+s5+$0x0], $0xffff  }
0x598: {  	v5 =	vld.idx.msk [tilespmem:v5+s5+$0x0], $0xffff  }
0x599: {  	v2 =	vld.idx.msk [tilespmem:v6+s5+$0x0], $0xffff  }
0x59a: {  	s10 =	simm.s32 $0x1B740;
	v3 =	vld.idx.msk [tilespmem:v8+s5+$0x0], $0xffff  }
0x59b: {  	v4 =	vld.idx.msk [tilespmem:v9+s5+$0x0], $0xffff;
	[tilespmem:s10+$0x30] =	vst v11  }
0x59c: {  	s11 =	simm.s32 $0x0;
	s12 =	simm.s32 $0x187C0;
	v6 =	vld.idx.msk [tilespmem:v10+s5+$0x0], $0xffff;
	[tilespmem:s10+$0xFFFFFFD0] =	vst v12  }
.LBB2_50:
0x59d: {  	v8 =	vld [tilespmem:s12+$0x30];
	s11 =	sadd.s32 $0x80, s11;
	[tilespmem:s10+$0xFFFFFFE0] =	vst v7  }
0x59e: {  	v7 =	vld [tilespmem:s12+$0xFFFFFFD0];
	p2 =	slt.u32 s11, $0x780;
	[tilespmem:s10+$0xFFFFFFF0] =	vst v5  }
0x59f: {  	v5 =	vld [tilespmem:s12+$0xFFFFFFE0];
	[tilespmem:s10+$0x0] =	vst v2  }
0x5a0: {  	v2 =	vld [tilespmem:s12+$0xFFFFFFF0];
	[tilespmem:s10+$0x10] =	vst v3  }
0x5a1: {  	v3 =	vld [tilespmem:s12+$0x0];
	[tilespmem:s10+$0x20] =	vst v4  }
0x5a2: {  	v4 =	vld [tilespmem:s12+$0x10];
	[tilespmem:s10+$0xFFFFFFC0] =	vst v6  }
0x5a3: {  	v6 =	vld [tilespmem:s12+$0x20]  }
0x5a4: {  	v9 =	vld [tilespmem:s12+$0xFFFFFFC0]  }
0x5a5: {  	v8 =	vld.idx.msk [tilespmem:v8+s5+$0x0], $0xffff  }
0x5a6: {  	v10 =	vld.idx.msk [tilespmem:v7+s5+$0x0], $0xffff  }
0x5a7: {  	v7 =	vld.idx.msk [tilespmem:v5+s5+$0x0], $0xffff  }
.Ltmp26:
0x5a8: {  	v5 =	vld.idx.msk [tilespmem:v2+s5+$0x0], $0xffff;
	(pc) =	sbr.rel @p2 .LBB2_50-.Ltmp26, $4  }
0x5a9: {  	v2 =	vld.idx.msk [tilespmem:v3+s5+$0x0], $0xffff  }
0x5aa: {  	s10 =	sadd.s32 $0x80, s10;
	v3 =	vld.idx.msk [tilespmem:v4+s5+$0x0], $0xffff  }
0x5ab: {  	v4 =	vld.idx.msk [tilespmem:v6+s5+$0x0], $0xffff;
	[tilespmem:s10+$0x30] =	vst v8  }
0x5ac: {  	s12 =	sadd.s32 $0x80, s12;
	v6 =	vld.idx.msk [tilespmem:v9+s5+$0x0], $0xffff;
	[tilespmem:s10+$0xFFFFFFD0] =	vst v10  }
0x5ad: {  	[tilespmem:s10+$0xFFFFFFE0] =	vst v7  }
0x5ae: {  	[tilespmem:s10+$0xFFFFFFF0] =	vst v5  }
0x5af: {  	[tilespmem:s10+$0x0] =	vst v2  }
0x5b0: {  	[tilespmem:s10+$0x10] =	vst v3  }
0x5b1: {  	[tilespmem:s10+$0x20] =	vst v4  }
0x5b2: {  	[tilespmem:s10+$0xFFFFFFC0] =	vst v6  }
0x5b3: {  	[spmem:s2] =	stream.indirect.scatter.add.f32 [tilespmem:s31], [sflag:$0x7], $0x1, s24, s25, $0xb8;
	v63 =	vld [tilespmem:$0x0]  }
0x5b4: {  	_ = 	snop  }
0x5b5: {  	[spmem:s3] =	stream.indirect.scatter.add.f32 [tilespmem:s13], [sflag:$0x7], $0x1, s24, s25, $0xb8;
	v63 =	vld [tilespmem:$0x0]  }
0x5b6: {  	_ =	swait.ge [sflag:s28], $0x800  }
0x5b7: {  	[sflag:s28] =	ssyncset.done $0x0  }
0x5b8: {  	[sflag:s28] =	ssyncadd.s32 $0xFFFFF800  }
0x5b9: {  	_ =	swait.ge [sflag:s1], $0x800  }
0x5ba: {  	[sflag:s1] =	ssyncset.done $0x0  }
0x5bb: {  	s12 =	simm.s32 $0x18F40;
	[sflag:s1] =	ssyncadd.s32 $0xFFFFF800  }
0x5bc: {  	v2 =	vld [tilespmem:s12+$0x30]  }
0x5bd: {  	v3 =	vld [tilespmem:s12+$0xFFFFFFD0]  }
0x5be: {  	v4 =	vld [tilespmem:s12+$0xFFFFFFE0]  }
0x5bf: {  	v5 =	vld [tilespmem:s12+$0xFFFFFFF0]  }
0x5c0: {  	v6 =	vld [tilespmem:s12+$0x0]  }
0x5c1: {  	v8 =	vld [tilespmem:s12+$0x10]  }
0x5c2: {  	v9 =	vld [tilespmem:s12+$0x20]  }
0x5c3: {  	v10 =	vld [tilespmem:s12+$0xFFFFFFC0]  }
0x5c4: {  	v11 =	vld.idx.msk [tilespmem:v2+s5+$0x0], $0xffff  }
0x5c5: {  	v12 =	vld.idx.msk [tilespmem:v3+s5+$0x0], $0xffff  }
0x5c6: {  	v7 =	vld.idx.msk [tilespmem:v4+s5+$0x0], $0xffff  }
0x5c7: {  	v5 =	vld.idx.msk [tilespmem:v5+s5+$0x0], $0xffff  }
0x5c8: {  	v2 =	vld.idx.msk [tilespmem:v6+s5+$0x0], $0xffff  }
0x5c9: {  	s10 =	simm.s32 $0x1BF40;
	v3 =	vld.idx.msk [tilespmem:v8+s5+$0x0], $0xffff  }
0x5ca: {  	v4 =	vld.idx.msk [tilespmem:v9+s5+$0x0], $0xffff;
	[tilespmem:s10+$0x30] =	vst v11  }
0x5cb: {  	s11 =	simm.s32 $0x0;
	s12 =	simm.s32 $0x18FC0;
	v6 =	vld.idx.msk [tilespmem:v10+s5+$0x0], $0xffff;
	[tilespmem:s10+$0xFFFFFFD0] =	vst v12  }
.LBB2_52:
0x5cc: {  	v8 =	vld [tilespmem:s12+$0x30];
	s11 =	sadd.s32 $0x80, s11;
	[tilespmem:s10+$0xFFFFFFE0] =	vst v7  }
0x5cd: {  	v7 =	vld [tilespmem:s12+$0xFFFFFFD0];
	p2 =	slt.u32 s11, $0x780;
	[tilespmem:s10+$0xFFFFFFF0] =	vst v5  }
0x5ce: {  	v5 =	vld [tilespmem:s12+$0xFFFFFFE0];
	[tilespmem:s10+$0x0] =	vst v2  }
0x5cf: {  	v2 =	vld [tilespmem:s12+$0xFFFFFFF0];
	[tilespmem:s10+$0x10] =	vst v3  }
0x5d0: {  	v3 =	vld [tilespmem:s12+$0x0];
	[tilespmem:s10+$0x20] =	vst v4  }
0x5d1: {  	v4 =	vld [tilespmem:s12+$0x10];
	[tilespmem:s10+$0xFFFFFFC0] =	vst v6  }
0x5d2: {  	v6 =	vld [tilespmem:s12+$0x20]  }
0x5d3: {  	v9 =	vld [tilespmem:s12+$0xFFFFFFC0]  }
0x5d4: {  	v8 =	vld.idx.msk [tilespmem:v8+s5+$0x0], $0xffff  }
0x5d5: {  	v10 =	vld.idx.msk [tilespmem:v7+s5+$0x0], $0xffff  }
0x5d6: {  	v7 =	vld.idx.msk [tilespmem:v5+s5+$0x0], $0xffff  }
.Ltmp27:
0x5d7: {  	v5 =	vld.idx.msk [tilespmem:v2+s5+$0x0], $0xffff;
	(pc) =	sbr.rel @p2 .LBB2_52-.Ltmp27, $4  }
0x5d8: {  	v2 =	vld.idx.msk [tilespmem:v3+s5+$0x0], $0xffff  }
0x5d9: {  	s10 =	sadd.s32 $0x80, s10;
	v3 =	vld.idx.msk [tilespmem:v4+s5+$0x0], $0xffff  }
0x5da: {  	v4 =	vld.idx.msk [tilespmem:v6+s5+$0x0], $0xffff;
	[tilespmem:s10+$0x30] =	vst v8  }
0x5db: {  	s12 =	sadd.s32 $0x80, s12;
	v6 =	vld.idx.msk [tilespmem:v9+s5+$0x0], $0xffff;
	[tilespmem:s10+$0xFFFFFFD0] =	vst v10  }
0x5dc: {  	[tilespmem:s10+$0xFFFFFFE0] =	vst v7  }
0x5dd: {  	[tilespmem:s10+$0xFFFFFFF0] =	vst v5  }
0x5de: {  	[tilespmem:s10+$0x0] =	vst v2  }
0x5df: {  	[tilespmem:s10+$0x10] =	vst v3  }
0x5e0: {  	[tilespmem:s10+$0x20] =	vst v4  }
0x5e1: {  	[tilespmem:s10+$0xFFFFFFC0] =	vst v6  }
0x5e2: {  	[spmem:s2] =	stream.indirect.scatter.add.f32 [tilespmem:s0], [sflag:$0x8], $0x1, s30, s25, $0xb8;
	v63 =	vld [tilespmem:$0x0]  }
0x5e3: {  	_ = 	snop  }
0x5e4: {  	[spmem:s3] =	stream.indirect.scatter.add.f32 [tilespmem:s13], [sflag:$0x8], $0x1, s30, s25, $0xb8;
	v63 =	vld [tilespmem:$0x0]  }
0x5e5: {  	_ =	swait.ge [sflag:s14], $0x800  }
0x5e6: {  	[sflag:s14] =	ssyncset.done $0x0  }
0x5e7: {  	[sflag:s14] =	ssyncadd.s32 $0xFFFFF800  }
0x5e8: {  	_ =	swait.ge [sflag:s14], $0x800  }
0x5e9: {  	[sflag:s14] =	ssyncset.done $0x0  }
0x5ea: {  	[sflag:s14] =	ssyncadd.s32 $0xFFFFF800  }
0x5eb: {  	_ =	swait.ge [sflag:s15], $0x800  }
0x5ec: {  	[sflag:s15] =	ssyncset.done $0x0  }
0x5ed: {  	[sflag:s15] =	ssyncadd.s32 $0xFFFFF800  }
0x5ee: {  	_ =	swait.ge [sflag:s15], $0x800  }
0x5ef: {  	[sflag:s15] =	ssyncset.done $0x0  }
0x5f0: {  	[sflag:s15] =	ssyncadd.s32 $0xFFFFF800  }
0x5f1: {  	_ =	swait.ge [sflag:s4], $0x800  }
.Ltmp28:
0x5f2: {  	[sflag:s4] =	ssyncset.done $0x0;
	(pc) =	sbr.rel @p0 .LBB2_57-.Ltmp28, $4  }
0x5f3: {  	[sflag:s4] =	ssyncadd.s32 $0xFFFFF800  }
0x5f4: {  	_ =	swait.ge [sflag:s4], $0x800  }
0x5f5: {  	[sflag:s4] =	ssyncset.done $0x0  }
0x5f6: {  	[sflag:s4] =	ssyncadd.s32 $0xFFFFF800  }
0x5f7: {  	s10 =	sld [smem:$0x7EA];
	_ =	sdelay $0x2  }
0x5f8: {  	[tilespmem:s19], [sflag:$0x9] =	stream.strided.gather [hbm4b:s10+s16], $0x800, s17, s16, $0x38;
	v63 =	vld [tilespmem:$0x0]  }
0x5f9: {  	_ =	swait.ge [sflag:s8], $0x800  }
0x5fa: {  	s11 =	sld [smem:$0x7EB]  }
0x5fb: {  	[sflag:s8] =	ssyncset.done $0x0  }
0x5fc: {  	[sflag:s8] =	ssyncadd.s32 $0xFFFFF800  }
0x5fd: {  	[tilespmem:s20], [sflag:$0x9] =	stream.strided.gather [hbm4b:s11+s16], $0x800, s17, s16, $0x38;
	v63 =	vld [tilespmem:$0x0]  }
0x5fe: {  	_ =	swait.ge [sflag:s8], $0x800  }
0x5ff: {  	[sflag:s8] =	ssyncset.done $0x0  }
0x600: {  	s12 =	simm.s32 $0x18740;
	[sflag:s8] =	ssyncadd.s32 $0xFFFFF800  }
0x601: {  	v2 =	vld [tilespmem:s12+$0x30]  }
0x602: {  	v3 =	vld [tilespmem:s12+$0xFFFFFFD0]  }
0x603: {  	v4 =	vld [tilespmem:s12+$0xFFFFFFE0]  }
0x604: {  	v5 =	vld [tilespmem:s12+$0xFFFFFFF0]  }
0x605: {  	v6 =	vld [tilespmem:s12+$0x0]  }
0x606: {  	v8 =	vld [tilespmem:s12+$0x10]  }
0x607: {  	v9 =	vld [tilespmem:s12+$0x20]  }
0x608: {  	v10 =	vld [tilespmem:s12+$0xFFFFFFC0]  }
0x609: {  	v11 =	vld.idx.msk [tilespmem:v2+s5+$0x0], $0xffff  }
0x60a: {  	v12 =	vld.idx.msk [tilespmem:v3+s5+$0x0], $0xffff  }
0x60b: {  	v7 =	vld.idx.msk [tilespmem:v4+s5+$0x0], $0xffff  }
0x60c: {  	v5 =	vld.idx.msk [tilespmem:v5+s5+$0x0], $0xffff  }
0x60d: {  	v2 =	vld.idx.msk [tilespmem:v6+s5+$0x0], $0xffff  }
0x60e: {  	s10 =	simm.s32 $0x1AF40;
	v3 =	vld.idx.msk [tilespmem:v8+s5+$0x0], $0xffff  }
0x60f: {  	v4 =	vld.idx.msk [tilespmem:v9+s5+$0x0], $0xffff;
	[tilespmem:s10+$0x30] =	vst v11  }
0x610: {  	s11 =	simm.s32 $0x0;
	s12 =	simm.s32 $0x187C0;
	v6 =	vld.idx.msk [tilespmem:v10+s5+$0x0], $0xffff;
	[tilespmem:s10+$0xFFFFFFD0] =	vst v12  }
.LBB2_55:
0x611: {  	v8 =	vld [tilespmem:s12+$0x30];
	s11 =	sadd.s32 $0x80, s11;
	[tilespmem:s10+$0xFFFFFFE0] =	vst v7  }
0x612: {  	v7 =	vld [tilespmem:s12+$0xFFFFFFD0];
	p2 =	slt.u32 s11, $0x780;
	[tilespmem:s10+$0xFFFFFFF0] =	vst v5  }
0x613: {  	v5 =	vld [tilespmem:s12+$0xFFFFFFE0];
	[tilespmem:s10+$0x0] =	vst v2  }
0x614: {  	v2 =	vld [tilespmem:s12+$0xFFFFFFF0];
	[tilespmem:s10+$0x10] =	vst v3  }
0x615: {  	v3 =	vld [tilespmem:s12+$0x0];
	[tilespmem:s10+$0x20] =	vst v4  }
0x616: {  	v4 =	vld [tilespmem:s12+$0x10];
	[tilespmem:s10+$0xFFFFFFC0] =	vst v6  }
0x617: {  	v6 =	vld [tilespmem:s12+$0x20]  }
0x618: {  	v9 =	vld [tilespmem:s12+$0xFFFFFFC0]  }
0x619: {  	v8 =	vld.idx.msk [tilespmem:v8+s5+$0x0], $0xffff  }
0x61a: {  	v10 =	vld.idx.msk [tilespmem:v7+s5+$0x0], $0xffff  }
0x61b: {  	v7 =	vld.idx.msk [tilespmem:v5+s5+$0x0], $0xffff  }
.Ltmp29:
0x61c: {  	v5 =	vld.idx.msk [tilespmem:v2+s5+$0x0], $0xffff;
	(pc) =	sbr.rel @p2 .LBB2_55-.Ltmp29, $4  }
0x61d: {  	v2 =	vld.idx.msk [tilespmem:v3+s5+$0x0], $0xffff  }
0x61e: {  	s10 =	sadd.s32 $0x80, s10;
	v3 =	vld.idx.msk [tilespmem:v4+s5+$0x0], $0xffff  }
0x61f: {  	v4 =	vld.idx.msk [tilespmem:v6+s5+$0x0], $0xffff;
	[tilespmem:s10+$0x30] =	vst v8  }
0x620: {  	s12 =	sadd.s32 $0x80, s12;
	v6 =	vld.idx.msk [tilespmem:v9+s5+$0x0], $0xffff;
	[tilespmem:s10+$0xFFFFFFD0] =	vst v10  }
0x621: {  	[tilespmem:s10+$0xFFFFFFE0] =	vst v7  }
0x622: {  	[tilespmem:s10+$0xFFFFFFF0] =	vst v5  }
0x623: {  	[tilespmem:s10+$0x0] =	vst v2  }
0x624: {  	[tilespmem:s10+$0x10] =	vst v3  }
0x625: {  	[tilespmem:s10+$0x20] =	vst v4  }
0x626: {  	[tilespmem:s10+$0xFFFFFFC0] =	vst v6  }
0x627: {  	[spmem:s2] =	stream.indirect.scatter.add.f32 [tilespmem:s26], [sflag:$0x6], $0x1, s20, s25, $0xb8;
	v63 =	vld [tilespmem:$0x0]  }
0x628: {  	_ = 	snop  }
0x629: {  	[spmem:s3] =	stream.indirect.scatter.add.f32 [tilespmem:s13], [sflag:$0x6], $0x1, s20, s25, $0xb8;
	v63 =	vld [tilespmem:$0x0]  }
0x62a: {  	_ =	swait.ge [sflag:s14], $0x800  }
.Ltmp30:
0x62b: {  	[sflag:s14] =	ssyncset.done $0x0;
	(pc) =	sbr.rel .LBB2_61-.Ltmp30, $4  }
0x62c: {  	[sflag:s14] =	ssyncadd.s32 $0xFFFFF800  }
0x62d: {  	_ =	swait.ge [sflag:s14], $0x800  }
0x62e: {  	[sflag:s14] =	ssyncset.done $0x0  }
0x62f: {  	[sflag:s14] =	ssyncadd.s32 $0xFFFFF800  }
.LBB2_57:
.Ltmp31:
0x630: {  	(pc) =	sbr.rel @p1 .LBB2_61-.Ltmp31, $1  }
0x631: {  	_ =	sdelay $0x3  }
0x632: {  	s10 =	sld [smem:$0x7EC];
	_ =	sdelay $0x2  }
0x633: {  	[tilespmem:s19], [sflag:$0x9] =	stream.strided.gather [hbm4b:s10+s16], $0x200, s17, s16, $0x38;
	v63 =	vld [tilespmem:$0x0]  }
0x634: {  	_ =	swait.ge [sflag:s8], $0x200  }
0x635: {  	s11 =	sld [smem:$0x7ED]  }
0x636: {  	[sflag:s8] =	ssyncset.done $0x0  }
0x637: {  	[sflag:s8] =	ssyncadd.s32 $0xFFFFFE00  }
0x638: {  	[tilespmem:s20], [sflag:$0x9] =	stream.strided.gather [hbm4b:s11+s16], $0x200, s17, s16, $0x38;
	v63 =	vld [tilespmem:$0x0]  }
0x639: {  	_ =	swait.ge [sflag:s8], $0x200  }
0x63a: {  	[sflag:s8] =	ssyncset.done $0x0  }
0x63b: {  	s12 =	simm.s32 $0x18740;
	[sflag:s8] =	ssyncadd.s32 $0xFFFFFE00  }
0x63c: {  	v2 =	vld [tilespmem:s12+$0x30]  }
0x63d: {  	v3 =	vld [tilespmem:s12+$0xFFFFFFD0]  }
0x63e: {  	v4 =	vld [tilespmem:s12+$0xFFFFFFE0]  }
0x63f: {  	v5 =	vld [tilespmem:s12+$0xFFFFFFF0]  }
0x640: {  	v6 =	vld [tilespmem:s12+$0x0]  }
0x641: {  	v8 =	vld [tilespmem:s12+$0x10]  }
0x642: {  	v9 =	vld [tilespmem:s12+$0x20]  }
0x643: {  	v10 =	vld [tilespmem:s12+$0xFFFFFFC0]  }
0x644: {  	v11 =	vld.idx.msk [tilespmem:v2+s5+$0x0], $0xffff  }
0x645: {  	v12 =	vld.idx.msk [tilespmem:v3+s5+$0x0], $0xffff  }
0x646: {  	v7 =	vld.idx.msk [tilespmem:v4+s5+$0x0], $0xffff  }
0x647: {  	v5 =	vld.idx.msk [tilespmem:v5+s5+$0x0], $0xffff  }
0x648: {  	v2 =	vld.idx.msk [tilespmem:v6+s5+$0x0], $0xffff  }
0x649: {  	s10 =	simm.s32 $0x1AF40;
	v3 =	vld.idx.msk [tilespmem:v8+s5+$0x0], $0xffff  }
0x64a: {  	v4 =	vld.idx.msk [tilespmem:v9+s5+$0x0], $0xffff;
	[tilespmem:s10+$0x30] =	vst v11  }
0x64b: {  	s11 =	simm.s32 $0x0;
	s12 =	simm.s32 $0x187C0;
	v6 =	vld.idx.msk [tilespmem:v10+s5+$0x0], $0xffff;
	[tilespmem:s10+$0xFFFFFFD0] =	vst v12  }
.LBB2_59:
0x64c: {  	v8 =	vld [tilespmem:s12+$0x30];
	s11 =	sadd.s32 $0x80, s11;
	[tilespmem:s10+$0xFFFFFFE0] =	vst v7  }
0x64d: {  	v7 =	vld [tilespmem:s12+$0xFFFFFFD0];
	p2 =	slt.u32 s11, $0x180;
	[tilespmem:s10+$0xFFFFFFF0] =	vst v5  }
0x64e: {  	v5 =	vld [tilespmem:s12+$0xFFFFFFE0];
	[tilespmem:s10+$0x0] =	vst v2  }
0x64f: {  	v2 =	vld [tilespmem:s12+$0xFFFFFFF0];
	[tilespmem:s10+$0x10] =	vst v3  }
0x650: {  	v3 =	vld [tilespmem:s12+$0x0];
	[tilespmem:s10+$0x20] =	vst v4  }
0x651: {  	v4 =	vld [tilespmem:s12+$0x10];
	[tilespmem:s10+$0xFFFFFFC0] =	vst v6  }
0x652: {  	v6 =	vld [tilespmem:s12+$0x20]  }
0x653: {  	v9 =	vld [tilespmem:s12+$0xFFFFFFC0]  }
0x654: {  	v8 =	vld.idx.msk [tilespmem:v8+s5+$0x0], $0xffff  }
0x655: {  	v10 =	vld.idx.msk [tilespmem:v7+s5+$0x0], $0xffff  }
0x656: {  	v7 =	vld.idx.msk [tilespmem:v5+s5+$0x0], $0xffff  }
.Ltmp32:
0x657: {  	v5 =	vld.idx.msk [tilespmem:v2+s5+$0x0], $0xffff;
	(pc) =	sbr.rel @p2 .LBB2_59-.Ltmp32, $4  }
0x658: {  	v2 =	vld.idx.msk [tilespmem:v3+s5+$0x0], $0xffff  }
0x659: {  	s10 =	sadd.s32 $0x80, s10;
	v3 =	vld.idx.msk [tilespmem:v4+s5+$0x0], $0xffff  }
0x65a: {  	v4 =	vld.idx.msk [tilespmem:v6+s5+$0x0], $0xffff;
	[tilespmem:s10+$0x30] =	vst v8  }
0x65b: {  	s12 =	sadd.s32 $0x80, s12;
	v6 =	vld.idx.msk [tilespmem:v9+s5+$0x0], $0xffff;
	[tilespmem:s10+$0xFFFFFFD0] =	vst v10  }
.Ltmp33:
0x65c: {  	_ = 	snop;
	(pc) =	sbr.rel .LBB2_60-.Ltmp33, $1  }
0x65d: {  	_ =	sdelay $0x3  }
.LBB2_62:
0x65e: {  	_ =	sfence.sel $0x180000  }
0x65f: {  	[bflag:$0x0] =	sbarrier.arrive $0xFFFF  }
0x660: {  	_ =	strace $0x90000047  }
0x661: {  	s0 =	stileid.u32;
	[bflag:$0x2] =	sbarrier.arrive $0xFFFF  }
0x662: {  	p0 =	sne.s32 s0, $0x0;
	s0 =	rddreg [dreg:$0x6]  }
0x663: {  	s0 =	sadd.s32 @!p0 $0x100000, s0  }
0x664: {  	[sflag:s0] =	ssyncadd.tile.s32 @!p0 $0x1;
	_ =	shalt  }
.Lfunc_end2:
_tile_overlayer_lowered:
.L_overlay_start_2:
0x665: {  	(tag) =	ssettag $0x2  }
0x666: {  	s0 =	rddreg [dreg:$0x0];
	s2 =	stileid.u32  }
0x667: {  	s1 =	rddreg [dreg:$0x1];
	p0 =	sne.s32 s2, $0x0  }
0x668: {  	s3 =	rddreg [dreg:$0x2];
	[bflag:$0x3] =	sbarrier.arrive $0xFFFF;
	s2 =	simm.s32 @!p0 $0x1C09  }
0x669: {  	[timem:s3], [sflag:s2] =	dma.local @!p0 [hbm:s0], s1  }
0x66a: {  	s0 =	simm.s32 @!p0 $0x9  }
0x66b: {  	_ =	swait.ge @!p0 [sflag:s0], s1  }
0x66c: {  	s1 =	ssub.s32 @!p0 $0x0, s1;
	[sflag:s0] =	ssyncset.done @!p0 $0x0  }
0x66d: {  	[sflag:s0] =	ssyncadd.s32 @!p0 s1  }
0x66e: {  	[bflag:$0x3] =	sbarrier.arrive $0xFFFF  }
0x66f: {  	_ =	shalt  }

</sc_bundles>
